<compile_context>
chip_gen: v7x
topology: tpu7x:2x2x1
jax: 0.10.2.dev20260603
libtpu: 0.0.44.dev20260713+nightly
codegen_flags: <defaults>
</compile_context>

<pallas_src>
import functools

import jax
import jax.numpy as jnp
from jax import lax
from jax.experimental import pallas as pl
from jax.experimental.pallas import tpu as pltpu
from jax.experimental.pallas import tpu_sc as plsc

N = 10000
DIN = 128
H = 32
C = 10
NCLS = 7
E = 160000

NC = 2
NS = 16
NW = NC * NS
L = 16

NPAD = 10112
RPW = NPAD // NS
CSZ = 128
CH = 40
EPT = CH * CSZ
CH_LAST = (E - (NW - 1) * EPT) // CSZ
EP = NW * EPT
EPC = EP // CSZ

BL = 2000
GRID = N // BL

_MESH = dict(core_axis_name="c", subcore_axis_name="s", num_cores=NC,
             num_subcores=NS)
_SC_PARAMS = pltpu.CompilerParams(use_tc_tiling_on_sc=False)


def _nchunks(wid):
    return jnp.where(wid == NW - 1, CH_LAST, CH)


def _make_sc_deg():
    mesh = plsc.VectorSubcoreMesh(**_MESH)

    @functools.partial(
        pl.kernel,
        out_type=jax.ShapeDtypeStruct((NC * NPAD, L), jnp.float32),
        mesh=mesh,
        compiler_params=_SC_PARAMS,
        scratch_types=[
            pltpu.VMEM((CH, CSZ), jnp.int32),
            pltpu.VMEM((CSZ, L), jnp.float32),
            pltpu.VMEM((RPW, L), jnp.float32),
            pltpu.VMEM_SHARED((NPAD, L), jnp.float32),
            pltpu.SemaphoreType.DMA,
        ],
    )
    def k(ei_hbm, out_hbm, si_v, ones_v, stage_v, acc_sh, sem):
        cid = lax.axis_index("c")
        sid = lax.axis_index("s")
        wid = sid * NC + cid
        pltpu.sync_copy(ei_hbm.at[1, pl.ds(wid * CH, CH)], si_v)
        one = jnp.full((L,), 1.0, jnp.float32)
        zero = jnp.zeros((L,), jnp.float32)

        def f1(i, _):
            ones_v[i, :] = one
            return 0

        lax.fori_loop(0, CSZ, f1, 0)

        def fz(i, _):
            stage_v[i, :] = zero
            return 0

        lax.fori_loop(0, RPW, fz, 0)
        pltpu.sync_copy(stage_v, acc_sh.at[pl.ds(sid * RPW, RPW)])
        plsc.subcore_barrier()
        nchk = _nchunks(wid)

        def fire(j, _):
            pltpu.async_copy(ones_v, acc_sh.at[si_v.at[j]], sem, add=True)
            return 0

        lax.fori_loop(0, nchk, fire, 0)

        def drain(j, _):
            pltpu.make_async_copy(ones_v, acc_sh.at[si_v.at[j]], sem).wait()
            return 0

        lax.fori_loop(0, nchk, drain, 0)
        plsc.subcore_barrier()
        pltpu.sync_copy(
            acc_sh.at[pl.ds(sid * RPW, RPW)],
            out_hbm.at[pl.ds(cid * NPAD + sid * RPW, RPW)],
        )

    return k


def _make_sc_agg(W):
    mesh = plsc.VectorSubcoreMesh(**_MESH)
    NB = 4

    @functools.partial(
        pl.kernel,
        out_type=jax.ShapeDtypeStruct((NC * NPAD, W), jnp.float32),
        mesh=mesh,
        compiler_params=_SC_PARAMS,
        scratch_types=[
            pltpu.VMEM((CH, CSZ), jnp.int32),
            pltpu.VMEM((CH, CSZ), jnp.int32),
        ] + [pltpu.VMEM((CSZ, W), jnp.float32) for _ in range(NB)] + [
            pltpu.VMEM((RPW, W), jnp.float32),
            pltpu.VMEM_SHARED((NPAD, W), jnp.float32),
            pltpu.VMEM_SHARED((N, W), jnp.float32),
        ] + [pltpu.SemaphoreType.DMA for _ in range(2 * NB)],
    )
    def k(table_hbm, ei_hbm, out_hbm, gi_v, si_v, r0, r1, r2, r3,
          stage_v, acc_sh, tab_sh, sg0, sg1, sg2, sg3, ss0, ss1, ss2, ss3):
        cid = lax.axis_index("c")
        sid = lax.axis_index("s")
        wid = sid * NC + cid
        bufs = (r0, r1, r2, r3)
        gsems = (sg0, sg1, sg2, sg3)
        ssems = (ss0, ss1, ss2, ss3)
        TRW = 624
        pltpu.sync_copy(table_hbm.at[pl.ds(sid * TRW, TRW)],
                        tab_sh.at[pl.ds(sid * TRW, TRW)])

        @pl.when(sid == NS - 1)
        def _():
            pltpu.sync_copy(table_hbm.at[pl.ds(NS * TRW, N - NS * TRW)],
                            tab_sh.at[pl.ds(NS * TRW, N - NS * TRW)])

        pltpu.sync_copy(ei_hbm.at[0, pl.ds(wid * CH, CH)], gi_v)
        pltpu.sync_copy(ei_hbm.at[1, pl.ds(wid * CH, CH)], si_v)
        zero = jnp.zeros((L,), jnp.float32)

        def fz(i, _):
            for w0 in range(W // L):
                stage_v[i, pl.ds(w0 * L, L)] = zero
            return 0

        lax.fori_loop(0, RPW, fz, 0)
        pltpu.sync_copy(stage_v, acc_sh.at[pl.ds(sid * RPW, RPW)])
        plsc.subcore_barrier()
        nchk = _nchunks(wid)

        def do_group(j, nb):
            gathers = [
                pltpu.async_copy(tab_sh.at[gi_v.at[j + b]], bufs[b],
                                 gsems[b])
                for b in range(nb)
            ]
            scatters = []
            for b in range(nb):
                gathers[b].wait()
                scatters.append(
                    pltpu.async_copy(bufs[b], acc_sh.at[si_v.at[j + b]],
                                     ssems[b], add=True))
            for b in range(nb):
                scatters[b].wait()

        def body(t, _):
            do_group(NB * t, NB)
            return 0

        nfull = nchk // NB
        lax.fori_loop(0, nfull, body, 0)

        @pl.when(nchk % NB != 0)
        def _():
            do_group(nfull * NB, 2)

        plsc.subcore_barrier()
        pltpu.sync_copy(
            acc_sh.at[pl.ds(sid * RPW, RPW)],
            out_hbm.at[pl.ds(cid * NPAD + sid * RPW, RPW)],
        )

    return k


def _make_sc_edge():
    mesh = plsc.VectorSubcoreMesh(**_MESH)

    @functools.partial(
        pl.kernel,
        out_type=jax.ShapeDtypeStruct((NW * 2, L), jnp.float32),
        mesh=mesh,
        compiler_params=_SC_PARAMS,
        scratch_types=[
            pltpu.VMEM((CH, CSZ), jnp.int32),
            pltpu.VMEM((CH, CSZ), jnp.int32),
            pltpu.VMEM((CSZ, L), jnp.float32),
            pltpu.VMEM((CSZ, L), jnp.float32),
            pltpu.VMEM((CSZ, L), jnp.float32),
            pltpu.VMEM((CSZ, L), jnp.float32),
            pltpu.VMEM((2, L), jnp.float32),
            pltpu.VMEM_SHARED((N, L), jnp.float32),
            pltpu.SemaphoreType.DMA,
            pltpu.SemaphoreType.DMA,
        ],
    )
    def k(st_hbm, ei_hbm, out_hbm, si_v, di_v, ra0, rb0, ra1, rb1,
          res_v, tab_sh, sem0, sem1):
        cid = lax.axis_index("c")
        sid = lax.axis_index("s")
        wid = sid * NC + cid
        TRW = 624
        pltpu.sync_copy(st_hbm.at[pl.ds(sid * TRW, TRW)],
                        tab_sh.at[pl.ds(sid * TRW, TRW)])

        @pl.when(sid == NS - 1)
        def _():
            pltpu.sync_copy(st_hbm.at[pl.ds(NS * TRW, N - NS * TRW)],
                            tab_sh.at[pl.ds(NS * TRW, N - NS * TRW)])

        pltpu.sync_copy(ei_hbm.at[0, pl.ds(wid * CH, CH)], si_v)
        pltpu.sync_copy(ei_hbm.at[1, pl.ds(wid * CH, CH)], di_v)
        plsc.subcore_barrier()
        zero = jnp.zeros((L,), jnp.float32)

        def accum(ra, rb, carry):
            def inner(r, c2):
                accs = list(c2)
                base = r * 16
                for u in range(16):
                    va = ra[base + u]
                    vb = rb[base + u]
                    p = u % 4
                    accs[p] = accs[p] + va * vb
                    accs[4 + p] = accs[4 + p] + va * va
                return tuple(accs)

            return lax.fori_loop(0, CSZ // 16, inner, carry)

        def body(t, carry):
            j0 = 2 * t
            j1 = j0 + 1
            cpa0 = pltpu.async_copy(tab_sh.at[si_v.at[j0]], ra0, sem0)
            cpb0 = pltpu.async_copy(tab_sh.at[di_v.at[j0]], rb0, sem0)
            cpa1 = pltpu.async_copy(tab_sh.at[si_v.at[j1]], ra1, sem1)
            cpb1 = pltpu.async_copy(tab_sh.at[di_v.at[j1]], rb1, sem1)
            cpa0.wait()
            cpb0.wait()
            carry = accum(ra0, rb0, carry)
            cpa1.wait()
            cpb1.wait()
            return accum(ra1, rb1, carry)

        init = tuple(zero for _ in range(8))
        accs = lax.fori_loop(0, _nchunks(wid) // 2, body, init)
        res_v[0] = accs[0] + accs[1] + accs[2] + accs[3]
        res_v[1] = accs[4] + accs[5] + accs[6] + accs[7]
        pltpu.sync_copy(res_v, out_hbm.at[pl.ds(wid * 2, 2)])

    return k


_sc_deg = _make_sc_deg()
_sc_agg = _make_sc_agg(H)
_sc_edge = _make_sc_edge()



def _tc_a_body(x_ref, w1_ref, h1_ref):
    h1_ref[...] = jnp.dot(x_ref[...], w1_ref[...],
                          preferred_element_type=jnp.float32)


def _tc_a(x, w1):
    return pl.pallas_call(
        _tc_a_body,
        grid=(GRID,),
        in_specs=[
            pl.BlockSpec((BL, DIN), lambda i: (i, 0)),
            pl.BlockSpec((DIN, H), lambda i: (0, 0)),
        ],
        out_specs=pl.BlockSpec((BL, H), lambda i: (i, 0)),
        out_shape=jax.ShapeDtypeStruct((N, H), jnp.float32),
    )(x, w1)


def _tc_b_body(h1_ref, dp_ref, u1_ref, dis_ref):
    deg = dp_ref[0] + dp_ref[1] + 1.0
    dis = lax.rsqrt(deg)[:, 0:1]
    u1_ref[...] = dis * h1_ref[...]
    dis_ref[...] = dis


def _tc_b(h1, degp):
    return pl.pallas_call(
        _tc_b_body,
        grid=(GRID,),
        in_specs=[
            pl.BlockSpec((BL, H), lambda i: (i, 0)),
            pl.BlockSpec((NC, BL, L), lambda i: (0, i, 0)),
        ],
        out_specs=[
            pl.BlockSpec((BL, H), lambda i: (i, 0)),
            pl.BlockSpec((BL, 1), lambda i: (i, 0)),
        ],
        out_shape=[
            jax.ShapeDtypeStruct((N, H), jnp.float32),
            jax.ShapeDtypeStruct((N, 1), jnp.float32),
        ],
    )(h1, degp)


def _tc_c_body(ap_ref, u1_ref, dis_ref, b1_ref, w2_ref, u2_ref):
    d0 = dis_ref[...]
    h = jnp.maximum(
        d0 * (ap_ref[0] + ap_ref[1] + u1_ref[...]) + b1_ref[...], 0.0)
    u2_ref[...] = d0 * jnp.dot(h, w2_ref[...],
                               preferred_element_type=jnp.float32)


def _tc_c(ap, u1, dis, b1r, w2):
    return pl.pallas_call(
        _tc_c_body,
        grid=(GRID,),
        in_specs=[
            pl.BlockSpec((NC, BL, H), lambda i: (0, i, 0)),
            pl.BlockSpec((BL, H), lambda i: (i, 0)),
            pl.BlockSpec((BL, 1), lambda i: (i, 0)),
            pl.BlockSpec((1, H), lambda i: (0, 0)),
            pl.BlockSpec((H, H), lambda i: (0, 0)),
        ],
        out_specs=pl.BlockSpec((BL, H), lambda i: (i, 0)),
        out_shape=jax.ShapeDtypeStruct((N, H), jnp.float32),
    )(ap, u1, dis, b1r, w2)


def _tc_d_body(ap_ref, u2_ref, dis_ref, b2_ref, wp_ref, bp_ref,
               st_ref, ss_ref, h_ref):
    i = pl.program_id(0)
    d0 = dis_ref[...]
    h = jnp.maximum(
        d0 * (ap_ref[0] + ap_ref[1] + u2_ref[...]) + b2_ref[...], 0.0)
    h_ref[...] = h
    sl = jnp.dot(h, wp_ref[...], preferred_element_type=jnp.float32) \
        + bp_ref[...]
    m = jnp.max(sl, axis=1, keepdims=True)
    p = jnp.exp(sl - m)
    s = p / jnp.sum(p, axis=1, keepdims=True)
    st_ref[...] = jnp.concatenate(
        [s, jnp.ones((BL, 1), jnp.float32), jnp.zeros((BL, 5), jnp.float32)],
        axis=1)
    ssb = lax.dot_general(s, s, (((0,), (0,)), ((), ())),
                          preferred_element_type=jnp.float32)

    @pl.when(i == 0)
    def _():
        ss_ref[...] = jnp.zeros_like(ss_ref)

    ss_ref[...] += ssb


def _tc_d(ap, u2, dis, b2r, wp, bpr):
    return pl.pallas_call(
        _tc_d_body,
        grid=(GRID,),
        in_specs=[
            pl.BlockSpec((NC, BL, H), lambda i: (0, i, 0)),
            pl.BlockSpec((BL, H), lambda i: (i, 0)),
            pl.BlockSpec((BL, 1), lambda i: (i, 0)),
            pl.BlockSpec((1, H), lambda i: (0, 0)),
            pl.BlockSpec((H, C), lambda i: (0, 0)),
            pl.BlockSpec((1, C), lambda i: (0, 0)),
        ],
        out_specs=[
            pl.BlockSpec((BL, L), lambda i: (i, 0)),
            pl.BlockSpec((C, C), lambda i: (0, 0)),
            pl.BlockSpec((BL, H), lambda i: (i, 0)),
        ],
        out_shape=[
            jax.ShapeDtypeStruct((N, L), jnp.float32),
            jax.ShapeDtypeStruct((C, C), jnp.float32),
            jax.ShapeDtypeStruct((N, H), jnp.float32),
        ],
    )(ap, u2, dis, b2r, wp, bpr)


def _tc_d2_body(h_ref, wc_ref, bc_ref, lp_ref):
    lo = jnp.dot(h_ref[...], wc_ref[...],
                 preferred_element_type=jnp.float32) + bc_ref[...]
    mm = jnp.max(lo, axis=1, keepdims=True)
    lp_ref[...] = lo - mm - jnp.log(
        jnp.sum(jnp.exp(lo - mm), axis=1, keepdims=True))


def _tc_d2(h, wc, bcr):
    return pl.pallas_call(
        _tc_d2_body,
        grid=(GRID,),
        in_specs=[
            pl.BlockSpec((BL, H), lambda i: (i, 0)),
            pl.BlockSpec((H, NCLS), lambda i: (0, 0)),
            pl.BlockSpec((1, NCLS), lambda i: (0, 0)),
        ],
        out_specs=pl.BlockSpec((BL, NCLS), lambda i: (i, 0)),
        out_shape=jax.ShapeDtypeStruct((N, NCLS), jnp.float32),
    )(h, wc, bcr)


def _tc_f_body(na_ref, da_ref, ss_ref, mc_ref, o_ref):
    num = jnp.sum(na_ref[...]) - float(E)
    den = jnp.sum(da_ref[...]) - float(E)
    mc_ref[...] = jnp.full((1, 1), -(num / den), jnp.float32)
    ssv = ss_ref[...]
    nss = jnp.sqrt(jnp.sum(ssv * ssv))
    eye = (lax.broadcasted_iota(jnp.int32, (C, C), 0)
           == lax.broadcasted_iota(jnp.int32, (C, C), 1)).astype(jnp.float32)
    t = ssv / nss - eye / jnp.sqrt(jnp.float32(C))
    o_ref[...] = jnp.full((1, 1), jnp.sqrt(jnp.sum(t * t)), jnp.float32)


def _tc_f(na, da, ss):
    return pl.pallas_call(
        _tc_f_body,
        out_shape=[
            jax.ShapeDtypeStruct((1, 1), jnp.float32),
            jax.ShapeDtypeStruct((1, 1), jnp.float32),
        ],
    )(na, da, ss)


def kernel(x, edge_index, W1, b1, W2, b2, Wp, bp, Wc, bc):
    ei = jnp.pad(edge_index, ((0, 0), (0, EP - E))).reshape(2, EPC, CSZ)

    degp = _sc_deg(ei).reshape(NC, NPAD, L)
    h1 = _tc_a(x, W1)
    u1, dis = _tc_b(h1, degp)

    a1 = _sc_agg(u1, ei).reshape(NC, NPAD, H)
    u2 = _tc_c(a1, u1, dis, b1.reshape(1, H), W2)

    a2 = _sc_agg(u2, ei).reshape(NC, NPAD, H)
    st, ss, h = _tc_d(a2, u2, dis, b2.reshape(1, H), Wp, bp.reshape(1, C))

    eacc = _sc_edge(st, ei).reshape(NW, 2, L)
    logp = _tc_d2(h, Wc, bc.reshape(1, NCLS))
    mc, o = _tc_f(eacc[:, 0], eacc[:, 1], ss)
    return (logp, jnp.reshape(mc, ()), jnp.reshape(o, ()))

# --- scband reference (transcript-rebuilt; emitter-appended) ---
"""Pipeline reference for scband-min-cut-24266565222650 (READ-ONLY COPY).

The authoritative reference and input builder live on the scoring server;
editing this copy changes nothing except your own understanding.
"""

import jax, jax.numpy as jnp
import numpy as np

N = 10000
D_IN = 128
H = 32
N_CLUSTERS = 10
N_CLASSES = 7
E = 160000


def setup_inputs(seed: int = 0):
    key = jax.random.key(seed)
    ks = jax.random.split(key, 8)
    x = jax.random.normal(ks[0], (N, D_IN), dtype=jnp.float32)
    edge_index = jax.random.randint(ks[1], (2, E), 0, N, dtype=jnp.int32)
    W1 = jax.random.normal(ks[2], (D_IN, H), dtype=jnp.float32) / np.sqrt(D_IN)
    b1 = jnp.zeros((H,), jnp.float32)
    W2 = jax.random.normal(ks[3], (H, H), dtype=jnp.float32) / np.sqrt(H)
    b2 = jnp.zeros((H,), jnp.float32)
    Wp = jax.random.normal(ks[4], (H, N_CLUSTERS), dtype=jnp.float32) / np.sqrt(H)
    bp = jnp.zeros((N_CLUSTERS,), jnp.float32)
    Wc = jax.random.normal(ks[5], (H, N_CLASSES), dtype=jnp.float32) / np.sqrt(H)
    bc = jnp.zeros((N_CLASSES,), jnp.float32)
    return {"x": x, "edge_index": edge_index, "W1": W1, "b1": b1, "W2": W2, "b2": b2, "Wp": Wp, "bp": bp, "Wc": Wc, "bc": bc}


def _gcn_conv(x, src, dst, W, b):
    # PyG GCNConv: add self-loops, symmetric deg^{-1/2} normalization
    loop = jnp.arange(N, dtype=src.dtype)
    src2 = jnp.concatenate([src, loop])
    dst2 = jnp.concatenate([dst, loop])
    deg = jnp.zeros((N,), x.dtype).at[dst2].add(1.0)
    dis = jnp.where(deg > 0, jax.lax.rsqrt(jnp.maximum(deg, 1e-12)), 0.0)
    norm = dis[src2] * dis[dst2]
    h = x @ W
    msg = h[src2] * norm[:, None]
    out = jax.ops.segment_sum(msg, dst2, num_segments=N)
    return out + b


def reference(x, edge_index, W1, b1, W2, b2, Wp, bp, Wc, bc):
    src = edge_index[0]
    dst = edge_index[1]
    h = jax.nn.relu(_gcn_conv(x, src, dst, W1, b1))
    h = jax.nn.relu(_gcn_conv(h, src, dst, W2, b2))
    s_logits = h @ Wp + bp
    # to_dense_adj(edge_index): adj[row, col] accumulates 1 per edge
    adj = jnp.zeros((N, N), jnp.float32).at[src, dst].add(1.0)
    # dense_mincut_pool (losses only are used downstream)
    s = jax.nn.softmax(s_logits, axis=-1)
    out_adj = s.T @ (adj @ s)
    mincut_num = jnp.trace(out_adj)
    d_flat = jnp.sum(adj, axis=-1)
    mincut_den = jnp.trace(s.T @ (d_flat[:, None] * s))
    mc_loss = -(mincut_num / mincut_den)
    ss = s.T @ s
    i_s = jnp.eye(N_CLUSTERS, dtype=jnp.float32)
    o_loss = jnp.linalg.norm(ss / jnp.linalg.norm(ss) - i_s / jnp.linalg.norm(i_s))
    out = h @ Wc + bc
    return (jax.nn.log_softmax(out, axis=-1), mc_loss, o_loss)

if __name__ == "__main__":
    import jax
    _d = setup_inputs()
    print(jax.jit(kernel)(*tuple(_d.values())))

</pallas_src>

<mosaic_0001>
#map = affine_map<(d0, d1) -> (0, 0)>
#map1 = affine_map<(d0, d1) -> (0, 0, 0)>
module attributes {stable_mosaic.version = 14 : i64} {
  func.func @k(%arg0: i32, %arg1: i32, %arg2: memref<10000x32xf32, #tpu.memory_space<hbm>>, %arg3: memref<2x1280x128xi32, #tpu.memory_space<hbm>>, %arg4: memref<20224x32xf32, #tpu.memory_space<hbm>>, %arg5: memref<40x128xi32, #tpu.memory_space<vmem>>, %arg6: memref<40x128xi32, #tpu.memory_space<vmem>>, %arg7: memref<128x32xf32, #tpu.memory_space<vmem>>, %arg8: memref<128x32xf32, #tpu.memory_space<vmem>>, %arg9: memref<128x32xf32, #tpu.memory_space<vmem>>, %arg10: memref<128x32xf32, #tpu.memory_space<vmem>>, %arg11: memref<632x32xf32, #tpu.memory_space<vmem>>, %arg12: memref<10112x32xf32, #tpu.memory_space<vmem_shared>>, %arg13: memref<10000x32xf32, #tpu.memory_space<vmem_shared>>, %arg14: memref<!tpu.dma_semaphore, #tpu.memory_space<semaphore_mem>>, %arg15: memref<!tpu.dma_semaphore, #tpu.memory_space<semaphore_mem>>, %arg16: memref<!tpu.dma_semaphore, #tpu.memory_space<semaphore_mem>>, %arg17: memref<!tpu.dma_semaphore, #tpu.memory_space<semaphore_mem>>, %arg18: memref<!tpu.dma_semaphore, #tpu.memory_space<semaphore_mem>>, %arg19: memref<!tpu.dma_semaphore, #tpu.memory_space<semaphore_mem>>, %arg20: memref<!tpu.dma_semaphore, #tpu.memory_space<semaphore_mem>>, %arg21: memref<!tpu.dma_semaphore, #tpu.memory_space<semaphore_mem>>) attributes {dimension_semantics = [#tpu.dimension_semantics<core_parallel>, #tpu.dimension_semantics<subcore_parallel>], iteration_bounds = array<i64: 2, 16>, scalar_prefetch = 0 : i64, scratch_operands = 17 : i64, tpu.core_type = #tpu.core_type<sc_vector_subcore>, window_params = [{transform_indices = #map}, {transform_indices = #map1}, {transform_indices = #map}]} {
    %mul3A = arith.constant 2 : i32
    %mul3A_0 = arith.muli %arg1, %mul3A : i32
    %add3A = arith.addi %mul3A_0, %arg0 : i32
    %mul3A_1 = arith.constant 624 : i32
    %mul3A_2 = arith.muli %arg1, %mul3A_1 : i32
    %mul3A_3 = arith.constant 624 : i32
    %mul3A_4 = arith.muli %arg1, %mul3A_3 : i32
    "tpu.region"() ({
      %run_scoped3A_81 = tpu.sem_alloc : memref<!tpu.dma_semaphore, #tpu.memory_space<semaphore_mem>>
      %dma_start3A = arith.constant 0 : i32
      %dma_start3A_82 = tpu.memref_slice %arg13[%mul3A_4, %dma_start3A] : memref<10000x32xf32, #tpu.memory_space<vmem_shared>> -> memref<624x32xf32, #tpu.memory_space<vmem_shared>>
      %dma_start3A_83 = arith.constant 0 : i32
      %dma_start3A_84 = tpu.memref_slice %arg2[%mul3A_2, %dma_start3A_83] : memref<10000x32xf32, #tpu.memory_space<hbm>> -> memref<624x32xf32, #tpu.memory_space<hbm>>
      tpu.enqueue_dma source(%dma_start3A_84 : memref<624x32xf32, #tpu.memory_space<hbm>>) target(%dma_start3A_82 : memref<624x32xf32, #tpu.memory_space<vmem_shared>>) target_semaphore(%run_scoped3A_81 : memref<!tpu.dma_semaphore, #tpu.memory_space<semaphore_mem>>)
      %dma_wait3A = arith.constant 0 : i32
      %dma_wait3A_85 = tpu.memref_slice %arg13[%mul3A_4, %dma_wait3A] : memref<10000x32xf32, #tpu.memory_space<vmem_shared>> -> memref<624x32xf32, #tpu.memory_space<vmem_shared>>
      %dma_wait3A_86 = arith.constant 0 : i32
      %dma_wait3A_87 = tpu.memref_slice %arg2[%mul3A_2, %dma_wait3A_86] : memref<10000x32xf32, #tpu.memory_space<hbm>> -> memref<624x32xf32, #tpu.memory_space<hbm>>
      tpu.wait_dma2 semaphore(%run_scoped3A_81 : memref<!tpu.dma_semaphore, #tpu.memory_space<semaphore_mem>>) src(%dma_wait3A_87 : memref<624x32xf32, #tpu.memory_space<hbm>>) dst(%dma_wait3A_85 : memref<624x32xf32, #tpu.memory_space<vmem_shared>>)
      tpu.yield
    }) : () -> ()
    %eq3A = arith.constant 15 : i32
    %eq3A_5 = arith.cmpi eq, %arg1, %eq3A : i32
    %convert_element_type3A = arith.extui %eq3A_5 : i1 to i32
    %cond3A = arith.constant 0 : i32
    %cond3A_6 = arith.cmpi ne, %convert_element_type3A, %cond3A : i32
    scf.if %cond3A_6 {
      "tpu.region"() ({
        %run_scoped3A_81 = tpu.sem_alloc : memref<!tpu.dma_semaphore, #tpu.memory_space<semaphore_mem>>
        %dma_start3A = arith.constant 9984 : i32
        %dma_start3A_82 = arith.constant 0 : i32
        %dma_start3A_83 = tpu.memref_slice %arg13[%dma_start3A, %dma_start3A_82] : memref<10000x32xf32, #tpu.memory_space<vmem_shared>> -> memref<16x32xf32, #tpu.memory_space<vmem_shared>>
        %dma_start3A_84 = arith.constant 9984 : i32
        %dma_start3A_85 = arith.constant 0 : i32
        %dma_start3A_86 = tpu.memref_slice %arg2[%dma_start3A_84, %dma_start3A_85] : memref<10000x32xf32, #tpu.memory_space<hbm>> -> memref<16x32xf32, #tpu.memory_space<hbm>>
        tpu.enqueue_dma source(%dma_start3A_86 : memref<16x32xf32, #tpu.memory_space<hbm>>) target(%dma_start3A_83 : memref<16x32xf32, #tpu.memory_space<vmem_shared>>) target_semaphore(%run_scoped3A_81 : memref<!tpu.dma_semaphore, #tpu.memory_space<semaphore_mem>>)
        %dma_wait3A = arith.constant 9984 : i32
        %dma_wait3A_87 = arith.constant 0 : i32
        %dma_wait3A_88 = tpu.memref_slice %arg13[%dma_wait3A, %dma_wait3A_87] : memref<10000x32xf32, #tpu.memory_space<vmem_shared>> -> memref<16x32xf32, #tpu.memory_space<vmem_shared>>
        %dma_wait3A_89 = arith.constant 9984 : i32
        %dma_wait3A_90 = arith.constant 0 : i32
        %dma_wait3A_91 = tpu.memref_slice %arg2[%dma_wait3A_89, %dma_wait3A_90] : memref<10000x32xf32, #tpu.memory_space<hbm>> -> memref<16x32xf32, #tpu.memory_space<hbm>>
        tpu.wait_dma2 semaphore(%run_scoped3A_81 : memref<!tpu.dma_semaphore, #tpu.memory_space<semaphore_mem>>) src(%dma_wait3A_91 : memref<16x32xf32, #tpu.memory_space<hbm>>) dst(%dma_wait3A_88 : memref<16x32xf32, #tpu.memory_space<vmem_shared>>)
        tpu.yield
      }) : () -> ()
    } else {
    }
    %mul3A_7 = arith.constant 40 : i32
    %mul3A_8 = arith.muli %add3A, %mul3A_7 : i32
    %run_scoped3A = arith.constant 0 : i32
    "tpu.region"() ({
      %run_scoped3A_81 = tpu.sem_alloc : memref<!tpu.dma_semaphore, #tpu.memory_space<semaphore_mem>>
      %dma_start3A = arith.constant 0 : i32
      %dma_start3A_82 = tpu.memref_slice %arg3[%run_scoped3A, %mul3A_8, %dma_start3A] : memref<2x1280x128xi32, #tpu.memory_space<hbm>> -> memref<1x40x128xi32, #tpu.memory_space<hbm>>
      %dma_start3A_83 = tpu.memref_squeeze %dma_start3A_82 : memref<1x40x128xi32, #tpu.memory_space<hbm>> -> memref<40x128xi32, #tpu.memory_space<hbm>>
      %dma_start3A_84 = arith.constant 0 : i32
      %dma_start3A_85 = tpu.memref_slice %arg3[%run_scoped3A, %mul3A_8, %dma_start3A_84] : memref<2x1280x128xi32, #tpu.memory_space<hbm>> -> memref<1x40x128xi32, #tpu.memory_space<hbm>>
      %dma_start3A_86 = tpu.memref_squeeze %dma_start3A_85 : memref<1x40x128xi32, #tpu.memory_space<hbm>> -> memref<40x128xi32, #tpu.memory_space<hbm>>
      tpu.enqueue_dma source(%dma_start3A_86 : memref<40x128xi32, #tpu.memory_space<hbm>>) target(%arg5 : memref<40x128xi32, #tpu.memory_space<vmem>>) target_semaphore(%run_scoped3A_81 : memref<!tpu.dma_semaphore, #tpu.memory_space<semaphore_mem>>)
      %dma_wait3A = arith.constant 0 : i32
      %dma_wait3A_87 = tpu.memref_slice %arg3[%run_scoped3A, %mul3A_8, %dma_wait3A] : memref<2x1280x128xi32, #tpu.memory_space<hbm>> -> memref<1x40x128xi32, #tpu.memory_space<hbm>>
      %dma_wait3A_88 = tpu.memref_squeeze %dma_wait3A_87 : memref<1x40x128xi32, #tpu.memory_space<hbm>> -> memref<40x128xi32, #tpu.memory_space<hbm>>
      %dma_wait3A_89 = arith.constant 0 : i32
      %dma_wait3A_90 = tpu.memref_slice %arg3[%run_scoped3A, %mul3A_8, %dma_wait3A_89] : memref<2x1280x128xi32, #tpu.memory_space<hbm>> -> memref<1x40x128xi32, #tpu.memory_space<hbm>>
      %dma_wait3A_91 = tpu.memref_squeeze %dma_wait3A_90 : memref<1x40x128xi32, #tpu.memory_space<hbm>> -> memref<40x128xi32, #tpu.memory_space<hbm>>
      tpu.wait_dma2 semaphore(%run_scoped3A_81 : memref<!tpu.dma_semaphore, #tpu.memory_space<semaphore_mem>>) src(%dma_wait3A_91 : memref<40x128xi32, #tpu.memory_space<hbm>>) dst(%arg5 : memref<40x128xi32, #tpu.memory_space<vmem>>)
      tpu.yield
    }) : () -> ()
    %mul3A_9 = arith.constant 40 : i32
    %mul3A_10 = arith.muli %add3A, %mul3A_9 : i32
    %run_scoped3A_11 = arith.constant 1 : i32
    "tpu.region"() ({
      %run_scoped3A_81 = tpu.sem_alloc : memref<!tpu.dma_semaphore, #tpu.memory_space<semaphore_mem>>
      %dma_start3A = arith.constant 0 : i32
      %dma_start3A_82 = tpu.memref_slice %arg3[%run_scoped3A_11, %mul3A_10, %dma_start3A] : memref<2x1280x128xi32, #tpu.memory_space<hbm>> -> memref<1x40x128xi32, #tpu.memory_space<hbm>>
      %dma_start3A_83 = tpu.memref_squeeze %dma_start3A_82 : memref<1x40x128xi32, #tpu.memory_space<hbm>> -> memref<40x128xi32, #tpu.memory_space<hbm>>
      %dma_start3A_84 = arith.constant 0 : i32
      %dma_start3A_85 = tpu.memref_slice %arg3[%run_scoped3A_11, %mul3A_10, %dma_start3A_84] : memref<2x1280x128xi32, #tpu.memory_space<hbm>> -> memref<1x40x128xi32, #tpu.memory_space<hbm>>
      %dma_start3A_86 = tpu.memref_squeeze %dma_start3A_85 : memref<1x40x128xi32, #tpu.memory_space<hbm>> -> memref<40x128xi32, #tpu.memory_space<hbm>>
      tpu.enqueue_dma source(%dma_start3A_86 : memref<40x128xi32, #tpu.memory_space<hbm>>) target(%arg6 : memref<40x128xi32, #tpu.memory_space<vmem>>) target_semaphore(%run_scoped3A_81 : memref<!tpu.dma_semaphore, #tpu.memory_space<semaphore_mem>>)
      %dma_wait3A = arith.constant 0 : i32
      %dma_wait3A_87 = tpu.memref_slice %arg3[%run_scoped3A_11, %mul3A_10, %dma_wait3A] : memref<2x1280x128xi32, #tpu.memory_space<hbm>> -> memref<1x40x128xi32, #tpu.memory_space<hbm>>
      %dma_wait3A_88 = tpu.memref_squeeze %dma_wait3A_87 : memref<1x40x128xi32, #tpu.memory_space<hbm>> -> memref<40x128xi32, #tpu.memory_space<hbm>>
      %dma_wait3A_89 = arith.constant 0 : i32
      %dma_wait3A_90 = tpu.memref_slice %arg3[%run_scoped3A_11, %mul3A_10, %dma_wait3A_89] : memref<2x1280x128xi32, #tpu.memory_space<hbm>> -> memref<1x40x128xi32, #tpu.memory_space<hbm>>
      %dma_wait3A_91 = tpu.memref_squeeze %dma_wait3A_90 : memref<1x40x128xi32, #tpu.memory_space<hbm>> -> memref<40x128xi32, #tpu.memory_space<hbm>>
      tpu.wait_dma2 semaphore(%run_scoped3A_81 : memref<!tpu.dma_semaphore, #tpu.memory_space<semaphore_mem>>) src(%dma_wait3A_91 : memref<40x128xi32, #tpu.memory_space<hbm>>) dst(%arg6 : memref<40x128xi32, #tpu.memory_space<vmem>>)
      tpu.yield
    }) : () -> ()
    %broadcast_in_dim3A = arith.constant 0.000000e+00 : f32
    %broadcast_in_dim3A_12 = vector.broadcast %broadcast_in_dim3A : f32 to vector<16xf32>
    %scan3A = arith.constant 0 : i32
    %scan3A_13 = arith.constant 0 : i32
    %scan3A_14 = arith.constant 632 : i32
    %scan3A_15 = arith.addi %scan3A_13, %scan3A_14 : i32
    %scan3A_16 = arith.constant 1 : i32
    %scan3A_17 = scf.for %scan3A_81 = %scan3A_13 to %scan3A_15 step %scan3A_16 iter_args(%scan3A_82 = %scan3A) -> (i32)  : i32 {
      %swap3A = arith.index_cast %scan3A_81 : i32 to index
      %swap3A_83 = arith.constant 0 : index
      %swap3A_84 = tpu.vector_load %arg11[%swap3A, %swap3A_83] {strides = array<i32>} : memref<632x32xf32, #tpu.memory_space<vmem>>, vector<1x16xf32>,
      %swap3A_85 = vector.shape_cast %swap3A_84 : vector<1x16xf32> to vector<16xf32>
      %swap3A_86 = vector.shape_cast %broadcast_in_dim3A_12 : vector<16xf32> to vector<1x16xf32>
      tpu.vector_store %arg11[%swap3A, %swap3A_83], %swap3A_86 {strides = array<i32>} : memref<632x32xf32, #tpu.memory_space<vmem>>, vector<1x16xf32>,
      %swap3A_87 = arith.index_cast %scan3A_81 : i32 to index
      %swap3A_88 = arith.constant 16 : index
      %swap3A_89 = tpu.vector_load %arg11[%swap3A_87, %swap3A_88] {strides = array<i32>} : memref<632x32xf32, #tpu.memory_space<vmem>>, vector<1x16xf32>,
      %swap3A_90 = vector.shape_cast %swap3A_89 : vector<1x16xf32> to vector<16xf32>
      %swap3A_91 = vector.shape_cast %broadcast_in_dim3A_12 : vector<16xf32> to vector<1x16xf32>
      tpu.vector_store %arg11[%swap3A_87, %swap3A_88], %swap3A_91 {strides = array<i32>} : memref<632x32xf32, #tpu.memory_space<vmem>>, vector<1x16xf32>,
      %scan3A_92 = arith.constant 0 : i32
      scf.yield %scan3A_92 : i32
    }
    %scan3A_18 = arith.constant 632 : i32
    %mul3A_19 = arith.constant 632 : i32
    %mul3A_20 = arith.muli %arg1, %mul3A_19 : i32
    "tpu.region"() ({
      %run_scoped3A_81 = tpu.sem_alloc : memref<!tpu.dma_semaphore, #tpu.memory_space<semaphore_mem>>
      %dma_start3A = arith.constant 0 : i32
      %dma_start3A_82 = tpu.memref_slice %arg12[%mul3A_20, %dma_start3A] : memref<10112x32xf32, #tpu.memory_space<vmem_shared>> -> memref<632x32xf32, #tpu.memory_space<vmem_shared>>
      %dma_start3A_83 = arith.constant 0 : i32
      %dma_start3A_84 = tpu.memref_slice %arg12[%mul3A_20, %dma_start3A_83] : memref<10112x32xf32, #tpu.memory_space<vmem_shared>> -> memref<632x32xf32, #tpu.memory_space<vmem_shared>>
      tpu.enqueue_dma source(%arg11 : memref<632x32xf32, #tpu.memory_space<vmem>>) target(%dma_start3A_84 : memref<632x32xf32, #tpu.memory_space<vmem_shared>>) target_semaphore(%run_scoped3A_81 : memref<!tpu.dma_semaphore, #tpu.memory_space<semaphore_mem>>)
      %dma_wait3A = arith.constant 0 : i32
      %dma_wait3A_85 = tpu.memref_slice %arg12[%mul3A_20, %dma_wait3A] : memref<10112x32xf32, #tpu.memory_space<vmem_shared>> -> memref<632x32xf32, #tpu.memory_space<vmem_shared>>
      %dma_wait3A_86 = arith.constant 0 : i32
      %dma_wait3A_87 = tpu.memref_slice %arg12[%mul3A_20, %dma_wait3A_86] : memref<10112x32xf32, #tpu.memory_space<vmem_shared>> -> memref<632x32xf32, #tpu.memory_space<vmem_shared>>
      tpu.wait_dma2 semaphore(%run_scoped3A_81 : memref<!tpu.dma_semaphore, #tpu.memory_space<semaphore_mem>>) src(%arg11 : memref<632x32xf32, #tpu.memory_space<vmem>>) dst(%dma_wait3A_87 : memref<632x32xf32, #tpu.memory_space<vmem_shared>>)
      tpu.yield
    }) : () -> ()
    %barrier3A = arith.constant 0 : index
    tpu.barrier barrier_id(%barrier3A)
    %eq3A_21 = arith.constant 31 : i32
    %eq3A_22 = arith.cmpi eq, %add3A, %eq3A_21 : i32
    %jit3A = arith.constant 10 : i32
    %jit3A_23 = arith.constant 40 : i32
    %select_n3A = arith.select %eq3A_22, %jit3A, %jit3A_23 : i32
    %jit3A_24 = arith.constant 4 : i32
    %div3A = arith.divsi %select_n3A, %jit3A_24 : i32
    %sign3A = arith.constant 0 : i32
    %sign3A_25 = arith.cmpi sgt, %select_n3A, %sign3A : i32
    %sign3A_26 = arith.extui %sign3A_25 : i1 to i32
    %sign3A_27 = arith.constant 0 : i32
    %sign3A_28 = arith.cmpi slt, %select_n3A, %sign3A_27 : i32
    %sign3A_29 = arith.extui %sign3A_28 : i1 to i32
    %sign3A_30 = arith.subi %sign3A_26, %sign3A_29 : i32
    %sign3A_31 = arith.constant 0 : i32
    %sign3A_32 = arith.cmpi sgt, %jit3A_24, %sign3A_31 : i32
    %sign3A_33 = arith.extui %sign3A_32 : i1 to i32
    %sign3A_34 = arith.constant 0 : i32
    %sign3A_35 = arith.cmpi slt, %jit3A_24, %sign3A_34 : i32
    %sign3A_36 = arith.extui %sign3A_35 : i1 to i32
    %sign3A_37 = arith.subi %sign3A_33, %sign3A_36 : i32
    %ne3A = arith.cmpi ne, %sign3A_30, %sign3A_37 : i32
    %rem3A = arith.remsi %select_n3A, %jit3A_24 : i32
    %ne3A_38 = arith.constant 0 : i32
    %ne3A_39 = arith.cmpi ne, %rem3A, %ne3A_38 : i32
    %and3A = arith.andi %ne3A, %ne3A_39 : i1
    %sub3A = arith.constant 1 : i32
    %sub3A_40 = arith.subi %div3A, %sub3A : i32
    %select_n3A_41 = arith.select %and3A, %sub3A_40, %div3A : i32
    %while3A = arith.constant 0 : i32
    %while3A_42 = arith.constant 0 : i32
    %while3A_43 = arith.subi %select_n3A_41, %while3A : i32
    %while3A_44 = arith.addi %while3A, %while3A_43 : i32
    %while3A_45 = arith.constant 1 : i32
    %while3A_46 = arith.divsi %while3A_43, %while3A_45 : i32
    %while3A_47 = arith.muli %while3A_46, %while3A_45 : i32
    %while3A_48 = arith.addi %while3A, %while3A_47 : i32
    %while3A_49 = arith.constant 1 : i32
    %while3A_50 = scf.for %while3A_81 = %while3A to %while3A_48 step %while3A_49 iter_args(%while3A_82 = %while3A_42) -> (i32)  : i32 {
      %mul3A_83 = arith.constant 4 : i32
      %mul3A_84 = arith.muli %mul3A_83, %while3A_81 : i32
      %add3A_85 = arith.constant 0 : i32
      %add3A_86 = arith.addi %mul3A_84, %add3A_85 : i32
      %dma_start3A = arith.constant 0 : i32
      %dma_start3A_87 = tpu.memref_slice %arg5[%add3A_86, %dma_start3A] : memref<40x128xi32, #tpu.memory_space<vmem>> -> memref<1x128xi32, #tpu.memory_space<vmem>>
      %dma_start3A_88 = tpu.memref_squeeze %dma_start3A_87 : memref<1x128xi32, #tpu.memory_space<vmem>> -> memref<128xi32, #tpu.memory_space<vmem>>
      %dma_start3A_89 = arith.constant 0 : i32
      %dma_start3A_90 = arith.constant 0 : i32
      %dma_start3A_91 = tpu.memref_slice %arg13[%dma_start3A_89, %dma_start3A_90] : memref<10000x32xf32, #tpu.memory_space<vmem_shared>> -> memref<10000x32xf32, #tpu.memory_space<vmem_shared>>
      tpu.enqueue_indirect_dma source(%dma_start3A_91 : memref<10000x32xf32, #tpu.memory_space<vmem_shared>>) target(%arg7 : memref<128x32xf32, #tpu.memory_space<vmem>>) offsets(%dma_start3A_88 : memref<128xi32, #tpu.memory_space<vmem>>) semaphore(%arg14 : memref<!tpu.dma_semaphore, #tpu.memory_space<semaphore_mem>>)
      %add3A_92 = arith.constant 1 : i32
      %add3A_93 = arith.addi %mul3A_84, %add3A_92 : i32
      %dma_start3A_94 = arith.constant 0 : i32
      %dma_start3A_95 = tpu.memref_slice %arg5[%add3A_93, %dma_start3A_94] : memref<40x128xi32, #tpu.memory_space<vmem>> -> memref<1x128xi32, #tpu.memory_space<vmem>>
      %dma_start3A_96 = tpu.memref_squeeze %dma_start3A_95 : memref<1x128xi32, #tpu.memory_space<vmem>> -> memref<128xi32, #tpu.memory_space<vmem>>
      %dma_start3A_97 = arith.constant 0 : i32
      %dma_start3A_98 = arith.constant 0 : i32
      %dma_start3A_99 = tpu.memref_slice %arg13[%dma_start3A_97, %dma_start3A_98] : memref<10000x32xf32, #tpu.memory_space<vmem_shared>> -> memref<10000x32xf32, #tpu.memory_space<vmem_shared>>
      tpu.enqueue_indirect_dma source(%dma_start3A_99 : memref<10000x32xf32, #tpu.memory_space<vmem_shared>>) target(%arg8 : memref<128x32xf32, #tpu.memory_space<vmem>>) offsets(%dma_start3A_96 : memref<128xi32, #tpu.memory_space<vmem>>) semaphore(%arg15 : memref<!tpu.dma_semaphore, #tpu.memory_space<semaphore_mem>>)
      %add3A_100 = arith.constant 2 : i32
      %add3A_101 = arith.addi %mul3A_84, %add3A_100 : i32
      %dma_start3A_102 = arith.constant 0 : i32
      %dma_start3A_103 = tpu.memref_slice %arg5[%add3A_101, %dma_start3A_102] : memref<40x128xi32, #tpu.memory_space<vmem>> -> memref<1x128xi32, #tpu.memory_space<vmem>>
      %dma_start3A_104 = tpu.memref_squeeze %dma_start3A_103 : memref<1x128xi32, #tpu.memory_space<vmem>> -> memref<128xi32, #tpu.memory_space<vmem>>
      %dma_start3A_105 = arith.constant 0 : i32
      %dma_start3A_106 = arith.constant 0 : i32
      %dma_start3A_107 = tpu.memref_slice %arg13[%dma_start3A_105, %dma_start3A_106] : memref<10000x32xf32, #tpu.memory_space<vmem_shared>> -> memref<10000x32xf32, #tpu.memory_space<vmem_shared>>
      tpu.enqueue_indirect_dma source(%dma_start3A_107 : memref<10000x32xf32, #tpu.memory_space<vmem_shared>>) target(%arg9 : memref<128x32xf32, #tpu.memory_space<vmem>>) offsets(%dma_start3A_104 : memref<128xi32, #tpu.memory_space<vmem>>) semaphore(%arg16 : memref<!tpu.dma_semaphore, #tpu.memory_space<semaphore_mem>>)
      %add3A_108 = arith.constant 3 : i32
      %add3A_109 = arith.addi %mul3A_84, %add3A_108 : i32
      %dma_start3A_110 = arith.constant 0 : i32
      %dma_start3A_111 = tpu.memref_slice %arg5[%add3A_109, %dma_start3A_110] : memref<40x128xi32, #tpu.memory_space<vmem>> -> memref<1x128xi32, #tpu.memory_space<vmem>>
      %dma_start3A_112 = tpu.memref_squeeze %dma_start3A_111 : memref<1x128xi32, #tpu.memory_space<vmem>> -> memref<128xi32, #tpu.memory_space<vmem>>
      %dma_start3A_113 = arith.constant 0 : i32
      %dma_start3A_114 = arith.constant 0 : i32
      %dma_start3A_115 = tpu.memref_slice %arg13[%dma_start3A_113, %dma_start3A_114] : memref<10000x32xf32, #tpu.memory_space<vmem_shared>> -> memref<10000x32xf32, #tpu.memory_space<vmem_shared>>
      tpu.enqueue_indirect_dma source(%dma_start3A_115 : memref<10000x32xf32, #tpu.memory_space<vmem_shared>>) target(%arg10 : memref<128x32xf32, #tpu.memory_space<vmem>>) offsets(%dma_start3A_112 : memref<128xi32, #tpu.memory_space<vmem>>) semaphore(%arg17 : memref<!tpu.dma_semaphore, #tpu.memory_space<semaphore_mem>>)
      %dma_wait3A = arith.constant 0 : i32
      %dma_wait3A_116 = tpu.memref_slice %arg5[%add3A_86, %dma_wait3A] : memref<40x128xi32, #tpu.memory_space<vmem>> -> memref<1x128xi32, #tpu.memory_space<vmem>>
      %dma_wait3A_117 = tpu.memref_squeeze %dma_wait3A_116 : memref<1x128xi32, #tpu.memory_space<vmem>> -> memref<128xi32, #tpu.memory_space<vmem>>
      %dma_wait3A_118 = arith.constant 0 : i32
      %dma_wait3A_119 = arith.constant 0 : i32
      %dma_wait3A_120 = tpu.memref_slice %arg13[%dma_wait3A_118, %dma_wait3A_119] : memref<10000x32xf32, #tpu.memory_space<vmem_shared>> -> memref<10000x32xf32, #tpu.memory_space<vmem_shared>>
      tpu.wait_indirect_dma semaphore(%arg14 : memref<!tpu.dma_semaphore, #tpu.memory_space<semaphore_mem>>) src(%dma_wait3A_120 : memref<10000x32xf32, #tpu.memory_space<vmem_shared>>) dst(%arg7 : memref<128x32xf32, #tpu.memory_space<vmem>>)
      %add3A_121 = arith.constant 0 : i32
      %add3A_122 = arith.addi %mul3A_84, %add3A_121 : i32
      %dma_start3A_123 = arith.constant 0 : i32
      %dma_start3A_124 = tpu.memref_slice %arg6[%add3A_122, %dma_start3A_123] : memref<40x128xi32, #tpu.memory_space<vmem>> -> memref<1x128xi32, #tpu.memory_space<vmem>>
      %dma_start3A_125 = tpu.memref_squeeze %dma_start3A_124 : memref<1x128xi32, #tpu.memory_space<vmem>> -> memref<128xi32, #tpu.memory_space<vmem>>
      %dma_start3A_126 = arith.constant 0 : i32
      %dma_start3A_127 = arith.constant 0 : i32
      %dma_start3A_128 = tpu.memref_slice %arg12[%dma_start3A_126, %dma_start3A_127] : memref<10112x32xf32, #tpu.memory_space<vmem_shared>> -> memref<10112x32xf32, #tpu.memory_space<vmem_shared>>
      tpu.enqueue_indirect_dma source(%arg7 : memref<128x32xf32, #tpu.memory_space<vmem>>) target(%dma_start3A_128 : memref<10112x32xf32, #tpu.memory_space<vmem_shared>>) offsets(%dma_start3A_125 : memref<128xi32, #tpu.memory_space<vmem>>) semaphore(%arg18 : memref<!tpu.dma_semaphore, #tpu.memory_space<semaphore_mem>>) {add = true}
      %dma_wait3A_129 = arith.constant 0 : i32
      %dma_wait3A_130 = tpu.memref_slice %arg5[%add3A_93, %dma_wait3A_129] : memref<40x128xi32, #tpu.memory_space<vmem>> -> memref<1x128xi32, #tpu.memory_space<vmem>>
      %dma_wait3A_131 = tpu.memref_squeeze %dma_wait3A_130 : memref<1x128xi32, #tpu.memory_space<vmem>> -> memref<128xi32, #tpu.memory_space<vmem>>
      %dma_wait3A_132 = arith.constant 0 : i32
      %dma_wait3A_133 = arith.constant 0 : i32
      %dma_wait3A_134 = tpu.memref_slice %arg13[%dma_wait3A_132, %dma_wait3A_133] : memref<10000x32xf32, #tpu.memory_space<vmem_shared>> -> memref<10000x32xf32, #tpu.memory_space<vmem_shared>>
      tpu.wait_indirect_dma semaphore(%arg15 : memref<!tpu.dma_semaphore, #tpu.memory_space<semaphore_mem>>) src(%dma_wait3A_134 : memref<10000x32xf32, #tpu.memory_space<vmem_shared>>) dst(%arg8 : memref<128x32xf32, #tpu.memory_space<vmem>>)
      %add3A_135 = arith.constant 1 : i32
      %add3A_136 = arith.addi %mul3A_84, %add3A_135 : i32
      %dma_start3A_137 = arith.constant 0 : i32
      %dma_start3A_138 = tpu.memref_slice %arg6[%add3A_136, %dma_start3A_137] : memref<40x128xi32, #tpu.memory_space<vmem>> -> memref<1x128xi32, #tpu.memory_space<vmem>>
      %dma_start3A_139 = tpu.memref_squeeze %dma_start3A_138 : memref<1x128xi32, #tpu.memory_space<vmem>> -> memref<128xi32, #tpu.memory_space<vmem>>
      %dma_start3A_140 = arith.constant 0 : i32
      %dma_start3A_141 = arith.constant 0 : i32
      %dma_start3A_142 = tpu.memref_slice %arg12[%dma_start3A_140, %dma_start3A_141] : memref<10112x32xf32, #tpu.memory_space<vmem_shared>> -> memref<10112x32xf32, #tpu.memory_space<vmem_shared>>
      tpu.enqueue_indirect_dma source(%arg8 : memref<128x32xf32, #tpu.memory_space<vmem>>) target(%dma_start3A_142 : memref<10112x32xf32, #tpu.memory_space<vmem_shared>>) offsets(%dma_start3A_139 : memref<128xi32, #tpu.memory_space<vmem>>) semaphore(%arg19 : memref<!tpu.dma_semaphore, #tpu.memory_space<semaphore_mem>>) {add = true}
      %dma_wait3A_143 = arith.constant 0 : i32
      %dma_wait3A_144 = tpu.memref_slice %arg5[%add3A_101, %dma_wait3A_143] : memref<40x128xi32, #tpu.memory_space<vmem>> -> memref<1x128xi32, #tpu.memory_space<vmem>>
      %dma_wait3A_145 = tpu.memref_squeeze %dma_wait3A_144 : memref<1x128xi32, #tpu.memory_space<vmem>> -> memref<128xi32, #tpu.memory_space<vmem>>
      %dma_wait3A_146 = arith.constant 0 : i32
      %dma_wait3A_147 = arith.constant 0 : i32
      %dma_wait3A_148 = tpu.memref_slice %arg13[%dma_wait3A_146, %dma_wait3A_147] : memref<10000x32xf32, #tpu.memory_space<vmem_shared>> -> memref<10000x32xf32, #tpu.memory_space<vmem_shared>>
      tpu.wait_indirect_dma semaphore(%arg16 : memref<!tpu.dma_semaphore, #tpu.memory_space<semaphore_mem>>) src(%dma_wait3A_148 : memref<10000x32xf32, #tpu.memory_space<vmem_shared>>) dst(%arg9 : memref<128x32xf32, #tpu.memory_space<vmem>>)
      %add3A_149 = arith.constant 2 : i32
      %add3A_150 = arith.addi %mul3A_84, %add3A_149 : i32
      %dma_start3A_151 = arith.constant 0 : i32
      %dma_start3A_152 = tpu.memref_slice %arg6[%add3A_150, %dma_start3A_151] : memref<40x128xi32, #tpu.memory_space<vmem>> -> memref<1x128xi32, #tpu.memory_space<vmem>>
      %dma_start3A_153 = tpu.memref_squeeze %dma_start3A_152 : memref<1x128xi32, #tpu.memory_space<vmem>> -> memref<128xi32, #tpu.memory_space<vmem>>
      %dma_start3A_154 = arith.constant 0 : i32
      %dma_start3A_155 = arith.constant 0 : i32
      %dma_start3A_156 = tpu.memref_slice %arg12[%dma_start3A_154, %dma_start3A_155] : memref<10112x32xf32, #tpu.memory_space<vmem_shared>> -> memref<10112x32xf32, #tpu.memory_space<vmem_shared>>
      tpu.enqueue_indirect_dma source(%arg9 : memref<128x32xf32, #tpu.memory_space<vmem>>) target(%dma_start3A_156 : memref<10112x32xf32, #tpu.memory_space<vmem_shared>>) offsets(%dma_start3A_153 : memref<128xi32, #tpu.memory_space<vmem>>) semaphore(%arg20 : memref<!tpu.dma_semaphore, #tpu.memory_space<semaphore_mem>>) {add = true}
      %dma_wait3A_157 = arith.constant 0 : i32
      %dma_wait3A_158 = tpu.memref_slice %arg5[%add3A_109, %dma_wait3A_157] : memref<40x128xi32, #tpu.memory_space<vmem>> -> memref<1x128xi32, #tpu.memory_space<vmem>>
      %dma_wait3A_159 = tpu.memref_squeeze %dma_wait3A_158 : memref<1x128xi32, #tpu.memory_space<vmem>> -> memref<128xi32, #tpu.memory_space<vmem>>
      %dma_wait3A_160 = arith.constant 0 : i32
      %dma_wait3A_161 = arith.constant 0 : i32
      %dma_wait3A_162 = tpu.memref_slice %arg13[%dma_wait3A_160, %dma_wait3A_161] : memref<10000x32xf32, #tpu.memory_space<vmem_shared>> -> memref<10000x32xf32, #tpu.memory_space<vmem_shared>>
      tpu.wait_indirect_dma semaphore(%arg17 : memref<!tpu.dma_semaphore, #tpu.memory_space<semaphore_mem>>) src(%dma_wait3A_162 : memref<10000x32xf32, #tpu.memory_space<vmem_shared>>) dst(%arg10 : memref<128x32xf32, #tpu.memory_space<vmem>>)
      %add3A_163 = arith.constant 3 : i32
      %add3A_164 = arith.addi %mul3A_84, %add3A_163 : i32
      %dma_start3A_165 = arith.constant 0 : i32
      %dma_start3A_166 = tpu.memref_slice %arg6[%add3A_164, %dma_start3A_165] : memref<40x128xi32, #tpu.memory_space<vmem>> -> memref<1x128xi32, #tpu.memory_space<vmem>>
      %dma_start3A_167 = tpu.memref_squeeze %dma_start3A_166 : memref<1x128xi32, #tpu.memory_space<vmem>> -> memref<128xi32, #tpu.memory_space<vmem>>
      %dma_start3A_168 = arith.constant 0 : i32
      %dma_start3A_169 = arith.constant 0 : i32
      %dma_start3A_170 = tpu.memref_slice %arg12[%dma_start3A_168, %dma_start3A_169] : memref<10112x32xf32, #tpu.memory_space<vmem_shared>> -> memref<10112x32xf32, #tpu.memory_space<vmem_shared>>
      tpu.enqueue_indirect_dma source(%arg10 : memref<128x32xf32, #tpu.memory_space<vmem>>) target(%dma_start3A_170 : memref<10112x32xf32, #tpu.memory_space<vmem_shared>>) offsets(%dma_start3A_167 : memref<128xi32, #tpu.memory_space<vmem>>) semaphore(%arg21 : memref<!tpu.dma_semaphore, #tpu.memory_space<semaphore_mem>>) {add = true}
      %dma_wait3A_171 = arith.constant 0 : i32
      %dma_wait3A_172 = tpu.memref_slice %arg6[%add3A_122, %dma_wait3A_171] : memref<40x128xi32, #tpu.memory_space<vmem>> -> memref<1x128xi32, #tpu.memory_space<vmem>>
      %dma_wait3A_173 = tpu.memref_squeeze %dma_wait3A_172 : memref<1x128xi32, #tpu.memory_space<vmem>> -> memref<128xi32, #tpu.memory_space<vmem>>
      %dma_wait3A_174 = arith.constant 0 : i32
      %dma_wait3A_175 = arith.constant 0 : i32
      %dma_wait3A_176 = tpu.memref_slice %arg12[%dma_wait3A_174, %dma_wait3A_175] : memref<10112x32xf32, #tpu.memory_space<vmem_shared>> -> memref<10112x32xf32, #tpu.memory_space<vmem_shared>>
      tpu.wait_indirect_dma semaphore(%arg18 : memref<!tpu.dma_semaphore, #tpu.memory_space<semaphore_mem>>) src(%arg7 : memref<128x32xf32, #tpu.memory_space<vmem>>) dst(%dma_wait3A_176 : memref<10112x32xf32, #tpu.memory_space<vmem_shared>>)
      %dma_wait3A_177 = arith.constant 0 : i32
      %dma_wait3A_178 = tpu.memref_slice %arg6[%add3A_136, %dma_wait3A_177] : memref<40x128xi32, #tpu.memory_space<vmem>> -> memref<1x128xi32, #tpu.memory_space<vmem>>
      %dma_wait3A_179 = tpu.memref_squeeze %dma_wait3A_178 : memref<1x128xi32, #tpu.memory_space<vmem>> -> memref<128xi32, #tpu.memory_space<vmem>>
      %dma_wait3A_180 = arith.constant 0 : i32
      %dma_wait3A_181 = arith.constant 0 : i32
      %dma_wait3A_182 = tpu.memref_slice %arg12[%dma_wait3A_180, %dma_wait3A_181] : memref<10112x32xf32, #tpu.memory_space<vmem_shared>> -> memref<10112x32xf32, #tpu.memory_space<vmem_shared>>
      tpu.wait_indirect_dma semaphore(%arg19 : memref<!tpu.dma_semaphore, #tpu.memory_space<semaphore_mem>>) src(%arg8 : memref<128x32xf32, #tpu.memory_space<vmem>>) dst(%dma_wait3A_182 : memref<10112x32xf32, #tpu.memory_space<vmem_shared>>)
      %dma_wait3A_183 = arith.constant 0 : i32
      %dma_wait3A_184 = tpu.memref_slice %arg6[%add3A_150, %dma_wait3A_183] : memref<40x128xi32, #tpu.memory_space<vmem>> -> memref<1x128xi32, #tpu.memory_space<vmem>>
      %dma_wait3A_185 = tpu.memref_squeeze %dma_wait3A_184 : memref<1x128xi32, #tpu.memory_space<vmem>> -> memref<128xi32, #tpu.memory_space<vmem>>
      %dma_wait3A_186 = arith.constant 0 : i32
      %dma_wait3A_187 = arith.constant 0 : i32
      %dma_wait3A_188 = tpu.memref_slice %arg12[%dma_wait3A_186, %dma_wait3A_187] : memref<10112x32xf32, #tpu.memory_space<vmem_shared>> -> memref<10112x32xf32, #tpu.memory_space<vmem_shared>>
      tpu.wait_indirect_dma semaphore(%arg20 : memref<!tpu.dma_semaphore, #tpu.memory_space<semaphore_mem>>) src(%arg9 : memref<128x32xf32, #tpu.memory_space<vmem>>) dst(%dma_wait3A_188 : memref<10112x32xf32, #tpu.memory_space<vmem_shared>>)
      %dma_wait3A_189 = arith.constant 0 : i32
      %dma_wait3A_190 = tpu.memref_slice %arg6[%add3A_164, %dma_wait3A_189] : memref<40x128xi32, #tpu.memory_space<vmem>> -> memref<1x128xi32, #tpu.memory_space<vmem>>
      %dma_wait3A_191 = tpu.memref_squeeze %dma_wait3A_190 : memref<1x128xi32, #tpu.memory_space<vmem>> -> memref<128xi32, #tpu.memory_space<vmem>>
      %dma_wait3A_192 = arith.constant 0 : i32
      %dma_wait3A_193 = arith.constant 0 : i32
      %dma_wait3A_194 = tpu.memref_slice %arg12[%dma_wait3A_192, %dma_wait3A_193] : memref<10112x32xf32, #tpu.memory_space<vmem_shared>> -> memref<10112x32xf32, #tpu.memory_space<vmem_shared>>
      tpu.wait_indirect_dma semaphore(%arg21 : memref<!tpu.dma_semaphore, #tpu.memory_space<semaphore_mem>>) src(%arg10 : memref<128x32xf32, #tpu.memory_space<vmem>>) dst(%dma_wait3A_194 : memref<10112x32xf32, #tpu.memory_space<vmem_shared>>)
      %while3A_195 = arith.constant 0 : i32
      scf.yield %while3A_195 : i32
    }
    %while3A_51 = arith.constant 1 : i32
    %while3A_52 = scf.for %while3A_81 = %while3A_48 to %while3A_44 step %while3A_51 iter_args(%while3A_82 = %while3A_50) -> (i32)  : i32 {
      %mul3A_83 = arith.constant 4 : i32
      %mul3A_84 = arith.muli %mul3A_83, %while3A_81 : i32
      %add3A_85 = arith.constant 0 : i32
      %add3A_86 = arith.addi %mul3A_84, %add3A_85 : i32
      %dma_start3A = arith.constant 0 : i32
      %dma_start3A_87 = tpu.memref_slice %arg5[%add3A_86, %dma_start3A] : memref<40x128xi32, #tpu.memory_space<vmem>> -> memref<1x128xi32, #tpu.memory_space<vmem>>
      %dma_start3A_88 = tpu.memref_squeeze %dma_start3A_87 : memref<1x128xi32, #tpu.memory_space<vmem>> -> memref<128xi32, #tpu.memory_space<vmem>>
      %dma_start3A_89 = arith.constant 0 : i32
      %dma_start3A_90 = arith.constant 0 : i32
      %dma_start3A_91 = tpu.memref_slice %arg13[%dma_start3A_89, %dma_start3A_90] : memref<10000x32xf32, #tpu.memory_space<vmem_shared>> -> memref<10000x32xf32, #tpu.memory_space<vmem_shared>>
      tpu.enqueue_indirect_dma source(%dma_start3A_91 : memref<10000x32xf32, #tpu.memory_space<vmem_shared>>) target(%arg7 : memref<128x32xf32, #tpu.memory_space<vmem>>) offsets(%dma_start3A_88 : memref<128xi32, #tpu.memory_space<vmem>>) semaphore(%arg14 : memref<!tpu.dma_semaphore, #tpu.memory_space<semaphore_mem>>)
      %add3A_92 = arith.constant 1 : i32
      %add3A_93 = arith.addi %mul3A_84, %add3A_92 : i32
      %dma_start3A_94 = arith.constant 0 : i32
      %dma_start3A_95 = tpu.memref_slice %arg5[%add3A_93, %dma_start3A_94] : memref<40x128xi32, #tpu.memory_space<vmem>> -> memref<1x128xi32, #tpu.memory_space<vmem>>
      %dma_start3A_96 = tpu.memref_squeeze %dma_start3A_95 : memref<1x128xi32, #tpu.memory_space<vmem>> -> memref<128xi32, #tpu.memory_space<vmem>>
      %dma_start3A_97 = arith.constant 0 : i32
      %dma_start3A_98 = arith.constant 0 : i32
      %dma_start3A_99 = tpu.memref_slice %arg13[%dma_start3A_97, %dma_start3A_98] : memref<10000x32xf32, #tpu.memory_space<vmem_shared>> -> memref<10000x32xf32, #tpu.memory_space<vmem_shared>>
      tpu.enqueue_indirect_dma source(%dma_start3A_99 : memref<10000x32xf32, #tpu.memory_space<vmem_shared>>) target(%arg8 : memref<128x32xf32, #tpu.memory_space<vmem>>) offsets(%dma_start3A_96 : memref<128xi32, #tpu.memory_space<vmem>>) semaphore(%arg15 : memref<!tpu.dma_semaphore, #tpu.memory_space<semaphore_mem>>)
      %add3A_100 = arith.constant 2 : i32
      %add3A_101 = arith.addi %mul3A_84, %add3A_100 : i32
      %dma_start3A_102 = arith.constant 0 : i32
      %dma_start3A_103 = tpu.memref_slice %arg5[%add3A_101, %dma_start3A_102] : memref<40x128xi32, #tpu.memory_space<vmem>> -> memref<1x128xi32, #tpu.memory_space<vmem>>
      %dma_start3A_104 = tpu.memref_squeeze %dma_start3A_103 : memref<1x128xi32, #tpu.memory_space<vmem>> -> memref<128xi32, #tpu.memory_space<vmem>>
      %dma_start3A_105 = arith.constant 0 : i32
      %dma_start3A_106 = arith.constant 0 : i32
      %dma_start3A_107 = tpu.memref_slice %arg13[%dma_start3A_105, %dma_start3A_106] : memref<10000x32xf32, #tpu.memory_space<vmem_shared>> -> memref<10000x32xf32, #tpu.memory_space<vmem_shared>>
      tpu.enqueue_indirect_dma source(%dma_start3A_107 : memref<10000x32xf32, #tpu.memory_space<vmem_shared>>) target(%arg9 : memref<128x32xf32, #tpu.memory_space<vmem>>) offsets(%dma_start3A_104 : memref<128xi32, #tpu.memory_space<vmem>>) semaphore(%arg16 : memref<!tpu.dma_semaphore, #tpu.memory_space<semaphore_mem>>)
      %add3A_108 = arith.constant 3 : i32
      %add3A_109 = arith.addi %mul3A_84, %add3A_108 : i32
      %dma_start3A_110 = arith.constant 0 : i32
      %dma_start3A_111 = tpu.memref_slice %arg5[%add3A_109, %dma_start3A_110] : memref<40x128xi32, #tpu.memory_space<vmem>> -> memref<1x128xi32, #tpu.memory_space<vmem>>
      %dma_start3A_112 = tpu.memref_squeeze %dma_start3A_111 : memref<1x128xi32, #tpu.memory_space<vmem>> -> memref<128xi32, #tpu.memory_space<vmem>>
      %dma_start3A_113 = arith.constant 0 : i32
      %dma_start3A_114 = arith.constant 0 : i32
      %dma_start3A_115 = tpu.memref_slice %arg13[%dma_start3A_113, %dma_start3A_114] : memref<10000x32xf32, #tpu.memory_space<vmem_shared>> -> memref<10000x32xf32, #tpu.memory_space<vmem_shared>>
      tpu.enqueue_indirect_dma source(%dma_start3A_115 : memref<10000x32xf32, #tpu.memory_space<vmem_shared>>) target(%arg10 : memref<128x32xf32, #tpu.memory_space<vmem>>) offsets(%dma_start3A_112 : memref<128xi32, #tpu.memory_space<vmem>>) semaphore(%arg17 : memref<!tpu.dma_semaphore, #tpu.memory_space<semaphore_mem>>)
      %dma_wait3A = arith.constant 0 : i32
      %dma_wait3A_116 = tpu.memref_slice %arg5[%add3A_86, %dma_wait3A] : memref<40x128xi32, #tpu.memory_space<vmem>> -> memref<1x128xi32, #tpu.memory_space<vmem>>
      %dma_wait3A_117 = tpu.memref_squeeze %dma_wait3A_116 : memref<1x128xi32, #tpu.memory_space<vmem>> -> memref<128xi32, #tpu.memory_space<vmem>>
      %dma_wait3A_118 = arith.constant 0 : i32
      %dma_wait3A_119 = arith.constant 0 : i32
      %dma_wait3A_120 = tpu.memref_slice %arg13[%dma_wait3A_118, %dma_wait3A_119] : memref<10000x32xf32, #tpu.memory_space<vmem_shared>> -> memref<10000x32xf32, #tpu.memory_space<vmem_shared>>
      tpu.wait_indirect_dma semaphore(%arg14 : memref<!tpu.dma_semaphore, #tpu.memory_space<semaphore_mem>>) src(%dma_wait3A_120 : memref<10000x32xf32, #tpu.memory_space<vmem_shared>>) dst(%arg7 : memref<128x32xf32, #tpu.memory_space<vmem>>)
      %add3A_121 = arith.constant 0 : i32
      %add3A_122 = arith.addi %mul3A_84, %add3A_121 : i32
      %dma_start3A_123 = arith.constant 0 : i32
      %dma_start3A_124 = tpu.memref_slice %arg6[%add3A_122, %dma_start3A_123] : memref<40x128xi32, #tpu.memory_space<vmem>> -> memref<1x128xi32, #tpu.memory_space<vmem>>
      %dma_start3A_125 = tpu.memref_squeeze %dma_start3A_124 : memref<1x128xi32, #tpu.memory_space<vmem>> -> memref<128xi32, #tpu.memory_space<vmem>>
      %dma_start3A_126 = arith.constant 0 : i32
      %dma_start3A_127 = arith.constant 0 : i32
      %dma_start3A_128 = tpu.memref_slice %arg12[%dma_start3A_126, %dma_start3A_127] : memref<10112x32xf32, #tpu.memory_space<vmem_shared>> -> memref<10112x32xf32, #tpu.memory_space<vmem_shared>>
      tpu.enqueue_indirect_dma source(%arg7 : memref<128x32xf32, #tpu.memory_space<vmem>>) target(%dma_start3A_128 : memref<10112x32xf32, #tpu.memory_space<vmem_shared>>) offsets(%dma_start3A_125 : memref<128xi32, #tpu.memory_space<vmem>>) semaphore(%arg18 : memref<!tpu.dma_semaphore, #tpu.memory_space<semaphore_mem>>) {add = true}
      %dma_wait3A_129 = arith.constant 0 : i32
      %dma_wait3A_130 = tpu.memref_slice %arg5[%add3A_93, %dma_wait3A_129] : memref<40x128xi32, #tpu.memory_space<vmem>> -> memref<1x128xi32, #tpu.memory_space<vmem>>
      %dma_wait3A_131 = tpu.memref_squeeze %dma_wait3A_130 : memref<1x128xi32, #tpu.memory_space<vmem>> -> memref<128xi32, #tpu.memory_space<vmem>>
      %dma_wait3A_132 = arith.constant 0 : i32
      %dma_wait3A_133 = arith.constant 0 : i32
      %dma_wait3A_134 = tpu.memref_slice %arg13[%dma_wait3A_132, %dma_wait3A_133] : memref<10000x32xf32, #tpu.memory_space<vmem_shared>> -> memref<10000x32xf32, #tpu.memory_space<vmem_shared>>
      tpu.wait_indirect_dma semaphore(%arg15 : memref<!tpu.dma_semaphore, #tpu.memory_space<semaphore_mem>>) src(%dma_wait3A_134 : memref<10000x32xf32, #tpu.memory_space<vmem_shared>>) dst(%arg8 : memref<128x32xf32, #tpu.memory_space<vmem>>)
      %add3A_135 = arith.constant 1 : i32
      %add3A_136 = arith.addi %mul3A_84, %add3A_135 : i32
      %dma_start3A_137 = arith.constant 0 : i32
      %dma_start3A_138 = tpu.memref_slice %arg6[%add3A_136, %dma_start3A_137] : memref<40x128xi32, #tpu.memory_space<vmem>> -> memref<1x128xi32, #tpu.memory_space<vmem>>
      %dma_start3A_139 = tpu.memref_squeeze %dma_start3A_138 : memref<1x128xi32, #tpu.memory_space<vmem>> -> memref<128xi32, #tpu.memory_space<vmem>>
      %dma_start3A_140 = arith.constant 0 : i32
      %dma_start3A_141 = arith.constant 0 : i32
      %dma_start3A_142 = tpu.memref_slice %arg12[%dma_start3A_140, %dma_start3A_141] : memref<10112x32xf32, #tpu.memory_space<vmem_shared>> -> memref<10112x32xf32, #tpu.memory_space<vmem_shared>>
      tpu.enqueue_indirect_dma source(%arg8 : memref<128x32xf32, #tpu.memory_space<vmem>>) target(%dma_start3A_142 : memref<10112x32xf32, #tpu.memory_space<vmem_shared>>) offsets(%dma_start3A_139 : memref<128xi32, #tpu.memory_space<vmem>>) semaphore(%arg19 : memref<!tpu.dma_semaphore, #tpu.memory_space<semaphore_mem>>) {add = true}
      %dma_wait3A_143 = arith.constant 0 : i32
      %dma_wait3A_144 = tpu.memref_slice %arg5[%add3A_101, %dma_wait3A_143] : memref<40x128xi32, #tpu.memory_space<vmem>> -> memref<1x128xi32, #tpu.memory_space<vmem>>
      %dma_wait3A_145 = tpu.memref_squeeze %dma_wait3A_144 : memref<1x128xi32, #tpu.memory_space<vmem>> -> memref<128xi32, #tpu.memory_space<vmem>>
      %dma_wait3A_146 = arith.constant 0 : i32
      %dma_wait3A_147 = arith.constant 0 : i32
      %dma_wait3A_148 = tpu.memref_slice %arg13[%dma_wait3A_146, %dma_wait3A_147] : memref<10000x32xf32, #tpu.memory_space<vmem_shared>> -> memref<10000x32xf32, #tpu.memory_space<vmem_shared>>
      tpu.wait_indirect_dma semaphore(%arg16 : memref<!tpu.dma_semaphore, #tpu.memory_space<semaphore_mem>>) src(%dma_wait3A_148 : memref<10000x32xf32, #tpu.memory_space<vmem_shared>>) dst(%arg9 : memref<128x32xf32, #tpu.memory_space<vmem>>)
      %add3A_149 = arith.constant 2 : i32
      %add3A_150 = arith.addi %mul3A_84, %add3A_149 : i32
      %dma_start3A_151 = arith.constant 0 : i32
      %dma_start3A_152 = tpu.memref_slice %arg6[%add3A_150, %dma_start3A_151] : memref<40x128xi32, #tpu.memory_space<vmem>> -> memref<1x128xi32, #tpu.memory_space<vmem>>
      %dma_start3A_153 = tpu.memref_squeeze %dma_start3A_152 : memref<1x128xi32, #tpu.memory_space<vmem>> -> memref<128xi32, #tpu.memory_space<vmem>>
      %dma_start3A_154 = arith.constant 0 : i32
      %dma_start3A_155 = arith.constant 0 : i32
      %dma_start3A_156 = tpu.memref_slice %arg12[%dma_start3A_154, %dma_start3A_155] : memref<10112x32xf32, #tpu.memory_space<vmem_shared>> -> memref<10112x32xf32, #tpu.memory_space<vmem_shared>>
      tpu.enqueue_indirect_dma source(%arg9 : memref<128x32xf32, #tpu.memory_space<vmem>>) target(%dma_start3A_156 : memref<10112x32xf32, #tpu.memory_space<vmem_shared>>) offsets(%dma_start3A_153 : memref<128xi32, #tpu.memory_space<vmem>>) semaphore(%arg20 : memref<!tpu.dma_semaphore, #tpu.memory_space<semaphore_mem>>) {add = true}
      %dma_wait3A_157 = arith.constant 0 : i32
      %dma_wait3A_158 = tpu.memref_slice %arg5[%add3A_109, %dma_wait3A_157] : memref<40x128xi32, #tpu.memory_space<vmem>> -> memref<1x128xi32, #tpu.memory_space<vmem>>
      %dma_wait3A_159 = tpu.memref_squeeze %dma_wait3A_158 : memref<1x128xi32, #tpu.memory_space<vmem>> -> memref<128xi32, #tpu.memory_space<vmem>>
      %dma_wait3A_160 = arith.constant 0 : i32
      %dma_wait3A_161 = arith.constant 0 : i32
      %dma_wait3A_162 = tpu.memref_slice %arg13[%dma_wait3A_160, %dma_wait3A_161] : memref<10000x32xf32, #tpu.memory_space<vmem_shared>> -> memref<10000x32xf32, #tpu.memory_space<vmem_shared>>
      tpu.wait_indirect_dma semaphore(%arg17 : memref<!tpu.dma_semaphore, #tpu.memory_space<semaphore_mem>>) src(%dma_wait3A_162 : memref<10000x32xf32, #tpu.memory_space<vmem_shared>>) dst(%arg10 : memref<128x32xf32, #tpu.memory_space<vmem>>)
      %add3A_163 = arith.constant 3 : i32
      %add3A_164 = arith.addi %mul3A_84, %add3A_163 : i32
      %dma_start3A_165 = arith.constant 0 : i32
      %dma_start3A_166 = tpu.memref_slice %arg6[%add3A_164, %dma_start3A_165] : memref<40x128xi32, #tpu.memory_space<vmem>> -> memref<1x128xi32, #tpu.memory_space<vmem>>
      %dma_start3A_167 = tpu.memref_squeeze %dma_start3A_166 : memref<1x128xi32, #tpu.memory_space<vmem>> -> memref<128xi32, #tpu.memory_space<vmem>>
      %dma_start3A_168 = arith.constant 0 : i32
      %dma_start3A_169 = arith.constant 0 : i32
      %dma_start3A_170 = tpu.memref_slice %arg12[%dma_start3A_168, %dma_start3A_169] : memref<10112x32xf32, #tpu.memory_space<vmem_shared>> -> memref<10112x32xf32, #tpu.memory_space<vmem_shared>>
      tpu.enqueue_indirect_dma source(%arg10 : memref<128x32xf32, #tpu.memory_space<vmem>>) target(%dma_start3A_170 : memref<10112x32xf32, #tpu.memory_space<vmem_shared>>) offsets(%dma_start3A_167 : memref<128xi32, #tpu.memory_space<vmem>>) semaphore(%arg21 : memref<!tpu.dma_semaphore, #tpu.memory_space<semaphore_mem>>) {add = true}
      %dma_wait3A_171 = arith.constant 0 : i32
      %dma_wait3A_172 = tpu.memref_slice %arg6[%add3A_122, %dma_wait3A_171] : memref<40x128xi32, #tpu.memory_space<vmem>> -> memref<1x128xi32, #tpu.memory_space<vmem>>
      %dma_wait3A_173 = tpu.memref_squeeze %dma_wait3A_172 : memref<1x128xi32, #tpu.memory_space<vmem>> -> memref<128xi32, #tpu.memory_space<vmem>>
      %dma_wait3A_174 = arith.constant 0 : i32
      %dma_wait3A_175 = arith.constant 0 : i32
      %dma_wait3A_176 = tpu.memref_slice %arg12[%dma_wait3A_174, %dma_wait3A_175] : memref<10112x32xf32, #tpu.memory_space<vmem_shared>> -> memref<10112x32xf32, #tpu.memory_space<vmem_shared>>
      tpu.wait_indirect_dma semaphore(%arg18 : memref<!tpu.dma_semaphore, #tpu.memory_space<semaphore_mem>>) src(%arg7 : memref<128x32xf32, #tpu.memory_space<vmem>>) dst(%dma_wait3A_176 : memref<10112x32xf32, #tpu.memory_space<vmem_shared>>)
      %dma_wait3A_177 = arith.constant 0 : i32
      %dma_wait3A_178 = tpu.memref_slice %arg6[%add3A_136, %dma_wait3A_177] : memref<40x128xi32, #tpu.memory_space<vmem>> -> memref<1x128xi32, #tpu.memory_space<vmem>>
      %dma_wait3A_179 = tpu.memref_squeeze %dma_wait3A_178 : memref<1x128xi32, #tpu.memory_space<vmem>> -> memref<128xi32, #tpu.memory_space<vmem>>
      %dma_wait3A_180 = arith.constant 0 : i32
      %dma_wait3A_181 = arith.constant 0 : i32
      %dma_wait3A_182 = tpu.memref_slice %arg12[%dma_wait3A_180, %dma_wait3A_181] : memref<10112x32xf32, #tpu.memory_space<vmem_shared>> -> memref<10112x32xf32, #tpu.memory_space<vmem_shared>>
      tpu.wait_indirect_dma semaphore(%arg19 : memref<!tpu.dma_semaphore, #tpu.memory_space<semaphore_mem>>) src(%arg8 : memref<128x32xf32, #tpu.memory_space<vmem>>) dst(%dma_wait3A_182 : memref<10112x32xf32, #tpu.memory_space<vmem_shared>>)
      %dma_wait3A_183 = arith.constant 0 : i32
      %dma_wait3A_184 = tpu.memref_slice %arg6[%add3A_150, %dma_wait3A_183] : memref<40x128xi32, #tpu.memory_space<vmem>> -> memref<1x128xi32, #tpu.memory_space<vmem>>
      %dma_wait3A_185 = tpu.memref_squeeze %dma_wait3A_184 : memref<1x128xi32, #tpu.memory_space<vmem>> -> memref<128xi32, #tpu.memory_space<vmem>>
      %dma_wait3A_186 = arith.constant 0 : i32
      %dma_wait3A_187 = arith.constant 0 : i32
      %dma_wait3A_188 = tpu.memref_slice %arg12[%dma_wait3A_186, %dma_wait3A_187] : memref<10112x32xf32, #tpu.memory_space<vmem_shared>> -> memref<10112x32xf32, #tpu.memory_space<vmem_shared>>
      tpu.wait_indirect_dma semaphore(%arg20 : memref<!tpu.dma_semaphore, #tpu.memory_space<semaphore_mem>>) src(%arg9 : memref<128x32xf32, #tpu.memory_space<vmem>>) dst(%dma_wait3A_188 : memref<10112x32xf32, #tpu.memory_space<vmem_shared>>)
      %dma_wait3A_189 = arith.constant 0 : i32
      %dma_wait3A_190 = tpu.memref_slice %arg6[%add3A_164, %dma_wait3A_189] : memref<40x128xi32, #tpu.memory_space<vmem>> -> memref<1x128xi32, #tpu.memory_space<vmem>>
      %dma_wait3A_191 = tpu.memref_squeeze %dma_wait3A_190 : memref<1x128xi32, #tpu.memory_space<vmem>> -> memref<128xi32, #tpu.memory_space<vmem>>
      %dma_wait3A_192 = arith.constant 0 : i32
      %dma_wait3A_193 = arith.constant 0 : i32
      %dma_wait3A_194 = tpu.memref_slice %arg12[%dma_wait3A_192, %dma_wait3A_193] : memref<10112x32xf32, #tpu.memory_space<vmem_shared>> -> memref<10112x32xf32, #tpu.memory_space<vmem_shared>>
      tpu.wait_indirect_dma semaphore(%arg21 : memref<!tpu.dma_semaphore, #tpu.memory_space<semaphore_mem>>) src(%arg10 : memref<128x32xf32, #tpu.memory_space<vmem>>) dst(%dma_wait3A_194 : memref<10112x32xf32, #tpu.memory_space<vmem_shared>>)
      %while3A_195 = arith.constant 0 : i32
      scf.yield %while3A_195 : i32
    }
    %jit3A_53 = arith.constant 4 : i32
    %eq3A_54 = arith.constant 0 : i32
    %eq3A_55 = arith.cmpi eq, %jit3A_53, %eq3A_54 : i32
    %jit3A_56 = arith.constant 1 : i32
    %select_n3A_57 = arith.select %eq3A_55, %jit3A_56, %jit3A_53 : i32
    %rem3A_58 = arith.remsi %select_n3A, %select_n3A_57 : i32
    %ne3A_59 = arith.constant 0 : i32
    %ne3A_60 = arith.cmpi ne, %rem3A_58, %ne3A_59 : i32
    %lt3A = arith.constant 0 : i32
    %lt3A_61 = arith.cmpi slt, %rem3A_58, %lt3A : i32
    %lt3A_62 = arith.constant 0 : i32
    %lt3A_63 = arith.cmpi slt, %select_n3A_57, %lt3A_62 : i32
    %ne3A_64 = arith.xori %lt3A_61, %lt3A_63 : i1
    %and3A_65 = arith.andi %ne3A_64, %ne3A_60 : i1
    %add3A_66 = arith.addi %rem3A_58, %select_n3A_57 : i32
    %select_n3A_67 = arith.select %and3A_65, %add3A_66, %rem3A_58 : i32
    %ne3A_68 = arith.constant 0 : i32
    %ne3A_69 = arith.cmpi ne, %select_n3A_67, %ne3A_68 : i32
    %convert_element_type3A_70 = arith.extui %ne3A_69 : i1 to i32
    %cond3A_71 = arith.constant 0 : i32
    %cond3A_72 = arith.cmpi ne, %convert_element_type3A_70, %cond3A_71 : i32
    scf.if %cond3A_72 {
      %mul3A_81 = arith.constant 4 : i32
      %mul3A_82 = arith.muli %select_n3A_41, %mul3A_81 : i32
      %add3A_83 = arith.constant 0 : i32
      %add3A_84 = arith.addi %mul3A_82, %add3A_83 : i32
      %dma_start3A = arith.constant 0 : i32
      %dma_start3A_85 = tpu.memref_slice %arg5[%add3A_84, %dma_start3A] : memref<40x128xi32, #tpu.memory_space<vmem>> -> memref<1x128xi32, #tpu.memory_space<vmem>>
      %dma_start3A_86 = tpu.memref_squeeze %dma_start3A_85 : memref<1x128xi32, #tpu.memory_space<vmem>> -> memref<128xi32, #tpu.memory_space<vmem>>
      %dma_start3A_87 = arith.constant 0 : i32
      %dma_start3A_88 = arith.constant 0 : i32
      %dma_start3A_89 = tpu.memref_slice %arg13[%dma_start3A_87, %dma_start3A_88] : memref<10000x32xf32, #tpu.memory_space<vmem_shared>> -> memref<10000x32xf32, #tpu.memory_space<vmem_shared>>
      tpu.enqueue_indirect_dma source(%dma_start3A_89 : memref<10000x32xf32, #tpu.memory_space<vmem_shared>>) target(%arg7 : memref<128x32xf32, #tpu.memory_space<vmem>>) offsets(%dma_start3A_86 : memref<128xi32, #tpu.memory_space<vmem>>) semaphore(%arg14 : memref<!tpu.dma_semaphore, #tpu.memory_space<semaphore_mem>>)
      %add3A_90 = arith.constant 1 : i32
      %add3A_91 = arith.addi %mul3A_82, %add3A_90 : i32
      %dma_start3A_92 = arith.constant 0 : i32
      %dma_start3A_93 = tpu.memref_slice %arg5[%add3A_91, %dma_start3A_92] : memref<40x128xi32, #tpu.memory_space<vmem>> -> memref<1x128xi32, #tpu.memory_space<vmem>>
      %dma_start3A_94 = tpu.memref_squeeze %dma_start3A_93 : memref<1x128xi32, #tpu.memory_space<vmem>> -> memref<128xi32, #tpu.memory_space<vmem>>
      %dma_start3A_95 = arith.constant 0 : i32
      %dma_start3A_96 = arith.constant 0 : i32
      %dma_start3A_97 = tpu.memref_slice %arg13[%dma_start3A_95, %dma_start3A_96] : memref<10000x32xf32, #tpu.memory_space<vmem_shared>> -> memref<10000x32xf32, #tpu.memory_space<vmem_shared>>
      tpu.enqueue_indirect_dma source(%dma_start3A_97 : memref<10000x32xf32, #tpu.memory_space<vmem_shared>>) target(%arg8 : memref<128x32xf32, #tpu.memory_space<vmem>>) offsets(%dma_start3A_94 : memref<128xi32, #tpu.memory_space<vmem>>) semaphore(%arg15 : memref<!tpu.dma_semaphore, #tpu.memory_space<semaphore_mem>>)
      %dma_wait3A = arith.constant 0 : i32
      %dma_wait3A_98 = tpu.memref_slice %arg5[%add3A_84, %dma_wait3A] : memref<40x128xi32, #tpu.memory_space<vmem>> -> memref<1x128xi32, #tpu.memory_space<vmem>>
      %dma_wait3A_99 = tpu.memref_squeeze %dma_wait3A_98 : memref<1x128xi32, #tpu.memory_space<vmem>> -> memref<128xi32, #tpu.memory_space<vmem>>
      %dma_wait3A_100 = arith.constant 0 : i32
      %dma_wait3A_101 = arith.constant 0 : i32
      %dma_wait3A_102 = tpu.memref_slice %arg13[%dma_wait3A_100, %dma_wait3A_101] : memref<10000x32xf32, #tpu.memory_space<vmem_shared>> -> memref<10000x32xf32, #tpu.memory_space<vmem_shared>>
      tpu.wait_indirect_dma semaphore(%arg14 : memref<!tpu.dma_semaphore, #tpu.memory_space<semaphore_mem>>) src(%dma_wait3A_102 : memref<10000x32xf32, #tpu.memory_space<vmem_shared>>) dst(%arg7 : memref<128x32xf32, #tpu.memory_space<vmem>>)
      %add3A_103 = arith.constant 0 : i32
      %add3A_104 = arith.addi %mul3A_82, %add3A_103 : i32
      %dma_start3A_105 = arith.constant 0 : i32
      %dma_start3A_106 = tpu.memref_slice %arg6[%add3A_104, %dma_start3A_105] : memref<40x128xi32, #tpu.memory_space<vmem>> -> memref<1x128xi32, #tpu.memory_space<vmem>>
      %dma_start3A_107 = tpu.memref_squeeze %dma_start3A_106 : memref<1x128xi32, #tpu.memory_space<vmem>> -> memref<128xi32, #tpu.memory_space<vmem>>
      %dma_start3A_108 = arith.constant 0 : i32
      %dma_start3A_109 = arith.constant 0 : i32
      %dma_start3A_110 = tpu.memref_slice %arg12[%dma_start3A_108, %dma_start3A_109] : memref<10112x32xf32, #tpu.memory_space<vmem_shared>> -> memref<10112x32xf32, #tpu.memory_space<vmem_shared>>
      tpu.enqueue_indirect_dma source(%arg7 : memref<128x32xf32, #tpu.memory_space<vmem>>) target(%dma_start3A_110 : memref<10112x32xf32, #tpu.memory_space<vmem_shared>>) offsets(%dma_start3A_107 : memref<128xi32, #tpu.memory_space<vmem>>) semaphore(%arg18 : memref<!tpu.dma_semaphore, #tpu.memory_space<semaphore_mem>>) {add = true}
      %dma_wait3A_111 = arith.constant 0 : i32
      %dma_wait3A_112 = tpu.memref_slice %arg5[%add3A_91, %dma_wait3A_111] : memref<40x128xi32, #tpu.memory_space<vmem>> -> memref<1x128xi32, #tpu.memory_space<vmem>>
      %dma_wait3A_113 = tpu.memref_squeeze %dma_wait3A_112 : memref<1x128xi32, #tpu.memory_space<vmem>> -> memref<128xi32, #tpu.memory_space<vmem>>
      %dma_wait3A_114 = arith.constant 0 : i32
      %dma_wait3A_115 = arith.constant 0 : i32
      %dma_wait3A_116 = tpu.memref_slice %arg13[%dma_wait3A_114, %dma_wait3A_115] : memref<10000x32xf32, #tpu.memory_space<vmem_shared>> -> memref<10000x32xf32, #tpu.memory_space<vmem_shared>>
      tpu.wait_indirect_dma semaphore(%arg15 : memref<!tpu.dma_semaphore, #tpu.memory_space<semaphore_mem>>) src(%dma_wait3A_116 : memref<10000x32xf32, #tpu.memory_space<vmem_shared>>) dst(%arg8 : memref<128x32xf32, #tpu.memory_space<vmem>>)
      %add3A_117 = arith.constant 1 : i32
      %add3A_118 = arith.addi %mul3A_82, %add3A_117 : i32
      %dma_start3A_119 = arith.constant 0 : i32
      %dma_start3A_120 = tpu.memref_slice %arg6[%add3A_118, %dma_start3A_119] : memref<40x128xi32, #tpu.memory_space<vmem>> -> memref<1x128xi32, #tpu.memory_space<vmem>>
      %dma_start3A_121 = tpu.memref_squeeze %dma_start3A_120 : memref<1x128xi32, #tpu.memory_space<vmem>> -> memref<128xi32, #tpu.memory_space<vmem>>
      %dma_start3A_122 = arith.constant 0 : i32
      %dma_start3A_123 = arith.constant 0 : i32
      %dma_start3A_124 = tpu.memref_slice %arg12[%dma_start3A_122, %dma_start3A_123] : memref<10112x32xf32, #tpu.memory_space<vmem_shared>> -> memref<10112x32xf32, #tpu.memory_space<vmem_shared>>
      tpu.enqueue_indirect_dma source(%arg8 : memref<128x32xf32, #tpu.memory_space<vmem>>) target(%dma_start3A_124 : memref<10112x32xf32, #tpu.memory_space<vmem_shared>>) offsets(%dma_start3A_121 : memref<128xi32, #tpu.memory_space<vmem>>) semaphore(%arg19 : memref<!tpu.dma_semaphore, #tpu.memory_space<semaphore_mem>>) {add = true}
      %dma_wait3A_125 = arith.constant 0 : i32
      %dma_wait3A_126 = tpu.memref_slice %arg6[%add3A_104, %dma_wait3A_125] : memref<40x128xi32, #tpu.memory_space<vmem>> -> memref<1x128xi32, #tpu.memory_space<vmem>>
      %dma_wait3A_127 = tpu.memref_squeeze %dma_wait3A_126 : memref<1x128xi32, #tpu.memory_space<vmem>> -> memref<128xi32, #tpu.memory_space<vmem>>
      %dma_wait3A_128 = arith.constant 0 : i32
      %dma_wait3A_129 = arith.constant 0 : i32
      %dma_wait3A_130 = tpu.memref_slice %arg12[%dma_wait3A_128, %dma_wait3A_129] : memref<10112x32xf32, #tpu.memory_space<vmem_shared>> -> memref<10112x32xf32, #tpu.memory_space<vmem_shared>>
      tpu.wait_indirect_dma semaphore(%arg18 : memref<!tpu.dma_semaphore, #tpu.memory_space<semaphore_mem>>) src(%arg7 : memref<128x32xf32, #tpu.memory_space<vmem>>) dst(%dma_wait3A_130 : memref<10112x32xf32, #tpu.memory_space<vmem_shared>>)
      %dma_wait3A_131 = arith.constant 0 : i32
      %dma_wait3A_132 = tpu.memref_slice %arg6[%add3A_118, %dma_wait3A_131] : memref<40x128xi32, #tpu.memory_space<vmem>> -> memref<1x128xi32, #tpu.memory_space<vmem>>
      %dma_wait3A_133 = tpu.memref_squeeze %dma_wait3A_132 : memref<1x128xi32, #tpu.memory_space<vmem>> -> memref<128xi32, #tpu.memory_space<vmem>>
      %dma_wait3A_134 = arith.constant 0 : i32
      %dma_wait3A_135 = arith.constant 0 : i32
      %dma_wait3A_136 = tpu.memref_slice %arg12[%dma_wait3A_134, %dma_wait3A_135] : memref<10112x32xf32, #tpu.memory_space<vmem_shared>> -> memref<10112x32xf32, #tpu.memory_space<vmem_shared>>
      tpu.wait_indirect_dma semaphore(%arg19 : memref<!tpu.dma_semaphore, #tpu.memory_space<semaphore_mem>>) src(%arg8 : memref<128x32xf32, #tpu.memory_space<vmem>>) dst(%dma_wait3A_136 : memref<10112x32xf32, #tpu.memory_space<vmem_shared>>)
    } else {
    }
    %barrier3A_73 = arith.constant 0 : index
    tpu.barrier barrier_id(%barrier3A_73)
    %mul3A_74 = arith.constant 632 : i32
    %mul3A_75 = arith.muli %arg1, %mul3A_74 : i32
    %mul3A_76 = arith.constant 10112 : i32
    %mul3A_77 = arith.muli %arg0, %mul3A_76 : i32
    %mul3A_78 = arith.constant 632 : i32
    %mul3A_79 = arith.muli %arg1, %mul3A_78 : i32
    %add3A_80 = arith.addi %mul3A_77, %mul3A_79 : i32
    "tpu.region"() ({
      %run_scoped3A_81 = tpu.sem_alloc : memref<!tpu.dma_semaphore, #tpu.memory_space<semaphore_mem>>
      %dma_start3A = arith.constant 0 : i32
      %dma_start3A_82 = tpu.memref_slice %arg4[%add3A_80, %dma_start3A] : memref<20224x32xf32, #tpu.memory_space<hbm>> -> memref<632x32xf32, #tpu.memory_space<hbm>>
      %dma_start3A_83 = arith.constant 0 : i32
      %dma_start3A_84 = tpu.memref_slice %arg12[%mul3A_75, %dma_start3A_83] : memref<10112x32xf32, #tpu.memory_space<vmem_shared>> -> memref<632x32xf32, #tpu.memory_space<vmem_shared>>
      tpu.enqueue_dma source(%dma_start3A_84 : memref<632x32xf32, #tpu.memory_space<vmem_shared>>) target(%dma_start3A_82 : memref<632x32xf32, #tpu.memory_space<hbm>>) target_semaphore(%run_scoped3A_81 : memref<!tpu.dma_semaphore, #tpu.memory_space<semaphore_mem>>)
      %dma_wait3A = arith.constant 0 : i32
      %dma_wait3A_85 = tpu.memref_slice %arg4[%add3A_80, %dma_wait3A] : memref<20224x32xf32, #tpu.memory_space<hbm>> -> memref<632x32xf32, #tpu.memory_space<hbm>>
      %dma_wait3A_86 = arith.constant 0 : i32
      %dma_wait3A_87 = tpu.memref_slice %arg12[%mul3A_75, %dma_wait3A_86] : memref<10112x32xf32, #tpu.memory_space<vmem_shared>> -> memref<632x32xf32, #tpu.memory_space<vmem_shared>>
      tpu.wait_dma2 semaphore(%run_scoped3A_81 : memref<!tpu.dma_semaphore, #tpu.memory_space<semaphore_mem>>) src(%dma_wait3A_87 : memref<632x32xf32, #tpu.memory_space<vmem_shared>>) dst(%dma_wait3A_85 : memref<632x32xf32, #tpu.memory_space<hbm>>)
      tpu.yield
    }) : () -> ()
    return
  }
}

#map = affine_map<(d0, d1) -> (0, 0, 0)>
#map1 = affine_map<(d0, d1) -> (0, 0)>
module attributes {stable_mosaic.version = 14 : i64} {
  func.func @k(%arg0: i32, %arg1: i32, %arg2: memref<2x1280x128xi32, #tpu.memory_space<hbm>>, %arg3: memref<20224x16xf32, #tpu.memory_space<hbm>>, %arg4: memref<40x128xi32, #tpu.memory_space<vmem>>, %arg5: memref<128x16xf32, #tpu.memory_space<vmem>>, %arg6: memref<632x16xf32, #tpu.memory_space<vmem>>, %arg7: memref<10112x16xf32, #tpu.memory_space<vmem_shared>>, %arg8: memref<!tpu.dma_semaphore, #tpu.memory_space<semaphore_mem>>) attributes {dimension_semantics = [#tpu.dimension_semantics<core_parallel>, #tpu.dimension_semantics<subcore_parallel>], iteration_bounds = array<i64: 2, 16>, scalar_prefetch = 0 : i64, scratch_operands = 5 : i64, tpu.core_type = #tpu.core_type<sc_vector_subcore>, window_params = [{transform_indices = #map}, {transform_indices = #map1}]} {
    %mul3A = arith.constant 2 : i32
    %mul3A_0 = arith.muli %arg1, %mul3A : i32
    %add3A = arith.addi %mul3A_0, %arg0 : i32
    %mul3A_1 = arith.constant 40 : i32
    %mul3A_2 = arith.muli %add3A, %mul3A_1 : i32
    %run_scoped3A = arith.constant 1 : i32
    "tpu.region"() ({
      %run_scoped3A_54 = tpu.sem_alloc : memref<!tpu.dma_semaphore, #tpu.memory_space<semaphore_mem>>
      %dma_start3A = arith.constant 0 : i32
      %dma_start3A_55 = tpu.memref_slice %arg2[%run_scoped3A, %mul3A_2, %dma_start3A] : memref<2x1280x128xi32, #tpu.memory_space<hbm>> -> memref<1x40x128xi32, #tpu.memory_space<hbm>>
      %dma_start3A_56 = tpu.memref_squeeze %dma_start3A_55 : memref<1x40x128xi32, #tpu.memory_space<hbm>> -> memref<40x128xi32, #tpu.memory_space<hbm>>
      %dma_start3A_57 = arith.constant 0 : i32
      %dma_start3A_58 = tpu.memref_slice %arg2[%run_scoped3A, %mul3A_2, %dma_start3A_57] : memref<2x1280x128xi32, #tpu.memory_space<hbm>> -> memref<1x40x128xi32, #tpu.memory_space<hbm>>
      %dma_start3A_59 = tpu.memref_squeeze %dma_start3A_58 : memref<1x40x128xi32, #tpu.memory_space<hbm>> -> memref<40x128xi32, #tpu.memory_space<hbm>>
      tpu.enqueue_dma source(%dma_start3A_59 : memref<40x128xi32, #tpu.memory_space<hbm>>) target(%arg4 : memref<40x128xi32, #tpu.memory_space<vmem>>) target_semaphore(%run_scoped3A_54 : memref<!tpu.dma_semaphore, #tpu.memory_space<semaphore_mem>>)
      %dma_wait3A = arith.constant 0 : i32
      %dma_wait3A_60 = tpu.memref_slice %arg2[%run_scoped3A, %mul3A_2, %dma_wait3A] : memref<2x1280x128xi32, #tpu.memory_space<hbm>> -> memref<1x40x128xi32, #tpu.memory_space<hbm>>
      %dma_wait3A_61 = tpu.memref_squeeze %dma_wait3A_60 : memref<1x40x128xi32, #tpu.memory_space<hbm>> -> memref<40x128xi32, #tpu.memory_space<hbm>>
      %dma_wait3A_62 = arith.constant 0 : i32
      %dma_wait3A_63 = tpu.memref_slice %arg2[%run_scoped3A, %mul3A_2, %dma_wait3A_62] : memref<2x1280x128xi32, #tpu.memory_space<hbm>> -> memref<1x40x128xi32, #tpu.memory_space<hbm>>
      %dma_wait3A_64 = tpu.memref_squeeze %dma_wait3A_63 : memref<1x40x128xi32, #tpu.memory_space<hbm>> -> memref<40x128xi32, #tpu.memory_space<hbm>>
      tpu.wait_dma2 semaphore(%run_scoped3A_54 : memref<!tpu.dma_semaphore, #tpu.memory_space<semaphore_mem>>) src(%dma_wait3A_64 : memref<40x128xi32, #tpu.memory_space<hbm>>) dst(%arg4 : memref<40x128xi32, #tpu.memory_space<vmem>>)
      tpu.yield
    }) : () -> ()
    %broadcast_in_dim3A = arith.constant 1.000000e+00 : f32
    %broadcast_in_dim3A_3 = vector.broadcast %broadcast_in_dim3A : f32 to vector<16xf32>
    %broadcast_in_dim3A_4 = arith.constant 0.000000e+00 : f32
    %broadcast_in_dim3A_5 = vector.broadcast %broadcast_in_dim3A_4 : f32 to vector<16xf32>
    %scan3A = arith.constant 0 : i32
    %scan3A_6 = arith.constant 0 : i32
    %scan3A_7 = arith.constant 128 : i32
    %scan3A_8 = arith.addi %scan3A_6, %scan3A_7 : i32
    %scan3A_9 = arith.constant 1 : i32
    %scan3A_10 = scf.for %scan3A_54 = %scan3A_6 to %scan3A_8 step %scan3A_9 iter_args(%scan3A_55 = %scan3A) -> (i32)  : i32 {
      %swap3A = arith.index_cast %scan3A_54 : i32 to index
      %swap3A_56 = arith.constant 0 : index
      %swap3A_57 = tpu.vector_load %arg5[%swap3A, %swap3A_56] {strides = array<i32>} : memref<128x16xf32, #tpu.memory_space<vmem>>, vector<1x16xf32>,
      %swap3A_58 = vector.shape_cast %swap3A_57 : vector<1x16xf32> to vector<16xf32>
      %swap3A_59 = vector.shape_cast %broadcast_in_dim3A_3 : vector<16xf32> to vector<1x16xf32>
      tpu.vector_store %arg5[%swap3A, %swap3A_56], %swap3A_59 {strides = array<i32>} : memref<128x16xf32, #tpu.memory_space<vmem>>, vector<1x16xf32>,
      %scan3A_60 = arith.constant 0 : i32
      scf.yield %scan3A_60 : i32
    }
    %scan3A_11 = arith.constant 128 : i32
    %scan3A_12 = arith.constant 0 : i32
    %scan3A_13 = arith.constant 0 : i32
    %scan3A_14 = arith.constant 632 : i32
    %scan3A_15 = arith.addi %scan3A_13, %scan3A_14 : i32
    %scan3A_16 = arith.constant 1 : i32
    %scan3A_17 = scf.for %scan3A_54 = %scan3A_13 to %scan3A_15 step %scan3A_16 iter_args(%scan3A_55 = %scan3A_12) -> (i32)  : i32 {
      %swap3A = arith.index_cast %scan3A_54 : i32 to index
      %swap3A_56 = arith.constant 0 : index
      %swap3A_57 = tpu.vector_load %arg6[%swap3A, %swap3A_56] {strides = array<i32>} : memref<632x16xf32, #tpu.memory_space<vmem>>, vector<1x16xf32>,
      %swap3A_58 = vector.shape_cast %swap3A_57 : vector<1x16xf32> to vector<16xf32>
      %swap3A_59 = vector.shape_cast %broadcast_in_dim3A_5 : vector<16xf32> to vector<1x16xf32>
      tpu.vector_store %arg6[%swap3A, %swap3A_56], %swap3A_59 {strides = array<i32>} : memref<632x16xf32, #tpu.memory_space<vmem>>, vector<1x16xf32>,
      %scan3A_60 = arith.constant 0 : i32
      scf.yield %scan3A_60 : i32
    }
    %scan3A_18 = arith.constant 632 : i32
    %mul3A_19 = arith.constant 632 : i32
    %mul3A_20 = arith.muli %arg1, %mul3A_19 : i32
    "tpu.region"() ({
      %run_scoped3A_54 = tpu.sem_alloc : memref<!tpu.dma_semaphore, #tpu.memory_space<semaphore_mem>>
      %dma_start3A = arith.constant 0 : i32
      %dma_start3A_55 = tpu.memref_slice %arg7[%mul3A_20, %dma_start3A] : memref<10112x16xf32, #tpu.memory_space<vmem_shared>> -> memref<632x16xf32, #tpu.memory_space<vmem_shared>>
      %dma_start3A_56 = arith.constant 0 : i32
      %dma_start3A_57 = tpu.memref_slice %arg7[%mul3A_20, %dma_start3A_56] : memref<10112x16xf32, #tpu.memory_space<vmem_shared>> -> memref<632x16xf32, #tpu.memory_space<vmem_shared>>
      tpu.enqueue_dma source(%arg6 : memref<632x16xf32, #tpu.memory_space<vmem>>) target(%dma_start3A_57 : memref<632x16xf32, #tpu.memory_space<vmem_shared>>) target_semaphore(%run_scoped3A_54 : memref<!tpu.dma_semaphore, #tpu.memory_space<semaphore_mem>>)
      %dma_wait3A = arith.constant 0 : i32
      %dma_wait3A_58 = tpu.memref_slice %arg7[%mul3A_20, %dma_wait3A] : memref<10112x16xf32, #tpu.memory_space<vmem_shared>> -> memref<632x16xf32, #tpu.memory_space<vmem_shared>>
      %dma_wait3A_59 = arith.constant 0 : i32
      %dma_wait3A_60 = tpu.memref_slice %arg7[%mul3A_20, %dma_wait3A_59] : memref<10112x16xf32, #tpu.memory_space<vmem_shared>> -> memref<632x16xf32, #tpu.memory_space<vmem_shared>>
      tpu.wait_dma2 semaphore(%run_scoped3A_54 : memref<!tpu.dma_semaphore, #tpu.memory_space<semaphore_mem>>) src(%arg6 : memref<632x16xf32, #tpu.memory_space<vmem>>) dst(%dma_wait3A_60 : memref<632x16xf32, #tpu.memory_space<vmem_shared>>)
      tpu.yield
    }) : () -> ()
    %barrier3A = arith.constant 0 : index
    tpu.barrier barrier_id(%barrier3A)
    %eq3A = arith.constant 31 : i32
    %eq3A_21 = arith.cmpi eq, %add3A, %eq3A : i32
    %jit3A = arith.constant 10 : i32
    %jit3A_22 = arith.constant 40 : i32
    %select_n3A = arith.select %eq3A_21, %jit3A, %jit3A_22 : i32
    %while3A = arith.constant 0 : i32
    %while3A_23 = arith.constant 0 : i32
    %while3A_24 = arith.subi %select_n3A, %while3A : i32
    %while3A_25 = arith.addi %while3A, %while3A_24 : i32
    %while3A_26 = arith.constant 1 : i32
    %while3A_27 = arith.divsi %while3A_24, %while3A_26 : i32
    %while3A_28 = arith.muli %while3A_27, %while3A_26 : i32
    %while3A_29 = arith.addi %while3A, %while3A_28 : i32
    %while3A_30 = arith.constant 1 : i32
    %while3A_31 = scf.for %while3A_54 = %while3A to %while3A_29 step %while3A_30 iter_args(%while3A_55 = %while3A_23) -> (i32)  : i32 {
      %dma_start3A = arith.constant 0 : i32
      %dma_start3A_56 = tpu.memref_slice %arg4[%while3A_54, %dma_start3A] : memref<40x128xi32, #tpu.memory_space<vmem>> -> memref<1x128xi32, #tpu.memory_space<vmem>>
      %dma_start3A_57 = tpu.memref_squeeze %dma_start3A_56 : memref<1x128xi32, #tpu.memory_space<vmem>> -> memref<128xi32, #tpu.memory_space<vmem>>
      %dma_start3A_58 = arith.constant 0 : i32
      %dma_start3A_59 = arith.constant 0 : i32
      %dma_start3A_60 = tpu.memref_slice %arg7[%dma_start3A_58, %dma_start3A_59] : memref<10112x16xf32, #tpu.memory_space<vmem_shared>> -> memref<10112x16xf32, #tpu.memory_space<vmem_shared>>
      tpu.enqueue_indirect_dma source(%arg5 : memref<128x16xf32, #tpu.memory_space<vmem>>) target(%dma_start3A_60 : memref<10112x16xf32, #tpu.memory_space<vmem_shared>>) offsets(%dma_start3A_57 : memref<128xi32, #tpu.memory_space<vmem>>) semaphore(%arg8 : memref<!tpu.dma_semaphore, #tpu.memory_space<semaphore_mem>>) {add = true}
      %while3A_61 = arith.constant 0 : i32
      scf.yield %while3A_61 : i32
    }
    %while3A_32 = arith.constant 1 : i32
    %while3A_33 = scf.for %while3A_54 = %while3A_29 to %while3A_25 step %while3A_32 iter_args(%while3A_55 = %while3A_31) -> (i32)  : i32 {
      %dma_start3A = arith.constant 0 : i32
      %dma_start3A_56 = tpu.memref_slice %arg4[%while3A_54, %dma_start3A] : memref<40x128xi32, #tpu.memory_space<vmem>> -> memref<1x128xi32, #tpu.memory_space<vmem>>
      %dma_start3A_57 = tpu.memref_squeeze %dma_start3A_56 : memref<1x128xi32, #tpu.memory_space<vmem>> -> memref<128xi32, #tpu.memory_space<vmem>>
      %dma_start3A_58 = arith.constant 0 : i32
      %dma_start3A_59 = arith.constant 0 : i32
      %dma_start3A_60 = tpu.memref_slice %arg7[%dma_start3A_58, %dma_start3A_59] : memref<10112x16xf32, #tpu.memory_space<vmem_shared>> -> memref<10112x16xf32, #tpu.memory_space<vmem_shared>>
      tpu.enqueue_indirect_dma source(%arg5 : memref<128x16xf32, #tpu.memory_space<vmem>>) target(%dma_start3A_60 : memref<10112x16xf32, #tpu.memory_space<vmem_shared>>) offsets(%dma_start3A_57 : memref<128xi32, #tpu.memory_space<vmem>>) semaphore(%arg8 : memref<!tpu.dma_semaphore, #tpu.memory_space<semaphore_mem>>) {add = true}
      %while3A_61 = arith.constant 0 : i32
      scf.yield %while3A_61 : i32
    }
    %while3A_34 = arith.constant 0 : i32
    %while3A_35 = arith.constant 0 : i32
    %while3A_36 = arith.subi %select_n3A, %while3A_34 : i32
    %while3A_37 = arith.addi %while3A_34, %while3A_36 : i32
    %while3A_38 = arith.constant 1 : i32
    %while3A_39 = arith.divsi %while3A_36, %while3A_38 : i32
    %while3A_40 = arith.muli %while3A_39, %while3A_38 : i32
    %while3A_41 = arith.addi %while3A_34, %while3A_40 : i32
    %while3A_42 = arith.constant 1 : i32
    %while3A_43 = scf.for %while3A_54 = %while3A_34 to %while3A_41 step %while3A_42 iter_args(%while3A_55 = %while3A_35) -> (i32)  : i32 {
      %dma_wait3A = arith.constant 0 : i32
      %dma_wait3A_56 = tpu.memref_slice %arg4[%while3A_54, %dma_wait3A] : memref<40x128xi32, #tpu.memory_space<vmem>> -> memref<1x128xi32, #tpu.memory_space<vmem>>
      %dma_wait3A_57 = tpu.memref_squeeze %dma_wait3A_56 : memref<1x128xi32, #tpu.memory_space<vmem>> -> memref<128xi32, #tpu.memory_space<vmem>>
      %dma_wait3A_58 = arith.constant 0 : i32
      %dma_wait3A_59 = arith.constant 0 : i32
      %dma_wait3A_60 = tpu.memref_slice %arg7[%dma_wait3A_58, %dma_wait3A_59] : memref<10112x16xf32, #tpu.memory_space<vmem_shared>> -> memref<10112x16xf32, #tpu.memory_space<vmem_shared>>
      tpu.wait_indirect_dma semaphore(%arg8 : memref<!tpu.dma_semaphore, #tpu.memory_space<semaphore_mem>>) src(%arg5 : memref<128x16xf32, #tpu.memory_space<vmem>>) dst(%dma_wait3A_60 : memref<10112x16xf32, #tpu.memory_space<vmem_shared>>)
      %while3A_61 = arith.constant 0 : i32
      scf.yield %while3A_61 : i32
    }
    %while3A_44 = arith.constant 1 : i32
    %while3A_45 = scf.for %while3A_54 = %while3A_41 to %while3A_37 step %while3A_44 iter_args(%while3A_55 = %while3A_43) -> (i32)  : i32 {
      %dma_wait3A = arith.constant 0 : i32
      %dma_wait3A_56 = tpu.memref_slice %arg4[%while3A_54, %dma_wait3A] : memref<40x128xi32, #tpu.memory_space<vmem>> -> memref<1x128xi32, #tpu.memory_space<vmem>>
      %dma_wait3A_57 = tpu.memref_squeeze %dma_wait3A_56 : memref<1x128xi32, #tpu.memory_space<vmem>> -> memref<128xi32, #tpu.memory_space<vmem>>
      %dma_wait3A_58 = arith.constant 0 : i32
      %dma_wait3A_59 = arith.constant 0 : i32
      %dma_wait3A_60 = tpu.memref_slice %arg7[%dma_wait3A_58, %dma_wait3A_59] : memref<10112x16xf32, #tpu.memory_space<vmem_shared>> -> memref<10112x16xf32, #tpu.memory_space<vmem_shared>>
      tpu.wait_indirect_dma semaphore(%arg8 : memref<!tpu.dma_semaphore, #tpu.memory_space<semaphore_mem>>) src(%arg5 : memref<128x16xf32, #tpu.memory_space<vmem>>) dst(%dma_wait3A_60 : memref<10112x16xf32, #tpu.memory_space<vmem_shared>>)
      %while3A_61 = arith.constant 0 : i32
      scf.yield %while3A_61 : i32
    }
    %barrier3A_46 = arith.constant 0 : index
    tpu.barrier barrier_id(%barrier3A_46)
    %mul3A_47 = arith.constant 632 : i32
    %mul3A_48 = arith.muli %arg1, %mul3A_47 : i32
    %mul3A_49 = arith.constant 10112 : i32
    %mul3A_50 = arith.muli %arg0, %mul3A_49 : i32
    %mul3A_51 = arith.constant 632 : i32
    %mul3A_52 = arith.muli %arg1, %mul3A_51 : i32
    %add3A_53 = arith.addi %mul3A_50, %mul3A_52 : i32
    "tpu.region"() ({
      %run_scoped3A_54 = tpu.sem_alloc : memref<!tpu.dma_semaphore, #tpu.memory_space<semaphore_mem>>
      %dma_start3A = arith.constant 0 : i32
      %dma_start3A_55 = tpu.memref_slice %arg3[%add3A_53, %dma_start3A] : memref<20224x16xf32, #tpu.memory_space<hbm>> -> memref<632x16xf32, #tpu.memory_space<hbm>>
      %dma_start3A_56 = arith.constant 0 : i32
      %dma_start3A_57 = tpu.memref_slice %arg7[%mul3A_48, %dma_start3A_56] : memref<10112x16xf32, #tpu.memory_space<vmem_shared>> -> memref<632x16xf32, #tpu.memory_space<vmem_shared>>
      tpu.enqueue_dma source(%dma_start3A_57 : memref<632x16xf32, #tpu.memory_space<vmem_shared>>) target(%dma_start3A_55 : memref<632x16xf32, #tpu.memory_space<hbm>>) target_semaphore(%run_scoped3A_54 : memref<!tpu.dma_semaphore, #tpu.memory_space<semaphore_mem>>)
      %dma_wait3A = arith.constant 0 : i32
      %dma_wait3A_58 = tpu.memref_slice %arg3[%add3A_53, %dma_wait3A] : memref<20224x16xf32, #tpu.memory_space<hbm>> -> memref<632x16xf32, #tpu.memory_space<hbm>>
      %dma_wait3A_59 = arith.constant 0 : i32
      %dma_wait3A_60 = tpu.memref_slice %arg7[%mul3A_48, %dma_wait3A_59] : memref<10112x16xf32, #tpu.memory_space<vmem_shared>> -> memref<632x16xf32, #tpu.memory_space<vmem_shared>>
      tpu.wait_dma2 semaphore(%run_scoped3A_54 : memref<!tpu.dma_semaphore, #tpu.memory_space<semaphore_mem>>) src(%dma_wait3A_60 : memref<632x16xf32, #tpu.memory_space<vmem_shared>>) dst(%dma_wait3A_58 : memref<632x16xf32, #tpu.memory_space<hbm>>)
      tpu.yield
    }) : () -> ()
    return
  }
}

#map = affine_map<(d0, d1) -> (0, 0)>
#map1 = affine_map<(d0, d1) -> (0, 0, 0)>
module attributes {stable_mosaic.version = 14 : i64} {
  func.func @k(%arg0: i32, %arg1: i32, %arg2: memref<10000x16xf32, #tpu.memory_space<hbm>>, %arg3: memref<2x1280x128xi32, #tpu.memory_space<hbm>>, %arg4: memref<64x16xf32, #tpu.memory_space<hbm>>, %arg5: memref<40x128xi32, #tpu.memory_space<vmem>>, %arg6: memref<40x128xi32, #tpu.memory_space<vmem>>, %arg7: memref<128x16xf32, #tpu.memory_space<vmem>>, %arg8: memref<128x16xf32, #tpu.memory_space<vmem>>, %arg9: memref<128x16xf32, #tpu.memory_space<vmem>>, %arg10: memref<128x16xf32, #tpu.memory_space<vmem>>, %arg11: memref<2x16xf32, #tpu.memory_space<vmem>>, %arg12: memref<10000x16xf32, #tpu.memory_space<vmem_shared>>, %arg13: memref<!tpu.dma_semaphore, #tpu.memory_space<semaphore_mem>>, %arg14: memref<!tpu.dma_semaphore, #tpu.memory_space<semaphore_mem>>) attributes {dimension_semantics = [#tpu.dimension_semantics<core_parallel>, #tpu.dimension_semantics<subcore_parallel>], iteration_bounds = array<i64: 2, 16>, scalar_prefetch = 0 : i64, scratch_operands = 10 : i64, tpu.core_type = #tpu.core_type<sc_vector_subcore>, window_params = [{transform_indices = #map}, {transform_indices = #map1}, {transform_indices = #map}]} {
    %mul3A = arith.constant 2 : i32
    %mul3A_0 = arith.muli %arg1, %mul3A : i32
    %add3A = arith.addi %mul3A_0, %arg0 : i32
    %mul3A_1 = arith.constant 624 : i32
    %mul3A_2 = arith.muli %arg1, %mul3A_1 : i32
    %mul3A_3 = arith.constant 624 : i32
    %mul3A_4 = arith.muli %arg1, %mul3A_3 : i32
    "tpu.region"() ({
      %run_scoped3A_63 = tpu.sem_alloc : memref<!tpu.dma_semaphore, #tpu.memory_space<semaphore_mem>>
      %dma_start3A = arith.constant 0 : i32
      %dma_start3A_64 = tpu.memref_slice %arg12[%mul3A_4, %dma_start3A] : memref<10000x16xf32, #tpu.memory_space<vmem_shared>> -> memref<624x16xf32, #tpu.memory_space<vmem_shared>>
      %dma_start3A_65 = arith.constant 0 : i32
      %dma_start3A_66 = tpu.memref_slice %arg2[%mul3A_2, %dma_start3A_65] : memref<10000x16xf32, #tpu.memory_space<hbm>> -> memref<624x16xf32, #tpu.memory_space<hbm>>
      tpu.enqueue_dma source(%dma_start3A_66 : memref<624x16xf32, #tpu.memory_space<hbm>>) target(%dma_start3A_64 : memref<624x16xf32, #tpu.memory_space<vmem_shared>>) target_semaphore(%run_scoped3A_63 : memref<!tpu.dma_semaphore, #tpu.memory_space<semaphore_mem>>)
      %dma_wait3A = arith.constant 0 : i32
      %dma_wait3A_67 = tpu.memref_slice %arg12[%mul3A_4, %dma_wait3A] : memref<10000x16xf32, #tpu.memory_space<vmem_shared>> -> memref<624x16xf32, #tpu.memory_space<vmem_shared>>
      %dma_wait3A_68 = arith.constant 0 : i32
      %dma_wait3A_69 = tpu.memref_slice %arg2[%mul3A_2, %dma_wait3A_68] : memref<10000x16xf32, #tpu.memory_space<hbm>> -> memref<624x16xf32, #tpu.memory_space<hbm>>
      tpu.wait_dma2 semaphore(%run_scoped3A_63 : memref<!tpu.dma_semaphore, #tpu.memory_space<semaphore_mem>>) src(%dma_wait3A_69 : memref<624x16xf32, #tpu.memory_space<hbm>>) dst(%dma_wait3A_67 : memref<624x16xf32, #tpu.memory_space<vmem_shared>>)
      tpu.yield
    }) : () -> ()
    %eq3A = arith.constant 15 : i32
    %eq3A_5 = arith.cmpi eq, %arg1, %eq3A : i32
    %convert_element_type3A = arith.extui %eq3A_5 : i1 to i32
    %cond3A = arith.constant 0 : i32
    %cond3A_6 = arith.cmpi ne, %convert_element_type3A, %cond3A : i32
    scf.if %cond3A_6 {
      "tpu.region"() ({
        %run_scoped3A_63 = tpu.sem_alloc : memref<!tpu.dma_semaphore, #tpu.memory_space<semaphore_mem>>
        %dma_start3A = arith.constant 9984 : i32
        %dma_start3A_64 = arith.constant 0 : i32
        %dma_start3A_65 = tpu.memref_slice %arg12[%dma_start3A, %dma_start3A_64] : memref<10000x16xf32, #tpu.memory_space<vmem_shared>> -> memref<16x16xf32, #tpu.memory_space<vmem_shared>>
        %dma_start3A_66 = arith.constant 9984 : i32
        %dma_start3A_67 = arith.constant 0 : i32
        %dma_start3A_68 = tpu.memref_slice %arg2[%dma_start3A_66, %dma_start3A_67] : memref<10000x16xf32, #tpu.memory_space<hbm>> -> memref<16x16xf32, #tpu.memory_space<hbm>>
        tpu.enqueue_dma source(%dma_start3A_68 : memref<16x16xf32, #tpu.memory_space<hbm>>) target(%dma_start3A_65 : memref<16x16xf32, #tpu.memory_space<vmem_shared>>) target_semaphore(%run_scoped3A_63 : memref<!tpu.dma_semaphore, #tpu.memory_space<semaphore_mem>>)
        %dma_wait3A = arith.constant 9984 : i32
        %dma_wait3A_69 = arith.constant 0 : i32
        %dma_wait3A_70 = tpu.memref_slice %arg12[%dma_wait3A, %dma_wait3A_69] : memref<10000x16xf32, #tpu.memory_space<vmem_shared>> -> memref<16x16xf32, #tpu.memory_space<vmem_shared>>
        %dma_wait3A_71 = arith.constant 9984 : i32
        %dma_wait3A_72 = arith.constant 0 : i32
        %dma_wait3A_73 = tpu.memref_slice %arg2[%dma_wait3A_71, %dma_wait3A_72] : memref<10000x16xf32, #tpu.memory_space<hbm>> -> memref<16x16xf32, #tpu.memory_space<hbm>>
        tpu.wait_dma2 semaphore(%run_scoped3A_63 : memref<!tpu.dma_semaphore, #tpu.memory_space<semaphore_mem>>) src(%dma_wait3A_73 : memref<16x16xf32, #tpu.memory_space<hbm>>) dst(%dma_wait3A_70 : memref<16x16xf32, #tpu.memory_space<vmem_shared>>)
        tpu.yield
      }) : () -> ()
    } else {
    }
    %mul3A_7 = arith.constant 40 : i32
    %mul3A_8 = arith.muli %add3A, %mul3A_7 : i32
    %run_scoped3A = arith.constant 0 : i32
    "tpu.region"() ({
      %run_scoped3A_63 = tpu.sem_alloc : memref<!tpu.dma_semaphore, #tpu.memory_space<semaphore_mem>>
      %dma_start3A = arith.constant 0 : i32
      %dma_start3A_64 = tpu.memref_slice %arg3[%run_scoped3A, %mul3A_8, %dma_start3A] : memref<2x1280x128xi32, #tpu.memory_space<hbm>> -> memref<1x40x128xi32, #tpu.memory_space<hbm>>
      %dma_start3A_65 = tpu.memref_squeeze %dma_start3A_64 : memref<1x40x128xi32, #tpu.memory_space<hbm>> -> memref<40x128xi32, #tpu.memory_space<hbm>>
      %dma_start3A_66 = arith.constant 0 : i32
      %dma_start3A_67 = tpu.memref_slice %arg3[%run_scoped3A, %mul3A_8, %dma_start3A_66] : memref<2x1280x128xi32, #tpu.memory_space<hbm>> -> memref<1x40x128xi32, #tpu.memory_space<hbm>>
      %dma_start3A_68 = tpu.memref_squeeze %dma_start3A_67 : memref<1x40x128xi32, #tpu.memory_space<hbm>> -> memref<40x128xi32, #tpu.memory_space<hbm>>
      tpu.enqueue_dma source(%dma_start3A_68 : memref<40x128xi32, #tpu.memory_space<hbm>>) target(%arg5 : memref<40x128xi32, #tpu.memory_space<vmem>>) target_semaphore(%run_scoped3A_63 : memref<!tpu.dma_semaphore, #tpu.memory_space<semaphore_mem>>)
      %dma_wait3A = arith.constant 0 : i32
      %dma_wait3A_69 = tpu.memref_slice %arg3[%run_scoped3A, %mul3A_8, %dma_wait3A] : memref<2x1280x128xi32, #tpu.memory_space<hbm>> -> memref<1x40x128xi32, #tpu.memory_space<hbm>>
      %dma_wait3A_70 = tpu.memref_squeeze %dma_wait3A_69 : memref<1x40x128xi32, #tpu.memory_space<hbm>> -> memref<40x128xi32, #tpu.memory_space<hbm>>
      %dma_wait3A_71 = arith.constant 0 : i32
      %dma_wait3A_72 = tpu.memref_slice %arg3[%run_scoped3A, %mul3A_8, %dma_wait3A_71] : memref<2x1280x128xi32, #tpu.memory_space<hbm>> -> memref<1x40x128xi32, #tpu.memory_space<hbm>>
      %dma_wait3A_73 = tpu.memref_squeeze %dma_wait3A_72 : memref<1x40x128xi32, #tpu.memory_space<hbm>> -> memref<40x128xi32, #tpu.memory_space<hbm>>
      tpu.wait_dma2 semaphore(%run_scoped3A_63 : memref<!tpu.dma_semaphore, #tpu.memory_space<semaphore_mem>>) src(%dma_wait3A_73 : memref<40x128xi32, #tpu.memory_space<hbm>>) dst(%arg5 : memref<40x128xi32, #tpu.memory_space<vmem>>)
      tpu.yield
    }) : () -> ()
    %mul3A_9 = arith.constant 40 : i32
    %mul3A_10 = arith.muli %add3A, %mul3A_9 : i32
    %run_scoped3A_11 = arith.constant 1 : i32
    "tpu.region"() ({
      %run_scoped3A_63 = tpu.sem_alloc : memref<!tpu.dma_semaphore, #tpu.memory_space<semaphore_mem>>
      %dma_start3A = arith.constant 0 : i32
      %dma_start3A_64 = tpu.memref_slice %arg3[%run_scoped3A_11, %mul3A_10, %dma_start3A] : memref<2x1280x128xi32, #tpu.memory_space<hbm>> -> memref<1x40x128xi32, #tpu.memory_space<hbm>>
      %dma_start3A_65 = tpu.memref_squeeze %dma_start3A_64 : memref<1x40x128xi32, #tpu.memory_space<hbm>> -> memref<40x128xi32, #tpu.memory_space<hbm>>
      %dma_start3A_66 = arith.constant 0 : i32
      %dma_start3A_67 = tpu.memref_slice %arg3[%run_scoped3A_11, %mul3A_10, %dma_start3A_66] : memref<2x1280x128xi32, #tpu.memory_space<hbm>> -> memref<1x40x128xi32, #tpu.memory_space<hbm>>
      %dma_start3A_68 = tpu.memref_squeeze %dma_start3A_67 : memref<1x40x128xi32, #tpu.memory_space<hbm>> -> memref<40x128xi32, #tpu.memory_space<hbm>>
      tpu.enqueue_dma source(%dma_start3A_68 : memref<40x128xi32, #tpu.memory_space<hbm>>) target(%arg6 : memref<40x128xi32, #tpu.memory_space<vmem>>) target_semaphore(%run_scoped3A_63 : memref<!tpu.dma_semaphore, #tpu.memory_space<semaphore_mem>>)
      %dma_wait3A = arith.constant 0 : i32
      %dma_wait3A_69 = tpu.memref_slice %arg3[%run_scoped3A_11, %mul3A_10, %dma_wait3A] : memref<2x1280x128xi32, #tpu.memory_space<hbm>> -> memref<1x40x128xi32, #tpu.memory_space<hbm>>
      %dma_wait3A_70 = tpu.memref_squeeze %dma_wait3A_69 : memref<1x40x128xi32, #tpu.memory_space<hbm>> -> memref<40x128xi32, #tpu.memory_space<hbm>>
      %dma_wait3A_71 = arith.constant 0 : i32
      %dma_wait3A_72 = tpu.memref_slice %arg3[%run_scoped3A_11, %mul3A_10, %dma_wait3A_71] : memref<2x1280x128xi32, #tpu.memory_space<hbm>> -> memref<1x40x128xi32, #tpu.memory_space<hbm>>
      %dma_wait3A_73 = tpu.memref_squeeze %dma_wait3A_72 : memref<1x40x128xi32, #tpu.memory_space<hbm>> -> memref<40x128xi32, #tpu.memory_space<hbm>>
      tpu.wait_dma2 semaphore(%run_scoped3A_63 : memref<!tpu.dma_semaphore, #tpu.memory_space<semaphore_mem>>) src(%dma_wait3A_73 : memref<40x128xi32, #tpu.memory_space<hbm>>) dst(%arg6 : memref<40x128xi32, #tpu.memory_space<vmem>>)
      tpu.yield
    }) : () -> ()
    %barrier3A = arith.constant 0 : index
    tpu.barrier barrier_id(%barrier3A)
    %broadcast_in_dim3A = arith.constant 0.000000e+00 : f32
    %broadcast_in_dim3A_12 = vector.broadcast %broadcast_in_dim3A : f32 to vector<16xf32>
    %eq3A_13 = arith.constant 31 : i32
    %eq3A_14 = arith.cmpi eq, %add3A, %eq3A_13 : i32
    %jit3A = arith.constant 10 : i32
    %jit3A_15 = arith.constant 40 : i32
    %select_n3A = arith.select %eq3A_14, %jit3A, %jit3A_15 : i32
    %jit3A_16 = arith.constant 2 : i32
    %div3A = arith.divsi %select_n3A, %jit3A_16 : i32
    %sign3A = arith.constant 0 : i32
    %sign3A_17 = arith.cmpi sgt, %select_n3A, %sign3A : i32
    %sign3A_18 = arith.extui %sign3A_17 : i1 to i32
    %sign3A_19 = arith.constant 0 : i32
    %sign3A_20 = arith.cmpi slt, %select_n3A, %sign3A_19 : i32
    %sign3A_21 = arith.extui %sign3A_20 : i1 to i32
    %sign3A_22 = arith.subi %sign3A_18, %sign3A_21 : i32
    %sign3A_23 = arith.constant 0 : i32
    %sign3A_24 = arith.cmpi sgt, %jit3A_16, %sign3A_23 : i32
    %sign3A_25 = arith.extui %sign3A_24 : i1 to i32
    %sign3A_26 = arith.constant 0 : i32
    %sign3A_27 = arith.cmpi slt, %jit3A_16, %sign3A_26 : i32
    %sign3A_28 = arith.extui %sign3A_27 : i1 to i32
    %sign3A_29 = arith.subi %sign3A_25, %sign3A_28 : i32
    %ne3A = arith.cmpi ne, %sign3A_22, %sign3A_29 : i32
    %rem3A = arith.remsi %select_n3A, %jit3A_16 : i32
    %ne3A_30 = arith.constant 0 : i32
    %ne3A_31 = arith.cmpi ne, %rem3A, %ne3A_30 : i32
    %and3A = arith.andi %ne3A, %ne3A_31 : i1
    %sub3A = arith.constant 1 : i32
    %sub3A_32 = arith.subi %div3A, %sub3A : i32
    %select_n3A_33 = arith.select %and3A, %sub3A_32, %div3A : i32
    %while3A = arith.constant 0 : i32
    %while3A_34 = arith.subi %select_n3A_33, %while3A : i32
    %while3A_35 = arith.addi %while3A, %while3A_34 : i32
    %while3A_36 = arith.constant 1 : i32
    %while3A_37 = arith.divsi %while3A_34, %while3A_36 : i32
    %while3A_38 = arith.muli %while3A_37, %while3A_36 : i32
    %while3A_39 = arith.addi %while3A, %while3A_38 : i32
    %while3A_40 = arith.constant 1 : i32
    %while3A_41:8 = scf.for %while3A_63 = %while3A to %while3A_39 step %while3A_40 iter_args(%while3A_64 = %broadcast_in_dim3A_12, %while3A_65 = %broadcast_in_dim3A_12, %while3A_66 = %broadcast_in_dim3A_12, %while3A_67 = %broadcast_in_dim3A_12, %while3A_68 = %broadcast_in_dim3A_12, %while3A_69 = %broadcast_in_dim3A_12, %while3A_70 = %broadcast_in_dim3A_12, %while3A_71 = %broadcast_in_dim3A_12) -> (vector<16xf32>, vector<16xf32>, vector<16xf32>, vector<16xf32>, vector<16xf32>, vector<16xf32>, vector<16xf32>, vector<16xf32>)  : i32 {
      %mul3A_72 = arith.constant 2 : i32
      %mul3A_73 = arith.muli %mul3A_72, %while3A_63 : i32
      %add3A_74 = arith.constant 1 : i32
      %add3A_75 = arith.addi %mul3A_73, %add3A_74 : i32
      %dma_start3A = arith.constant 0 : i32
      %dma_start3A_76 = tpu.memref_slice %arg5[%mul3A_73, %dma_start3A] : memref<40x128xi32, #tpu.memory_space<vmem>> -> memref<1x128xi32, #tpu.memory_space<vmem>>
      %dma_start3A_77 = tpu.memref_squeeze %dma_start3A_76 : memref<1x128xi32, #tpu.memory_space<vmem>> -> memref<128xi32, #tpu.memory_space<vmem>>
      %dma_start3A_78 = arith.constant 0 : i32
      %dma_start3A_79 = arith.constant 0 : i32
      %dma_start3A_80 = tpu.memref_slice %arg12[%dma_start3A_78, %dma_start3A_79] : memref<10000x16xf32, #tpu.memory_space<vmem_shared>> -> memref<10000x16xf32, #tpu.memory_space<vmem_shared>>
      tpu.enqueue_indirect_dma source(%dma_start3A_80 : memref<10000x16xf32, #tpu.memory_space<vmem_shared>>) target(%arg7 : memref<128x16xf32, #tpu.memory_space<vmem>>) offsets(%dma_start3A_77 : memref<128xi32, #tpu.memory_space<vmem>>) semaphore(%arg13 : memref<!tpu.dma_semaphore, #tpu.memory_space<semaphore_mem>>)
      %dma_start3A_81 = arith.constant 0 : i32
      %dma_start3A_82 = tpu.memref_slice %arg6[%mul3A_73, %dma_start3A_81] : memref<40x128xi32, #tpu.memory_space<vmem>> -> memref<1x128xi32, #tpu.memory_space<vmem>>
      %dma_start3A_83 = tpu.memref_squeeze %dma_start3A_82 : memref<1x128xi32, #tpu.memory_space<vmem>> -> memref<128xi32, #tpu.memory_space<vmem>>
      %dma_start3A_84 = arith.constant 0 : i32
      %dma_start3A_85 = arith.constant 0 : i32
      %dma_start3A_86 = tpu.memref_slice %arg12[%dma_start3A_84, %dma_start3A_85] : memref<10000x16xf32, #tpu.memory_space<vmem_shared>> -> memref<10000x16xf32, #tpu.memory_space<vmem_shared>>
      tpu.enqueue_indirect_dma source(%dma_start3A_86 : memref<10000x16xf32, #tpu.memory_space<vmem_shared>>) target(%arg8 : memref<128x16xf32, #tpu.memory_space<vmem>>) offsets(%dma_start3A_83 : memref<128xi32, #tpu.memory_space<vmem>>) semaphore(%arg13 : memref<!tpu.dma_semaphore, #tpu.memory_space<semaphore_mem>>)
      %dma_start3A_87 = arith.constant 0 : i32
      %dma_start3A_88 = tpu.memref_slice %arg5[%add3A_75, %dma_start3A_87] : memref<40x128xi32, #tpu.memory_space<vmem>> -> memref<1x128xi32, #tpu.memory_space<vmem>>
      %dma_start3A_89 = tpu.memref_squeeze %dma_start3A_88 : memref<1x128xi32, #tpu.memory_space<vmem>> -> memref<128xi32, #tpu.memory_space<vmem>>
      %dma_start3A_90 = arith.constant 0 : i32
      %dma_start3A_91 = arith.constant 0 : i32
      %dma_start3A_92 = tpu.memref_slice %arg12[%dma_start3A_90, %dma_start3A_91] : memref<10000x16xf32, #tpu.memory_space<vmem_shared>> -> memref<10000x16xf32, #tpu.memory_space<vmem_shared>>
      tpu.enqueue_indirect_dma source(%dma_start3A_92 : memref<10000x16xf32, #tpu.memory_space<vmem_shared>>) target(%arg9 : memref<128x16xf32, #tpu.memory_space<vmem>>) offsets(%dma_start3A_89 : memref<128xi32, #tpu.memory_space<vmem>>) semaphore(%arg14 : memref<!tpu.dma_semaphore, #tpu.memory_space<semaphore_mem>>)
      %dma_start3A_93 = arith.constant 0 : i32
      %dma_start3A_94 = tpu.memref_slice %arg6[%add3A_75, %dma_start3A_93] : memref<40x128xi32, #tpu.memory_space<vmem>> -> memref<1x128xi32, #tpu.memory_space<vmem>>
      %dma_start3A_95 = tpu.memref_squeeze %dma_start3A_94 : memref<1x128xi32, #tpu.memory_space<vmem>> -> memref<128xi32, #tpu.memory_space<vmem>>
      %dma_start3A_96 = arith.constant 0 : i32
      %dma_start3A_97 = arith.constant 0 : i32
      %dma_start3A_98 = tpu.memref_slice %arg12[%dma_start3A_96, %dma_start3A_97] : memref<10000x16xf32, #tpu.memory_space<vmem_shared>> -> memref<10000x16xf32, #tpu.memory_space<vmem_shared>>
      tpu.enqueue_indirect_dma source(%dma_start3A_98 : memref<10000x16xf32, #tpu.memory_space<vmem_shared>>) target(%arg10 : memref<128x16xf32, #tpu.memory_space<vmem>>) offsets(%dma_start3A_95 : memref<128xi32, #tpu.memory_space<vmem>>) semaphore(%arg14 : memref<!tpu.dma_semaphore, #tpu.memory_space<semaphore_mem>>)
      %dma_wait3A = arith.constant 0 : i32
      %dma_wait3A_99 = tpu.memref_slice %arg5[%mul3A_73, %dma_wait3A] : memref<40x128xi32, #tpu.memory_space<vmem>> -> memref<1x128xi32, #tpu.memory_space<vmem>>
      %dma_wait3A_100 = tpu.memref_squeeze %dma_wait3A_99 : memref<1x128xi32, #tpu.memory_space<vmem>> -> memref<128xi32, #tpu.memory_space<vmem>>
      %dma_wait3A_101 = arith.constant 0 : i32
      %dma_wait3A_102 = arith.constant 0 : i32
      %dma_wait3A_103 = tpu.memref_slice %arg12[%dma_wait3A_101, %dma_wait3A_102] : memref<10000x16xf32, #tpu.memory_space<vmem_shared>> -> memref<10000x16xf32, #tpu.memory_space<vmem_shared>>
      tpu.wait_indirect_dma semaphore(%arg13 : memref<!tpu.dma_semaphore, #tpu.memory_space<semaphore_mem>>) src(%dma_wait3A_103 : memref<10000x16xf32, #tpu.memory_space<vmem_shared>>) dst(%arg7 : memref<128x16xf32, #tpu.memory_space<vmem>>)
      %dma_wait3A_104 = arith.constant 0 : i32
      %dma_wait3A_105 = tpu.memref_slice %arg6[%mul3A_73, %dma_wait3A_104] : memref<40x128xi32, #tpu.memory_space<vmem>> -> memref<1x128xi32, #tpu.memory_space<vmem>>
      %dma_wait3A_106 = tpu.memref_squeeze %dma_wait3A_105 : memref<1x128xi32, #tpu.memory_space<vmem>> -> memref<128xi32, #tpu.memory_space<vmem>>
      %dma_wait3A_107 = arith.constant 0 : i32
      %dma_wait3A_108 = arith.constant 0 : i32
      %dma_wait3A_109 = tpu.memref_slice %arg12[%dma_wait3A_107, %dma_wait3A_108] : memref<10000x16xf32, #tpu.memory_space<vmem_shared>> -> memref<10000x16xf32, #tpu.memory_space<vmem_shared>>
      tpu.wait_indirect_dma semaphore(%arg13 : memref<!tpu.dma_semaphore, #tpu.memory_space<semaphore_mem>>) src(%dma_wait3A_109 : memref<10000x16xf32, #tpu.memory_space<vmem_shared>>) dst(%arg8 : memref<128x16xf32, #tpu.memory_space<vmem>>)
      %scan3A = arith.constant 0 : i32
      %scan3A_110 = arith.constant 8 : i32
      %scan3A_111 = arith.addi %scan3A, %scan3A_110 : i32
      %scan3A_112 = arith.constant 1 : i32
      %scan3A_113:8 = scf.for %scan3A_133 = %scan3A to %scan3A_111 step %scan3A_112 iter_args(%scan3A_134 = %while3A_64, %scan3A_135 = %while3A_65, %scan3A_136 = %while3A_66, %scan3A_137 = %while3A_67, %scan3A_138 = %while3A_68, %scan3A_139 = %while3A_69, %scan3A_140 = %while3A_70, %scan3A_141 = %while3A_71) -> (vector<16xf32>, vector<16xf32>, vector<16xf32>, vector<16xf32>, vector<16xf32>, vector<16xf32>, vector<16xf32>, vector<16xf32>)  : i32 {
        %mul3A_142 = arith.constant 16 : i32
        %mul3A_143 = arith.muli %scan3A_133, %mul3A_142 : i32
        %add3A_144 = arith.constant 0 : i32
        %add3A_145 = arith.addi %mul3A_143, %add3A_144 : i32
        %get3A = arith.index_cast %add3A_145 : i32 to index
        %get3A_146 = arith.constant 0 : index
        %get3A_147 = tpu.vector_load %arg7[%get3A, %get3A_146] {strides = array<i32>} : memref<128x16xf32, #tpu.memory_space<vmem>>, vector<1x16xf32>,
        %get3A_148 = vector.shape_cast %get3A_147 : vector<1x16xf32> to vector<16xf32>
        %add3A_149 = arith.constant 0 : i32
        %add3A_150 = arith.addi %mul3A_143, %add3A_149 : i32
        %get3A_151 = arith.index_cast %add3A_150 : i32 to index
        %get3A_152 = arith.constant 0 : index
        %get3A_153 = tpu.vector_load %arg8[%get3A_151, %get3A_152] {strides = array<i32>} : memref<128x16xf32, #tpu.memory_space<vmem>>, vector<1x16xf32>,
        %get3A_154 = vector.shape_cast %get3A_153 : vector<1x16xf32> to vector<16xf32>
        %mul3A_155 = arith.mulf %get3A_148, %get3A_154 : vector<16xf32>
        %add3A_156 = arith.addf %scan3A_134, %mul3A_155 : vector<16xf32>
        %mul3A_157 = arith.mulf %get3A_148, %get3A_148 : vector<16xf32>
        %add3A_158 = arith.addf %scan3A_138, %mul3A_157 : vector<16xf32>
        %add3A_159 = arith.constant 1 : i32
        %add3A_160 = arith.addi %mul3A_143, %add3A_159 : i32
        %get3A_161 = arith.index_cast %add3A_160 : i32 to index
        %get3A_162 = arith.constant 0 : index
        %get3A_163 = tpu.vector_load %arg7[%get3A_161, %get3A_162] {strides = array<i32>} : memref<128x16xf32, #tpu.memory_space<vmem>>, vector<1x16xf32>,
        %get3A_164 = vector.shape_cast %get3A_163 : vector<1x16xf32> to vector<16xf32>
        %add3A_165 = arith.constant 1 : i32
        %add3A_166 = arith.addi %mul3A_143, %add3A_165 : i32
        %get3A_167 = arith.index_cast %add3A_166 : i32 to index
        %get3A_168 = arith.constant 0 : index
        %get3A_169 = tpu.vector_load %arg8[%get3A_167, %get3A_168] {strides = array<i32>} : memref<128x16xf32, #tpu.memory_space<vmem>>, vector<1x16xf32>,
        %get3A_170 = vector.shape_cast %get3A_169 : vector<1x16xf32> to vector<16xf32>
        %mul3A_171 = arith.mulf %get3A_164, %get3A_170 : vector<16xf32>
        %add3A_172 = arith.addf %scan3A_135, %mul3A_171 : vector<16xf32>
        %mul3A_173 = arith.mulf %get3A_164, %get3A_164 : vector<16xf32>
        %add3A_174 = arith.addf %scan3A_139, %mul3A_173 : vector<16xf32>
        %add3A_175 = arith.constant 2 : i32
        %add3A_176 = arith.addi %mul3A_143, %add3A_175 : i32
        %get3A_177 = arith.index_cast %add3A_176 : i32 to index
        %get3A_178 = arith.constant 0 : index
        %get3A_179 = tpu.vector_load %arg7[%get3A_177, %get3A_178] {strides = array<i32>} : memref<128x16xf32, #tpu.memory_space<vmem>>, vector<1x16xf32>,
        %get3A_180 = vector.shape_cast %get3A_179 : vector<1x16xf32> to vector<16xf32>
        %add3A_181 = arith.constant 2 : i32
        %add3A_182 = arith.addi %mul3A_143, %add3A_181 : i32
        %get3A_183 = arith.index_cast %add3A_182 : i32 to index
        %get3A_184 = arith.constant 0 : index
        %get3A_185 = tpu.vector_load %arg8[%get3A_183, %get3A_184] {strides = array<i32>} : memref<128x16xf32, #tpu.memory_space<vmem>>, vector<1x16xf32>,
        %get3A_186 = vector.shape_cast %get3A_185 : vector<1x16xf32> to vector<16xf32>
        %mul3A_187 = arith.mulf %get3A_180, %get3A_186 : vector<16xf32>
        %add3A_188 = arith.addf %scan3A_136, %mul3A_187 : vector<16xf32>
        %mul3A_189 = arith.mulf %get3A_180, %get3A_180 : vector<16xf32>
        %add3A_190 = arith.addf %scan3A_140, %mul3A_189 : vector<16xf32>
        %add3A_191 = arith.constant 3 : i32
        %add3A_192 = arith.addi %mul3A_143, %add3A_191 : i32
        %get3A_193 = arith.index_cast %add3A_192 : i32 to index
        %get3A_194 = arith.constant 0 : index
        %get3A_195 = tpu.vector_load %arg7[%get3A_193, %get3A_194] {strides = array<i32>} : memref<128x16xf32, #tpu.memory_space<vmem>>, vector<1x16xf32>,
        %get3A_196 = vector.shape_cast %get3A_195 : vector<1x16xf32> to vector<16xf32>
        %add3A_197 = arith.constant 3 : i32
        %add3A_198 = arith.addi %mul3A_143, %add3A_197 : i32
        %get3A_199 = arith.index_cast %add3A_198 : i32 to index
        %get3A_200 = arith.constant 0 : index
        %get3A_201 = tpu.vector_load %arg8[%get3A_199, %get3A_200] {strides = array<i32>} : memref<128x16xf32, #tpu.memory_space<vmem>>, vector<1x16xf32>,
        %get3A_202 = vector.shape_cast %get3A_201 : vector<1x16xf32> to vector<16xf32>
        %mul3A_203 = arith.mulf %get3A_196, %get3A_202 : vector<16xf32>
        %add3A_204 = arith.addf %scan3A_137, %mul3A_203 : vector<16xf32>
        %mul3A_205 = arith.mulf %get3A_196, %get3A_196 : vector<16xf32>
        %add3A_206 = arith.addf %scan3A_141, %mul3A_205 : vector<16xf32>
        %add3A_207 = arith.constant 4 : i32
        %add3A_208 = arith.addi %mul3A_143, %add3A_207 : i32
        %get3A_209 = arith.index_cast %add3A_208 : i32 to index
        %get3A_210 = arith.constant 0 : index
        %get3A_211 = tpu.vector_load %arg7[%get3A_209, %get3A_210] {strides = array<i32>} : memref<128x16xf32, #tpu.memory_space<vmem>>, vector<1x16xf32>,
        %get3A_212 = vector.shape_cast %get3A_211 : vector<1x16xf32> to vector<16xf32>
        %add3A_213 = arith.constant 4 : i32
        %add3A_214 = arith.addi %mul3A_143, %add3A_213 : i32
        %get3A_215 = arith.index_cast %add3A_214 : i32 to index
        %get3A_216 = arith.constant 0 : index
        %get3A_217 = tpu.vector_load %arg8[%get3A_215, %get3A_216] {strides = array<i32>} : memref<128x16xf32, #tpu.memory_space<vmem>>, vector<1x16xf32>,
        %get3A_218 = vector.shape_cast %get3A_217 : vector<1x16xf32> to vector<16xf32>
        %mul3A_219 = arith.mulf %get3A_212, %get3A_218 : vector<16xf32>
        %add3A_220 = arith.addf %add3A_156, %mul3A_219 : vector<16xf32>
        %mul3A_221 = arith.mulf %get3A_212, %get3A_212 : vector<16xf32>
        %add3A_222 = arith.addf %add3A_158, %mul3A_221 : vector<16xf32>
        %add3A_223 = arith.constant 5 : i32
        %add3A_224 = arith.addi %mul3A_143, %add3A_223 : i32
        %get3A_225 = arith.index_cast %add3A_224 : i32 to index
        %get3A_226 = arith.constant 0 : index
        %get3A_227 = tpu.vector_load %arg7[%get3A_225, %get3A_226] {strides = array<i32>} : memref<128x16xf32, #tpu.memory_space<vmem>>, vector<1x16xf32>,
        %get3A_228 = vector.shape_cast %get3A_227 : vector<1x16xf32> to vector<16xf32>
        %add3A_229 = arith.constant 5 : i32
        %add3A_230 = arith.addi %mul3A_143, %add3A_229 : i32
        %get3A_231 = arith.index_cast %add3A_230 : i32 to index
        %get3A_232 = arith.constant 0 : index
        %get3A_233 = tpu.vector_load %arg8[%get3A_231, %get3A_232] {strides = array<i32>} : memref<128x16xf32, #tpu.memory_space<vmem>>, vector<1x16xf32>,
        %get3A_234 = vector.shape_cast %get3A_233 : vector<1x16xf32> to vector<16xf32>
        %mul3A_235 = arith.mulf %get3A_228, %get3A_234 : vector<16xf32>
        %add3A_236 = arith.addf %add3A_172, %mul3A_235 : vector<16xf32>
        %mul3A_237 = arith.mulf %get3A_228, %get3A_228 : vector<16xf32>
        %add3A_238 = arith.addf %add3A_174, %mul3A_237 : vector<16xf32>
        %add3A_239 = arith.constant 6 : i32
        %add3A_240 = arith.addi %mul3A_143, %add3A_239 : i32
        %get3A_241 = arith.index_cast %add3A_240 : i32 to index
        %get3A_242 = arith.constant 0 : index
        %get3A_243 = tpu.vector_load %arg7[%get3A_241, %get3A_242] {strides = array<i32>} : memref<128x16xf32, #tpu.memory_space<vmem>>, vector<1x16xf32>,
        %get3A_244 = vector.shape_cast %get3A_243 : vector<1x16xf32> to vector<16xf32>
        %add3A_245 = arith.constant 6 : i32
        %add3A_246 = arith.addi %mul3A_143, %add3A_245 : i32
        %get3A_247 = arith.index_cast %add3A_246 : i32 to index
        %get3A_248 = arith.constant 0 : index
        %get3A_249 = tpu.vector_load %arg8[%get3A_247, %get3A_248] {strides = array<i32>} : memref<128x16xf32, #tpu.memory_space<vmem>>, vector<1x16xf32>,
        %get3A_250 = vector.shape_cast %get3A_249 : vector<1x16xf32> to vector<16xf32>
        %mul3A_251 = arith.mulf %get3A_244, %get3A_250 : vector<16xf32>
        %add3A_252 = arith.addf %add3A_188, %mul3A_251 : vector<16xf32>
        %mul3A_253 = arith.mulf %get3A_244, %get3A_244 : vector<16xf32>
        %add3A_254 = arith.addf %add3A_190, %mul3A_253 : vector<16xf32>
        %add3A_255 = arith.constant 7 : i32
        %add3A_256 = arith.addi %mul3A_143, %add3A_255 : i32
        %get3A_257 = arith.index_cast %add3A_256 : i32 to index
        %get3A_258 = arith.constant 0 : index
        %get3A_259 = tpu.vector_load %arg7[%get3A_257, %get3A_258] {strides = array<i32>} : memref<128x16xf32, #tpu.memory_space<vmem>>, vector<1x16xf32>,
        %get3A_260 = vector.shape_cast %get3A_259 : vector<1x16xf32> to vector<16xf32>
        %add3A_261 = arith.constant 7 : i32
        %add3A_262 = arith.addi %mul3A_143, %add3A_261 : i32
        %get3A_263 = arith.index_cast %add3A_262 : i32 to index
        %get3A_264 = arith.constant 0 : index
        %get3A_265 = tpu.vector_load %arg8[%get3A_263, %get3A_264] {strides = array<i32>} : memref<128x16xf32, #tpu.memory_space<vmem>>, vector<1x16xf32>,
        %get3A_266 = vector.shape_cast %get3A_265 : vector<1x16xf32> to vector<16xf32>
        %mul3A_267 = arith.mulf %get3A_260, %get3A_266 : vector<16xf32>
        %add3A_268 = arith.addf %add3A_204, %mul3A_267 : vector<16xf32>
        %mul3A_269 = arith.mulf %get3A_260, %get3A_260 : vector<16xf32>
        %add3A_270 = arith.addf %add3A_206, %mul3A_269 : vector<16xf32>
        %add3A_271 = arith.constant 8 : i32
        %add3A_272 = arith.addi %mul3A_143, %add3A_271 : i32
        %get3A_273 = arith.index_cast %add3A_272 : i32 to index
        %get3A_274 = arith.constant 0 : index
        %get3A_275 = tpu.vector_load %arg7[%get3A_273, %get3A_274] {strides = array<i32>} : memref<128x16xf32, #tpu.memory_space<vmem>>, vector<1x16xf32>,
        %get3A_276 = vector.shape_cast %get3A_275 : vector<1x16xf32> to vector<16xf32>
        %add3A_277 = arith.constant 8 : i32
        %add3A_278 = arith.addi %mul3A_143, %add3A_277 : i32
        %get3A_279 = arith.index_cast %add3A_278 : i32 to index
        %get3A_280 = arith.constant 0 : index
        %get3A_281 = tpu.vector_load %arg8[%get3A_279, %get3A_280] {strides = array<i32>} : memref<128x16xf32, #tpu.memory_space<vmem>>, vector<1x16xf32>,
        %get3A_282 = vector.shape_cast %get3A_281 : vector<1x16xf32> to vector<16xf32>
        %mul3A_283 = arith.mulf %get3A_276, %get3A_282 : vector<16xf32>
        %add3A_284 = arith.addf %add3A_220, %mul3A_283 : vector<16xf32>
        %mul3A_285 = arith.mulf %get3A_276, %get3A_276 : vector<16xf32>
        %add3A_286 = arith.addf %add3A_222, %mul3A_285 : vector<16xf32>
        %add3A_287 = arith.constant 9 : i32
        %add3A_288 = arith.addi %mul3A_143, %add3A_287 : i32
        %get3A_289 = arith.index_cast %add3A_288 : i32 to index
        %get3A_290 = arith.constant 0 : index
        %get3A_291 = tpu.vector_load %arg7[%get3A_289, %get3A_290] {strides = array<i32>} : memref<128x16xf32, #tpu.memory_space<vmem>>, vector<1x16xf32>,
        %get3A_292 = vector.shape_cast %get3A_291 : vector<1x16xf32> to vector<16xf32>
        %add3A_293 = arith.constant 9 : i32
        %add3A_294 = arith.addi %mul3A_143, %add3A_293 : i32
        %get3A_295 = arith.index_cast %add3A_294 : i32 to index
        %get3A_296 = arith.constant 0 : index
        %get3A_297 = tpu.vector_load %arg8[%get3A_295, %get3A_296] {strides = array<i32>} : memref<128x16xf32, #tpu.memory_space<vmem>>, vector<1x16xf32>,
        %get3A_298 = vector.shape_cast %get3A_297 : vector<1x16xf32> to vector<16xf32>
        %mul3A_299 = arith.mulf %get3A_292, %get3A_298 : vector<16xf32>
        %add3A_300 = arith.addf %add3A_236, %mul3A_299 : vector<16xf32>
        %mul3A_301 = arith.mulf %get3A_292, %get3A_292 : vector<16xf32>
        %add3A_302 = arith.addf %add3A_238, %mul3A_301 : vector<16xf32>
        %add3A_303 = arith.constant 10 : i32
        %add3A_304 = arith.addi %mul3A_143, %add3A_303 : i32
        %get3A_305 = arith.index_cast %add3A_304 : i32 to index
        %get3A_306 = arith.constant 0 : index
        %get3A_307 = tpu.vector_load %arg7[%get3A_305, %get3A_306] {strides = array<i32>} : memref<128x16xf32, #tpu.memory_space<vmem>>, vector<1x16xf32>,
        %get3A_308 = vector.shape_cast %get3A_307 : vector<1x16xf32> to vector<16xf32>
        %add3A_309 = arith.constant 10 : i32
        %add3A_310 = arith.addi %mul3A_143, %add3A_309 : i32
        %get3A_311 = arith.index_cast %add3A_310 : i32 to index
        %get3A_312 = arith.constant 0 : index
        %get3A_313 = tpu.vector_load %arg8[%get3A_311, %get3A_312] {strides = array<i32>} : memref<128x16xf32, #tpu.memory_space<vmem>>, vector<1x16xf32>,
        %get3A_314 = vector.shape_cast %get3A_313 : vector<1x16xf32> to vector<16xf32>
        %mul3A_315 = arith.mulf %get3A_308, %get3A_314 : vector<16xf32>
        %add3A_316 = arith.addf %add3A_252, %mul3A_315 : vector<16xf32>
        %mul3A_317 = arith.mulf %get3A_308, %get3A_308 : vector<16xf32>
        %add3A_318 = arith.addf %add3A_254, %mul3A_317 : vector<16xf32>
        %add3A_319 = arith.constant 11 : i32
        %add3A_320 = arith.addi %mul3A_143, %add3A_319 : i32
        %get3A_321 = arith.index_cast %add3A_320 : i32 to index
        %get3A_322 = arith.constant 0 : index
        %get3A_323 = tpu.vector_load %arg7[%get3A_321, %get3A_322] {strides = array<i32>} : memref<128x16xf32, #tpu.memory_space<vmem>>, vector<1x16xf32>,
        %get3A_324 = vector.shape_cast %get3A_323 : vector<1x16xf32> to vector<16xf32>
        %add3A_325 = arith.constant 11 : i32
        %add3A_326 = arith.addi %mul3A_143, %add3A_325 : i32
        %get3A_327 = arith.index_cast %add3A_326 : i32 to index
        %get3A_328 = arith.constant 0 : index
        %get3A_329 = tpu.vector_load %arg8[%get3A_327, %get3A_328] {strides = array<i32>} : memref<128x16xf32, #tpu.memory_space<vmem>>, vector<1x16xf32>,
        %get3A_330 = vector.shape_cast %get3A_329 : vector<1x16xf32> to vector<16xf32>
        %mul3A_331 = arith.mulf %get3A_324, %get3A_330 : vector<16xf32>
        %add3A_332 = arith.addf %add3A_268, %mul3A_331 : vector<16xf32>
        %mul3A_333 = arith.mulf %get3A_324, %get3A_324 : vector<16xf32>
        %add3A_334 = arith.addf %add3A_270, %mul3A_333 : vector<16xf32>
        %add3A_335 = arith.constant 12 : i32
        %add3A_336 = arith.addi %mul3A_143, %add3A_335 : i32
        %get3A_337 = arith.index_cast %add3A_336 : i32 to index
        %get3A_338 = arith.constant 0 : index
        %get3A_339 = tpu.vector_load %arg7[%get3A_337, %get3A_338] {strides = array<i32>} : memref<128x16xf32, #tpu.memory_space<vmem>>, vector<1x16xf32>,
        %get3A_340 = vector.shape_cast %get3A_339 : vector<1x16xf32> to vector<16xf32>
        %add3A_341 = arith.constant 12 : i32
        %add3A_342 = arith.addi %mul3A_143, %add3A_341 : i32
        %get3A_343 = arith.index_cast %add3A_342 : i32 to index
        %get3A_344 = arith.constant 0 : index
        %get3A_345 = tpu.vector_load %arg8[%get3A_343, %get3A_344] {strides = array<i32>} : memref<128x16xf32, #tpu.memory_space<vmem>>, vector<1x16xf32>,
        %get3A_346 = vector.shape_cast %get3A_345 : vector<1x16xf32> to vector<16xf32>
        %mul3A_347 = arith.mulf %get3A_340, %get3A_346 : vector<16xf32>
        %add3A_348 = arith.addf %add3A_284, %mul3A_347 : vector<16xf32>
        %mul3A_349 = arith.mulf %get3A_340, %get3A_340 : vector<16xf32>
        %add3A_350 = arith.addf %add3A_286, %mul3A_349 : vector<16xf32>
        %add3A_351 = arith.constant 13 : i32
        %add3A_352 = arith.addi %mul3A_143, %add3A_351 : i32
        %get3A_353 = arith.index_cast %add3A_352 : i32 to index
        %get3A_354 = arith.constant 0 : index
        %get3A_355 = tpu.vector_load %arg7[%get3A_353, %get3A_354] {strides = array<i32>} : memref<128x16xf32, #tpu.memory_space<vmem>>, vector<1x16xf32>,
        %get3A_356 = vector.shape_cast %get3A_355 : vector<1x16xf32> to vector<16xf32>
        %add3A_357 = arith.constant 13 : i32
        %add3A_358 = arith.addi %mul3A_143, %add3A_357 : i32
        %get3A_359 = arith.index_cast %add3A_358 : i32 to index
        %get3A_360 = arith.constant 0 : index
        %get3A_361 = tpu.vector_load %arg8[%get3A_359, %get3A_360] {strides = array<i32>} : memref<128x16xf32, #tpu.memory_space<vmem>>, vector<1x16xf32>,
        %get3A_362 = vector.shape_cast %get3A_361 : vector<1x16xf32> to vector<16xf32>
        %mul3A_363 = arith.mulf %get3A_356, %get3A_362 : vector<16xf32>
        %add3A_364 = arith.addf %add3A_300, %mul3A_363 : vector<16xf32>
        %mul3A_365 = arith.mulf %get3A_356, %get3A_356 : vector<16xf32>
        %add3A_366 = arith.addf %add3A_302, %mul3A_365 : vector<16xf32>
        %add3A_367 = arith.constant 14 : i32
        %add3A_368 = arith.addi %mul3A_143, %add3A_367 : i32
        %get3A_369 = arith.index_cast %add3A_368 : i32 to index
        %get3A_370 = arith.constant 0 : index
        %get3A_371 = tpu.vector_load %arg7[%get3A_369, %get3A_370] {strides = array<i32>} : memref<128x16xf32, #tpu.memory_space<vmem>>, vector<1x16xf32>,
        %get3A_372 = vector.shape_cast %get3A_371 : vector<1x16xf32> to vector<16xf32>
        %add3A_373 = arith.constant 14 : i32
        %add3A_374 = arith.addi %mul3A_143, %add3A_373 : i32
        %get3A_375 = arith.index_cast %add3A_374 : i32 to index
        %get3A_376 = arith.constant 0 : index
        %get3A_377 = tpu.vector_load %arg8[%get3A_375, %get3A_376] {strides = array<i32>} : memref<128x16xf32, #tpu.memory_space<vmem>>, vector<1x16xf32>,
        %get3A_378 = vector.shape_cast %get3A_377 : vector<1x16xf32> to vector<16xf32>
        %mul3A_379 = arith.mulf %get3A_372, %get3A_378 : vector<16xf32>
        %add3A_380 = arith.addf %add3A_316, %mul3A_379 : vector<16xf32>
        %mul3A_381 = arith.mulf %get3A_372, %get3A_372 : vector<16xf32>
        %add3A_382 = arith.addf %add3A_318, %mul3A_381 : vector<16xf32>
        %add3A_383 = arith.constant 15 : i32
        %add3A_384 = arith.addi %mul3A_143, %add3A_383 : i32
        %get3A_385 = arith.index_cast %add3A_384 : i32 to index
        %get3A_386 = arith.constant 0 : index
        %get3A_387 = tpu.vector_load %arg7[%get3A_385, %get3A_386] {strides = array<i32>} : memref<128x16xf32, #tpu.memory_space<vmem>>, vector<1x16xf32>,
        %get3A_388 = vector.shape_cast %get3A_387 : vector<1x16xf32> to vector<16xf32>
        %add3A_389 = arith.constant 15 : i32
        %add3A_390 = arith.addi %mul3A_143, %add3A_389 : i32
        %get3A_391 = arith.index_cast %add3A_390 : i32 to index
        %get3A_392 = arith.constant 0 : index
        %get3A_393 = tpu.vector_load %arg8[%get3A_391, %get3A_392] {strides = array<i32>} : memref<128x16xf32, #tpu.memory_space<vmem>>, vector<1x16xf32>,
        %get3A_394 = vector.shape_cast %get3A_393 : vector<1x16xf32> to vector<16xf32>
        %mul3A_395 = arith.mulf %get3A_388, %get3A_394 : vector<16xf32>
        %add3A_396 = arith.addf %add3A_332, %mul3A_395 : vector<16xf32>
        %mul3A_397 = arith.mulf %get3A_388, %get3A_388 : vector<16xf32>
        %add3A_398 = arith.addf %add3A_334, %mul3A_397 : vector<16xf32>
        scf.yield %add3A_348, %add3A_364, %add3A_380, %add3A_396, %add3A_350, %add3A_366, %add3A_382, %add3A_398 : vector<16xf32>, vector<16xf32>, vector<16xf32>, vector<16xf32>, vector<16xf32>, vector<16xf32>, vector<16xf32>, vector<16xf32>
      }
      %scan3A_114 = arith.constant 8 : i32
      %dma_wait3A_115 = arith.constant 0 : i32
      %dma_wait3A_116 = tpu.memref_slice %arg5[%add3A_75, %dma_wait3A_115] : memref<40x128xi32, #tpu.memory_space<vmem>> -> memref<1x128xi32, #tpu.memory_space<vmem>>
      %dma_wait3A_117 = tpu.memref_squeeze %dma_wait3A_116 : memref<1x128xi32, #tpu.memory_space<vmem>> -> memref<128xi32, #tpu.memory_space<vmem>>
      %dma_wait3A_118 = arith.constant 0 : i32
      %dma_wait3A_119 = arith.constant 0 : i32
      %dma_wait3A_120 = tpu.memref_slice %arg12[%dma_wait3A_118, %dma_wait3A_119] : memref<10000x16xf32, #tpu.memory_space<vmem_shared>> -> memref<10000x16xf32, #tpu.memory_space<vmem_shared>>
      tpu.wait_indirect_dma semaphore(%arg14 : memref<!tpu.dma_semaphore, #tpu.memory_space<semaphore_mem>>) src(%dma_wait3A_120 : memref<10000x16xf32, #tpu.memory_space<vmem_shared>>) dst(%arg9 : memref<128x16xf32, #tpu.memory_space<vmem>>)
      %dma_wait3A_121 = arith.constant 0 : i32
      %dma_wait3A_122 = tpu.memref_slice %arg6[%add3A_75, %dma_wait3A_121] : memref<40x128xi32, #tpu.memory_space<vmem>> -> memref<1x128xi32, #tpu.memory_space<vmem>>
      %dma_wait3A_123 = tpu.memref_squeeze %dma_wait3A_122 : memref<1x128xi32, #tpu.memory_space<vmem>> -> memref<128xi32, #tpu.memory_space<vmem>>
      %dma_wait3A_124 = arith.constant 0 : i32
      %dma_wait3A_125 = arith.constant 0 : i32
      %dma_wait3A_126 = tpu.memref_slice %arg12[%dma_wait3A_124, %dma_wait3A_125] : memref<10000x16xf32, #tpu.memory_space<vmem_shared>> -> memref<10000x16xf32, #tpu.memory_space<vmem_shared>>
      tpu.wait_indirect_dma semaphore(%arg14 : memref<!tpu.dma_semaphore, #tpu.memory_space<semaphore_mem>>) src(%dma_wait3A_126 : memref<10000x16xf32, #tpu.memory_space<vmem_shared>>) dst(%arg10 : memref<128x16xf32, #tpu.memory_space<vmem>>)
      %scan3A_127 = arith.constant 0 : i32
      %scan3A_128 = arith.constant 8 : i32
      %scan3A_129 = arith.addi %scan3A_127, %scan3A_128 : i32
      %scan3A_130 = arith.constant 1 : i32
      %scan3A_131:8 = scf.for %scan3A_133 = %scan3A_127 to %scan3A_129 step %scan3A_130 iter_args(%scan3A_134 = %scan3A_113#0, %scan3A_135 = %scan3A_113#1, %scan3A_136 = %scan3A_113#2, %scan3A_137 = %scan3A_113#3, %scan3A_138 = %scan3A_113#4, %scan3A_139 = %scan3A_113#5, %scan3A_140 = %scan3A_113#6, %scan3A_141 = %scan3A_113#7) -> (vector<16xf32>, vector<16xf32>, vector<16xf32>, vector<16xf32>, vector<16xf32>, vector<16xf32>, vector<16xf32>, vector<16xf32>)  : i32 {
        %mul3A_142 = arith.constant 16 : i32
        %mul3A_143 = arith.muli %scan3A_133, %mul3A_142 : i32
        %add3A_144 = arith.constant 0 : i32
        %add3A_145 = arith.addi %mul3A_143, %add3A_144 : i32
        %get3A = arith.index_cast %add3A_145 : i32 to index
        %get3A_146 = arith.constant 0 : index
        %get3A_147 = tpu.vector_load %arg9[%get3A, %get3A_146] {strides = array<i32>} : memref<128x16xf32, #tpu.memory_space<vmem>>, vector<1x16xf32>,
        %get3A_148 = vector.shape_cast %get3A_147 : vector<1x16xf32> to vector<16xf32>
        %add3A_149 = arith.constant 0 : i32
        %add3A_150 = arith.addi %mul3A_143, %add3A_149 : i32
        %get3A_151 = arith.index_cast %add3A_150 : i32 to index
        %get3A_152 = arith.constant 0 : index
        %get3A_153 = tpu.vector_load %arg10[%get3A_151, %get3A_152] {strides = array<i32>} : memref<128x16xf32, #tpu.memory_space<vmem>>, vector<1x16xf32>,
        %get3A_154 = vector.shape_cast %get3A_153 : vector<1x16xf32> to vector<16xf32>
        %mul3A_155 = arith.mulf %get3A_148, %get3A_154 : vector<16xf32>
        %add3A_156 = arith.addf %scan3A_134, %mul3A_155 : vector<16xf32>
        %mul3A_157 = arith.mulf %get3A_148, %get3A_148 : vector<16xf32>
        %add3A_158 = arith.addf %scan3A_138, %mul3A_157 : vector<16xf32>
        %add3A_159 = arith.constant 1 : i32
        %add3A_160 = arith.addi %mul3A_143, %add3A_159 : i32
        %get3A_161 = arith.index_cast %add3A_160 : i32 to index
        %get3A_162 = arith.constant 0 : index
        %get3A_163 = tpu.vector_load %arg9[%get3A_161, %get3A_162] {strides = array<i32>} : memref<128x16xf32, #tpu.memory_space<vmem>>, vector<1x16xf32>,
        %get3A_164 = vector.shape_cast %get3A_163 : vector<1x16xf32> to vector<16xf32>
        %add3A_165 = arith.constant 1 : i32
        %add3A_166 = arith.addi %mul3A_143, %add3A_165 : i32
        %get3A_167 = arith.index_cast %add3A_166 : i32 to index
        %get3A_168 = arith.constant 0 : index
        %get3A_169 = tpu.vector_load %arg10[%get3A_167, %get3A_168] {strides = array<i32>} : memref<128x16xf32, #tpu.memory_space<vmem>>, vector<1x16xf32>,
        %get3A_170 = vector.shape_cast %get3A_169 : vector<1x16xf32> to vector<16xf32>
        %mul3A_171 = arith.mulf %get3A_164, %get3A_170 : vector<16xf32>
        %add3A_172 = arith.addf %scan3A_135, %mul3A_171 : vector<16xf32>
        %mul3A_173 = arith.mulf %get3A_164, %get3A_164 : vector<16xf32>
        %add3A_174 = arith.addf %scan3A_139, %mul3A_173 : vector<16xf32>
        %add3A_175 = arith.constant 2 : i32
        %add3A_176 = arith.addi %mul3A_143, %add3A_175 : i32
        %get3A_177 = arith.index_cast %add3A_176 : i32 to index
        %get3A_178 = arith.constant 0 : index
        %get3A_179 = tpu.vector_load %arg9[%get3A_177, %get3A_178] {strides = array<i32>} : memref<128x16xf32, #tpu.memory_space<vmem>>, vector<1x16xf32>,
        %get3A_180 = vector.shape_cast %get3A_179 : vector<1x16xf32> to vector<16xf32>
        %add3A_181 = arith.constant 2 : i32
        %add3A_182 = arith.addi %mul3A_143, %add3A_181 : i32
        %get3A_183 = arith.index_cast %add3A_182 : i32 to index
        %get3A_184 = arith.constant 0 : index
        %get3A_185 = tpu.vector_load %arg10[%get3A_183, %get3A_184] {strides = array<i32>} : memref<128x16xf32, #tpu.memory_space<vmem>>, vector<1x16xf32>,
        %get3A_186 = vector.shape_cast %get3A_185 : vector<1x16xf32> to vector<16xf32>
        %mul3A_187 = arith.mulf %get3A_180, %get3A_186 : vector<16xf32>
        %add3A_188 = arith.addf %scan3A_136, %mul3A_187 : vector<16xf32>
        %mul3A_189 = arith.mulf %get3A_180, %get3A_180 : vector<16xf32>
        %add3A_190 = arith.addf %scan3A_140, %mul3A_189 : vector<16xf32>
        %add3A_191 = arith.constant 3 : i32
        %add3A_192 = arith.addi %mul3A_143, %add3A_191 : i32
        %get3A_193 = arith.index_cast %add3A_192 : i32 to index
        %get3A_194 = arith.constant 0 : index
        %get3A_195 = tpu.vector_load %arg9[%get3A_193, %get3A_194] {strides = array<i32>} : memref<128x16xf32, #tpu.memory_space<vmem>>, vector<1x16xf32>,
        %get3A_196 = vector.shape_cast %get3A_195 : vector<1x16xf32> to vector<16xf32>
        %add3A_197 = arith.constant 3 : i32
        %add3A_198 = arith.addi %mul3A_143, %add3A_197 : i32
        %get3A_199 = arith.index_cast %add3A_198 : i32 to index
        %get3A_200 = arith.constant 0 : index
        %get3A_201 = tpu.vector_load %arg10[%get3A_199, %get3A_200] {strides = array<i32>} : memref<128x16xf32, #tpu.memory_space<vmem>>, vector<1x16xf32>,
        %get3A_202 = vector.shape_cast %get3A_201 : vector<1x16xf32> to vector<16xf32>
        %mul3A_203 = arith.mulf %get3A_196, %get3A_202 : vector<16xf32>
        %add3A_204 = arith.addf %scan3A_137, %mul3A_203 : vector<16xf32>
        %mul3A_205 = arith.mulf %get3A_196, %get3A_196 : vector<16xf32>
        %add3A_206 = arith.addf %scan3A_141, %mul3A_205 : vector<16xf32>
        %add3A_207 = arith.constant 4 : i32
        %add3A_208 = arith.addi %mul3A_143, %add3A_207 : i32
        %get3A_209 = arith.index_cast %add3A_208 : i32 to index
        %get3A_210 = arith.constant 0 : index
        %get3A_211 = tpu.vector_load %arg9[%get3A_209, %get3A_210] {strides = array<i32>} : memref<128x16xf32, #tpu.memory_space<vmem>>, vector<1x16xf32>,
        %get3A_212 = vector.shape_cast %get3A_211 : vector<1x16xf32> to vector<16xf32>
        %add3A_213 = arith.constant 4 : i32
        %add3A_214 = arith.addi %mul3A_143, %add3A_213 : i32
        %get3A_215 = arith.index_cast %add3A_214 : i32 to index
        %get3A_216 = arith.constant 0 : index
        %get3A_217 = tpu.vector_load %arg10[%get3A_215, %get3A_216] {strides = array<i32>} : memref<128x16xf32, #tpu.memory_space<vmem>>, vector<1x16xf32>,
        %get3A_218 = vector.shape_cast %get3A_217 : vector<1x16xf32> to vector<16xf32>
        %mul3A_219 = arith.mulf %get3A_212, %get3A_218 : vector<16xf32>
        %add3A_220 = arith.addf %add3A_156, %mul3A_219 : vector<16xf32>
        %mul3A_221 = arith.mulf %get3A_212, %get3A_212 : vector<16xf32>
        %add3A_222 = arith.addf %add3A_158, %mul3A_221 : vector<16xf32>
        %add3A_223 = arith.constant 5 : i32
        %add3A_224 = arith.addi %mul3A_143, %add3A_223 : i32
        %get3A_225 = arith.index_cast %add3A_224 : i32 to index
        %get3A_226 = arith.constant 0 : index
        %get3A_227 = tpu.vector_load %arg9[%get3A_225, %get3A_226] {strides = array<i32>} : memref<128x16xf32, #tpu.memory_space<vmem>>, vector<1x16xf32>,
        %get3A_228 = vector.shape_cast %get3A_227 : vector<1x16xf32> to vector<16xf32>
        %add3A_229 = arith.constant 5 : i32
        %add3A_230 = arith.addi %mul3A_143, %add3A_229 : i32
        %get3A_231 = arith.index_cast %add3A_230 : i32 to index
        %get3A_232 = arith.constant 0 : index
        %get3A_233 = tpu.vector_load %arg10[%get3A_231, %get3A_232] {strides = array<i32>} : memref<128x16xf32, #tpu.memory_space<vmem>>, vector<1x16xf32>,
        %get3A_234 = vector.shape_cast %get3A_233 : vector<1x16xf32> to vector<16xf32>
        %mul3A_235 = arith.mulf %get3A_228, %get3A_234 : vector<16xf32>
        %add3A_236 = arith.addf %add3A_172, %mul3A_235 : vector<16xf32>
        %mul3A_237 = arith.mulf %get3A_228, %get3A_228 : vector<16xf32>
        %add3A_238 = arith.addf %add3A_174, %mul3A_237 : vector<16xf32>
        %add3A_239 = arith.constant 6 : i32
        %add3A_240 = arith.addi %mul3A_143, %add3A_239 : i32
        %get3A_241 = arith.index_cast %add3A_240 : i32 to index
        %get3A_242 = arith.constant 0 : index
        %get3A_243 = tpu.vector_load %arg9[%get3A_241, %get3A_242] {strides = array<i32>} : memref<128x16xf32, #tpu.memory_space<vmem>>, vector<1x16xf32>,
        %get3A_244 = vector.shape_cast %get3A_243 : vector<1x16xf32> to vector<16xf32>
        %add3A_245 = arith.constant 6 : i32
        %add3A_246 = arith.addi %mul3A_143, %add3A_245 : i32
        %get3A_247 = arith.index_cast %add3A_246 : i32 to index
        %get3A_248 = arith.constant 0 : index
        %get3A_249 = tpu.vector_load %arg10[%get3A_247, %get3A_248] {strides = array<i32>} : memref<128x16xf32, #tpu.memory_space<vmem>>, vector<1x16xf32>,
        %get3A_250 = vector.shape_cast %get3A_249 : vector<1x16xf32> to vector<16xf32>
        %mul3A_251 = arith.mulf %get3A_244, %get3A_250 : vector<16xf32>
        %add3A_252 = arith.addf %add3A_188, %mul3A_251 : vector<16xf32>
        %mul3A_253 = arith.mulf %get3A_244, %get3A_244 : vector<16xf32>
        %add3A_254 = arith.addf %add3A_190, %mul3A_253 : vector<16xf32>
        %add3A_255 = arith.constant 7 : i32
        %add3A_256 = arith.addi %mul3A_143, %add3A_255 : i32
        %get3A_257 = arith.index_cast %add3A_256 : i32 to index
        %get3A_258 = arith.constant 0 : index
        %get3A_259 = tpu.vector_load %arg9[%get3A_257, %get3A_258] {strides = array<i32>} : memref<128x16xf32, #tpu.memory_space<vmem>>, vector<1x16xf32>,
        %get3A_260 = vector.shape_cast %get3A_259 : vector<1x16xf32> to vector<16xf32>
        %add3A_261 = arith.constant 7 : i32
        %add3A_262 = arith.addi %mul3A_143, %add3A_261 : i32
        %get3A_263 = arith.index_cast %add3A_262 : i32 to index
        %get3A_264 = arith.constant 0 : index
        %get3A_265 = tpu.vector_load %arg10[%get3A_263, %get3A_264] {strides = array<i32>} : memref<128x16xf32, #tpu.memory_space<vmem>>, vector<1x16xf32>,
        %get3A_266 = vector.shape_cast %get3A_265 : vector<1x16xf32> to vector<16xf32>
        %mul3A_267 = arith.mulf %get3A_260, %get3A_266 : vector<16xf32>
        %add3A_268 = arith.addf %add3A_204, %mul3A_267 : vector<16xf32>
        %mul3A_269 = arith.mulf %get3A_260, %get3A_260 : vector<16xf32>
        %add3A_270 = arith.addf %add3A_206, %mul3A_269 : vector<16xf32>
        %add3A_271 = arith.constant 8 : i32
        %add3A_272 = arith.addi %mul3A_143, %add3A_271 : i32
        %get3A_273 = arith.index_cast %add3A_272 : i32 to index
        %get3A_274 = arith.constant 0 : index
        %get3A_275 = tpu.vector_load %arg9[%get3A_273, %get3A_274] {strides = array<i32>} : memref<128x16xf32, #tpu.memory_space<vmem>>, vector<1x16xf32>,
        %get3A_276 = vector.shape_cast %get3A_275 : vector<1x16xf32> to vector<16xf32>
        %add3A_277 = arith.constant 8 : i32
        %add3A_278 = arith.addi %mul3A_143, %add3A_277 : i32
        %get3A_279 = arith.index_cast %add3A_278 : i32 to index
        %get3A_280 = arith.constant 0 : index
        %get3A_281 = tpu.vector_load %arg10[%get3A_279, %get3A_280] {strides = array<i32>} : memref<128x16xf32, #tpu.memory_space<vmem>>, vector<1x16xf32>,
        %get3A_282 = vector.shape_cast %get3A_281 : vector<1x16xf32> to vector<16xf32>
        %mul3A_283 = arith.mulf %get3A_276, %get3A_282 : vector<16xf32>
        %add3A_284 = arith.addf %add3A_220, %mul3A_283 : vector<16xf32>
        %mul3A_285 = arith.mulf %get3A_276, %get3A_276 : vector<16xf32>
        %add3A_286 = arith.addf %add3A_222, %mul3A_285 : vector<16xf32>
        %add3A_287 = arith.constant 9 : i32
        %add3A_288 = arith.addi %mul3A_143, %add3A_287 : i32
        %get3A_289 = arith.index_cast %add3A_288 : i32 to index
        %get3A_290 = arith.constant 0 : index
        %get3A_291 = tpu.vector_load %arg9[%get3A_289, %get3A_290] {strides = array<i32>} : memref<128x16xf32, #tpu.memory_space<vmem>>, vector<1x16xf32>,
        %get3A_292 = vector.shape_cast %get3A_291 : vector<1x16xf32> to vector<16xf32>
        %add3A_293 = arith.constant 9 : i32
        %add3A_294 = arith.addi %mul3A_143, %add3A_293 : i32
        %get3A_295 = arith.index_cast %add3A_294 : i32 to index
        %get3A_296 = arith.constant 0 : index
        %get3A_297 = tpu.vector_load %arg10[%get3A_295, %get3A_296] {strides = array<i32>} : memref<128x16xf32, #tpu.memory_space<vmem>>, vector<1x16xf32>,
        %get3A_298 = vector.shape_cast %get3A_297 : vector<1x16xf32> to vector<16xf32>
        %mul3A_299 = arith.mulf %get3A_292, %get3A_298 : vector<16xf32>
        %add3A_300 = arith.addf %add3A_236, %mul3A_299 : vector<16xf32>
        %mul3A_301 = arith.mulf %get3A_292, %get3A_292 : vector<16xf32>
        %add3A_302 = arith.addf %add3A_238, %mul3A_301 : vector<16xf32>
        %add3A_303 = arith.constant 10 : i32
        %add3A_304 = arith.addi %mul3A_143, %add3A_303 : i32
        %get3A_305 = arith.index_cast %add3A_304 : i32 to index
        %get3A_306 = arith.constant 0 : index
        %get3A_307 = tpu.vector_load %arg9[%get3A_305, %get3A_306] {strides = array<i32>} : memref<128x16xf32, #tpu.memory_space<vmem>>, vector<1x16xf32>,
        %get3A_308 = vector.shape_cast %get3A_307 : vector<1x16xf32> to vector<16xf32>
        %add3A_309 = arith.constant 10 : i32
        %add3A_310 = arith.addi %mul3A_143, %add3A_309 : i32
        %get3A_311 = arith.index_cast %add3A_310 : i32 to index
        %get3A_312 = arith.constant 0 : index
        %get3A_313 = tpu.vector_load %arg10[%get3A_311, %get3A_312] {strides = array<i32>} : memref<128x16xf32, #tpu.memory_space<vmem>>, vector<1x16xf32>,
        %get3A_314 = vector.shape_cast %get3A_313 : vector<1x16xf32> to vector<16xf32>
        %mul3A_315 = arith.mulf %get3A_308, %get3A_314 : vector<16xf32>
        %add3A_316 = arith.addf %add3A_252, %mul3A_315 : vector<16xf32>
        %mul3A_317 = arith.mulf %get3A_308, %get3A_308 : vector<16xf32>
        %add3A_318 = arith.addf %add3A_254, %mul3A_317 : vector<16xf32>
        %add3A_319 = arith.constant 11 : i32
        %add3A_320 = arith.addi %mul3A_143, %add3A_319 : i32
        %get3A_321 = arith.index_cast %add3A_320 : i32 to index
        %get3A_322 = arith.constant 0 : index
        %get3A_323 = tpu.vector_load %arg9[%get3A_321, %get3A_322] {strides = array<i32>} : memref<128x16xf32, #tpu.memory_space<vmem>>, vector<1x16xf32>,
        %get3A_324 = vector.shape_cast %get3A_323 : vector<1x16xf32> to vector<16xf32>
        %add3A_325 = arith.constant 11 : i32
        %add3A_326 = arith.addi %mul3A_143, %add3A_325 : i32
        %get3A_327 = arith.index_cast %add3A_326 : i32 to index
        %get3A_328 = arith.constant 0 : index
        %get3A_329 = tpu.vector_load %arg10[%get3A_327, %get3A_328] {strides = array<i32>} : memref<128x16xf32, #tpu.memory_space<vmem>>, vector<1x16xf32>,
        %get3A_330 = vector.shape_cast %get3A_329 : vector<1x16xf32> to vector<16xf32>
        %mul3A_331 = arith.mulf %get3A_324, %get3A_330 : vector<16xf32>
        %add3A_332 = arith.addf %add3A_268, %mul3A_331 : vector<16xf32>
        %mul3A_333 = arith.mulf %get3A_324, %get3A_324 : vector<16xf32>
        %add3A_334 = arith.addf %add3A_270, %mul3A_333 : vector<16xf32>
        %add3A_335 = arith.constant 12 : i32
        %add3A_336 = arith.addi %mul3A_143, %add3A_335 : i32
        %get3A_337 = arith.index_cast %add3A_336 : i32 to index
        %get3A_338 = arith.constant 0 : index
        %get3A_339 = tpu.vector_load %arg9[%get3A_337, %get3A_338] {strides = array<i32>} : memref<128x16xf32, #tpu.memory_space<vmem>>, vector<1x16xf32>,
        %get3A_340 = vector.shape_cast %get3A_339 : vector<1x16xf32> to vector<16xf32>
        %add3A_341 = arith.constant 12 : i32
        %add3A_342 = arith.addi %mul3A_143, %add3A_341 : i32
        %get3A_343 = arith.index_cast %add3A_342 : i32 to index
        %get3A_344 = arith.constant 0 : index
        %get3A_345 = tpu.vector_load %arg10[%get3A_343, %get3A_344] {strides = array<i32>} : memref<128x16xf32, #tpu.memory_space<vmem>>, vector<1x16xf32>,
        %get3A_346 = vector.shape_cast %get3A_345 : vector<1x16xf32> to vector<16xf32>
        %mul3A_347 = arith.mulf %get3A_340, %get3A_346 : vector<16xf32>
        %add3A_348 = arith.addf %add3A_284, %mul3A_347 : vector<16xf32>
        %mul3A_349 = arith.mulf %get3A_340, %get3A_340 : vector<16xf32>
        %add3A_350 = arith.addf %add3A_286, %mul3A_349 : vector<16xf32>
        %add3A_351 = arith.constant 13 : i32
        %add3A_352 = arith.addi %mul3A_143, %add3A_351 : i32
        %get3A_353 = arith.index_cast %add3A_352 : i32 to index
        %get3A_354 = arith.constant 0 : index
        %get3A_355 = tpu.vector_load %arg9[%get3A_353, %get3A_354] {strides = array<i32>} : memref<128x16xf32, #tpu.memory_space<vmem>>, vector<1x16xf32>,
        %get3A_356 = vector.shape_cast %get3A_355 : vector<1x16xf32> to vector<16xf32>
        %add3A_357 = arith.constant 13 : i32
        %add3A_358 = arith.addi %mul3A_143, %add3A_357 : i32
        %get3A_359 = arith.index_cast %add3A_358 : i32 to index
        %get3A_360 = arith.constant 0 : index
        %get3A_361 = tpu.vector_load %arg10[%get3A_359, %get3A_360] {strides = array<i32>} : memref<128x16xf32, #tpu.memory_space<vmem>>, vector<1x16xf32>,
        %get3A_362 = vector.shape_cast %get3A_361 : vector<1x16xf32> to vector<16xf32>
        %mul3A_363 = arith.mulf %get3A_356, %get3A_362 : vector<16xf32>
        %add3A_364 = arith.addf %add3A_300, %mul3A_363 : vector<16xf32>
        %mul3A_365 = arith.mulf %get3A_356, %get3A_356 : vector<16xf32>
        %add3A_366 = arith.addf %add3A_302, %mul3A_365 : vector<16xf32>
        %add3A_367 = arith.constant 14 : i32
        %add3A_368 = arith.addi %mul3A_143, %add3A_367 : i32
        %get3A_369 = arith.index_cast %add3A_368 : i32 to index
        %get3A_370 = arith.constant 0 : index
        %get3A_371 = tpu.vector_load %arg9[%get3A_369, %get3A_370] {strides = array<i32>} : memref<128x16xf32, #tpu.memory_space<vmem>>, vector<1x16xf32>,
        %get3A_372 = vector.shape_cast %get3A_371 : vector<1x16xf32> to vector<16xf32>
        %add3A_373 = arith.constant 14 : i32
        %add3A_374 = arith.addi %mul3A_143, %add3A_373 : i32
        %get3A_375 = arith.index_cast %add3A_374 : i32 to index
        %get3A_376 = arith.constant 0 : index
        %get3A_377 = tpu.vector_load %arg10[%get3A_375, %get3A_376] {strides = array<i32>} : memref<128x16xf32, #tpu.memory_space<vmem>>, vector<1x16xf32>,
        %get3A_378 = vector.shape_cast %get3A_377 : vector<1x16xf32> to vector<16xf32>
        %mul3A_379 = arith.mulf %get3A_372, %get3A_378 : vector<16xf32>
        %add3A_380 = arith.addf %add3A_316, %mul3A_379 : vector<16xf32>
        %mul3A_381 = arith.mulf %get3A_372, %get3A_372 : vector<16xf32>
        %add3A_382 = arith.addf %add3A_318, %mul3A_381 : vector<16xf32>
        %add3A_383 = arith.constant 15 : i32
        %add3A_384 = arith.addi %mul3A_143, %add3A_383 : i32
        %get3A_385 = arith.index_cast %add3A_384 : i32 to index
        %get3A_386 = arith.constant 0 : index
        %get3A_387 = tpu.vector_load %arg9[%get3A_385, %get3A_386] {strides = array<i32>} : memref<128x16xf32, #tpu.memory_space<vmem>>, vector<1x16xf32>,
        %get3A_388 = vector.shape_cast %get3A_387 : vector<1x16xf32> to vector<16xf32>
        %add3A_389 = arith.constant 15 : i32
        %add3A_390 = arith.addi %mul3A_143, %add3A_389 : i32
        %get3A_391 = arith.index_cast %add3A_390 : i32 to index
        %get3A_392 = arith.constant 0 : index
        %get3A_393 = tpu.vector_load %arg10[%get3A_391, %get3A_392] {strides = array<i32>} : memref<128x16xf32, #tpu.memory_space<vmem>>, vector<1x16xf32>,
        %get3A_394 = vector.shape_cast %get3A_393 : vector<1x16xf32> to vector<16xf32>
        %mul3A_395 = arith.mulf %get3A_388, %get3A_394 : vector<16xf32>
        %add3A_396 = arith.addf %add3A_332, %mul3A_395 : vector<16xf32>
        %mul3A_397 = arith.mulf %get3A_388, %get3A_388 : vector<16xf32>
        %add3A_398 = arith.addf %add3A_334, %mul3A_397 : vector<16xf32>
        scf.yield %add3A_348, %add3A_364, %add3A_380, %add3A_396, %add3A_350, %add3A_366, %add3A_382, %add3A_398 : vector<16xf32>, vector<16xf32>, vector<16xf32>, vector<16xf32>, vector<16xf32>, vector<16xf32>, vector<16xf32>, vector<16xf32>
      }
      %scan3A_132 = arith.constant 8 : i32
      scf.yield %scan3A_131#0, %scan3A_131#1, %scan3A_131#2, %scan3A_131#3, %scan3A_131#4, %scan3A_131#5, %scan3A_131#6, %scan3A_131#7 : vector<16xf32>, vector<16xf32>, vector<16xf32>, vector<16xf32>, vector<16xf32>, vector<16xf32>, vector<16xf32>, vector<16xf32>
    }
    %while3A_42 = arith.constant 1 : i32
    %while3A_43:8 = scf.for %while3A_63 = %while3A_39 to %while3A_35 step %while3A_42 iter_args(%while3A_64 = %while3A_41#0, %while3A_65 = %while3A_41#1, %while3A_66 = %while3A_41#2, %while3A_67 = %while3A_41#3, %while3A_68 = %while3A_41#4, %while3A_69 = %while3A_41#5, %while3A_70 = %while3A_41#6, %while3A_71 = %while3A_41#7) -> (vector<16xf32>, vector<16xf32>, vector<16xf32>, vector<16xf32>, vector<16xf32>, vector<16xf32>, vector<16xf32>, vector<16xf32>)  : i32 {
      %mul3A_72 = arith.constant 2 : i32
      %mul3A_73 = arith.muli %mul3A_72, %while3A_63 : i32
      %add3A_74 = arith.constant 1 : i32
      %add3A_75 = arith.addi %mul3A_73, %add3A_74 : i32
      %dma_start3A = arith.constant 0 : i32
      %dma_start3A_76 = tpu.memref_slice %arg5[%mul3A_73, %dma_start3A] : memref<40x128xi32, #tpu.memory_space<vmem>> -> memref<1x128xi32, #tpu.memory_space<vmem>>
      %dma_start3A_77 = tpu.memref_squeeze %dma_start3A_76 : memref<1x128xi32, #tpu.memory_space<vmem>> -> memref<128xi32, #tpu.memory_space<vmem>>
      %dma_start3A_78 = arith.constant 0 : i32
      %dma_start3A_79 = arith.constant 0 : i32
      %dma_start3A_80 = tpu.memref_slice %arg12[%dma_start3A_78, %dma_start3A_79] : memref<10000x16xf32, #tpu.memory_space<vmem_shared>> -> memref<10000x16xf32, #tpu.memory_space<vmem_shared>>
      tpu.enqueue_indirect_dma source(%dma_start3A_80 : memref<10000x16xf32, #tpu.memory_space<vmem_shared>>) target(%arg7 : memref<128x16xf32, #tpu.memory_space<vmem>>) offsets(%dma_start3A_77 : memref<128xi32, #tpu.memory_space<vmem>>) semaphore(%arg13 : memref<!tpu.dma_semaphore, #tpu.memory_space<semaphore_mem>>)
      %dma_start3A_81 = arith.constant 0 : i32
      %dma_start3A_82 = tpu.memref_slice %arg6[%mul3A_73, %dma_start3A_81] : memref<40x128xi32, #tpu.memory_space<vmem>> -> memref<1x128xi32, #tpu.memory_space<vmem>>
      %dma_start3A_83 = tpu.memref_squeeze %dma_start3A_82 : memref<1x128xi32, #tpu.memory_space<vmem>> -> memref<128xi32, #tpu.memory_space<vmem>>
      %dma_start3A_84 = arith.constant 0 : i32
      %dma_start3A_85 = arith.constant 0 : i32
      %dma_start3A_86 = tpu.memref_slice %arg12[%dma_start3A_84, %dma_start3A_85] : memref<10000x16xf32, #tpu.memory_space<vmem_shared>> -> memref<10000x16xf32, #tpu.memory_space<vmem_shared>>
      tpu.enqueue_indirect_dma source(%dma_start3A_86 : memref<10000x16xf32, #tpu.memory_space<vmem_shared>>) target(%arg8 : memref<128x16xf32, #tpu.memory_space<vmem>>) offsets(%dma_start3A_83 : memref<128xi32, #tpu.memory_space<vmem>>) semaphore(%arg13 : memref<!tpu.dma_semaphore, #tpu.memory_space<semaphore_mem>>)
      %dma_start3A_87 = arith.constant 0 : i32
      %dma_start3A_88 = tpu.memref_slice %arg5[%add3A_75, %dma_start3A_87] : memref<40x128xi32, #tpu.memory_space<vmem>> -> memref<1x128xi32, #tpu.memory_space<vmem>>
      %dma_start3A_89 = tpu.memref_squeeze %dma_start3A_88 : memref<1x128xi32, #tpu.memory_space<vmem>> -> memref<128xi32, #tpu.memory_space<vmem>>
      %dma_start3A_90 = arith.constant 0 : i32
      %dma_start3A_91 = arith.constant 0 : i32
      %dma_start3A_92 = tpu.memref_slice %arg12[%dma_start3A_90, %dma_start3A_91] : memref<10000x16xf32, #tpu.memory_space<vmem_shared>> -> memref<10000x16xf32, #tpu.memory_space<vmem_shared>>
      tpu.enqueue_indirect_dma source(%dma_start3A_92 : memref<10000x16xf32, #tpu.memory_space<vmem_shared>>) target(%arg9 : memref<128x16xf32, #tpu.memory_space<vmem>>) offsets(%dma_start3A_89 : memref<128xi32, #tpu.memory_space<vmem>>) semaphore(%arg14 : memref<!tpu.dma_semaphore, #tpu.memory_space<semaphore_mem>>)
      %dma_start3A_93 = arith.constant 0 : i32
      %dma_start3A_94 = tpu.memref_slice %arg6[%add3A_75, %dma_start3A_93] : memref<40x128xi32, #tpu.memory_space<vmem>> -> memref<1x128xi32, #tpu.memory_space<vmem>>
      %dma_start3A_95 = tpu.memref_squeeze %dma_start3A_94 : memref<1x128xi32, #tpu.memory_space<vmem>> -> memref<128xi32, #tpu.memory_space<vmem>>
      %dma_start3A_96 = arith.constant 0 : i32
      %dma_start3A_97 = arith.constant 0 : i32
      %dma_start3A_98 = tpu.memref_slice %arg12[%dma_start3A_96, %dma_start3A_97] : memref<10000x16xf32, #tpu.memory_space<vmem_shared>> -> memref<10000x16xf32, #tpu.memory_space<vmem_shared>>
      tpu.enqueue_indirect_dma source(%dma_start3A_98 : memref<10000x16xf32, #tpu.memory_space<vmem_shared>>) target(%arg10 : memref<128x16xf32, #tpu.memory_space<vmem>>) offsets(%dma_start3A_95 : memref<128xi32, #tpu.memory_space<vmem>>) semaphore(%arg14 : memref<!tpu.dma_semaphore, #tpu.memory_space<semaphore_mem>>)
      %dma_wait3A = arith.constant 0 : i32
      %dma_wait3A_99 = tpu.memref_slice %arg5[%mul3A_73, %dma_wait3A] : memref<40x128xi32, #tpu.memory_space<vmem>> -> memref<1x128xi32, #tpu.memory_space<vmem>>
      %dma_wait3A_100 = tpu.memref_squeeze %dma_wait3A_99 : memref<1x128xi32, #tpu.memory_space<vmem>> -> memref<128xi32, #tpu.memory_space<vmem>>
      %dma_wait3A_101 = arith.constant 0 : i32
      %dma_wait3A_102 = arith.constant 0 : i32
      %dma_wait3A_103 = tpu.memref_slice %arg12[%dma_wait3A_101, %dma_wait3A_102] : memref<10000x16xf32, #tpu.memory_space<vmem_shared>> -> memref<10000x16xf32, #tpu.memory_space<vmem_shared>>
      tpu.wait_indirect_dma semaphore(%arg13 : memref<!tpu.dma_semaphore, #tpu.memory_space<semaphore_mem>>) src(%dma_wait3A_103 : memref<10000x16xf32, #tpu.memory_space<vmem_shared>>) dst(%arg7 : memref<128x16xf32, #tpu.memory_space<vmem>>)
      %dma_wait3A_104 = arith.constant 0 : i32
      %dma_wait3A_105 = tpu.memref_slice %arg6[%mul3A_73, %dma_wait3A_104] : memref<40x128xi32, #tpu.memory_space<vmem>> -> memref<1x128xi32, #tpu.memory_space<vmem>>
      %dma_wait3A_106 = tpu.memref_squeeze %dma_wait3A_105 : memref<1x128xi32, #tpu.memory_space<vmem>> -> memref<128xi32, #tpu.memory_space<vmem>>
      %dma_wait3A_107 = arith.constant 0 : i32
      %dma_wait3A_108 = arith.constant 0 : i32
      %dma_wait3A_109 = tpu.memref_slice %arg12[%dma_wait3A_107, %dma_wait3A_108] : memref<10000x16xf32, #tpu.memory_space<vmem_shared>> -> memref<10000x16xf32, #tpu.memory_space<vmem_shared>>
      tpu.wait_indirect_dma semaphore(%arg13 : memref<!tpu.dma_semaphore, #tpu.memory_space<semaphore_mem>>) src(%dma_wait3A_109 : memref<10000x16xf32, #tpu.memory_space<vmem_shared>>) dst(%arg8 : memref<128x16xf32, #tpu.memory_space<vmem>>)
      %scan3A = arith.constant 0 : i32
      %scan3A_110 = arith.constant 8 : i32
      %scan3A_111 = arith.addi %scan3A, %scan3A_110 : i32
      %scan3A_112 = arith.constant 1 : i32
      %scan3A_113:8 = scf.for %scan3A_133 = %scan3A to %scan3A_111 step %scan3A_112 iter_args(%scan3A_134 = %while3A_64, %scan3A_135 = %while3A_65, %scan3A_136 = %while3A_66, %scan3A_137 = %while3A_67, %scan3A_138 = %while3A_68, %scan3A_139 = %while3A_69, %scan3A_140 = %while3A_70, %scan3A_141 = %while3A_71) -> (vector<16xf32>, vector<16xf32>, vector<16xf32>, vector<16xf32>, vector<16xf32>, vector<16xf32>, vector<16xf32>, vector<16xf32>)  : i32 {
        %mul3A_142 = arith.constant 16 : i32
        %mul3A_143 = arith.muli %scan3A_133, %mul3A_142 : i32
        %add3A_144 = arith.constant 0 : i32
        %add3A_145 = arith.addi %mul3A_143, %add3A_144 : i32
        %get3A = arith.index_cast %add3A_145 : i32 to index
        %get3A_146 = arith.constant 0 : index
        %get3A_147 = tpu.vector_load %arg7[%get3A, %get3A_146] {strides = array<i32>} : memref<128x16xf32, #tpu.memory_space<vmem>>, vector<1x16xf32>,
        %get3A_148 = vector.shape_cast %get3A_147 : vector<1x16xf32> to vector<16xf32>
        %add3A_149 = arith.constant 0 : i32
        %add3A_150 = arith.addi %mul3A_143, %add3A_149 : i32
        %get3A_151 = arith.index_cast %add3A_150 : i32 to index
        %get3A_152 = arith.constant 0 : index
        %get3A_153 = tpu.vector_load %arg8[%get3A_151, %get3A_152] {strides = array<i32>} : memref<128x16xf32, #tpu.memory_space<vmem>>, vector<1x16xf32>,
        %get3A_154 = vector.shape_cast %get3A_153 : vector<1x16xf32> to vector<16xf32>
        %mul3A_155 = arith.mulf %get3A_148, %get3A_154 : vector<16xf32>
        %add3A_156 = arith.addf %scan3A_134, %mul3A_155 : vector<16xf32>
        %mul3A_157 = arith.mulf %get3A_148, %get3A_148 : vector<16xf32>
        %add3A_158 = arith.addf %scan3A_138, %mul3A_157 : vector<16xf32>
        %add3A_159 = arith.constant 1 : i32
        %add3A_160 = arith.addi %mul3A_143, %add3A_159 : i32
        %get3A_161 = arith.index_cast %add3A_160 : i32 to index
        %get3A_162 = arith.constant 0 : index
        %get3A_163 = tpu.vector_load %arg7[%get3A_161, %get3A_162] {strides = array<i32>} : memref<128x16xf32, #tpu.memory_space<vmem>>, vector<1x16xf32>,
        %get3A_164 = vector.shape_cast %get3A_163 : vector<1x16xf32> to vector<16xf32>
        %add3A_165 = arith.constant 1 : i32
        %add3A_166 = arith.addi %mul3A_143, %add3A_165 : i32
        %get3A_167 = arith.index_cast %add3A_166 : i32 to index
        %get3A_168 = arith.constant 0 : index
        %get3A_169 = tpu.vector_load %arg8[%get3A_167, %get3A_168] {strides = array<i32>} : memref<128x16xf32, #tpu.memory_space<vmem>>, vector<1x16xf32>,
        %get3A_170 = vector.shape_cast %get3A_169 : vector<1x16xf32> to vector<16xf32>
        %mul3A_171 = arith.mulf %get3A_164, %get3A_170 : vector<16xf32>
        %add3A_172 = arith.addf %scan3A_135, %mul3A_171 : vector<16xf32>
        %mul3A_173 = arith.mulf %get3A_164, %get3A_164 : vector<16xf32>
        %add3A_174 = arith.addf %scan3A_139, %mul3A_173 : vector<16xf32>
        %add3A_175 = arith.constant 2 : i32
        %add3A_176 = arith.addi %mul3A_143, %add3A_175 : i32
        %get3A_177 = arith.index_cast %add3A_176 : i32 to index
        %get3A_178 = arith.constant 0 : index
        %get3A_179 = tpu.vector_load %arg7[%get3A_177, %get3A_178] {strides = array<i32>} : memref<128x16xf32, #tpu.memory_space<vmem>>, vector<1x16xf32>,
        %get3A_180 = vector.shape_cast %get3A_179 : vector<1x16xf32> to vector<16xf32>
        %add3A_181 = arith.constant 2 : i32
        %add3A_182 = arith.addi %mul3A_143, %add3A_181 : i32
        %get3A_183 = arith.index_cast %add3A_182 : i32 to index
        %get3A_184 = arith.constant 0 : index
        %get3A_185 = tpu.vector_load %arg8[%get3A_183, %get3A_184] {strides = array<i32>} : memref<128x16xf32, #tpu.memory_space<vmem>>, vector<1x16xf32>,
        %get3A_186 = vector.shape_cast %get3A_185 : vector<1x16xf32> to vector<16xf32>
        %mul3A_187 = arith.mulf %get3A_180, %get3A_186 : vector<16xf32>
        %add3A_188 = arith.addf %scan3A_136, %mul3A_187 : vector<16xf32>
        %mul3A_189 = arith.mulf %get3A_180, %get3A_180 : vector<16xf32>
        %add3A_190 = arith.addf %scan3A_140, %mul3A_189 : vector<16xf32>
        %add3A_191 = arith.constant 3 : i32
        %add3A_192 = arith.addi %mul3A_143, %add3A_191 : i32
        %get3A_193 = arith.index_cast %add3A_192 : i32 to index
        %get3A_194 = arith.constant 0 : index
        %get3A_195 = tpu.vector_load %arg7[%get3A_193, %get3A_194] {strides = array<i32>} : memref<128x16xf32, #tpu.memory_space<vmem>>, vector<1x16xf32>,
        %get3A_196 = vector.shape_cast %get3A_195 : vector<1x16xf32> to vector<16xf32>
        %add3A_197 = arith.constant 3 : i32
        %add3A_198 = arith.addi %mul3A_143, %add3A_197 : i32
        %get3A_199 = arith.index_cast %add3A_198 : i32 to index
        %get3A_200 = arith.constant 0 : index
        %get3A_201 = tpu.vector_load %arg8[%get3A_199, %get3A_200] {strides = array<i32>} : memref<128x16xf32, #tpu.memory_space<vmem>>, vector<1x16xf32>,
        %get3A_202 = vector.shape_cast %get3A_201 : vector<1x16xf32> to vector<16xf32>
        %mul3A_203 = arith.mulf %get3A_196, %get3A_202 : vector<16xf32>
        %add3A_204 = arith.addf %scan3A_137, %mul3A_203 : vector<16xf32>
        %mul3A_205 = arith.mulf %get3A_196, %get3A_196 : vector<16xf32>
        %add3A_206 = arith.addf %scan3A_141, %mul3A_205 : vector<16xf32>
        %add3A_207 = arith.constant 4 : i32
        %add3A_208 = arith.addi %mul3A_143, %add3A_207 : i32
        %get3A_209 = arith.index_cast %add3A_208 : i32 to index
        %get3A_210 = arith.constant 0 : index
        %get3A_211 = tpu.vector_load %arg7[%get3A_209, %get3A_210] {strides = array<i32>} : memref<128x16xf32, #tpu.memory_space<vmem>>, vector<1x16xf32>,
        %get3A_212 = vector.shape_cast %get3A_211 : vector<1x16xf32> to vector<16xf32>
        %add3A_213 = arith.constant 4 : i32
        %add3A_214 = arith.addi %mul3A_143, %add3A_213 : i32
        %get3A_215 = arith.index_cast %add3A_214 : i32 to index
        %get3A_216 = arith.constant 0 : index
        %get3A_217 = tpu.vector_load %arg8[%get3A_215, %get3A_216] {strides = array<i32>} : memref<128x16xf32, #tpu.memory_space<vmem>>, vector<1x16xf32>,
        %get3A_218 = vector.shape_cast %get3A_217 : vector<1x16xf32> to vector<16xf32>
        %mul3A_219 = arith.mulf %get3A_212, %get3A_218 : vector<16xf32>
        %add3A_220 = arith.addf %add3A_156, %mul3A_219 : vector<16xf32>
        %mul3A_221 = arith.mulf %get3A_212, %get3A_212 : vector<16xf32>
        %add3A_222 = arith.addf %add3A_158, %mul3A_221 : vector<16xf32>
        %add3A_223 = arith.constant 5 : i32
        %add3A_224 = arith.addi %mul3A_143, %add3A_223 : i32
        %get3A_225 = arith.index_cast %add3A_224 : i32 to index
        %get3A_226 = arith.constant 0 : index
        %get3A_227 = tpu.vector_load %arg7[%get3A_225, %get3A_226] {strides = array<i32>} : memref<128x16xf32, #tpu.memory_space<vmem>>, vector<1x16xf32>,
        %get3A_228 = vector.shape_cast %get3A_227 : vector<1x16xf32> to vector<16xf32>
        %add3A_229 = arith.constant 5 : i32
        %add3A_230 = arith.addi %mul3A_143, %add3A_229 : i32
        %get3A_231 = arith.index_cast %add3A_230 : i32 to index
        %get3A_232 = arith.constant 0 : index
        %get3A_233 = tpu.vector_load %arg8[%get3A_231, %get3A_232] {strides = array<i32>} : memref<128x16xf32, #tpu.memory_space<vmem>>, vector<1x16xf32>,
        %get3A_234 = vector.shape_cast %get3A_233 : vector<1x16xf32> to vector<16xf32>
        %mul3A_235 = arith.mulf %get3A_228, %get3A_234 : vector<16xf32>
        %add3A_236 = arith.addf %add3A_172, %mul3A_235 : vector<16xf32>
        %mul3A_237 = arith.mulf %get3A_228, %get3A_228 : vector<16xf32>
        %add3A_238 = arith.addf %add3A_174, %mul3A_237 : vector<16xf32>
        %add3A_239 = arith.constant 6 : i32
        %add3A_240 = arith.addi %mul3A_143, %add3A_239 : i32
        %get3A_241 = arith.index_cast %add3A_240 : i32 to index
        %get3A_242 = arith.constant 0 : index
        %get3A_243 = tpu.vector_load %arg7[%get3A_241, %get3A_242] {strides = array<i32>} : memref<128x16xf32, #tpu.memory_space<vmem>>, vector<1x16xf32>,
        %get3A_244 = vector.shape_cast %get3A_243 : vector<1x16xf32> to vector<16xf32>
        %add3A_245 = arith.constant 6 : i32
        %add3A_246 = arith.addi %mul3A_143, %add3A_245 : i32
        %get3A_247 = arith.index_cast %add3A_246 : i32 to index
        %get3A_248 = arith.constant 0 : index
        %get3A_249 = tpu.vector_load %arg8[%get3A_247, %get3A_248] {strides = array<i32>} : memref<128x16xf32, #tpu.memory_space<vmem>>, vector<1x16xf32>,
        %get3A_250 = vector.shape_cast %get3A_249 : vector<1x16xf32> to vector<16xf32>
        %mul3A_251 = arith.mulf %get3A_244, %get3A_250 : vector<16xf32>
        %add3A_252 = arith.addf %add3A_188, %mul3A_251 : vector<16xf32>
        %mul3A_253 = arith.mulf %get3A_244, %get3A_244 : vector<16xf32>
        %add3A_254 = arith.addf %add3A_190, %mul3A_253 : vector<16xf32>
        %add3A_255 = arith.constant 7 : i32
        %add3A_256 = arith.addi %mul3A_143, %add3A_255 : i32
        %get3A_257 = arith.index_cast %add3A_256 : i32 to index
        %get3A_258 = arith.constant 0 : index
        %get3A_259 = tpu.vector_load %arg7[%get3A_257, %get3A_258] {strides = array<i32>} : memref<128x16xf32, #tpu.memory_space<vmem>>, vector<1x16xf32>,
        %get3A_260 = vector.shape_cast %get3A_259 : vector<1x16xf32> to vector<16xf32>
        %add3A_261 = arith.constant 7 : i32
        %add3A_262 = arith.addi %mul3A_143, %add3A_261 : i32
        %get3A_263 = arith.index_cast %add3A_262 : i32 to index
        %get3A_264 = arith.constant 0 : index
        %get3A_265 = tpu.vector_load %arg8[%get3A_263, %get3A_264] {strides = array<i32>} : memref<128x16xf32, #tpu.memory_space<vmem>>, vector<1x16xf32>,
        %get3A_266 = vector.shape_cast %get3A_265 : vector<1x16xf32> to vector<16xf32>
        %mul3A_267 = arith.mulf %get3A_260, %get3A_266 : vector<16xf32>
        %add3A_268 = arith.addf %add3A_204, %mul3A_267 : vector<16xf32>
        %mul3A_269 = arith.mulf %get3A_260, %get3A_260 : vector<16xf32>
        %add3A_270 = arith.addf %add3A_206, %mul3A_269 : vector<16xf32>
        %add3A_271 = arith.constant 8 : i32
        %add3A_272 = arith.addi %mul3A_143, %add3A_271 : i32
        %get3A_273 = arith.index_cast %add3A_272 : i32 to index
        %get3A_274 = arith.constant 0 : index
        %get3A_275 = tpu.vector_load %arg7[%get3A_273, %get3A_274] {strides = array<i32>} : memref<128x16xf32, #tpu.memory_space<vmem>>, vector<1x16xf32>,
        %get3A_276 = vector.shape_cast %get3A_275 : vector<1x16xf32> to vector<16xf32>
        %add3A_277 = arith.constant 8 : i32
        %add3A_278 = arith.addi %mul3A_143, %add3A_277 : i32
        %get3A_279 = arith.index_cast %add3A_278 : i32 to index
        %get3A_280 = arith.constant 0 : index
        %get3A_281 = tpu.vector_load %arg8[%get3A_279, %get3A_280] {strides = array<i32>} : memref<128x16xf32, #tpu.memory_space<vmem>>, vector<1x16xf32>,
        %get3A_282 = vector.shape_cast %get3A_281 : vector<1x16xf32> to vector<16xf32>
        %mul3A_283 = arith.mulf %get3A_276, %get3A_282 : vector<16xf32>
        %add3A_284 = arith.addf %add3A_220, %mul3A_283 : vector<16xf32>
        %mul3A_285 = arith.mulf %get3A_276, %get3A_276 : vector<16xf32>
        %add3A_286 = arith.addf %add3A_222, %mul3A_285 : vector<16xf32>
        %add3A_287 = arith.constant 9 : i32
        %add3A_288 = arith.addi %mul3A_143, %add3A_287 : i32
        %get3A_289 = arith.index_cast %add3A_288 : i32 to index
        %get3A_290 = arith.constant 0 : index
        %get3A_291 = tpu.vector_load %arg7[%get3A_289, %get3A_290] {strides = array<i32>} : memref<128x16xf32, #tpu.memory_space<vmem>>, vector<1x16xf32>,
        %get3A_292 = vector.shape_cast %get3A_291 : vector<1x16xf32> to vector<16xf32>
        %add3A_293 = arith.constant 9 : i32
        %add3A_294 = arith.addi %mul3A_143, %add3A_293 : i32
        %get3A_295 = arith.index_cast %add3A_294 : i32 to index
        %get3A_296 = arith.constant 0 : index
        %get3A_297 = tpu.vector_load %arg8[%get3A_295, %get3A_296] {strides = array<i32>} : memref<128x16xf32, #tpu.memory_space<vmem>>, vector<1x16xf32>,
        %get3A_298 = vector.shape_cast %get3A_297 : vector<1x16xf32> to vector<16xf32>
        %mul3A_299 = arith.mulf %get3A_292, %get3A_298 : vector<16xf32>
        %add3A_300 = arith.addf %add3A_236, %mul3A_299 : vector<16xf32>
        %mul3A_301 = arith.mulf %get3A_292, %get3A_292 : vector<16xf32>
        %add3A_302 = arith.addf %add3A_238, %mul3A_301 : vector<16xf32>
        %add3A_303 = arith.constant 10 : i32
        %add3A_304 = arith.addi %mul3A_143, %add3A_303 : i32
        %get3A_305 = arith.index_cast %add3A_304 : i32 to index
        %get3A_306 = arith.constant 0 : index
        %get3A_307 = tpu.vector_load %arg7[%get3A_305, %get3A_306] {strides = array<i32>} : memref<128x16xf32, #tpu.memory_space<vmem>>, vector<1x16xf32>,
        %get3A_308 = vector.shape_cast %get3A_307 : vector<1x16xf32> to vector<16xf32>
        %add3A_309 = arith.constant 10 : i32
        %add3A_310 = arith.addi %mul3A_143, %add3A_309 : i32
        %get3A_311 = arith.index_cast %add3A_310 : i32 to index
        %get3A_312 = arith.constant 0 : index
        %get3A_313 = tpu.vector_load %arg8[%get3A_311, %get3A_312] {strides = array<i32>} : memref<128x16xf32, #tpu.memory_space<vmem>>, vector<1x16xf32>,
        %get3A_314 = vector.shape_cast %get3A_313 : vector<1x16xf32> to vector<16xf32>
        %mul3A_315 = arith.mulf %get3A_308, %get3A_314 : vector<16xf32>
        %add3A_316 = arith.addf %add3A_252, %mul3A_315 : vector<16xf32>
        %mul3A_317 = arith.mulf %get3A_308, %get3A_308 : vector<16xf32>
        %add3A_318 = arith.addf %add3A_254, %mul3A_317 : vector<16xf32>
        %add3A_319 = arith.constant 11 : i32
        %add3A_320 = arith.addi %mul3A_143, %add3A_319 : i32
        %get3A_321 = arith.index_cast %add3A_320 : i32 to index
        %get3A_322 = arith.constant 0 : index
        %get3A_323 = tpu.vector_load %arg7[%get3A_321, %get3A_322] {strides = array<i32>} : memref<128x16xf32, #tpu.memory_space<vmem>>, vector<1x16xf32>,
        %get3A_324 = vector.shape_cast %get3A_323 : vector<1x16xf32> to vector<16xf32>
        %add3A_325 = arith.constant 11 : i32
        %add3A_326 = arith.addi %mul3A_143, %add3A_325 : i32
        %get3A_327 = arith.index_cast %add3A_326 : i32 to index
        %get3A_328 = arith.constant 0 : index
        %get3A_329 = tpu.vector_load %arg8[%get3A_327, %get3A_328] {strides = array<i32>} : memref<128x16xf32, #tpu.memory_space<vmem>>, vector<1x16xf32>,
        %get3A_330 = vector.shape_cast %get3A_329 : vector<1x16xf32> to vector<16xf32>
        %mul3A_331 = arith.mulf %get3A_324, %get3A_330 : vector<16xf32>
        %add3A_332 = arith.addf %add3A_268, %mul3A_331 : vector<16xf32>
        %mul3A_333 = arith.mulf %get3A_324, %get3A_324 : vector<16xf32>
        %add3A_334 = arith.addf %add3A_270, %mul3A_333 : vector<16xf32>
        %add3A_335 = arith.constant 12 : i32
        %add3A_336 = arith.addi %mul3A_143, %add3A_335 : i32
        %get3A_337 = arith.index_cast %add3A_336 : i32 to index
        %get3A_338 = arith.constant 0 : index
        %get3A_339 = tpu.vector_load %arg7[%get3A_337, %get3A_338] {strides = array<i32>} : memref<128x16xf32, #tpu.memory_space<vmem>>, vector<1x16xf32>,
        %get3A_340 = vector.shape_cast %get3A_339 : vector<1x16xf32> to vector<16xf32>
        %add3A_341 = arith.constant 12 : i32
        %add3A_342 = arith.addi %mul3A_143, %add3A_341 : i32
        %get3A_343 = arith.index_cast %add3A_342 : i32 to index
        %get3A_344 = arith.constant 0 : index
        %get3A_345 = tpu.vector_load %arg8[%get3A_343, %get3A_344] {strides = array<i32>} : memref<128x16xf32, #tpu.memory_space<vmem>>, vector<1x16xf32>,
        %get3A_346 = vector.shape_cast %get3A_345 : vector<1x16xf32> to vector<16xf32>
        %mul3A_347 = arith.mulf %get3A_340, %get3A_346 : vector<16xf32>
        %add3A_348 = arith.addf %add3A_284, %mul3A_347 : vector<16xf32>
        %mul3A_349 = arith.mulf %get3A_340, %get3A_340 : vector<16xf32>
        %add3A_350 = arith.addf %add3A_286, %mul3A_349 : vector<16xf32>
        %add3A_351 = arith.constant 13 : i32
        %add3A_352 = arith.addi %mul3A_143, %add3A_351 : i32
        %get3A_353 = arith.index_cast %add3A_352 : i32 to index
        %get3A_354 = arith.constant 0 : index
        %get3A_355 = tpu.vector_load %arg7[%get3A_353, %get3A_354] {strides = array<i32>} : memref<128x16xf32, #tpu.memory_space<vmem>>, vector<1x16xf32>,
        %get3A_356 = vector.shape_cast %get3A_355 : vector<1x16xf32> to vector<16xf32>
        %add3A_357 = arith.constant 13 : i32
        %add3A_358 = arith.addi %mul3A_143, %add3A_357 : i32
        %get3A_359 = arith.index_cast %add3A_358 : i32 to index
        %get3A_360 = arith.constant 0 : index
        %get3A_361 = tpu.vector_load %arg8[%get3A_359, %get3A_360] {strides = array<i32>} : memref<128x16xf32, #tpu.memory_space<vmem>>, vector<1x16xf32>,
        %get3A_362 = vector.shape_cast %get3A_361 : vector<1x16xf32> to vector<16xf32>
        %mul3A_363 = arith.mulf %get3A_356, %get3A_362 : vector<16xf32>
        %add3A_364 = arith.addf %add3A_300, %mul3A_363 : vector<16xf32>
        %mul3A_365 = arith.mulf %get3A_356, %get3A_356 : vector<16xf32>
        %add3A_366 = arith.addf %add3A_302, %mul3A_365 : vector<16xf32>
        %add3A_367 = arith.constant 14 : i32
        %add3A_368 = arith.addi %mul3A_143, %add3A_367 : i32
        %get3A_369 = arith.index_cast %add3A_368 : i32 to index
        %get3A_370 = arith.constant 0 : index
        %get3A_371 = tpu.vector_load %arg7[%get3A_369, %get3A_370] {strides = array<i32>} : memref<128x16xf32, #tpu.memory_space<vmem>>, vector<1x16xf32>,
        %get3A_372 = vector.shape_cast %get3A_371 : vector<1x16xf32> to vector<16xf32>
        %add3A_373 = arith.constant 14 : i32
        %add3A_374 = arith.addi %mul3A_143, %add3A_373 : i32
        %get3A_375 = arith.index_cast %add3A_374 : i32 to index
        %get3A_376 = arith.constant 0 : index
        %get3A_377 = tpu.vector_load %arg8[%get3A_375, %get3A_376] {strides = array<i32>} : memref<128x16xf32, #tpu.memory_space<vmem>>, vector<1x16xf32>,
        %get3A_378 = vector.shape_cast %get3A_377 : vector<1x16xf32> to vector<16xf32>
        %mul3A_379 = arith.mulf %get3A_372, %get3A_378 : vector<16xf32>
        %add3A_380 = arith.addf %add3A_316, %mul3A_379 : vector<16xf32>
        %mul3A_381 = arith.mulf %get3A_372, %get3A_372 : vector<16xf32>
        %add3A_382 = arith.addf %add3A_318, %mul3A_381 : vector<16xf32>
        %add3A_383 = arith.constant 15 : i32
        %add3A_384 = arith.addi %mul3A_143, %add3A_383 : i32
        %get3A_385 = arith.index_cast %add3A_384 : i32 to index
        %get3A_386 = arith.constant 0 : index
        %get3A_387 = tpu.vector_load %arg7[%get3A_385, %get3A_386] {strides = array<i32>} : memref<128x16xf32, #tpu.memory_space<vmem>>, vector<1x16xf32>,
        %get3A_388 = vector.shape_cast %get3A_387 : vector<1x16xf32> to vector<16xf32>
        %add3A_389 = arith.constant 15 : i32
        %add3A_390 = arith.addi %mul3A_143, %add3A_389 : i32
        %get3A_391 = arith.index_cast %add3A_390 : i32 to index
        %get3A_392 = arith.constant 0 : index
        %get3A_393 = tpu.vector_load %arg8[%get3A_391, %get3A_392] {strides = array<i32>} : memref<128x16xf32, #tpu.memory_space<vmem>>, vector<1x16xf32>,
        %get3A_394 = vector.shape_cast %get3A_393 : vector<1x16xf32> to vector<16xf32>
        %mul3A_395 = arith.mulf %get3A_388, %get3A_394 : vector<16xf32>
        %add3A_396 = arith.addf %add3A_332, %mul3A_395 : vector<16xf32>
        %mul3A_397 = arith.mulf %get3A_388, %get3A_388 : vector<16xf32>
        %add3A_398 = arith.addf %add3A_334, %mul3A_397 : vector<16xf32>
        scf.yield %add3A_348, %add3A_364, %add3A_380, %add3A_396, %add3A_350, %add3A_366, %add3A_382, %add3A_398 : vector<16xf32>, vector<16xf32>, vector<16xf32>, vector<16xf32>, vector<16xf32>, vector<16xf32>, vector<16xf32>, vector<16xf32>
      }
      %scan3A_114 = arith.constant 8 : i32
      %dma_wait3A_115 = arith.constant 0 : i32
      %dma_wait3A_116 = tpu.memref_slice %arg5[%add3A_75, %dma_wait3A_115] : memref<40x128xi32, #tpu.memory_space<vmem>> -> memref<1x128xi32, #tpu.memory_space<vmem>>
      %dma_wait3A_117 = tpu.memref_squeeze %dma_wait3A_116 : memref<1x128xi32, #tpu.memory_space<vmem>> -> memref<128xi32, #tpu.memory_space<vmem>>
      %dma_wait3A_118 = arith.constant 0 : i32
      %dma_wait3A_119 = arith.constant 0 : i32
      %dma_wait3A_120 = tpu.memref_slice %arg12[%dma_wait3A_118, %dma_wait3A_119] : memref<10000x16xf32, #tpu.memory_space<vmem_shared>> -> memref<10000x16xf32, #tpu.memory_space<vmem_shared>>
      tpu.wait_indirect_dma semaphore(%arg14 : memref<!tpu.dma_semaphore, #tpu.memory_space<semaphore_mem>>) src(%dma_wait3A_120 : memref<10000x16xf32, #tpu.memory_space<vmem_shared>>) dst(%arg9 : memref<128x16xf32, #tpu.memory_space<vmem>>)
      %dma_wait3A_121 = arith.constant 0 : i32
      %dma_wait3A_122 = tpu.memref_slice %arg6[%add3A_75, %dma_wait3A_121] : memref<40x128xi32, #tpu.memory_space<vmem>> -> memref<1x128xi32, #tpu.memory_space<vmem>>
      %dma_wait3A_123 = tpu.memref_squeeze %dma_wait3A_122 : memref<1x128xi32, #tpu.memory_space<vmem>> -> memref<128xi32, #tpu.memory_space<vmem>>
      %dma_wait3A_124 = arith.constant 0 : i32
      %dma_wait3A_125 = arith.constant 0 : i32
      %dma_wait3A_126 = tpu.memref_slice %arg12[%dma_wait3A_124, %dma_wait3A_125] : memref<10000x16xf32, #tpu.memory_space<vmem_shared>> -> memref<10000x16xf32, #tpu.memory_space<vmem_shared>>
      tpu.wait_indirect_dma semaphore(%arg14 : memref<!tpu.dma_semaphore, #tpu.memory_space<semaphore_mem>>) src(%dma_wait3A_126 : memref<10000x16xf32, #tpu.memory_space<vmem_shared>>) dst(%arg10 : memref<128x16xf32, #tpu.memory_space<vmem>>)
      %scan3A_127 = arith.constant 0 : i32
      %scan3A_128 = arith.constant 8 : i32
      %scan3A_129 = arith.addi %scan3A_127, %scan3A_128 : i32
      %scan3A_130 = arith.constant 1 : i32
      %scan3A_131:8 = scf.for %scan3A_133 = %scan3A_127 to %scan3A_129 step %scan3A_130 iter_args(%scan3A_134 = %scan3A_113#0, %scan3A_135 = %scan3A_113#1, %scan3A_136 = %scan3A_113#2, %scan3A_137 = %scan3A_113#3, %scan3A_138 = %scan3A_113#4, %scan3A_139 = %scan3A_113#5, %scan3A_140 = %scan3A_113#6, %scan3A_141 = %scan3A_113#7) -> (vector<16xf32>, vector<16xf32>, vector<16xf32>, vector<16xf32>, vector<16xf32>, vector<16xf32>, vector<16xf32>, vector<16xf32>)  : i32 {
        %mul3A_142 = arith.constant 16 : i32
        %mul3A_143 = arith.muli %scan3A_133, %mul3A_142 : i32
        %add3A_144 = arith.constant 0 : i32
        %add3A_145 = arith.addi %mul3A_143, %add3A_144 : i32
        %get3A = arith.index_cast %add3A_145 : i32 to index
        %get3A_146 = arith.constant 0 : index
        %get3A_147 = tpu.vector_load %arg9[%get3A, %get3A_146] {strides = array<i32>} : memref<128x16xf32, #tpu.memory_space<vmem>>, vector<1x16xf32>,
        %get3A_148 = vector.shape_cast %get3A_147 : vector<1x16xf32> to vector<16xf32>
        %add3A_149 = arith.constant 0 : i32
        %add3A_150 = arith.addi %mul3A_143, %add3A_149 : i32
        %get3A_151 = arith.index_cast %add3A_150 : i32 to index
        %get3A_152 = arith.constant 0 : index
        %get3A_153 = tpu.vector_load %arg10[%get3A_151, %get3A_152] {strides = array<i32>} : memref<128x16xf32, #tpu.memory_space<vmem>>, vector<1x16xf32>,
        %get3A_154 = vector.shape_cast %get3A_153 : vector<1x16xf32> to vector<16xf32>
        %mul3A_155 = arith.mulf %get3A_148, %get3A_154 : vector<16xf32>
        %add3A_156 = arith.addf %scan3A_134, %mul3A_155 : vector<16xf32>
        %mul3A_157 = arith.mulf %get3A_148, %get3A_148 : vector<16xf32>
        %add3A_158 = arith.addf %scan3A_138, %mul3A_157 : vector<16xf32>
        %add3A_159 = arith.constant 1 : i32
        %add3A_160 = arith.addi %mul3A_143, %add3A_159 : i32
        %get3A_161 = arith.index_cast %add3A_160 : i32 to index
        %get3A_162 = arith.constant 0 : index
        %get3A_163 = tpu.vector_load %arg9[%get3A_161, %get3A_162] {strides = array<i32>} : memref<128x16xf32, #tpu.memory_space<vmem>>, vector<1x16xf32>,
        %get3A_164 = vector.shape_cast %get3A_163 : vector<1x16xf32> to vector<16xf32>
        %add3A_165 = arith.constant 1 : i32
        %add3A_166 = arith.addi %mul3A_143, %add3A_165 : i32
        %get3A_167 = arith.index_cast %add3A_166 : i32 to index
        %get3A_168 = arith.constant 0 : index
        %get3A_169 = tpu.vector_load %arg10[%get3A_167, %get3A_168] {strides = array<i32>} : memref<128x16xf32, #tpu.memory_space<vmem>>, vector<1x16xf32>,
        %get3A_170 = vector.shape_cast %get3A_169 : vector<1x16xf32> to vector<16xf32>
        %mul3A_171 = arith.mulf %get3A_164, %get3A_170 : vector<16xf32>
        %add3A_172 = arith.addf %scan3A_135, %mul3A_171 : vector<16xf32>
        %mul3A_173 = arith.mulf %get3A_164, %get3A_164 : vector<16xf32>
        %add3A_174 = arith.addf %scan3A_139, %mul3A_173 : vector<16xf32>
        %add3A_175 = arith.constant 2 : i32
        %add3A_176 = arith.addi %mul3A_143, %add3A_175 : i32
        %get3A_177 = arith.index_cast %add3A_176 : i32 to index
        %get3A_178 = arith.constant 0 : index
        %get3A_179 = tpu.vector_load %arg9[%get3A_177, %get3A_178] {strides = array<i32>} : memref<128x16xf32, #tpu.memory_space<vmem>>, vector<1x16xf32>,
        %get3A_180 = vector.shape_cast %get3A_179 : vector<1x16xf32> to vector<16xf32>
        %add3A_181 = arith.constant 2 : i32
        %add3A_182 = arith.addi %mul3A_143, %add3A_181 : i32
        %get3A_183 = arith.index_cast %add3A_182 : i32 to index
        %get3A_184 = arith.constant 0 : index
        %get3A_185 = tpu.vector_load %arg10[%get3A_183, %get3A_184] {strides = array<i32>} : memref<128x16xf32, #tpu.memory_space<vmem>>, vector<1x16xf32>,
        %get3A_186 = vector.shape_cast %get3A_185 : vector<1x16xf32> to vector<16xf32>
        %mul3A_187 = arith.mulf %get3A_180, %get3A_186 : vector<16xf32>
        %add3A_188 = arith.addf %scan3A_136, %mul3A_187 : vector<16xf32>
        %mul3A_189 = arith.mulf %get3A_180, %get3A_180 : vector<16xf32>
        %add3A_190 = arith.addf %scan3A_140, %mul3A_189 : vector<16xf32>
        %add3A_191 = arith.constant 3 : i32
        %add3A_192 = arith.addi %mul3A_143, %add3A_191 : i32
        %get3A_193 = arith.index_cast %add3A_192 : i32 to index
        %get3A_194 = arith.constant 0 : index
        %get3A_195 = tpu.vector_load %arg9[%get3A_193, %get3A_194] {strides = array<i32>} : memref<128x16xf32, #tpu.memory_space<vmem>>, vector<1x16xf32>,
        %get3A_196 = vector.shape_cast %get3A_195 : vector<1x16xf32> to vector<16xf32>
        %add3A_197 = arith.constant 3 : i32
        %add3A_198 = arith.addi %mul3A_143, %add3A_197 : i32
        %get3A_199 = arith.index_cast %add3A_198 : i32 to index
        %get3A_200 = arith.constant 0 : index
        %get3A_201 = tpu.vector_load %arg10[%get3A_199, %get3A_200] {strides = array<i32>} : memref<128x16xf32, #tpu.memory_space<vmem>>, vector<1x16xf32>,
        %get3A_202 = vector.shape_cast %get3A_201 : vector<1x16xf32> to vector<16xf32>
        %mul3A_203 = arith.mulf %get3A_196, %get3A_202 : vector<16xf32>
        %add3A_204 = arith.addf %scan3A_137, %mul3A_203 : vector<16xf32>
        %mul3A_205 = arith.mulf %get3A_196, %get3A_196 : vector<16xf32>
        %add3A_206 = arith.addf %scan3A_141, %mul3A_205 : vector<16xf32>
        %add3A_207 = arith.constant 4 : i32
        %add3A_208 = arith.addi %mul3A_143, %add3A_207 : i32
        %get3A_209 = arith.index_cast %add3A_208 : i32 to index
        %get3A_210 = arith.constant 0 : index
        %get3A_211 = tpu.vector_load %arg9[%get3A_209, %get3A_210] {strides = array<i32>} : memref<128x16xf32, #tpu.memory_space<vmem>>, vector<1x16xf32>,
        %get3A_212 = vector.shape_cast %get3A_211 : vector<1x16xf32> to vector<16xf32>
        %add3A_213 = arith.constant 4 : i32
        %add3A_214 = arith.addi %mul3A_143, %add3A_213 : i32
        %get3A_215 = arith.index_cast %add3A_214 : i32 to index
        %get3A_216 = arith.constant 0 : index
        %get3A_217 = tpu.vector_load %arg10[%get3A_215, %get3A_216] {strides = array<i32>} : memref<128x16xf32, #tpu.memory_space<vmem>>, vector<1x16xf32>,
        %get3A_218 = vector.shape_cast %get3A_217 : vector<1x16xf32> to vector<16xf32>
        %mul3A_219 = arith.mulf %get3A_212, %get3A_218 : vector<16xf32>
        %add3A_220 = arith.addf %add3A_156, %mul3A_219 : vector<16xf32>
        %mul3A_221 = arith.mulf %get3A_212, %get3A_212 : vector<16xf32>
        %add3A_222 = arith.addf %add3A_158, %mul3A_221 : vector<16xf32>
        %add3A_223 = arith.constant 5 : i32
        %add3A_224 = arith.addi %mul3A_143, %add3A_223 : i32
        %get3A_225 = arith.index_cast %add3A_224 : i32 to index
        %get3A_226 = arith.constant 0 : index
        %get3A_227 = tpu.vector_load %arg9[%get3A_225, %get3A_226] {strides = array<i32>} : memref<128x16xf32, #tpu.memory_space<vmem>>, vector<1x16xf32>,
        %get3A_228 = vector.shape_cast %get3A_227 : vector<1x16xf32> to vector<16xf32>
        %add3A_229 = arith.constant 5 : i32
        %add3A_230 = arith.addi %mul3A_143, %add3A_229 : i32
        %get3A_231 = arith.index_cast %add3A_230 : i32 to index
        %get3A_232 = arith.constant 0 : index
        %get3A_233 = tpu.vector_load %arg10[%get3A_231, %get3A_232] {strides = array<i32>} : memref<128x16xf32, #tpu.memory_space<vmem>>, vector<1x16xf32>,
        %get3A_234 = vector.shape_cast %get3A_233 : vector<1x16xf32> to vector<16xf32>
        %mul3A_235 = arith.mulf %get3A_228, %get3A_234 : vector<16xf32>
        %add3A_236 = arith.addf %add3A_172, %mul3A_235 : vector<16xf32>
        %mul3A_237 = arith.mulf %get3A_228, %get3A_228 : vector<16xf32>
        %add3A_238 = arith.addf %add3A_174, %mul3A_237 : vector<16xf32>
        %add3A_239 = arith.constant 6 : i32
        %add3A_240 = arith.addi %mul3A_143, %add3A_239 : i32
        %get3A_241 = arith.index_cast %add3A_240 : i32 to index
        %get3A_242 = arith.constant 0 : index
        %get3A_243 = tpu.vector_load %arg9[%get3A_241, %get3A_242] {strides = array<i32>} : memref<128x16xf32, #tpu.memory_space<vmem>>, vector<1x16xf32>,
        %get3A_244 = vector.shape_cast %get3A_243 : vector<1x16xf32> to vector<16xf32>
        %add3A_245 = arith.constant 6 : i32
        %add3A_246 = arith.addi %mul3A_143, %add3A_245 : i32
        %get3A_247 = arith.index_cast %add3A_246 : i32 to index
        %get3A_248 = arith.constant 0 : index
        %get3A_249 = tpu.vector_load %arg10[%get3A_247, %get3A_248] {strides = array<i32>} : memref<128x16xf32, #tpu.memory_space<vmem>>, vector<1x16xf32>,
        %get3A_250 = vector.shape_cast %get3A_249 : vector<1x16xf32> to vector<16xf32>
        %mul3A_251 = arith.mulf %get3A_244, %get3A_250 : vector<16xf32>
        %add3A_252 = arith.addf %add3A_188, %mul3A_251 : vector<16xf32>
        %mul3A_253 = arith.mulf %get3A_244, %get3A_244 : vector<16xf32>
        %add3A_254 = arith.addf %add3A_190, %mul3A_253 : vector<16xf32>
        %add3A_255 = arith.constant 7 : i32
        %add3A_256 = arith.addi %mul3A_143, %add3A_255 : i32
        %get3A_257 = arith.index_cast %add3A_256 : i32 to index
        %get3A_258 = arith.constant 0 : index
        %get3A_259 = tpu.vector_load %arg9[%get3A_257, %get3A_258] {strides = array<i32>} : memref<128x16xf32, #tpu.memory_space<vmem>>, vector<1x16xf32>,
        %get3A_260 = vector.shape_cast %get3A_259 : vector<1x16xf32> to vector<16xf32>
        %add3A_261 = arith.constant 7 : i32
        %add3A_262 = arith.addi %mul3A_143, %add3A_261 : i32
        %get3A_263 = arith.index_cast %add3A_262 : i32 to index
        %get3A_264 = arith.constant 0 : index
        %get3A_265 = tpu.vector_load %arg10[%get3A_263, %get3A_264] {strides = array<i32>} : memref<128x16xf32, #tpu.memory_space<vmem>>, vector<1x16xf32>,
        %get3A_266 = vector.shape_cast %get3A_265 : vector<1x16xf32> to vector<16xf32>
        %mul3A_267 = arith.mulf %get3A_260, %get3A_266 : vector<16xf32>
        %add3A_268 = arith.addf %add3A_204, %mul3A_267 : vector<16xf32>
        %mul3A_269 = arith.mulf %get3A_260, %get3A_260 : vector<16xf32>
        %add3A_270 = arith.addf %add3A_206, %mul3A_269 : vector<16xf32>
        %add3A_271 = arith.constant 8 : i32
        %add3A_272 = arith.addi %mul3A_143, %add3A_271 : i32
        %get3A_273 = arith.index_cast %add3A_272 : i32 to index
        %get3A_274 = arith.constant 0 : index
        %get3A_275 = tpu.vector_load %arg9[%get3A_273, %get3A_274] {strides = array<i32>} : memref<128x16xf32, #tpu.memory_space<vmem>>, vector<1x16xf32>,
        %get3A_276 = vector.shape_cast %get3A_275 : vector<1x16xf32> to vector<16xf32>
        %add3A_277 = arith.constant 8 : i32
        %add3A_278 = arith.addi %mul3A_143, %add3A_277 : i32
        %get3A_279 = arith.index_cast %add3A_278 : i32 to index
        %get3A_280 = arith.constant 0 : index
        %get3A_281 = tpu.vector_load %arg10[%get3A_279, %get3A_280] {strides = array<i32>} : memref<128x16xf32, #tpu.memory_space<vmem>>, vector<1x16xf32>,
        %get3A_282 = vector.shape_cast %get3A_281 : vector<1x16xf32> to vector<16xf32>
        %mul3A_283 = arith.mulf %get3A_276, %get3A_282 : vector<16xf32>
        %add3A_284 = arith.addf %add3A_220, %mul3A_283 : vector<16xf32>
        %mul3A_285 = arith.mulf %get3A_276, %get3A_276 : vector<16xf32>
        %add3A_286 = arith.addf %add3A_222, %mul3A_285 : vector<16xf32>
        %add3A_287 = arith.constant 9 : i32
        %add3A_288 = arith.addi %mul3A_143, %add3A_287 : i32
        %get3A_289 = arith.index_cast %add3A_288 : i32 to index
        %get3A_290 = arith.constant 0 : index
        %get3A_291 = tpu.vector_load %arg9[%get3A_289, %get3A_290] {strides = array<i32>} : memref<128x16xf32, #tpu.memory_space<vmem>>, vector<1x16xf32>,
        %get3A_292 = vector.shape_cast %get3A_291 : vector<1x16xf32> to vector<16xf32>
        %add3A_293 = arith.constant 9 : i32
        %add3A_294 = arith.addi %mul3A_143, %add3A_293 : i32
        %get3A_295 = arith.index_cast %add3A_294 : i32 to index
        %get3A_296 = arith.constant 0 : index
        %get3A_297 = tpu.vector_load %arg10[%get3A_295, %get3A_296] {strides = array<i32>} : memref<128x16xf32, #tpu.memory_space<vmem>>, vector<1x16xf32>,
        %get3A_298 = vector.shape_cast %get3A_297 : vector<1x16xf32> to vector<16xf32>
        %mul3A_299 = arith.mulf %get3A_292, %get3A_298 : vector<16xf32>
        %add3A_300 = arith.addf %add3A_236, %mul3A_299 : vector<16xf32>
        %mul3A_301 = arith.mulf %get3A_292, %get3A_292 : vector<16xf32>
        %add3A_302 = arith.addf %add3A_238, %mul3A_301 : vector<16xf32>
        %add3A_303 = arith.constant 10 : i32
        %add3A_304 = arith.addi %mul3A_143, %add3A_303 : i32
        %get3A_305 = arith.index_cast %add3A_304 : i32 to index
        %get3A_306 = arith.constant 0 : index
        %get3A_307 = tpu.vector_load %arg9[%get3A_305, %get3A_306] {strides = array<i32>} : memref<128x16xf32, #tpu.memory_space<vmem>>, vector<1x16xf32>,
        %get3A_308 = vector.shape_cast %get3A_307 : vector<1x16xf32> to vector<16xf32>
        %add3A_309 = arith.constant 10 : i32
        %add3A_310 = arith.addi %mul3A_143, %add3A_309 : i32
        %get3A_311 = arith.index_cast %add3A_310 : i32 to index
        %get3A_312 = arith.constant 0 : index
        %get3A_313 = tpu.vector_load %arg10[%get3A_311, %get3A_312] {strides = array<i32>} : memref<128x16xf32, #tpu.memory_space<vmem>>, vector<1x16xf32>,
        %get3A_314 = vector.shape_cast %get3A_313 : vector<1x16xf32> to vector<16xf32>
        %mul3A_315 = arith.mulf %get3A_308, %get3A_314 : vector<16xf32>
        %add3A_316 = arith.addf %add3A_252, %mul3A_315 : vector<16xf32>
        %mul3A_317 = arith.mulf %get3A_308, %get3A_308 : vector<16xf32>
        %add3A_318 = arith.addf %add3A_254, %mul3A_317 : vector<16xf32>
        %add3A_319 = arith.constant 11 : i32
        %add3A_320 = arith.addi %mul3A_143, %add3A_319 : i32
        %get3A_321 = arith.index_cast %add3A_320 : i32 to index
        %get3A_322 = arith.constant 0 : index
        %get3A_323 = tpu.vector_load %arg9[%get3A_321, %get3A_322] {strides = array<i32>} : memref<128x16xf32, #tpu.memory_space<vmem>>, vector<1x16xf32>,
        %get3A_324 = vector.shape_cast %get3A_323 : vector<1x16xf32> to vector<16xf32>
        %add3A_325 = arith.constant 11 : i32
        %add3A_326 = arith.addi %mul3A_143, %add3A_325 : i32
        %get3A_327 = arith.index_cast %add3A_326 : i32 to index
        %get3A_328 = arith.constant 0 : index
        %get3A_329 = tpu.vector_load %arg10[%get3A_327, %get3A_328] {strides = array<i32>} : memref<128x16xf32, #tpu.memory_space<vmem>>, vector<1x16xf32>,
        %get3A_330 = vector.shape_cast %get3A_329 : vector<1x16xf32> to vector<16xf32>
        %mul3A_331 = arith.mulf %get3A_324, %get3A_330 : vector<16xf32>
        %add3A_332 = arith.addf %add3A_268, %mul3A_331 : vector<16xf32>
        %mul3A_333 = arith.mulf %get3A_324, %get3A_324 : vector<16xf32>
        %add3A_334 = arith.addf %add3A_270, %mul3A_333 : vector<16xf32>
        %add3A_335 = arith.constant 12 : i32
        %add3A_336 = arith.addi %mul3A_143, %add3A_335 : i32
        %get3A_337 = arith.index_cast %add3A_336 : i32 to index
        %get3A_338 = arith.constant 0 : index
        %get3A_339 = tpu.vector_load %arg9[%get3A_337, %get3A_338] {strides = array<i32>} : memref<128x16xf32, #tpu.memory_space<vmem>>, vector<1x16xf32>,
        %get3A_340 = vector.shape_cast %get3A_339 : vector<1x16xf32> to vector<16xf32>
        %add3A_341 = arith.constant 12 : i32
        %add3A_342 = arith.addi %mul3A_143, %add3A_341 : i32
        %get3A_343 = arith.index_cast %add3A_342 : i32 to index
        %get3A_344 = arith.constant 0 : index
        %get3A_345 = tpu.vector_load %arg10[%get3A_343, %get3A_344] {strides = array<i32>} : memref<128x16xf32, #tpu.memory_space<vmem>>, vector<1x16xf32>,
        %get3A_346 = vector.shape_cast %get3A_345 : vector<1x16xf32> to vector<16xf32>
        %mul3A_347 = arith.mulf %get3A_340, %get3A_346 : vector<16xf32>
        %add3A_348 = arith.addf %add3A_284, %mul3A_347 : vector<16xf32>
        %mul3A_349 = arith.mulf %get3A_340, %get3A_340 : vector<16xf32>
        %add3A_350 = arith.addf %add3A_286, %mul3A_349 : vector<16xf32>
        %add3A_351 = arith.constant 13 : i32
        %add3A_352 = arith.addi %mul3A_143, %add3A_351 : i32
        %get3A_353 = arith.index_cast %add3A_352 : i32 to index
        %get3A_354 = arith.constant 0 : index
        %get3A_355 = tpu.vector_load %arg9[%get3A_353, %get3A_354] {strides = array<i32>} : memref<128x16xf32, #tpu.memory_space<vmem>>, vector<1x16xf32>,
        %get3A_356 = vector.shape_cast %get3A_355 : vector<1x16xf32> to vector<16xf32>
        %add3A_357 = arith.constant 13 : i32
        %add3A_358 = arith.addi %mul3A_143, %add3A_357 : i32
        %get3A_359 = arith.index_cast %add3A_358 : i32 to index
        %get3A_360 = arith.constant 0 : index
        %get3A_361 = tpu.vector_load %arg10[%get3A_359, %get3A_360] {strides = array<i32>} : memref<128x16xf32, #tpu.memory_space<vmem>>, vector<1x16xf32>,
        %get3A_362 = vector.shape_cast %get3A_361 : vector<1x16xf32> to vector<16xf32>
        %mul3A_363 = arith.mulf %get3A_356, %get3A_362 : vector<16xf32>
        %add3A_364 = arith.addf %add3A_300, %mul3A_363 : vector<16xf32>
        %mul3A_365 = arith.mulf %get3A_356, %get3A_356 : vector<16xf32>
        %add3A_366 = arith.addf %add3A_302, %mul3A_365 : vector<16xf32>
        %add3A_367 = arith.constant 14 : i32
        %add3A_368 = arith.addi %mul3A_143, %add3A_367 : i32
        %get3A_369 = arith.index_cast %add3A_368 : i32 to index
        %get3A_370 = arith.constant 0 : index
        %get3A_371 = tpu.vector_load %arg9[%get3A_369, %get3A_370] {strides = array<i32>} : memref<128x16xf32, #tpu.memory_space<vmem>>, vector<1x16xf32>,
        %get3A_372 = vector.shape_cast %get3A_371 : vector<1x16xf32> to vector<16xf32>
        %add3A_373 = arith.constant 14 : i32
        %add3A_374 = arith.addi %mul3A_143, %add3A_373 : i32
        %get3A_375 = arith.index_cast %add3A_374 : i32 to index
        %get3A_376 = arith.constant 0 : index
        %get3A_377 = tpu.vector_load %arg10[%get3A_375, %get3A_376] {strides = array<i32>} : memref<128x16xf32, #tpu.memory_space<vmem>>, vector<1x16xf32>,
        %get3A_378 = vector.shape_cast %get3A_377 : vector<1x16xf32> to vector<16xf32>
        %mul3A_379 = arith.mulf %get3A_372, %get3A_378 : vector<16xf32>
        %add3A_380 = arith.addf %add3A_316, %mul3A_379 : vector<16xf32>
        %mul3A_381 = arith.mulf %get3A_372, %get3A_372 : vector<16xf32>
        %add3A_382 = arith.addf %add3A_318, %mul3A_381 : vector<16xf32>
        %add3A_383 = arith.constant 15 : i32
        %add3A_384 = arith.addi %mul3A_143, %add3A_383 : i32
        %get3A_385 = arith.index_cast %add3A_384 : i32 to index
        %get3A_386 = arith.constant 0 : index
        %get3A_387 = tpu.vector_load %arg9[%get3A_385, %get3A_386] {strides = array<i32>} : memref<128x16xf32, #tpu.memory_space<vmem>>, vector<1x16xf32>,
        %get3A_388 = vector.shape_cast %get3A_387 : vector<1x16xf32> to vector<16xf32>
        %add3A_389 = arith.constant 15 : i32
        %add3A_390 = arith.addi %mul3A_143, %add3A_389 : i32
        %get3A_391 = arith.index_cast %add3A_390 : i32 to index
        %get3A_392 = arith.constant 0 : index
        %get3A_393 = tpu.vector_load %arg10[%get3A_391, %get3A_392] {strides = array<i32>} : memref<128x16xf32, #tpu.memory_space<vmem>>, vector<1x16xf32>,
        %get3A_394 = vector.shape_cast %get3A_393 : vector<1x16xf32> to vector<16xf32>
        %mul3A_395 = arith.mulf %get3A_388, %get3A_394 : vector<16xf32>
        %add3A_396 = arith.addf %add3A_332, %mul3A_395 : vector<16xf32>
        %mul3A_397 = arith.mulf %get3A_388, %get3A_388 : vector<16xf32>
        %add3A_398 = arith.addf %add3A_334, %mul3A_397 : vector<16xf32>
        scf.yield %add3A_348, %add3A_364, %add3A_380, %add3A_396, %add3A_350, %add3A_366, %add3A_382, %add3A_398 : vector<16xf32>, vector<16xf32>, vector<16xf32>, vector<16xf32>, vector<16xf32>, vector<16xf32>, vector<16xf32>, vector<16xf32>
      }
      %scan3A_132 = arith.constant 8 : i32
      scf.yield %scan3A_131#0, %scan3A_131#1, %scan3A_131#2, %scan3A_131#3, %scan3A_131#4, %scan3A_131#5, %scan3A_131#6, %scan3A_131#7 : vector<16xf32>, vector<16xf32>, vector<16xf32>, vector<16xf32>, vector<16xf32>, vector<16xf32>, vector<16xf32>, vector<16xf32>
    }
    %add3A_44 = arith.addf %while3A_43#0, %while3A_43#1 : vector<16xf32>
    %add3A_45 = arith.addf %add3A_44, %while3A_43#2 : vector<16xf32>
    %add3A_46 = arith.addf %add3A_45, %while3A_43#3 : vector<16xf32>
    %swap3A = arith.constant 0 : i32
    %swap3A_47 = arith.index_cast %swap3A : i32 to index
    %swap3A_48 = arith.constant 0 : index
    %swap3A_49 = tpu.vector_load %arg11[%swap3A_47, %swap3A_48] {strides = array<i32>} : memref<2x16xf32, #tpu.memory_space<vmem>>, vector<1x16xf32>,
    %swap3A_50 = vector.shape_cast %swap3A_49 : vector<1x16xf32> to vector<16xf32>
    %swap3A_51 = vector.shape_cast %add3A_46 : vector<16xf32> to vector<1x16xf32>
    tpu.vector_store %arg11[%swap3A_47, %swap3A_48], %swap3A_51 {strides = array<i32>} : memref<2x16xf32, #tpu.memory_space<vmem>>, vector<1x16xf32>,
    %add3A_52 = arith.addf %while3A_43#4, %while3A_43#5 : vector<16xf32>
    %add3A_53 = arith.addf %add3A_52, %while3A_43#6 : vector<16xf32>
    %add3A_54 = arith.addf %add3A_53, %while3A_43#7 : vector<16xf32>
    %swap3A_55 = arith.constant 1 : i32
    %swap3A_56 = arith.index_cast %swap3A_55 : i32 to index
    %swap3A_57 = arith.constant 0 : index
    %swap3A_58 = tpu.vector_load %arg11[%swap3A_56, %swap3A_57] {strides = array<i32>} : memref<2x16xf32, #tpu.memory_space<vmem>>, vector<1x16xf32>,
    %swap3A_59 = vector.shape_cast %swap3A_58 : vector<1x16xf32> to vector<16xf32>
    %swap3A_60 = vector.shape_cast %add3A_54 : vector<16xf32> to vector<1x16xf32>
    tpu.vector_store %arg11[%swap3A_56, %swap3A_57], %swap3A_60 {strides = array<i32>} : memref<2x16xf32, #tpu.memory_space<vmem>>, vector<1x16xf32>,
    %mul3A_61 = arith.constant 2 : i32
    %mul3A_62 = arith.muli %add3A, %mul3A_61 : i32
    "tpu.region"() ({
      %run_scoped3A_63 = tpu.sem_alloc : memref<!tpu.dma_semaphore, #tpu.memory_space<semaphore_mem>>
      %dma_start3A = arith.constant 0 : i32
      %dma_start3A_64 = tpu.memref_slice %arg4[%mul3A_62, %dma_start3A] : memref<64x16xf32, #tpu.memory_space<hbm>> -> memref<2x16xf32, #tpu.memory_space<hbm>>
      %dma_start3A_65 = arith.constant 0 : i32
      %dma_start3A_66 = tpu.memref_slice %arg4[%mul3A_62, %dma_start3A_65] : memref<64x16xf32, #tpu.memory_space<hbm>> -> memref<2x16xf32, #tpu.memory_space<hbm>>
      tpu.enqueue_dma source(%arg11 : memref<2x16xf32, #tpu.memory_space<vmem>>) target(%dma_start3A_66 : memref<2x16xf32, #tpu.memory_space<hbm>>) target_semaphore(%run_scoped3A_63 : memref<!tpu.dma_semaphore, #tpu.memory_space<semaphore_mem>>)
      %dma_wait3A = arith.constant 0 : i32
      %dma_wait3A_67 = tpu.memref_slice %arg4[%mul3A_62, %dma_wait3A] : memref<64x16xf32, #tpu.memory_space<hbm>> -> memref<2x16xf32, #tpu.memory_space<hbm>>
      %dma_wait3A_68 = arith.constant 0 : i32
      %dma_wait3A_69 = tpu.memref_slice %arg4[%mul3A_62, %dma_wait3A_68] : memref<64x16xf32, #tpu.memory_space<hbm>> -> memref<2x16xf32, #tpu.memory_space<hbm>>
      tpu.wait_dma2 semaphore(%run_scoped3A_63 : memref<!tpu.dma_semaphore, #tpu.memory_space<semaphore_mem>>) src(%arg11 : memref<2x16xf32, #tpu.memory_space<vmem>>) dst(%dma_wait3A_69 : memref<2x16xf32, #tpu.memory_space<hbm>>)
      tpu.yield
    }) : () -> ()
    return
  }
}

#map = affine_map<(d0, d1) -> (0, 0)>
#map1 = affine_map<(d0, d1) -> (0, 0, 0)>
module attributes {stable_mosaic.version = 14 : i64} {
  func.func @k(%arg0: i32, %arg1: i32, %arg2: memref<10000x32xf32, #tpu.memory_space<hbm>>, %arg3: memref<2x1280x128xi32, #tpu.memory_space<hbm>>, %arg4: memref<20224x32xf32, #tpu.memory_space<hbm>>, %arg5: memref<40x128xi32, #tpu.memory_space<vmem>>, %arg6: memref<40x128xi32, #tpu.memory_space<vmem>>, %arg7: memref<128x32xf32, #tpu.memory_space<vmem>>, %arg8: memref<128x32xf32, #tpu.memory_space<vmem>>, %arg9: memref<128x32xf32, #tpu.memory_space<vmem>>, %arg10: memref<128x32xf32, #tpu.memory_space<vmem>>, %arg11: memref<632x32xf32, #tpu.memory_space<vmem>>, %arg12: memref<10112x32xf32, #tpu.memory_space<vmem_shared>>, %arg13: memref<10000x32xf32, #tpu.memory_space<vmem_shared>>, %arg14: memref<!tpu.dma_semaphore, #tpu.memory_space<semaphore_mem>>, %arg15: memref<!tpu.dma_semaphore, #tpu.memory_space<semaphore_mem>>, %arg16: memref<!tpu.dma_semaphore, #tpu.memory_space<semaphore_mem>>, %arg17: memref<!tpu.dma_semaphore, #tpu.memory_space<semaphore_mem>>, %arg18: memref<!tpu.dma_semaphore, #tpu.memory_space<semaphore_mem>>, %arg19: memref<!tpu.dma_semaphore, #tpu.memory_space<semaphore_mem>>, %arg20: memref<!tpu.dma_semaphore, #tpu.memory_space<semaphore_mem>>, %arg21: memref<!tpu.dma_semaphore, #tpu.memory_space<semaphore_mem>>) attributes {dimension_semantics = [#tpu.dimension_semantics<core_parallel>, #tpu.dimension_semantics<subcore_parallel>], iteration_bounds = array<i64: 2, 16>, scalar_prefetch = 0 : i64, scratch_operands = 17 : i64, tpu.core_type = #tpu.core_type<sc_vector_subcore>, window_params = [{transform_indices = #map}, {transform_indices = #map1}, {transform_indices = #map}]} {
    %mul3A = arith.constant 2 : i32
    %mul3A_0 = arith.muli %arg1, %mul3A : i32
    %add3A = arith.addi %mul3A_0, %arg0 : i32
    %mul3A_1 = arith.constant 624 : i32
    %mul3A_2 = arith.muli %arg1, %mul3A_1 : i32
    %mul3A_3 = arith.constant 624 : i32
    %mul3A_4 = arith.muli %arg1, %mul3A_3 : i32
    "tpu.region"() ({
      %run_scoped3A_81 = tpu.sem_alloc : memref<!tpu.dma_semaphore, #tpu.memory_space<semaphore_mem>>
      %dma_start3A = arith.constant 0 : i32
      %dma_start3A_82 = tpu.memref_slice %arg13[%mul3A_4, %dma_start3A] : memref<10000x32xf32, #tpu.memory_space<vmem_shared>> -> memref<624x32xf32, #tpu.memory_space<vmem_shared>>
      %dma_start3A_83 = arith.constant 0 : i32
      %dma_start3A_84 = tpu.memref_slice %arg2[%mul3A_2, %dma_start3A_83] : memref<10000x32xf32, #tpu.memory_space<hbm>> -> memref<624x32xf32, #tpu.memory_space<hbm>>
      tpu.enqueue_dma source(%dma_start3A_84 : memref<624x32xf32, #tpu.memory_space<hbm>>) target(%dma_start3A_82 : memref<624x32xf32, #tpu.memory_space<vmem_shared>>) target_semaphore(%run_scoped3A_81 : memref<!tpu.dma_semaphore, #tpu.memory_space<semaphore_mem>>)
      %dma_wait3A = arith.constant 0 : i32
      %dma_wait3A_85 = tpu.memref_slice %arg13[%mul3A_4, %dma_wait3A] : memref<10000x32xf32, #tpu.memory_space<vmem_shared>> -> memref<624x32xf32, #tpu.memory_space<vmem_shared>>
      %dma_wait3A_86 = arith.constant 0 : i32
      %dma_wait3A_87 = tpu.memref_slice %arg2[%mul3A_2, %dma_wait3A_86] : memref<10000x32xf32, #tpu.memory_space<hbm>> -> memref<624x32xf32, #tpu.memory_space<hbm>>
      tpu.wait_dma2 semaphore(%run_scoped3A_81 : memref<!tpu.dma_semaphore, #tpu.memory_space<semaphore_mem>>) src(%dma_wait3A_87 : memref<624x32xf32, #tpu.memory_space<hbm>>) dst(%dma_wait3A_85 : memref<624x32xf32, #tpu.memory_space<vmem_shared>>)
      tpu.yield
    }) : () -> ()
    %eq3A = arith.constant 15 : i32
    %eq3A_5 = arith.cmpi eq, %arg1, %eq3A : i32
    %convert_element_type3A = arith.extui %eq3A_5 : i1 to i32
    %cond3A = arith.constant 0 : i32
    %cond3A_6 = arith.cmpi ne, %convert_element_type3A, %cond3A : i32
    scf.if %cond3A_6 {
      "tpu.region"() ({
        %run_scoped3A_81 = tpu.sem_alloc : memref<!tpu.dma_semaphore, #tpu.memory_space<semaphore_mem>>
        %dma_start3A = arith.constant 9984 : i32
        %dma_start3A_82 = arith.constant 0 : i32
        %dma_start3A_83 = tpu.memref_slice %arg13[%dma_start3A, %dma_start3A_82] : memref<10000x32xf32, #tpu.memory_space<vmem_shared>> -> memref<16x32xf32, #tpu.memory_space<vmem_shared>>
        %dma_start3A_84 = arith.constant 9984 : i32
        %dma_start3A_85 = arith.constant 0 : i32
        %dma_start3A_86 = tpu.memref_slice %arg2[%dma_start3A_84, %dma_start3A_85] : memref<10000x32xf32, #tpu.memory_space<hbm>> -> memref<16x32xf32, #tpu.memory_space<hbm>>
        tpu.enqueue_dma source(%dma_start3A_86 : memref<16x32xf32, #tpu.memory_space<hbm>>) target(%dma_start3A_83 : memref<16x32xf32, #tpu.memory_space<vmem_shared>>) target_semaphore(%run_scoped3A_81 : memref<!tpu.dma_semaphore, #tpu.memory_space<semaphore_mem>>)
        %dma_wait3A = arith.constant 9984 : i32
        %dma_wait3A_87 = arith.constant 0 : i32
        %dma_wait3A_88 = tpu.memref_slice %arg13[%dma_wait3A, %dma_wait3A_87] : memref<10000x32xf32, #tpu.memory_space<vmem_shared>> -> memref<16x32xf32, #tpu.memory_space<vmem_shared>>
        %dma_wait3A_89 = arith.constant 9984 : i32
        %dma_wait3A_90 = arith.constant 0 : i32
        %dma_wait3A_91 = tpu.memref_slice %arg2[%dma_wait3A_89, %dma_wait3A_90] : memref<10000x32xf32, #tpu.memory_space<hbm>> -> memref<16x32xf32, #tpu.memory_space<hbm>>
        tpu.wait_dma2 semaphore(%run_scoped3A_81 : memref<!tpu.dma_semaphore, #tpu.memory_space<semaphore_mem>>) src(%dma_wait3A_91 : memref<16x32xf32, #tpu.memory_space<hbm>>) dst(%dma_wait3A_88 : memref<16x32xf32, #tpu.memory_space<vmem_shared>>)
        tpu.yield
      }) : () -> ()
    } else {
    }
    %mul3A_7 = arith.constant 40 : i32
    %mul3A_8 = arith.muli %add3A, %mul3A_7 : i32
    %run_scoped3A = arith.constant 0 : i32
    "tpu.region"() ({
      %run_scoped3A_81 = tpu.sem_alloc : memref<!tpu.dma_semaphore, #tpu.memory_space<semaphore_mem>>
      %dma_start3A = arith.constant 0 : i32
      %dma_start3A_82 = tpu.memref_slice %arg3[%run_scoped3A, %mul3A_8, %dma_start3A] : memref<2x1280x128xi32, #tpu.memory_space<hbm>> -> memref<1x40x128xi32, #tpu.memory_space<hbm>>
      %dma_start3A_83 = tpu.memref_squeeze %dma_start3A_82 : memref<1x40x128xi32, #tpu.memory_space<hbm>> -> memref<40x128xi32, #tpu.memory_space<hbm>>
      %dma_start3A_84 = arith.constant 0 : i32
      %dma_start3A_85 = tpu.memref_slice %arg3[%run_scoped3A, %mul3A_8, %dma_start3A_84] : memref<2x1280x128xi32, #tpu.memory_space<hbm>> -> memref<1x40x128xi32, #tpu.memory_space<hbm>>
      %dma_start3A_86 = tpu.memref_squeeze %dma_start3A_85 : memref<1x40x128xi32, #tpu.memory_space<hbm>> -> memref<40x128xi32, #tpu.memory_space<hbm>>
      tpu.enqueue_dma source(%dma_start3A_86 : memref<40x128xi32, #tpu.memory_space<hbm>>) target(%arg5 : memref<40x128xi32, #tpu.memory_space<vmem>>) target_semaphore(%run_scoped3A_81 : memref<!tpu.dma_semaphore, #tpu.memory_space<semaphore_mem>>)
      %dma_wait3A = arith.constant 0 : i32
      %dma_wait3A_87 = tpu.memref_slice %arg3[%run_scoped3A, %mul3A_8, %dma_wait3A] : memref<2x1280x128xi32, #tpu.memory_space<hbm>> -> memref<1x40x128xi32, #tpu.memory_space<hbm>>
      %dma_wait3A_88 = tpu.memref_squeeze %dma_wait3A_87 : memref<1x40x128xi32, #tpu.memory_space<hbm>> -> memref<40x128xi32, #tpu.memory_space<hbm>>
      %dma_wait3A_89 = arith.constant 0 : i32
      %dma_wait3A_90 = tpu.memref_slice %arg3[%run_scoped3A, %mul3A_8, %dma_wait3A_89] : memref<2x1280x128xi32, #tpu.memory_space<hbm>> -> memref<1x40x128xi32, #tpu.memory_space<hbm>>
      %dma_wait3A_91 = tpu.memref_squeeze %dma_wait3A_90 : memref<1x40x128xi32, #tpu.memory_space<hbm>> -> memref<40x128xi32, #tpu.memory_space<hbm>>
      tpu.wait_dma2 semaphore(%run_scoped3A_81 : memref<!tpu.dma_semaphore, #tpu.memory_space<semaphore_mem>>) src(%dma_wait3A_91 : memref<40x128xi32, #tpu.memory_space<hbm>>) dst(%arg5 : memref<40x128xi32, #tpu.memory_space<vmem>>)
      tpu.yield
    }) : () -> ()
    %mul3A_9 = arith.constant 40 : i32
    %mul3A_10 = arith.muli %add3A, %mul3A_9 : i32
    %run_scoped3A_11 = arith.constant 1 : i32
    "tpu.region"() ({
      %run_scoped3A_81 = tpu.sem_alloc : memref<!tpu.dma_semaphore, #tpu.memory_space<semaphore_mem>>
      %dma_start3A = arith.constant 0 : i32
      %dma_start3A_82 = tpu.memref_slice %arg3[%run_scoped3A_11, %mul3A_10, %dma_start3A] : memref<2x1280x128xi32, #tpu.memory_space<hbm>> -> memref<1x40x128xi32, #tpu.memory_space<hbm>>
      %dma_start3A_83 = tpu.memref_squeeze %dma_start3A_82 : memref<1x40x128xi32, #tpu.memory_space<hbm>> -> memref<40x128xi32, #tpu.memory_space<hbm>>
      %dma_start3A_84 = arith.constant 0 : i32
      %dma_start3A_85 = tpu.memref_slice %arg3[%run_scoped3A_11, %mul3A_10, %dma_start3A_84] : memref<2x1280x128xi32, #tpu.memory_space<hbm>> -> memref<1x40x128xi32, #tpu.memory_space<hbm>>
      %dma_start3A_86 = tpu.memref_squeeze %dma_start3A_85 : memref<1x40x128xi32, #tpu.memory_space<hbm>> -> memref<40x128xi32, #tpu.memory_space<hbm>>
      tpu.enqueue_dma source(%dma_start3A_86 : memref<40x128xi32, #tpu.memory_space<hbm>>) target(%arg6 : memref<40x128xi32, #tpu.memory_space<vmem>>) target_semaphore(%run_scoped3A_81 : memref<!tpu.dma_semaphore, #tpu.memory_space<semaphore_mem>>)
      %dma_wait3A = arith.constant 0 : i32
      %dma_wait3A_87 = tpu.memref_slice %arg3[%run_scoped3A_11, %mul3A_10, %dma_wait3A] : memref<2x1280x128xi32, #tpu.memory_space<hbm>> -> memref<1x40x128xi32, #tpu.memory_space<hbm>>
      %dma_wait3A_88 = tpu.memref_squeeze %dma_wait3A_87 : memref<1x40x128xi32, #tpu.memory_space<hbm>> -> memref<40x128xi32, #tpu.memory_space<hbm>>
      %dma_wait3A_89 = arith.constant 0 : i32
      %dma_wait3A_90 = tpu.memref_slice %arg3[%run_scoped3A_11, %mul3A_10, %dma_wait3A_89] : memref<2x1280x128xi32, #tpu.memory_space<hbm>> -> memref<1x40x128xi32, #tpu.memory_space<hbm>>
      %dma_wait3A_91 = tpu.memref_squeeze %dma_wait3A_90 : memref<1x40x128xi32, #tpu.memory_space<hbm>> -> memref<40x128xi32, #tpu.memory_space<hbm>>
      tpu.wait_dma2 semaphore(%run_scoped3A_81 : memref<!tpu.dma_semaphore, #tpu.memory_space<semaphore_mem>>) src(%dma_wait3A_91 : memref<40x128xi32, #tpu.memory_space<hbm>>) dst(%arg6 : memref<40x128xi32, #tpu.memory_space<vmem>>)
      tpu.yield
    }) : () -> ()
    %broadcast_in_dim3A = arith.constant 0.000000e+00 : f32
    %broadcast_in_dim3A_12 = vector.broadcast %broadcast_in_dim3A : f32 to vector<16xf32>
    %scan3A = arith.constant 0 : i32
    %scan3A_13 = arith.constant 0 : i32
    %scan3A_14 = arith.constant 632 : i32
    %scan3A_15 = arith.addi %scan3A_13, %scan3A_14 : i32
    %scan3A_16 = arith.constant 1 : i32
    %scan3A_17 = scf.for %scan3A_81 = %scan3A_13 to %scan3A_15 step %scan3A_16 iter_args(%scan3A_82 = %scan3A) -> (i32)  : i32 {
      %swap3A = arith.index_cast %scan3A_81 : i32 to index
      %swap3A_83 = arith.constant 0 : index
      %swap3A_84 = tpu.vector_load %arg11[%swap3A, %swap3A_83] {strides = array<i32>} : memref<632x32xf32, #tpu.memory_space<vmem>>, vector<1x16xf32>,
      %swap3A_85 = vector.shape_cast %swap3A_84 : vector<1x16xf32> to vector<16xf32>
      %swap3A_86 = vector.shape_cast %broadcast_in_dim3A_12 : vector<16xf32> to vector<1x16xf32>
      tpu.vector_store %arg11[%swap3A, %swap3A_83], %swap3A_86 {strides = array<i32>} : memref<632x32xf32, #tpu.memory_space<vmem>>, vector<1x16xf32>,
      %swap3A_87 = arith.index_cast %scan3A_81 : i32 to index
      %swap3A_88 = arith.constant 16 : index
      %swap3A_89 = tpu.vector_load %arg11[%swap3A_87, %swap3A_88] {strides = array<i32>} : memref<632x32xf32, #tpu.memory_space<vmem>>, vector<1x16xf32>,
      %swap3A_90 = vector.shape_cast %swap3A_89 : vector<1x16xf32> to vector<16xf32>
      %swap3A_91 = vector.shape_cast %broadcast_in_dim3A_12 : vector<16xf32> to vector<1x16xf32>
      tpu.vector_store %arg11[%swap3A_87, %swap3A_88], %swap3A_91 {strides = array<i32>} : memref<632x32xf32, #tpu.memory_space<vmem>>, vector<1x16xf32>,
      %scan3A_92 = arith.constant 0 : i32
      scf.yield %scan3A_92 : i32
    }
    %scan3A_18 = arith.constant 632 : i32
    %mul3A_19 = arith.constant 632 : i32
    %mul3A_20 = arith.muli %arg1, %mul3A_19 : i32
    "tpu.region"() ({
      %run_scoped3A_81 = tpu.sem_alloc : memref<!tpu.dma_semaphore, #tpu.memory_space<semaphore_mem>>
      %dma_start3A = arith.constant 0 : i32
      %dma_start3A_82 = tpu.memref_slice %arg12[%mul3A_20, %dma_start3A] : memref<10112x32xf32, #tpu.memory_space<vmem_shared>> -> memref<632x32xf32, #tpu.memory_space<vmem_shared>>
      %dma_start3A_83 = arith.constant 0 : i32
      %dma_start3A_84 = tpu.memref_slice %arg12[%mul3A_20, %dma_start3A_83] : memref<10112x32xf32, #tpu.memory_space<vmem_shared>> -> memref<632x32xf32, #tpu.memory_space<vmem_shared>>
      tpu.enqueue_dma source(%arg11 : memref<632x32xf32, #tpu.memory_space<vmem>>) target(%dma_start3A_84 : memref<632x32xf32, #tpu.memory_space<vmem_shared>>) target_semaphore(%run_scoped3A_81 : memref<!tpu.dma_semaphore, #tpu.memory_space<semaphore_mem>>)
      %dma_wait3A = arith.constant 0 : i32
      %dma_wait3A_85 = tpu.memref_slice %arg12[%mul3A_20, %dma_wait3A] : memref<10112x32xf32, #tpu.memory_space<vmem_shared>> -> memref<632x32xf32, #tpu.memory_space<vmem_shared>>
      %dma_wait3A_86 = arith.constant 0 : i32
      %dma_wait3A_87 = tpu.memref_slice %arg12[%mul3A_20, %dma_wait3A_86] : memref<10112x32xf32, #tpu.memory_space<vmem_shared>> -> memref<632x32xf32, #tpu.memory_space<vmem_shared>>
      tpu.wait_dma2 semaphore(%run_scoped3A_81 : memref<!tpu.dma_semaphore, #tpu.memory_space<semaphore_mem>>) src(%arg11 : memref<632x32xf32, #tpu.memory_space<vmem>>) dst(%dma_wait3A_87 : memref<632x32xf32, #tpu.memory_space<vmem_shared>>)
      tpu.yield
    }) : () -> ()
    %barrier3A = arith.constant 0 : index
    tpu.barrier barrier_id(%barrier3A)
    %eq3A_21 = arith.constant 31 : i32
    %eq3A_22 = arith.cmpi eq, %add3A, %eq3A_21 : i32
    %jit3A = arith.constant 10 : i32
    %jit3A_23 = arith.constant 40 : i32
    %select_n3A = arith.select %eq3A_22, %jit3A, %jit3A_23 : i32
    %jit3A_24 = arith.constant 4 : i32
    %div3A = arith.divsi %select_n3A, %jit3A_24 : i32
    %sign3A = arith.constant 0 : i32
    %sign3A_25 = arith.cmpi sgt, %select_n3A, %sign3A : i32
    %sign3A_26 = arith.extui %sign3A_25 : i1 to i32
    %sign3A_27 = arith.constant 0 : i32
    %sign3A_28 = arith.cmpi slt, %select_n3A, %sign3A_27 : i32
    %sign3A_29 = arith.extui %sign3A_28 : i1 to i32
    %sign3A_30 = arith.subi %sign3A_26, %sign3A_29 : i32
    %sign3A_31 = arith.constant 0 : i32
    %sign3A_32 = arith.cmpi sgt, %jit3A_24, %sign3A_31 : i32
    %sign3A_33 = arith.extui %sign3A_32 : i1 to i32
    %sign3A_34 = arith.constant 0 : i32
    %sign3A_35 = arith.cmpi slt, %jit3A_24, %sign3A_34 : i32
    %sign3A_36 = arith.extui %sign3A_35 : i1 to i32
    %sign3A_37 = arith.subi %sign3A_33, %sign3A_36 : i32
    %ne3A = arith.cmpi ne, %sign3A_30, %sign3A_37 : i32
    %rem3A = arith.remsi %select_n3A, %jit3A_24 : i32
    %ne3A_38 = arith.constant 0 : i32
    %ne3A_39 = arith.cmpi ne, %rem3A, %ne3A_38 : i32
    %and3A = arith.andi %ne3A, %ne3A_39 : i1
    %sub3A = arith.constant 1 : i32
    %sub3A_40 = arith.subi %div3A, %sub3A : i32
    %select_n3A_41 = arith.select %and3A, %sub3A_40, %div3A : i32
    %while3A = arith.constant 0 : i32
    %while3A_42 = arith.constant 0 : i32
    %while3A_43 = arith.subi %select_n3A_41, %while3A : i32
    %while3A_44 = arith.addi %while3A, %while3A_43 : i32
    %while3A_45 = arith.constant 1 : i32
    %while3A_46 = arith.divsi %while3A_43, %while3A_45 : i32
    %while3A_47 = arith.muli %while3A_46, %while3A_45 : i32
    %while3A_48 = arith.addi %while3A, %while3A_47 : i32
    %while3A_49 = arith.constant 1 : i32
    %while3A_50 = scf.for %while3A_81 = %while3A to %while3A_48 step %while3A_49 iter_args(%while3A_82 = %while3A_42) -> (i32)  : i32 {
      %mul3A_83 = arith.constant 4 : i32
      %mul3A_84 = arith.muli %mul3A_83, %while3A_81 : i32
      %add3A_85 = arith.constant 0 : i32
      %add3A_86 = arith.addi %mul3A_84, %add3A_85 : i32
      %dma_start3A = arith.constant 0 : i32
      %dma_start3A_87 = tpu.memref_slice %arg5[%add3A_86, %dma_start3A] : memref<40x128xi32, #tpu.memory_space<vmem>> -> memref<1x128xi32, #tpu.memory_space<vmem>>
      %dma_start3A_88 = tpu.memref_squeeze %dma_start3A_87 : memref<1x128xi32, #tpu.memory_space<vmem>> -> memref<128xi32, #tpu.memory_space<vmem>>
      %dma_start3A_89 = arith.constant 0 : i32
      %dma_start3A_90 = arith.constant 0 : i32
      %dma_start3A_91 = tpu.memref_slice %arg13[%dma_start3A_89, %dma_start3A_90] : memref<10000x32xf32, #tpu.memory_space<vmem_shared>> -> memref<10000x32xf32, #tpu.memory_space<vmem_shared>>
      tpu.enqueue_indirect_dma source(%dma_start3A_91 : memref<10000x32xf32, #tpu.memory_space<vmem_shared>>) target(%arg7 : memref<128x32xf32, #tpu.memory_space<vmem>>) offsets(%dma_start3A_88 : memref<128xi32, #tpu.memory_space<vmem>>) semaphore(%arg14 : memref<!tpu.dma_semaphore, #tpu.memory_space<semaphore_mem>>)
      %add3A_92 = arith.constant 1 : i32
      %add3A_93 = arith.addi %mul3A_84, %add3A_92 : i32
      %dma_start3A_94 = arith.constant 0 : i32
      %dma_start3A_95 = tpu.memref_slice %arg5[%add3A_93, %dma_start3A_94] : memref<40x128xi32, #tpu.memory_space<vmem>> -> memref<1x128xi32, #tpu.memory_space<vmem>>
      %dma_start3A_96 = tpu.memref_squeeze %dma_start3A_95 : memref<1x128xi32, #tpu.memory_space<vmem>> -> memref<128xi32, #tpu.memory_space<vmem>>
      %dma_start3A_97 = arith.constant 0 : i32
      %dma_start3A_98 = arith.constant 0 : i32
      %dma_start3A_99 = tpu.memref_slice %arg13[%dma_start3A_97, %dma_start3A_98] : memref<10000x32xf32, #tpu.memory_space<vmem_shared>> -> memref<10000x32xf32, #tpu.memory_space<vmem_shared>>
      tpu.enqueue_indirect_dma source(%dma_start3A_99 : memref<10000x32xf32, #tpu.memory_space<vmem_shared>>) target(%arg8 : memref<128x32xf32, #tpu.memory_space<vmem>>) offsets(%dma_start3A_96 : memref<128xi32, #tpu.memory_space<vmem>>) semaphore(%arg15 : memref<!tpu.dma_semaphore, #tpu.memory_space<semaphore_mem>>)
      %add3A_100 = arith.constant 2 : i32
      %add3A_101 = arith.addi %mul3A_84, %add3A_100 : i32
      %dma_start3A_102 = arith.constant 0 : i32
      %dma_start3A_103 = tpu.memref_slice %arg5[%add3A_101, %dma_start3A_102] : memref<40x128xi32, #tpu.memory_space<vmem>> -> memref<1x128xi32, #tpu.memory_space<vmem>>
      %dma_start3A_104 = tpu.memref_squeeze %dma_start3A_103 : memref<1x128xi32, #tpu.memory_space<vmem>> -> memref<128xi32, #tpu.memory_space<vmem>>
      %dma_start3A_105 = arith.constant 0 : i32
      %dma_start3A_106 = arith.constant 0 : i32
      %dma_start3A_107 = tpu.memref_slice %arg13[%dma_start3A_105, %dma_start3A_106] : memref<10000x32xf32, #tpu.memory_space<vmem_shared>> -> memref<10000x32xf32, #tpu.memory_space<vmem_shared>>
      tpu.enqueue_indirect_dma source(%dma_start3A_107 : memref<10000x32xf32, #tpu.memory_space<vmem_shared>>) target(%arg9 : memref<128x32xf32, #tpu.memory_space<vmem>>) offsets(%dma_start3A_104 : memref<128xi32, #tpu.memory_space<vmem>>) semaphore(%arg16 : memref<!tpu.dma_semaphore, #tpu.memory_space<semaphore_mem>>)
      %add3A_108 = arith.constant 3 : i32
      %add3A_109 = arith.addi %mul3A_84, %add3A_108 : i32
      %dma_start3A_110 = arith.constant 0 : i32
      %dma_start3A_111 = tpu.memref_slice %arg5[%add3A_109, %dma_start3A_110] : memref<40x128xi32, #tpu.memory_space<vmem>> -> memref<1x128xi32, #tpu.memory_space<vmem>>
      %dma_start3A_112 = tpu.memref_squeeze %dma_start3A_111 : memref<1x128xi32, #tpu.memory_space<vmem>> -> memref<128xi32, #tpu.memory_space<vmem>>
      %dma_start3A_113 = arith.constant 0 : i32
      %dma_start3A_114 = arith.constant 0 : i32
      %dma_start3A_115 = tpu.memref_slice %arg13[%dma_start3A_113, %dma_start3A_114] : memref<10000x32xf32, #tpu.memory_space<vmem_shared>> -> memref<10000x32xf32, #tpu.memory_space<vmem_shared>>
      tpu.enqueue_indirect_dma source(%dma_start3A_115 : memref<10000x32xf32, #tpu.memory_space<vmem_shared>>) target(%arg10 : memref<128x32xf32, #tpu.memory_space<vmem>>) offsets(%dma_start3A_112 : memref<128xi32, #tpu.memory_space<vmem>>) semaphore(%arg17 : memref<!tpu.dma_semaphore, #tpu.memory_space<semaphore_mem>>)
      %dma_wait3A = arith.constant 0 : i32
      %dma_wait3A_116 = tpu.memref_slice %arg5[%add3A_86, %dma_wait3A] : memref<40x128xi32, #tpu.memory_space<vmem>> -> memref<1x128xi32, #tpu.memory_space<vmem>>
      %dma_wait3A_117 = tpu.memref_squeeze %dma_wait3A_116 : memref<1x128xi32, #tpu.memory_space<vmem>> -> memref<128xi32, #tpu.memory_space<vmem>>
      %dma_wait3A_118 = arith.constant 0 : i32
      %dma_wait3A_119 = arith.constant 0 : i32
      %dma_wait3A_120 = tpu.memref_slice %arg13[%dma_wait3A_118, %dma_wait3A_119] : memref<10000x32xf32, #tpu.memory_space<vmem_shared>> -> memref<10000x32xf32, #tpu.memory_space<vmem_shared>>
      tpu.wait_indirect_dma semaphore(%arg14 : memref<!tpu.dma_semaphore, #tpu.memory_space<semaphore_mem>>) src(%dma_wait3A_120 : memref<10000x32xf32, #tpu.memory_space<vmem_shared>>) dst(%arg7 : memref<128x32xf32, #tpu.memory_space<vmem>>)
      %add3A_121 = arith.constant 0 : i32
      %add3A_122 = arith.addi %mul3A_84, %add3A_121 : i32
      %dma_start3A_123 = arith.constant 0 : i32
      %dma_start3A_124 = tpu.memref_slice %arg6[%add3A_122, %dma_start3A_123] : memref<40x128xi32, #tpu.memory_space<vmem>> -> memref<1x128xi32, #tpu.memory_space<vmem>>
      %dma_start3A_125 = tpu.memref_squeeze %dma_start3A_124 : memref<1x128xi32, #tpu.memory_space<vmem>> -> memref<128xi32, #tpu.memory_space<vmem>>
      %dma_start3A_126 = arith.constant 0 : i32
      %dma_start3A_127 = arith.constant 0 : i32
      %dma_start3A_128 = tpu.memref_slice %arg12[%dma_start3A_126, %dma_start3A_127] : memref<10112x32xf32, #tpu.memory_space<vmem_shared>> -> memref<10112x32xf32, #tpu.memory_space<vmem_shared>>
      tpu.enqueue_indirect_dma source(%arg7 : memref<128x32xf32, #tpu.memory_space<vmem>>) target(%dma_start3A_128 : memref<10112x32xf32, #tpu.memory_space<vmem_shared>>) offsets(%dma_start3A_125 : memref<128xi32, #tpu.memory_space<vmem>>) semaphore(%arg18 : memref<!tpu.dma_semaphore, #tpu.memory_space<semaphore_mem>>) {add = true}
      %dma_wait3A_129 = arith.constant 0 : i32
      %dma_wait3A_130 = tpu.memref_slice %arg5[%add3A_93, %dma_wait3A_129] : memref<40x128xi32, #tpu.memory_space<vmem>> -> memref<1x128xi32, #tpu.memory_space<vmem>>
      %dma_wait3A_131 = tpu.memref_squeeze %dma_wait3A_130 : memref<1x128xi32, #tpu.memory_space<vmem>> -> memref<128xi32, #tpu.memory_space<vmem>>
      %dma_wait3A_132 = arith.constant 0 : i32
      %dma_wait3A_133 = arith.constant 0 : i32
      %dma_wait3A_134 = tpu.memref_slice %arg13[%dma_wait3A_132, %dma_wait3A_133] : memref<10000x32xf32, #tpu.memory_space<vmem_shared>> -> memref<10000x32xf32, #tpu.memory_space<vmem_shared>>
      tpu.wait_indirect_dma semaphore(%arg15 : memref<!tpu.dma_semaphore, #tpu.memory_space<semaphore_mem>>) src(%dma_wait3A_134 : memref<10000x32xf32, #tpu.memory_space<vmem_shared>>) dst(%arg8 : memref<128x32xf32, #tpu.memory_space<vmem>>)
      %add3A_135 = arith.constant 1 : i32
      %add3A_136 = arith.addi %mul3A_84, %add3A_135 : i32
      %dma_start3A_137 = arith.constant 0 : i32
      %dma_start3A_138 = tpu.memref_slice %arg6[%add3A_136, %dma_start3A_137] : memref<40x128xi32, #tpu.memory_space<vmem>> -> memref<1x128xi32, #tpu.memory_space<vmem>>
      %dma_start3A_139 = tpu.memref_squeeze %dma_start3A_138 : memref<1x128xi32, #tpu.memory_space<vmem>> -> memref<128xi32, #tpu.memory_space<vmem>>
      %dma_start3A_140 = arith.constant 0 : i32
      %dma_start3A_141 = arith.constant 0 : i32
      %dma_start3A_142 = tpu.memref_slice %arg12[%dma_start3A_140, %dma_start3A_141] : memref<10112x32xf32, #tpu.memory_space<vmem_shared>> -> memref<10112x32xf32, #tpu.memory_space<vmem_shared>>
      tpu.enqueue_indirect_dma source(%arg8 : memref<128x32xf32, #tpu.memory_space<vmem>>) target(%dma_start3A_142 : memref<10112x32xf32, #tpu.memory_space<vmem_shared>>) offsets(%dma_start3A_139 : memref<128xi32, #tpu.memory_space<vmem>>) semaphore(%arg19 : memref<!tpu.dma_semaphore, #tpu.memory_space<semaphore_mem>>) {add = true}
      %dma_wait3A_143 = arith.constant 0 : i32
      %dma_wait3A_144 = tpu.memref_slice %arg5[%add3A_101, %dma_wait3A_143] : memref<40x128xi32, #tpu.memory_space<vmem>> -> memref<1x128xi32, #tpu.memory_space<vmem>>
      %dma_wait3A_145 = tpu.memref_squeeze %dma_wait3A_144 : memref<1x128xi32, #tpu.memory_space<vmem>> -> memref<128xi32, #tpu.memory_space<vmem>>
      %dma_wait3A_146 = arith.constant 0 : i32
      %dma_wait3A_147 = arith.constant 0 : i32
      %dma_wait3A_148 = tpu.memref_slice %arg13[%dma_wait3A_146, %dma_wait3A_147] : memref<10000x32xf32, #tpu.memory_space<vmem_shared>> -> memref<10000x32xf32, #tpu.memory_space<vmem_shared>>
      tpu.wait_indirect_dma semaphore(%arg16 : memref<!tpu.dma_semaphore, #tpu.memory_space<semaphore_mem>>) src(%dma_wait3A_148 : memref<10000x32xf32, #tpu.memory_space<vmem_shared>>) dst(%arg9 : memref<128x32xf32, #tpu.memory_space<vmem>>)
      %add3A_149 = arith.constant 2 : i32
      %add3A_150 = arith.addi %mul3A_84, %add3A_149 : i32
      %dma_start3A_151 = arith.constant 0 : i32
      %dma_start3A_152 = tpu.memref_slice %arg6[%add3A_150, %dma_start3A_151] : memref<40x128xi32, #tpu.memory_space<vmem>> -> memref<1x128xi32, #tpu.memory_space<vmem>>
      %dma_start3A_153 = tpu.memref_squeeze %dma_start3A_152 : memref<1x128xi32, #tpu.memory_space<vmem>> -> memref<128xi32, #tpu.memory_space<vmem>>
      %dma_start3A_154 = arith.constant 0 : i32
      %dma_start3A_155 = arith.constant 0 : i32
      %dma_start3A_156 = tpu.memref_slice %arg12[%dma_start3A_154, %dma_start3A_155] : memref<10112x32xf32, #tpu.memory_space<vmem_shared>> -> memref<10112x32xf32, #tpu.memory_space<vmem_shared>>
      tpu.enqueue_indirect_dma source(%arg9 : memref<128x32xf32, #tpu.memory_space<vmem>>) target(%dma_start3A_156 : memref<10112x32xf32, #tpu.memory_space<vmem_shared>>) offsets(%dma_start3A_153 : memref<128xi32, #tpu.memory_space<vmem>>) semaphore(%arg20 : memref<!tpu.dma_semaphore, #tpu.memory_space<semaphore_mem>>) {add = true}
      %dma_wait3A_157 = arith.constant 0 : i32
      %dma_wait3A_158 = tpu.memref_slice %arg5[%add3A_109, %dma_wait3A_157] : memref<40x128xi32, #tpu.memory_space<vmem>> -> memref<1x128xi32, #tpu.memory_space<vmem>>
      %dma_wait3A_159 = tpu.memref_squeeze %dma_wait3A_158 : memref<1x128xi32, #tpu.memory_space<vmem>> -> memref<128xi32, #tpu.memory_space<vmem>>
      %dma_wait3A_160 = arith.constant 0 : i32
      %dma_wait3A_161 = arith.constant 0 : i32
      %dma_wait3A_162 = tpu.memref_slice %arg13[%dma_wait3A_160, %dma_wait3A_161] : memref<10000x32xf32, #tpu.memory_space<vmem_shared>> -> memref<10000x32xf32, #tpu.memory_space<vmem_shared>>
      tpu.wait_indirect_dma semaphore(%arg17 : memref<!tpu.dma_semaphore, #tpu.memory_space<semaphore_mem>>) src(%dma_wait3A_162 : memref<10000x32xf32, #tpu.memory_space<vmem_shared>>) dst(%arg10 : memref<128x32xf32, #tpu.memory_space<vmem>>)
      %add3A_163 = arith.constant 3 : i32
      %add3A_164 = arith.addi %mul3A_84, %add3A_163 : i32
      %dma_start3A_165 = arith.constant 0 : i32
      %dma_start3A_166 = tpu.memref_slice %arg6[%add3A_164, %dma_start3A_165] : memref<40x128xi32, #tpu.memory_space<vmem>> -> memref<1x128xi32, #tpu.memory_space<vmem>>
      %dma_start3A_167 = tpu.memref_squeeze %dma_start3A_166 : memref<1x128xi32, #tpu.memory_space<vmem>> -> memref<128xi32, #tpu.memory_space<vmem>>
      %dma_start3A_168 = arith.constant 0 : i32
      %dma_start3A_169 = arith.constant 0 : i32
      %dma_start3A_170 = tpu.memref_slice %arg12[%dma_start3A_168, %dma_start3A_169] : memref<10112x32xf32, #tpu.memory_space<vmem_shared>> -> memref<10112x32xf32, #tpu.memory_space<vmem_shared>>
      tpu.enqueue_indirect_dma source(%arg10 : memref<128x32xf32, #tpu.memory_space<vmem>>) target(%dma_start3A_170 : memref<10112x32xf32, #tpu.memory_space<vmem_shared>>) offsets(%dma_start3A_167 : memref<128xi32, #tpu.memory_space<vmem>>) semaphore(%arg21 : memref<!tpu.dma_semaphore, #tpu.memory_space<semaphore_mem>>) {add = true}
      %dma_wait3A_171 = arith.constant 0 : i32
      %dma_wait3A_172 = tpu.memref_slice %arg6[%add3A_122, %dma_wait3A_171] : memref<40x128xi32, #tpu.memory_space<vmem>> -> memref<1x128xi32, #tpu.memory_space<vmem>>
      %dma_wait3A_173 = tpu.memref_squeeze %dma_wait3A_172 : memref<1x128xi32, #tpu.memory_space<vmem>> -> memref<128xi32, #tpu.memory_space<vmem>>
      %dma_wait3A_174 = arith.constant 0 : i32
      %dma_wait3A_175 = arith.constant 0 : i32
      %dma_wait3A_176 = tpu.memref_slice %arg12[%dma_wait3A_174, %dma_wait3A_175] : memref<10112x32xf32, #tpu.memory_space<vmem_shared>> -> memref<10112x32xf32, #tpu.memory_space<vmem_shared>>
      tpu.wait_indirect_dma semaphore(%arg18 : memref<!tpu.dma_semaphore, #tpu.memory_space<semaphore_mem>>) src(%arg7 : memref<128x32xf32, #tpu.memory_space<vmem>>) dst(%dma_wait3A_176 : memref<10112x32xf32, #tpu.memory_space<vmem_shared>>)
      %dma_wait3A_177 = arith.constant 0 : i32
      %dma_wait3A_178 = tpu.memref_slice %arg6[%add3A_136, %dma_wait3A_177] : memref<40x128xi32, #tpu.memory_space<vmem>> -> memref<1x128xi32, #tpu.memory_space<vmem>>
      %dma_wait3A_179 = tpu.memref_squeeze %dma_wait3A_178 : memref<1x128xi32, #tpu.memory_space<vmem>> -> memref<128xi32, #tpu.memory_space<vmem>>
      %dma_wait3A_180 = arith.constant 0 : i32
      %dma_wait3A_181 = arith.constant 0 : i32
      %dma_wait3A_182 = tpu.memref_slice %arg12[%dma_wait3A_180, %dma_wait3A_181] : memref<10112x32xf32, #tpu.memory_space<vmem_shared>> -> memref<10112x32xf32, #tpu.memory_space<vmem_shared>>
      tpu.wait_indirect_dma semaphore(%arg19 : memref<!tpu.dma_semaphore, #tpu.memory_space<semaphore_mem>>) src(%arg8 : memref<128x32xf32, #tpu.memory_space<vmem>>) dst(%dma_wait3A_182 : memref<10112x32xf32, #tpu.memory_space<vmem_shared>>)
      %dma_wait3A_183 = arith.constant 0 : i32
      %dma_wait3A_184 = tpu.memref_slice %arg6[%add3A_150, %dma_wait3A_183] : memref<40x128xi32, #tpu.memory_space<vmem>> -> memref<1x128xi32, #tpu.memory_space<vmem>>
      %dma_wait3A_185 = tpu.memref_squeeze %dma_wait3A_184 : memref<1x128xi32, #tpu.memory_space<vmem>> -> memref<128xi32, #tpu.memory_space<vmem>>
      %dma_wait3A_186 = arith.constant 0 : i32
      %dma_wait3A_187 = arith.constant 0 : i32
      %dma_wait3A_188 = tpu.memref_slice %arg12[%dma_wait3A_186, %dma_wait3A_187] : memref<10112x32xf32, #tpu.memory_space<vmem_shared>> -> memref<10112x32xf32, #tpu.memory_space<vmem_shared>>
      tpu.wait_indirect_dma semaphore(%arg20 : memref<!tpu.dma_semaphore, #tpu.memory_space<semaphore_mem>>) src(%arg9 : memref<128x32xf32, #tpu.memory_space<vmem>>) dst(%dma_wait3A_188 : memref<10112x32xf32, #tpu.memory_space<vmem_shared>>)
      %dma_wait3A_189 = arith.constant 0 : i32
      %dma_wait3A_190 = tpu.memref_slice %arg6[%add3A_164, %dma_wait3A_189] : memref<40x128xi32, #tpu.memory_space<vmem>> -> memref<1x128xi32, #tpu.memory_space<vmem>>
      %dma_wait3A_191 = tpu.memref_squeeze %dma_wait3A_190 : memref<1x128xi32, #tpu.memory_space<vmem>> -> memref<128xi32, #tpu.memory_space<vmem>>
      %dma_wait3A_192 = arith.constant 0 : i32
      %dma_wait3A_193 = arith.constant 0 : i32
      %dma_wait3A_194 = tpu.memref_slice %arg12[%dma_wait3A_192, %dma_wait3A_193] : memref<10112x32xf32, #tpu.memory_space<vmem_shared>> -> memref<10112x32xf32, #tpu.memory_space<vmem_shared>>
      tpu.wait_indirect_dma semaphore(%arg21 : memref<!tpu.dma_semaphore, #tpu.memory_space<semaphore_mem>>) src(%arg10 : memref<128x32xf32, #tpu.memory_space<vmem>>) dst(%dma_wait3A_194 : memref<10112x32xf32, #tpu.memory_space<vmem_shared>>)
      %while3A_195 = arith.constant 0 : i32
      scf.yield %while3A_195 : i32
    }
    %while3A_51 = arith.constant 1 : i32
    %while3A_52 = scf.for %while3A_81 = %while3A_48 to %while3A_44 step %while3A_51 iter_args(%while3A_82 = %while3A_50) -> (i32)  : i32 {
      %mul3A_83 = arith.constant 4 : i32
      %mul3A_84 = arith.muli %mul3A_83, %while3A_81 : i32
      %add3A_85 = arith.constant 0 : i32
      %add3A_86 = arith.addi %mul3A_84, %add3A_85 : i32
      %dma_start3A = arith.constant 0 : i32
      %dma_start3A_87 = tpu.memref_slice %arg5[%add3A_86, %dma_start3A] : memref<40x128xi32, #tpu.memory_space<vmem>> -> memref<1x128xi32, #tpu.memory_space<vmem>>
      %dma_start3A_88 = tpu.memref_squeeze %dma_start3A_87 : memref<1x128xi32, #tpu.memory_space<vmem>> -> memref<128xi32, #tpu.memory_space<vmem>>
      %dma_start3A_89 = arith.constant 0 : i32
      %dma_start3A_90 = arith.constant 0 : i32
      %dma_start3A_91 = tpu.memref_slice %arg13[%dma_start3A_89, %dma_start3A_90] : memref<10000x32xf32, #tpu.memory_space<vmem_shared>> -> memref<10000x32xf32, #tpu.memory_space<vmem_shared>>
      tpu.enqueue_indirect_dma source(%dma_start3A_91 : memref<10000x32xf32, #tpu.memory_space<vmem_shared>>) target(%arg7 : memref<128x32xf32, #tpu.memory_space<vmem>>) offsets(%dma_start3A_88 : memref<128xi32, #tpu.memory_space<vmem>>) semaphore(%arg14 : memref<!tpu.dma_semaphore, #tpu.memory_space<semaphore_mem>>)
      %add3A_92 = arith.constant 1 : i32
      %add3A_93 = arith.addi %mul3A_84, %add3A_92 : i32
      %dma_start3A_94 = arith.constant 0 : i32
      %dma_start3A_95 = tpu.memref_slice %arg5[%add3A_93, %dma_start3A_94] : memref<40x128xi32, #tpu.memory_space<vmem>> -> memref<1x128xi32, #tpu.memory_space<vmem>>
      %dma_start3A_96 = tpu.memref_squeeze %dma_start3A_95 : memref<1x128xi32, #tpu.memory_space<vmem>> -> memref<128xi32, #tpu.memory_space<vmem>>
      %dma_start3A_97 = arith.constant 0 : i32
      %dma_start3A_98 = arith.constant 0 : i32
      %dma_start3A_99 = tpu.memref_slice %arg13[%dma_start3A_97, %dma_start3A_98] : memref<10000x32xf32, #tpu.memory_space<vmem_shared>> -> memref<10000x32xf32, #tpu.memory_space<vmem_shared>>
      tpu.enqueue_indirect_dma source(%dma_start3A_99 : memref<10000x32xf32, #tpu.memory_space<vmem_shared>>) target(%arg8 : memref<128x32xf32, #tpu.memory_space<vmem>>) offsets(%dma_start3A_96 : memref<128xi32, #tpu.memory_space<vmem>>) semaphore(%arg15 : memref<!tpu.dma_semaphore, #tpu.memory_space<semaphore_mem>>)
      %add3A_100 = arith.constant 2 : i32
      %add3A_101 = arith.addi %mul3A_84, %add3A_100 : i32
      %dma_start3A_102 = arith.constant 0 : i32
      %dma_start3A_103 = tpu.memref_slice %arg5[%add3A_101, %dma_start3A_102] : memref<40x128xi32, #tpu.memory_space<vmem>> -> memref<1x128xi32, #tpu.memory_space<vmem>>
      %dma_start3A_104 = tpu.memref_squeeze %dma_start3A_103 : memref<1x128xi32, #tpu.memory_space<vmem>> -> memref<128xi32, #tpu.memory_space<vmem>>
      %dma_start3A_105 = arith.constant 0 : i32
      %dma_start3A_106 = arith.constant 0 : i32
      %dma_start3A_107 = tpu.memref_slice %arg13[%dma_start3A_105, %dma_start3A_106] : memref<10000x32xf32, #tpu.memory_space<vmem_shared>> -> memref<10000x32xf32, #tpu.memory_space<vmem_shared>>
      tpu.enqueue_indirect_dma source(%dma_start3A_107 : memref<10000x32xf32, #tpu.memory_space<vmem_shared>>) target(%arg9 : memref<128x32xf32, #tpu.memory_space<vmem>>) offsets(%dma_start3A_104 : memref<128xi32, #tpu.memory_space<vmem>>) semaphore(%arg16 : memref<!tpu.dma_semaphore, #tpu.memory_space<semaphore_mem>>)
      %add3A_108 = arith.constant 3 : i32
      %add3A_109 = arith.addi %mul3A_84, %add3A_108 : i32
      %dma_start3A_110 = arith.constant 0 : i32
      %dma_start3A_111 = tpu.memref_slice %arg5[%add3A_109, %dma_start3A_110] : memref<40x128xi32, #tpu.memory_space<vmem>> -> memref<1x128xi32, #tpu.memory_space<vmem>>
      %dma_start3A_112 = tpu.memref_squeeze %dma_start3A_111 : memref<1x128xi32, #tpu.memory_space<vmem>> -> memref<128xi32, #tpu.memory_space<vmem>>
      %dma_start3A_113 = arith.constant 0 : i32
      %dma_start3A_114 = arith.constant 0 : i32
      %dma_start3A_115 = tpu.memref_slice %arg13[%dma_start3A_113, %dma_start3A_114] : memref<10000x32xf32, #tpu.memory_space<vmem_shared>> -> memref<10000x32xf32, #tpu.memory_space<vmem_shared>>
      tpu.enqueue_indirect_dma source(%dma_start3A_115 : memref<10000x32xf32, #tpu.memory_space<vmem_shared>>) target(%arg10 : memref<128x32xf32, #tpu.memory_space<vmem>>) offsets(%dma_start3A_112 : memref<128xi32, #tpu.memory_space<vmem>>) semaphore(%arg17 : memref<!tpu.dma_semaphore, #tpu.memory_space<semaphore_mem>>)
      %dma_wait3A = arith.constant 0 : i32
      %dma_wait3A_116 = tpu.memref_slice %arg5[%add3A_86, %dma_wait3A] : memref<40x128xi32, #tpu.memory_space<vmem>> -> memref<1x128xi32, #tpu.memory_space<vmem>>
      %dma_wait3A_117 = tpu.memref_squeeze %dma_wait3A_116 : memref<1x128xi32, #tpu.memory_space<vmem>> -> memref<128xi32, #tpu.memory_space<vmem>>
      %dma_wait3A_118 = arith.constant 0 : i32
      %dma_wait3A_119 = arith.constant 0 : i32
      %dma_wait3A_120 = tpu.memref_slice %arg13[%dma_wait3A_118, %dma_wait3A_119] : memref<10000x32xf32, #tpu.memory_space<vmem_shared>> -> memref<10000x32xf32, #tpu.memory_space<vmem_shared>>
      tpu.wait_indirect_dma semaphore(%arg14 : memref<!tpu.dma_semaphore, #tpu.memory_space<semaphore_mem>>) src(%dma_wait3A_120 : memref<10000x32xf32, #tpu.memory_space<vmem_shared>>) dst(%arg7 : memref<128x32xf32, #tpu.memory_space<vmem>>)
      %add3A_121 = arith.constant 0 : i32
      %add3A_122 = arith.addi %mul3A_84, %add3A_121 : i32
      %dma_start3A_123 = arith.constant 0 : i32
      %dma_start3A_124 = tpu.memref_slice %arg6[%add3A_122, %dma_start3A_123] : memref<40x128xi32, #tpu.memory_space<vmem>> -> memref<1x128xi32, #tpu.memory_space<vmem>>
      %dma_start3A_125 = tpu.memref_squeeze %dma_start3A_124 : memref<1x128xi32, #tpu.memory_space<vmem>> -> memref<128xi32, #tpu.memory_space<vmem>>
      %dma_start3A_126 = arith.constant 0 : i32
      %dma_start3A_127 = arith.constant 0 : i32
      %dma_start3A_128 = tpu.memref_slice %arg12[%dma_start3A_126, %dma_start3A_127] : memref<10112x32xf32, #tpu.memory_space<vmem_shared>> -> memref<10112x32xf32, #tpu.memory_space<vmem_shared>>
      tpu.enqueue_indirect_dma source(%arg7 : memref<128x32xf32, #tpu.memory_space<vmem>>) target(%dma_start3A_128 : memref<10112x32xf32, #tpu.memory_space<vmem_shared>>) offsets(%dma_start3A_125 : memref<128xi32, #tpu.memory_space<vmem>>) semaphore(%arg18 : memref<!tpu.dma_semaphore, #tpu.memory_space<semaphore_mem>>) {add = true}
      %dma_wait3A_129 = arith.constant 0 : i32
      %dma_wait3A_130 = tpu.memref_slice %arg5[%add3A_93, %dma_wait3A_129] : memref<40x128xi32, #tpu.memory_space<vmem>> -> memref<1x128xi32, #tpu.memory_space<vmem>>
      %dma_wait3A_131 = tpu.memref_squeeze %dma_wait3A_130 : memref<1x128xi32, #tpu.memory_space<vmem>> -> memref<128xi32, #tpu.memory_space<vmem>>
      %dma_wait3A_132 = arith.constant 0 : i32
      %dma_wait3A_133 = arith.constant 0 : i32
      %dma_wait3A_134 = tpu.memref_slice %arg13[%dma_wait3A_132, %dma_wait3A_133] : memref<10000x32xf32, #tpu.memory_space<vmem_shared>> -> memref<10000x32xf32, #tpu.memory_space<vmem_shared>>
      tpu.wait_indirect_dma semaphore(%arg15 : memref<!tpu.dma_semaphore, #tpu.memory_space<semaphore_mem>>) src(%dma_wait3A_134 : memref<10000x32xf32, #tpu.memory_space<vmem_shared>>) dst(%arg8 : memref<128x32xf32, #tpu.memory_space<vmem>>)
      %add3A_135 = arith.constant 1 : i32
      %add3A_136 = arith.addi %mul3A_84, %add3A_135 : i32
      %dma_start3A_137 = arith.constant 0 : i32
      %dma_start3A_138 = tpu.memref_slice %arg6[%add3A_136, %dma_start3A_137] : memref<40x128xi32, #tpu.memory_space<vmem>> -> memref<1x128xi32, #tpu.memory_space<vmem>>
      %dma_start3A_139 = tpu.memref_squeeze %dma_start3A_138 : memref<1x128xi32, #tpu.memory_space<vmem>> -> memref<128xi32, #tpu.memory_space<vmem>>
      %dma_start3A_140 = arith.constant 0 : i32
      %dma_start3A_141 = arith.constant 0 : i32
      %dma_start3A_142 = tpu.memref_slice %arg12[%dma_start3A_140, %dma_start3A_141] : memref<10112x32xf32, #tpu.memory_space<vmem_shared>> -> memref<10112x32xf32, #tpu.memory_space<vmem_shared>>
      tpu.enqueue_indirect_dma source(%arg8 : memref<128x32xf32, #tpu.memory_space<vmem>>) target(%dma_start3A_142 : memref<10112x32xf32, #tpu.memory_space<vmem_shared>>) offsets(%dma_start3A_139 : memref<128xi32, #tpu.memory_space<vmem>>) semaphore(%arg19 : memref<!tpu.dma_semaphore, #tpu.memory_space<semaphore_mem>>) {add = true}
      %dma_wait3A_143 = arith.constant 0 : i32
      %dma_wait3A_144 = tpu.memref_slice %arg5[%add3A_101, %dma_wait3A_143] : memref<40x128xi32, #tpu.memory_space<vmem>> -> memref<1x128xi32, #tpu.memory_space<vmem>>
      %dma_wait3A_145 = tpu.memref_squeeze %dma_wait3A_144 : memref<1x128xi32, #tpu.memory_space<vmem>> -> memref<128xi32, #tpu.memory_space<vmem>>
      %dma_wait3A_146 = arith.constant 0 : i32
      %dma_wait3A_147 = arith.constant 0 : i32
      %dma_wait3A_148 = tpu.memref_slice %arg13[%dma_wait3A_146, %dma_wait3A_147] : memref<10000x32xf32, #tpu.memory_space<vmem_shared>> -> memref<10000x32xf32, #tpu.memory_space<vmem_shared>>
      tpu.wait_indirect_dma semaphore(%arg16 : memref<!tpu.dma_semaphore, #tpu.memory_space<semaphore_mem>>) src(%dma_wait3A_148 : memref<10000x32xf32, #tpu.memory_space<vmem_shared>>) dst(%arg9 : memref<128x32xf32, #tpu.memory_space<vmem>>)
      %add3A_149 = arith.constant 2 : i32
      %add3A_150 = arith.addi %mul3A_84, %add3A_149 : i32
      %dma_start3A_151 = arith.constant 0 : i32
      %dma_start3A_152 = tpu.memref_slice %arg6[%add3A_150, %dma_start3A_151] : memref<40x128xi32, #tpu.memory_space<vmem>> -> memref<1x128xi32, #tpu.memory_space<vmem>>
      %dma_start3A_153 = tpu.memref_squeeze %dma_start3A_152 : memref<1x128xi32, #tpu.memory_space<vmem>> -> memref<128xi32, #tpu.memory_space<vmem>>
      %dma_start3A_154 = arith.constant 0 : i32
      %dma_start3A_155 = arith.constant 0 : i32
      %dma_start3A_156 = tpu.memref_slice %arg12[%dma_start3A_154, %dma_start3A_155] : memref<10112x32xf32, #tpu.memory_space<vmem_shared>> -> memref<10112x32xf32, #tpu.memory_space<vmem_shared>>
      tpu.enqueue_indirect_dma source(%arg9 : memref<128x32xf32, #tpu.memory_space<vmem>>) target(%dma_start3A_156 : memref<10112x32xf32, #tpu.memory_space<vmem_shared>>) offsets(%dma_start3A_153 : memref<128xi32, #tpu.memory_space<vmem>>) semaphore(%arg20 : memref<!tpu.dma_semaphore, #tpu.memory_space<semaphore_mem>>) {add = true}
      %dma_wait3A_157 = arith.constant 0 : i32
      %dma_wait3A_158 = tpu.memref_slice %arg5[%add3A_109, %dma_wait3A_157] : memref<40x128xi32, #tpu.memory_space<vmem>> -> memref<1x128xi32, #tpu.memory_space<vmem>>
      %dma_wait3A_159 = tpu.memref_squeeze %dma_wait3A_158 : memref<1x128xi32, #tpu.memory_space<vmem>> -> memref<128xi32, #tpu.memory_space<vmem>>
      %dma_wait3A_160 = arith.constant 0 : i32
      %dma_wait3A_161 = arith.constant 0 : i32
      %dma_wait3A_162 = tpu.memref_slice %arg13[%dma_wait3A_160, %dma_wait3A_161] : memref<10000x32xf32, #tpu.memory_space<vmem_shared>> -> memref<10000x32xf32, #tpu.memory_space<vmem_shared>>
      tpu.wait_indirect_dma semaphore(%arg17 : memref<!tpu.dma_semaphore, #tpu.memory_space<semaphore_mem>>) src(%dma_wait3A_162 : memref<10000x32xf32, #tpu.memory_space<vmem_shared>>) dst(%arg10 : memref<128x32xf32, #tpu.memory_space<vmem>>)
      %add3A_163 = arith.constant 3 : i32
      %add3A_164 = arith.addi %mul3A_84, %add3A_163 : i32
      %dma_start3A_165 = arith.constant 0 : i32
      %dma_start3A_166 = tpu.memref_slice %arg6[%add3A_164, %dma_start3A_165] : memref<40x128xi32, #tpu.memory_space<vmem>> -> memref<1x128xi32, #tpu.memory_space<vmem>>
      %dma_start3A_167 = tpu.memref_squeeze %dma_start3A_166 : memref<1x128xi32, #tpu.memory_space<vmem>> -> memref<128xi32, #tpu.memory_space<vmem>>
      %dma_start3A_168 = arith.constant 0 : i32
      %dma_start3A_169 = arith.constant 0 : i32
      %dma_start3A_170 = tpu.memref_slice %arg12[%dma_start3A_168, %dma_start3A_169] : memref<10112x32xf32, #tpu.memory_space<vmem_shared>> -> memref<10112x32xf32, #tpu.memory_space<vmem_shared>>
      tpu.enqueue_indirect_dma source(%arg10 : memref<128x32xf32, #tpu.memory_space<vmem>>) target(%dma_start3A_170 : memref<10112x32xf32, #tpu.memory_space<vmem_shared>>) offsets(%dma_start3A_167 : memref<128xi32, #tpu.memory_space<vmem>>) semaphore(%arg21 : memref<!tpu.dma_semaphore, #tpu.memory_space<semaphore_mem>>) {add = true}
      %dma_wait3A_171 = arith.constant 0 : i32
      %dma_wait3A_172 = tpu.memref_slice %arg6[%add3A_122, %dma_wait3A_171] : memref<40x128xi32, #tpu.memory_space<vmem>> -> memref<1x128xi32, #tpu.memory_space<vmem>>
      %dma_wait3A_173 = tpu.memref_squeeze %dma_wait3A_172 : memref<1x128xi32, #tpu.memory_space<vmem>> -> memref<128xi32, #tpu.memory_space<vmem>>
      %dma_wait3A_174 = arith.constant 0 : i32
      %dma_wait3A_175 = arith.constant 0 : i32
      %dma_wait3A_176 = tpu.memref_slice %arg12[%dma_wait3A_174, %dma_wait3A_175] : memref<10112x32xf32, #tpu.memory_space<vmem_shared>> -> memref<10112x32xf32, #tpu.memory_space<vmem_shared>>
      tpu.wait_indirect_dma semaphore(%arg18 : memref<!tpu.dma_semaphore, #tpu.memory_space<semaphore_mem>>) src(%arg7 : memref<128x32xf32, #tpu.memory_space<vmem>>) dst(%dma_wait3A_176 : memref<10112x32xf32, #tpu.memory_space<vmem_shared>>)
      %dma_wait3A_177 = arith.constant 0 : i32
      %dma_wait3A_178 = tpu.memref_slice %arg6[%add3A_136, %dma_wait3A_177] : memref<40x128xi32, #tpu.memory_space<vmem>> -> memref<1x128xi32, #tpu.memory_space<vmem>>
      %dma_wait3A_179 = tpu.memref_squeeze %dma_wait3A_178 : memref<1x128xi32, #tpu.memory_space<vmem>> -> memref<128xi32, #tpu.memory_space<vmem>>
      %dma_wait3A_180 = arith.constant 0 : i32
      %dma_wait3A_181 = arith.constant 0 : i32
      %dma_wait3A_182 = tpu.memref_slice %arg12[%dma_wait3A_180, %dma_wait3A_181] : memref<10112x32xf32, #tpu.memory_space<vmem_shared>> -> memref<10112x32xf32, #tpu.memory_space<vmem_shared>>
      tpu.wait_indirect_dma semaphore(%arg19 : memref<!tpu.dma_semaphore, #tpu.memory_space<semaphore_mem>>) src(%arg8 : memref<128x32xf32, #tpu.memory_space<vmem>>) dst(%dma_wait3A_182 : memref<10112x32xf32, #tpu.memory_space<vmem_shared>>)
      %dma_wait3A_183 = arith.constant 0 : i32
      %dma_wait3A_184 = tpu.memref_slice %arg6[%add3A_150, %dma_wait3A_183] : memref<40x128xi32, #tpu.memory_space<vmem>> -> memref<1x128xi32, #tpu.memory_space<vmem>>
      %dma_wait3A_185 = tpu.memref_squeeze %dma_wait3A_184 : memref<1x128xi32, #tpu.memory_space<vmem>> -> memref<128xi32, #tpu.memory_space<vmem>>
      %dma_wait3A_186 = arith.constant 0 : i32
      %dma_wait3A_187 = arith.constant 0 : i32
      %dma_wait3A_188 = tpu.memref_slice %arg12[%dma_wait3A_186, %dma_wait3A_187] : memref<10112x32xf32, #tpu.memory_space<vmem_shared>> -> memref<10112x32xf32, #tpu.memory_space<vmem_shared>>
      tpu.wait_indirect_dma semaphore(%arg20 : memref<!tpu.dma_semaphore, #tpu.memory_space<semaphore_mem>>) src(%arg9 : memref<128x32xf32, #tpu.memory_space<vmem>>) dst(%dma_wait3A_188 : memref<10112x32xf32, #tpu.memory_space<vmem_shared>>)
      %dma_wait3A_189 = arith.constant 0 : i32
      %dma_wait3A_190 = tpu.memref_slice %arg6[%add3A_164, %dma_wait3A_189] : memref<40x128xi32, #tpu.memory_space<vmem>> -> memref<1x128xi32, #tpu.memory_space<vmem>>
      %dma_wait3A_191 = tpu.memref_squeeze %dma_wait3A_190 : memref<1x128xi32, #tpu.memory_space<vmem>> -> memref<128xi32, #tpu.memory_space<vmem>>
      %dma_wait3A_192 = arith.constant 0 : i32
      %dma_wait3A_193 = arith.constant 0 : i32
      %dma_wait3A_194 = tpu.memref_slice %arg12[%dma_wait3A_192, %dma_wait3A_193] : memref<10112x32xf32, #tpu.memory_space<vmem_shared>> -> memref<10112x32xf32, #tpu.memory_space<vmem_shared>>
      tpu.wait_indirect_dma semaphore(%arg21 : memref<!tpu.dma_semaphore, #tpu.memory_space<semaphore_mem>>) src(%arg10 : memref<128x32xf32, #tpu.memory_space<vmem>>) dst(%dma_wait3A_194 : memref<10112x32xf32, #tpu.memory_space<vmem_shared>>)
      %while3A_195 = arith.constant 0 : i32
      scf.yield %while3A_195 : i32
    }
    %jit3A_53 = arith.constant 4 : i32
    %eq3A_54 = arith.constant 0 : i32
    %eq3A_55 = arith.cmpi eq, %jit3A_53, %eq3A_54 : i32
    %jit3A_56 = arith.constant 1 : i32
    %select_n3A_57 = arith.select %eq3A_55, %jit3A_56, %jit3A_53 : i32
    %rem3A_58 = arith.remsi %select_n3A, %select_n3A_57 : i32
    %ne3A_59 = arith.constant 0 : i32
    %ne3A_60 = arith.cmpi ne, %rem3A_58, %ne3A_59 : i32
    %lt3A = arith.constant 0 : i32
    %lt3A_61 = arith.cmpi slt, %rem3A_58, %lt3A : i32
    %lt3A_62 = arith.constant 0 : i32
    %lt3A_63 = arith.cmpi slt, %select_n3A_57, %lt3A_62 : i32
    %ne3A_64 = arith.xori %lt3A_61, %lt3A_63 : i1
    %and3A_65 = arith.andi %ne3A_64, %ne3A_60 : i1
    %add3A_66 = arith.addi %rem3A_58, %select_n3A_57 : i32
    %select_n3A_67 = arith.select %and3A_65, %add3A_66, %rem3A_58 : i32
    %ne3A_68 = arith.constant 0 : i32
    %ne3A_69 = arith.cmpi ne, %select_n3A_67, %ne3A_68 : i32
    %convert_element_type3A_70 = arith.extui %ne3A_69 : i1 to i32
    %cond3A_71 = arith.constant 0 : i32
    %cond3A_72 = arith.cmpi ne, %convert_element_type3A_70, %cond3A_71 : i32
    scf.if %cond3A_72 {
      %mul3A_81 = arith.constant 4 : i32
      %mul3A_82 = arith.muli %select_n3A_41, %mul3A_81 : i32
      %add3A_83 = arith.constant 0 : i32
      %add3A_84 = arith.addi %mul3A_82, %add3A_83 : i32
      %dma_start3A = arith.constant 0 : i32
      %dma_start3A_85 = tpu.memref_slice %arg5[%add3A_84, %dma_start3A] : memref<40x128xi32, #tpu.memory_space<vmem>> -> memref<1x128xi32, #tpu.memory_space<vmem>>
      %dma_start3A_86 = tpu.memref_squeeze %dma_start3A_85 : memref<1x128xi32, #tpu.memory_space<vmem>> -> memref<128xi32, #tpu.memory_space<vmem>>
      %dma_start3A_87 = arith.constant 0 : i32
      %dma_start3A_88 = arith.constant 0 : i32
      %dma_start3A_89 = tpu.memref_slice %arg13[%dma_start3A_87, %dma_start3A_88] : memref<10000x32xf32, #tpu.memory_space<vmem_shared>> -> memref<10000x32xf32, #tpu.memory_space<vmem_shared>>
      tpu.enqueue_indirect_dma source(%dma_start3A_89 : memref<10000x32xf32, #tpu.memory_space<vmem_shared>>) target(%arg7 : memref<128x32xf32, #tpu.memory_space<vmem>>) offsets(%dma_start3A_86 : memref<128xi32, #tpu.memory_space<vmem>>) semaphore(%arg14 : memref<!tpu.dma_semaphore, #tpu.memory_space<semaphore_mem>>)
      %add3A_90 = arith.constant 1 : i32
      %add3A_91 = arith.addi %mul3A_82, %add3A_90 : i32
      %dma_start3A_92 = arith.constant 0 : i32
      %dma_start3A_93 = tpu.memref_slice %arg5[%add3A_91, %dma_start3A_92] : memref<40x128xi32, #tpu.memory_space<vmem>> -> memref<1x128xi32, #tpu.memory_space<vmem>>
      %dma_start3A_94 = tpu.memref_squeeze %dma_start3A_93 : memref<1x128xi32, #tpu.memory_space<vmem>> -> memref<128xi32, #tpu.memory_space<vmem>>
      %dma_start3A_95 = arith.constant 0 : i32
      %dma_start3A_96 = arith.constant 0 : i32
      %dma_start3A_97 = tpu.memref_slice %arg13[%dma_start3A_95, %dma_start3A_96] : memref<10000x32xf32, #tpu.memory_space<vmem_shared>> -> memref<10000x32xf32, #tpu.memory_space<vmem_shared>>
      tpu.enqueue_indirect_dma source(%dma_start3A_97 : memref<10000x32xf32, #tpu.memory_space<vmem_shared>>) target(%arg8 : memref<128x32xf32, #tpu.memory_space<vmem>>) offsets(%dma_start3A_94 : memref<128xi32, #tpu.memory_space<vmem>>) semaphore(%arg15 : memref<!tpu.dma_semaphore, #tpu.memory_space<semaphore_mem>>)
      %dma_wait3A = arith.constant 0 : i32
      %dma_wait3A_98 = tpu.memref_slice %arg5[%add3A_84, %dma_wait3A] : memref<40x128xi32, #tpu.memory_space<vmem>> -> memref<1x128xi32, #tpu.memory_space<vmem>>
      %dma_wait3A_99 = tpu.memref_squeeze %dma_wait3A_98 : memref<1x128xi32, #tpu.memory_space<vmem>> -> memref<128xi32, #tpu.memory_space<vmem>>
      %dma_wait3A_100 = arith.constant 0 : i32
      %dma_wait3A_101 = arith.constant 0 : i32
      %dma_wait3A_102 = tpu.memref_slice %arg13[%dma_wait3A_100, %dma_wait3A_101] : memref<10000x32xf32, #tpu.memory_space<vmem_shared>> -> memref<10000x32xf32, #tpu.memory_space<vmem_shared>>
      tpu.wait_indirect_dma semaphore(%arg14 : memref<!tpu.dma_semaphore, #tpu.memory_space<semaphore_mem>>) src(%dma_wait3A_102 : memref<10000x32xf32, #tpu.memory_space<vmem_shared>>) dst(%arg7 : memref<128x32xf32, #tpu.memory_space<vmem>>)
      %add3A_103 = arith.constant 0 : i32
      %add3A_104 = arith.addi %mul3A_82, %add3A_103 : i32
      %dma_start3A_105 = arith.constant 0 : i32
      %dma_start3A_106 = tpu.memref_slice %arg6[%add3A_104, %dma_start3A_105] : memref<40x128xi32, #tpu.memory_space<vmem>> -> memref<1x128xi32, #tpu.memory_space<vmem>>
      %dma_start3A_107 = tpu.memref_squeeze %dma_start3A_106 : memref<1x128xi32, #tpu.memory_space<vmem>> -> memref<128xi32, #tpu.memory_space<vmem>>
      %dma_start3A_108 = arith.constant 0 : i32
      %dma_start3A_109 = arith.constant 0 : i32
      %dma_start3A_110 = tpu.memref_slice %arg12[%dma_start3A_108, %dma_start3A_109] : memref<10112x32xf32, #tpu.memory_space<vmem_shared>> -> memref<10112x32xf32, #tpu.memory_space<vmem_shared>>
      tpu.enqueue_indirect_dma source(%arg7 : memref<128x32xf32, #tpu.memory_space<vmem>>) target(%dma_start3A_110 : memref<10112x32xf32, #tpu.memory_space<vmem_shared>>) offsets(%dma_start3A_107 : memref<128xi32, #tpu.memory_space<vmem>>) semaphore(%arg18 : memref<!tpu.dma_semaphore, #tpu.memory_space<semaphore_mem>>) {add = true}
      %dma_wait3A_111 = arith.constant 0 : i32
      %dma_wait3A_112 = tpu.memref_slice %arg5[%add3A_91, %dma_wait3A_111] : memref<40x128xi32, #tpu.memory_space<vmem>> -> memref<1x128xi32, #tpu.memory_space<vmem>>
      %dma_wait3A_113 = tpu.memref_squeeze %dma_wait3A_112 : memref<1x128xi32, #tpu.memory_space<vmem>> -> memref<128xi32, #tpu.memory_space<vmem>>
      %dma_wait3A_114 = arith.constant 0 : i32
      %dma_wait3A_115 = arith.constant 0 : i32
      %dma_wait3A_116 = tpu.memref_slice %arg13[%dma_wait3A_114, %dma_wait3A_115] : memref<10000x32xf32, #tpu.memory_space<vmem_shared>> -> memref<10000x32xf32, #tpu.memory_space<vmem_shared>>
      tpu.wait_indirect_dma semaphore(%arg15 : memref<!tpu.dma_semaphore, #tpu.memory_space<semaphore_mem>>) src(%dma_wait3A_116 : memref<10000x32xf32, #tpu.memory_space<vmem_shared>>) dst(%arg8 : memref<128x32xf32, #tpu.memory_space<vmem>>)
      %add3A_117 = arith.constant 1 : i32
      %add3A_118 = arith.addi %mul3A_82, %add3A_117 : i32
      %dma_start3A_119 = arith.constant 0 : i32
      %dma_start3A_120 = tpu.memref_slice %arg6[%add3A_118, %dma_start3A_119] : memref<40x128xi32, #tpu.memory_space<vmem>> -> memref<1x128xi32, #tpu.memory_space<vmem>>
      %dma_start3A_121 = tpu.memref_squeeze %dma_start3A_120 : memref<1x128xi32, #tpu.memory_space<vmem>> -> memref<128xi32, #tpu.memory_space<vmem>>
      %dma_start3A_122 = arith.constant 0 : i32
      %dma_start3A_123 = arith.constant 0 : i32
      %dma_start3A_124 = tpu.memref_slice %arg12[%dma_start3A_122, %dma_start3A_123] : memref<10112x32xf32, #tpu.memory_space<vmem_shared>> -> memref<10112x32xf32, #tpu.memory_space<vmem_shared>>
      tpu.enqueue_indirect_dma source(%arg8 : memref<128x32xf32, #tpu.memory_space<vmem>>) target(%dma_start3A_124 : memref<10112x32xf32, #tpu.memory_space<vmem_shared>>) offsets(%dma_start3A_121 : memref<128xi32, #tpu.memory_space<vmem>>) semaphore(%arg19 : memref<!tpu.dma_semaphore, #tpu.memory_space<semaphore_mem>>) {add = true}
      %dma_wait3A_125 = arith.constant 0 : i32
      %dma_wait3A_126 = tpu.memref_slice %arg6[%add3A_104, %dma_wait3A_125] : memref<40x128xi32, #tpu.memory_space<vmem>> -> memref<1x128xi32, #tpu.memory_space<vmem>>
      %dma_wait3A_127 = tpu.memref_squeeze %dma_wait3A_126 : memref<1x128xi32, #tpu.memory_space<vmem>> -> memref<128xi32, #tpu.memory_space<vmem>>
      %dma_wait3A_128 = arith.constant 0 : i32
      %dma_wait3A_129 = arith.constant 0 : i32
      %dma_wait3A_130 = tpu.memref_slice %arg12[%dma_wait3A_128, %dma_wait3A_129] : memref<10112x32xf32, #tpu.memory_space<vmem_shared>> -> memref<10112x32xf32, #tpu.memory_space<vmem_shared>>
      tpu.wait_indirect_dma semaphore(%arg18 : memref<!tpu.dma_semaphore, #tpu.memory_space<semaphore_mem>>) src(%arg7 : memref<128x32xf32, #tpu.memory_space<vmem>>) dst(%dma_wait3A_130 : memref<10112x32xf32, #tpu.memory_space<vmem_shared>>)
      %dma_wait3A_131 = arith.constant 0 : i32
      %dma_wait3A_132 = tpu.memref_slice %arg6[%add3A_118, %dma_wait3A_131] : memref<40x128xi32, #tpu.memory_space<vmem>> -> memref<1x128xi32, #tpu.memory_space<vmem>>
      %dma_wait3A_133 = tpu.memref_squeeze %dma_wait3A_132 : memref<1x128xi32, #tpu.memory_space<vmem>> -> memref<128xi32, #tpu.memory_space<vmem>>
      %dma_wait3A_134 = arith.constant 0 : i32
      %dma_wait3A_135 = arith.constant 0 : i32
      %dma_wait3A_136 = tpu.memref_slice %arg12[%dma_wait3A_134, %dma_wait3A_135] : memref<10112x32xf32, #tpu.memory_space<vmem_shared>> -> memref<10112x32xf32, #tpu.memory_space<vmem_shared>>
      tpu.wait_indirect_dma semaphore(%arg19 : memref<!tpu.dma_semaphore, #tpu.memory_space<semaphore_mem>>) src(%arg8 : memref<128x32xf32, #tpu.memory_space<vmem>>) dst(%dma_wait3A_136 : memref<10112x32xf32, #tpu.memory_space<vmem_shared>>)
    } else {
    }
    %barrier3A_73 = arith.constant 0 : index
    tpu.barrier barrier_id(%barrier3A_73)
    %mul3A_74 = arith.constant 632 : i32
    %mul3A_75 = arith.muli %arg1, %mul3A_74 : i32
    %mul3A_76 = arith.constant 10112 : i32
    %mul3A_77 = arith.muli %arg0, %mul3A_76 : i32
    %mul3A_78 = arith.constant 632 : i32
    %mul3A_79 = arith.muli %arg1, %mul3A_78 : i32
    %add3A_80 = arith.addi %mul3A_77, %mul3A_79 : i32
    "tpu.region"() ({
      %run_scoped3A_81 = tpu.sem_alloc : memref<!tpu.dma_semaphore, #tpu.memory_space<semaphore_mem>>
      %dma_start3A = arith.constant 0 : i32
      %dma_start3A_82 = tpu.memref_slice %arg4[%add3A_80, %dma_start3A] : memref<20224x32xf32, #tpu.memory_space<hbm>> -> memref<632x32xf32, #tpu.memory_space<hbm>>
      %dma_start3A_83 = arith.constant 0 : i32
      %dma_start3A_84 = tpu.memref_slice %arg12[%mul3A_75, %dma_start3A_83] : memref<10112x32xf32, #tpu.memory_space<vmem_shared>> -> memref<632x32xf32, #tpu.memory_space<vmem_shared>>
      tpu.enqueue_dma source(%dma_start3A_84 : memref<632x32xf32, #tpu.memory_space<vmem_shared>>) target(%dma_start3A_82 : memref<632x32xf32, #tpu.memory_space<hbm>>) target_semaphore(%run_scoped3A_81 : memref<!tpu.dma_semaphore, #tpu.memory_space<semaphore_mem>>)
      %dma_wait3A = arith.constant 0 : i32
      %dma_wait3A_85 = tpu.memref_slice %arg4[%add3A_80, %dma_wait3A] : memref<20224x32xf32, #tpu.memory_space<hbm>> -> memref<632x32xf32, #tpu.memory_space<hbm>>
      %dma_wait3A_86 = arith.constant 0 : i32
      %dma_wait3A_87 = tpu.memref_slice %arg12[%mul3A_75, %dma_wait3A_86] : memref<10112x32xf32, #tpu.memory_space<vmem_shared>> -> memref<632x32xf32, #tpu.memory_space<vmem_shared>>
      tpu.wait_dma2 semaphore(%run_scoped3A_81 : memref<!tpu.dma_semaphore, #tpu.memory_space<semaphore_mem>>) src(%dma_wait3A_87 : memref<632x32xf32, #tpu.memory_space<vmem_shared>>) dst(%dma_wait3A_85 : memref<632x32xf32, #tpu.memory_space<hbm>>)
      tpu.yield
    }) : () -> ()
    return
  }
}

module attributes {stable_mosaic.version = 14 : i64} {
  func.func @_tc_a_body(%arg0: i32, %arg1: memref<2000x128xf32, #tpu.memory_space<vmem>>, %arg2: memref<128x32xf32, #tpu.memory_space<vmem>>, %arg3: memref<2000x32xf32, #tpu.memory_space<vmem>>) attributes {dimension_semantics = [#tpu.dimension_semantics<arbitrary>], iteration_bounds = array<i64: 5>, scalar_prefetch = 0 : i64, scratch_operands = 0 : i64, tpu.core_type = #tpu.core_type<tc>, window_params = [{transform_indices = @transform_0, window_bounds = array<i64: 2000, 128>}, {pipeline_mode = #tpu.pipeline_mode<synchronous>, transform_indices = @transform_1, window_bounds = array<i64: 128, 32>}, {transform_indices = @transform_2, window_bounds = array<i64: 2000, 32>}]} {
    %get3A = arith.constant 0 : index
    %get3A_0 = arith.constant 0 : index
    %get3A_1 = vector.load %arg1[%get3A, %get3A_0] : memref<2000x128xf32, #tpu.memory_space<vmem>>, vector<2000x128xf32>
    %get3A_2 = arith.constant 0 : index
    %get3A_3 = arith.constant 0 : index
    %get3A_4 = vector.load %arg2[%get3A_2, %get3A_3] : memref<128x32xf32, #tpu.memory_space<vmem>>, vector<128x32xf32>
    %dot_general3A = arith.constant dense<0.000000e+00> : vector<2000x32xf32>
    %dot_general3A_5 = tpu.matmul %get3A_1, %get3A_4, %dot_general3A {dimension_numbers = #tpu.dot_dimension_numbers<[1], [0], [0], [1], [0, 0, 1, 1], [], []>, transpose_lhs_hint = false} : vector<2000x128xf32>, vector<128x32xf32>, vector<2000x32xf32> -> vector<2000x32xf32>
    %swap3A = arith.constant 0 : index
    %swap3A_6 = arith.constant 0 : index
    %swap3A_7 = vector.load %arg3[%swap3A, %swap3A_6] : memref<2000x32xf32, #tpu.memory_space<vmem>>, vector<2000x32xf32>
    tpu.vector_store %arg3[%swap3A, %swap3A_6], %dot_general3A_5 {strides = array<i32>} : memref<2000x32xf32, #tpu.memory_space<vmem>>, vector<2000x32xf32>,
    return
  }
  func.func @transform_0(%arg0: i32) -> (i32, i32) {
    %c0_i32 = arith.constant 0 : i32
    %c0_i32_0 = arith.constant 0 : i32
    return %arg0, %c0_i32 : i32, i32
  }
  func.func @transform_1(%arg0: i32) -> (i32, i32) {
    %c0_i32 = arith.constant 0 : i32
    %c0_i32_0 = arith.constant 0 : i32
    %c0_i32_1 = arith.constant 0 : i32
    return %c0_i32, %c0_i32_0 : i32, i32
  }
  func.func @transform_2(%arg0: i32) -> (i32, i32) {
    %c0_i32 = arith.constant 0 : i32
    %c0_i32_0 = arith.constant 0 : i32
    return %arg0, %c0_i32 : i32, i32
  }
}

module attributes {stable_mosaic.version = 14 : i64} {
  func.func @_tc_b_body(%arg0: i32, %arg1: memref<2000x32xf32, #tpu.memory_space<vmem>>, %arg2: memref<2x2000x16xf32, #tpu.memory_space<vmem>>, %arg3: memref<2000x32xf32, #tpu.memory_space<vmem>>, %arg4: memref<2000x1xf32, #tpu.memory_space<vmem>>) attributes {dimension_semantics = [#tpu.dimension_semantics<arbitrary>], iteration_bounds = array<i64: 5>, scalar_prefetch = 0 : i64, scratch_operands = 0 : i64, tpu.core_type = #tpu.core_type<tc>, window_params = [{transform_indices = @transform_0, window_bounds = array<i64: 2000, 32>}, {transform_indices = @transform_1, window_bounds = array<i64: 2, 2000, 16>}, {transform_indices = @transform_2, window_bounds = array<i64: 2000, 32>}, {transform_indices = @transform_3, window_bounds = array<i64: 2000, 1>}]} {
    %get3A = arith.constant 0 : index
    %get3A_0 = arith.constant 0 : index
    %get3A_1 = arith.constant 0 : index
    %get3A_2 = vector.load %arg2[%get3A, %get3A_0, %get3A_1] : memref<2x2000x16xf32, #tpu.memory_space<vmem>>, vector<1x2000x16xf32>
    %get3A_3 = vector.shape_cast %get3A_2 : vector<1x2000x16xf32> to vector<2000x16xf32>
    %get3A_4 = arith.constant 1 : index
    %get3A_5 = arith.constant 0 : index
    %get3A_6 = arith.constant 0 : index
    %get3A_7 = vector.load %arg2[%get3A_4, %get3A_5, %get3A_6] : memref<2x2000x16xf32, #tpu.memory_space<vmem>>, vector<1x2000x16xf32>
    %get3A_8 = vector.shape_cast %get3A_7 : vector<1x2000x16xf32> to vector<2000x16xf32>
    %add3A = arith.addf %get3A_3, %get3A_8 : vector<2000x16xf32>
    %add3A_9 = arith.constant 1.000000e+00 : f32
    %add3A_10 = vector.broadcast %add3A_9 : f32 to vector<2000x16xf32>
    %add3A_11 = arith.addf %add3A, %add3A_10 : vector<2000x16xf32>
    %rsqrt3A = math.rsqrt %add3A_11 : vector<2000x16xf32>
    %slice3A = vector.extract_strided_slice %rsqrt3A {offsets = [0, 0], sizes = [2000, 1], strides = [1, 1]} : vector<2000x16xf32> to vector<2000x1xf32>
    %get3A_12 = arith.constant 0 : index
    %get3A_13 = arith.constant 0 : index
    %get3A_14 = vector.load %arg1[%get3A_12, %get3A_13] : memref<2000x32xf32, #tpu.memory_space<vmem>>, vector<2000x32xf32>
    %mul3A = vector.broadcast %slice3A : vector<2000x1xf32> to vector<2000x32xf32>
    %mul3A_15 = arith.mulf %mul3A, %get3A_14 : vector<2000x32xf32>
    %swap3A = arith.constant 0 : index
    %swap3A_16 = arith.constant 0 : index
    %swap3A_17 = vector.load %arg3[%swap3A, %swap3A_16] : memref<2000x32xf32, #tpu.memory_space<vmem>>, vector<2000x32xf32>
    tpu.vector_store %arg3[%swap3A, %swap3A_16], %mul3A_15 {strides = array<i32>} : memref<2000x32xf32, #tpu.memory_space<vmem>>, vector<2000x32xf32>,
    %swap3A_18 = arith.constant 0 : index
    %swap3A_19 = arith.constant 0 : index
    %swap3A_20 = vector.load %arg4[%swap3A_18, %swap3A_19] : memref<2000x1xf32, #tpu.memory_space<vmem>>, vector<2000x1xf32>
    tpu.vector_store %arg4[%swap3A_18, %swap3A_19], %slice3A {strides = array<i32>} : memref<2000x1xf32, #tpu.memory_space<vmem>>, vector<2000x1xf32>,
    return
  }
  func.func @transform_0(%arg0: i32) -> (i32, i32) {
    %c0_i32 = arith.constant 0 : i32
    %c0_i32_0 = arith.constant 0 : i32
    return %arg0, %c0_i32 : i32, i32
  }
  func.func @transform_1(%arg0: i32) -> (i32, i32, i32) {
    %c0_i32 = arith.constant 0 : i32
    %c0_i32_0 = arith.constant 0 : i32
    %c0_i32_1 = arith.constant 0 : i32
    return %c0_i32, %arg0, %c0_i32_0 : i32, i32, i32
  }
  func.func @transform_2(%arg0: i32) -> (i32, i32) {
    %c0_i32 = arith.constant 0 : i32
    %c0_i32_0 = arith.constant 0 : i32
    return %arg0, %c0_i32 : i32, i32
  }
  func.func @transform_3(%arg0: i32) -> (i32, i32) {
    %c0_i32 = arith.constant 0 : i32
    %c0_i32_0 = arith.constant 0 : i32
    return %arg0, %c0_i32 : i32, i32
  }
}

module attributes {stable_mosaic.version = 14 : i64} {
  func.func @_tc_c_body(%arg0: i32, %arg1: memref<2x2000x32xf32, #tpu.memory_space<vmem>>, %arg2: memref<2000x32xf32, #tpu.memory_space<vmem>>, %arg3: memref<2000x1xf32, #tpu.memory_space<vmem>>, %arg4: memref<1x32xf32, #tpu.memory_space<vmem>>, %arg5: memref<32x32xf32, #tpu.memory_space<vmem>>, %arg6: memref<2000x32xf32, #tpu.memory_space<vmem>>) attributes {dimension_semantics = [#tpu.dimension_semantics<arbitrary>], iteration_bounds = array<i64: 5>, scalar_prefetch = 0 : i64, scratch_operands = 0 : i64, tpu.core_type = #tpu.core_type<tc>, window_params = [{transform_indices = @transform_0, window_bounds = array<i64: 2, 2000, 32>}, {transform_indices = @transform_1, window_bounds = array<i64: 2000, 32>}, {transform_indices = @transform_2, window_bounds = array<i64: 2000, 1>}, {pipeline_mode = #tpu.pipeline_mode<synchronous>, transform_indices = @transform_3, window_bounds = array<i64: 1, 32>}, {pipeline_mode = #tpu.pipeline_mode<synchronous>, transform_indices = @transform_4, window_bounds = array<i64: 32, 32>}, {transform_indices = @transform_5, window_bounds = array<i64: 2000, 32>}]} {
    %get3A = arith.constant 0 : index
    %get3A_0 = arith.constant 0 : index
    %get3A_1 = vector.load %arg3[%get3A, %get3A_0] : memref<2000x1xf32, #tpu.memory_space<vmem>>, vector<2000x1xf32>
    %get3A_2 = arith.constant 0 : index
    %get3A_3 = arith.constant 0 : index
    %get3A_4 = arith.constant 0 : index
    %get3A_5 = vector.load %arg1[%get3A_2, %get3A_3, %get3A_4] : memref<2x2000x32xf32, #tpu.memory_space<vmem>>, vector<1x2000x32xf32>
    %get3A_6 = vector.shape_cast %get3A_5 : vector<1x2000x32xf32> to vector<2000x32xf32>
    %get3A_7 = arith.constant 1 : index
    %get3A_8 = arith.constant 0 : index
    %get3A_9 = arith.constant 0 : index
    %get3A_10 = vector.load %arg1[%get3A_7, %get3A_8, %get3A_9] : memref<2x2000x32xf32, #tpu.memory_space<vmem>>, vector<1x2000x32xf32>
    %get3A_11 = vector.shape_cast %get3A_10 : vector<1x2000x32xf32> to vector<2000x32xf32>
    %add3A = arith.addf %get3A_6, %get3A_11 : vector<2000x32xf32>
    %get3A_12 = arith.constant 0 : index
    %get3A_13 = arith.constant 0 : index
    %get3A_14 = vector.load %arg2[%get3A_12, %get3A_13] : memref<2000x32xf32, #tpu.memory_space<vmem>>, vector<2000x32xf32>
    %add3A_15 = arith.addf %add3A, %get3A_14 : vector<2000x32xf32>
    %mul3A = vector.broadcast %get3A_1 : vector<2000x1xf32> to vector<2000x32xf32>
    %mul3A_16 = arith.mulf %mul3A, %add3A_15 : vector<2000x32xf32>
    %get3A_17 = arith.constant 0 : index
    %get3A_18 = arith.constant 0 : index
    %get3A_19 = vector.load %arg4[%get3A_17, %get3A_18] : memref<1x32xf32, #tpu.memory_space<vmem>>, vector<1x32xf32>
    %add3A_20 = vector.broadcast %get3A_19 : vector<1x32xf32> to vector<2000x32xf32>
    %add3A_21 = arith.addf %mul3A_16, %add3A_20 : vector<2000x32xf32>
    %max3A = arith.constant 0.000000e+00 : f32
    %max3A_22 = vector.broadcast %max3A : f32 to vector<2000x32xf32>
    %max3A_23 = arith.maximumf %add3A_21, %max3A_22 : vector<2000x32xf32>
    %get3A_24 = arith.constant 0 : index
    %get3A_25 = arith.constant 0 : index
    %get3A_26 = vector.load %arg5[%get3A_24, %get3A_25] : memref<32x32xf32, #tpu.memory_space<vmem>>, vector<32x32xf32>
    %dot_general3A = arith.constant dense<0.000000e+00> : vector<2000x32xf32>
    %dot_general3A_27 = tpu.matmul %max3A_23, %get3A_26, %dot_general3A {dimension_numbers = #tpu.dot_dimension_numbers<[1], [0], [0], [1], [0, 0, 1, 1], [], []>, transpose_lhs_hint = false} : vector<2000x32xf32>, vector<32x32xf32>, vector<2000x32xf32> -> vector<2000x32xf32>
    %mul3A_28 = vector.broadcast %get3A_1 : vector<2000x1xf32> to vector<2000x32xf32>
    %mul3A_29 = arith.mulf %mul3A_28, %dot_general3A_27 : vector<2000x32xf32>
    %swap3A = arith.constant 0 : index
    %swap3A_30 = arith.constant 0 : index
    %swap3A_31 = vector.load %arg6[%swap3A, %swap3A_30] : memref<2000x32xf32, #tpu.memory_space<vmem>>, vector<2000x32xf32>
    tpu.vector_store %arg6[%swap3A, %swap3A_30], %mul3A_29 {strides = array<i32>} : memref<2000x32xf32, #tpu.memory_space<vmem>>, vector<2000x32xf32>,
    return
  }
  func.func @transform_0(%arg0: i32) -> (i32, i32, i32) {
    %c0_i32 = arith.constant 0 : i32
    %c0_i32_0 = arith.constant 0 : i32
    %c0_i32_1 = arith.constant 0 : i32
    return %c0_i32, %arg0, %c0_i32_0 : i32, i32, i32
  }
  func.func @transform_1(%arg0: i32) -> (i32, i32) {
    %c0_i32 = arith.constant 0 : i32
    %c0_i32_0 = arith.constant 0 : i32
    return %arg0, %c0_i32 : i32, i32
  }
  func.func @transform_2(%arg0: i32) -> (i32, i32) {
    %c0_i32 = arith.constant 0 : i32
    %c0_i32_0 = arith.constant 0 : i32
    return %arg0, %c0_i32 : i32, i32
  }
  func.func @transform_3(%arg0: i32) -> (i32, i32) {
    %c0_i32 = arith.constant 0 : i32
    %c0_i32_0 = arith.constant 0 : i32
    %c0_i32_1 = arith.constant 0 : i32
    return %c0_i32, %c0_i32_0 : i32, i32
  }
  func.func @transform_4(%arg0: i32) -> (i32, i32) {
    %c0_i32 = arith.constant 0 : i32
    %c0_i32_0 = arith.constant 0 : i32
    %c0_i32_1 = arith.constant 0 : i32
    return %c0_i32, %c0_i32_0 : i32, i32
  }
  func.func @transform_5(%arg0: i32) -> (i32, i32) {
    %c0_i32 = arith.constant 0 : i32
    %c0_i32_0 = arith.constant 0 : i32
    return %arg0, %c0_i32 : i32, i32
  }
}

module attributes {stable_mosaic.version = 14 : i64} {
  func.func @_tc_d_body(%arg0: i32, %arg1: memref<2x2000x32xf32, #tpu.memory_space<vmem>>, %arg2: memref<2000x32xf32, #tpu.memory_space<vmem>>, %arg3: memref<2000x1xf32, #tpu.memory_space<vmem>>, %arg4: memref<1x32xf32, #tpu.memory_space<vmem>>, %arg5: memref<32x10xf32, #tpu.memory_space<vmem>>, %arg6: memref<1x10xf32, #tpu.memory_space<vmem>>, %arg7: memref<2000x16xf32, #tpu.memory_space<vmem>>, %arg8: memref<10x10xf32, #tpu.memory_space<vmem>>, %arg9: memref<2000x32xf32, #tpu.memory_space<vmem>>) attributes {dimension_semantics = [#tpu.dimension_semantics<arbitrary>], iteration_bounds = array<i64: 5>, scalar_prefetch = 0 : i64, scratch_operands = 0 : i64, tpu.core_type = #tpu.core_type<tc>, window_params = [{transform_indices = @transform_0, window_bounds = array<i64: 2, 2000, 32>}, {transform_indices = @transform_1, window_bounds = array<i64: 2000, 32>}, {transform_indices = @transform_2, window_bounds = array<i64: 2000, 1>}, {pipeline_mode = #tpu.pipeline_mode<synchronous>, transform_indices = @transform_3, window_bounds = array<i64: 1, 32>}, {pipeline_mode = #tpu.pipeline_mode<synchronous>, transform_indices = @transform_4, window_bounds = array<i64: 32, 10>}, {pipeline_mode = #tpu.pipeline_mode<synchronous>, transform_indices = @transform_5, window_bounds = array<i64: 1, 10>}, {transform_indices = @transform_6, window_bounds = array<i64: 2000, 16>}, {pipeline_mode = #tpu.pipeline_mode<synchronous>, transform_indices = @transform_7, window_bounds = array<i64: 10, 10>}, {transform_indices = @transform_8, window_bounds = array<i64: 2000, 32>}]} {
    %get3A = arith.constant 0 : index
    %get3A_0 = arith.constant 0 : index
    %get3A_1 = vector.load %arg3[%get3A, %get3A_0] : memref<2000x1xf32, #tpu.memory_space<vmem>>, vector<2000x1xf32>
    %get3A_2 = arith.constant 0 : index
    %get3A_3 = arith.constant 0 : index
    %get3A_4 = arith.constant 0 : index
    %get3A_5 = vector.load %arg1[%get3A_2, %get3A_3, %get3A_4] : memref<2x2000x32xf32, #tpu.memory_space<vmem>>, vector<1x2000x32xf32>
    %get3A_6 = vector.shape_cast %get3A_5 : vector<1x2000x32xf32> to vector<2000x32xf32>
    %get3A_7 = arith.constant 1 : index
    %get3A_8 = arith.constant 0 : index
    %get3A_9 = arith.constant 0 : index
    %get3A_10 = vector.load %arg1[%get3A_7, %get3A_8, %get3A_9] : memref<2x2000x32xf32, #tpu.memory_space<vmem>>, vector<1x2000x32xf32>
    %get3A_11 = vector.shape_cast %get3A_10 : vector<1x2000x32xf32> to vector<2000x32xf32>
    %add3A = arith.addf %get3A_6, %get3A_11 : vector<2000x32xf32>
    %get3A_12 = arith.constant 0 : index
    %get3A_13 = arith.constant 0 : index
    %get3A_14 = vector.load %arg2[%get3A_12, %get3A_13] : memref<2000x32xf32, #tpu.memory_space<vmem>>, vector<2000x32xf32>
    %add3A_15 = arith.addf %add3A, %get3A_14 : vector<2000x32xf32>
    %mul3A = vector.broadcast %get3A_1 : vector<2000x1xf32> to vector<2000x32xf32>
    %mul3A_16 = arith.mulf %mul3A, %add3A_15 : vector<2000x32xf32>
    %get3A_17 = arith.constant 0 : index
    %get3A_18 = arith.constant 0 : index
    %get3A_19 = vector.load %arg4[%get3A_17, %get3A_18] : memref<1x32xf32, #tpu.memory_space<vmem>>, vector<1x32xf32>
    %add3A_20 = vector.broadcast %get3A_19 : vector<1x32xf32> to vector<2000x32xf32>
    %add3A_21 = arith.addf %mul3A_16, %add3A_20 : vector<2000x32xf32>
    %max3A = arith.constant 0.000000e+00 : f32
    %max3A_22 = vector.broadcast %max3A : f32 to vector<2000x32xf32>
    %max3A_23 = arith.maximumf %add3A_21, %max3A_22 : vector<2000x32xf32>
    %swap3A = arith.constant 0 : index
    %swap3A_24 = arith.constant 0 : index
    %swap3A_25 = vector.load %arg9[%swap3A, %swap3A_24] : memref<2000x32xf32, #tpu.memory_space<vmem>>, vector<2000x32xf32>
    tpu.vector_store %arg9[%swap3A, %swap3A_24], %max3A_23 {strides = array<i32>} : memref<2000x32xf32, #tpu.memory_space<vmem>>, vector<2000x32xf32>,
    %get3A_26 = arith.constant 0 : index
    %get3A_27 = arith.constant 0 : index
    %get3A_28 = vector.load %arg5[%get3A_26, %get3A_27] : memref<32x10xf32, #tpu.memory_space<vmem>>, vector<32x10xf32>
    %dot_general3A = arith.constant dense<0.000000e+00> : vector<2000x10xf32>
    %dot_general3A_29 = tpu.matmul %max3A_23, %get3A_28, %dot_general3A {dimension_numbers = #tpu.dot_dimension_numbers<[1], [0], [0], [1], [0, 0, 1, 1], [], []>, transpose_lhs_hint = false} : vector<2000x32xf32>, vector<32x10xf32>, vector<2000x10xf32> -> vector<2000x10xf32>
    %get3A_30 = arith.constant 0 : index
    %get3A_31 = arith.constant 0 : index
    %get3A_32 = vector.load %arg6[%get3A_30, %get3A_31] : memref<1x10xf32, #tpu.memory_space<vmem>>, vector<1x10xf32>
    %add3A_33 = vector.broadcast %get3A_32 : vector<1x10xf32> to vector<2000x10xf32>
    %add3A_34 = arith.addf %dot_general3A_29, %add3A_33 : vector<2000x10xf32>
    %reduce_max3A = arith.constant dense<0xFF800000> : vector<2000xf32>
    %reduce_max3A_35 = vector.multi_reduction <maximumf>, %add3A_34, %reduce_max3A [1] : vector<2000x10xf32> to vector<2000xf32>
    %broadcast_in_dim3A = vector.shape_cast %reduce_max3A_35 : vector<2000xf32> to vector<2000x1xf32>
    %sub3A = vector.broadcast %broadcast_in_dim3A : vector<2000x1xf32> to vector<2000x10xf32>
    %sub3A_36 = arith.subf %add3A_34, %sub3A : vector<2000x10xf32>
    %exp3A = math.exp %sub3A_36 : vector<2000x10xf32>
    %reduce_sum3A = arith.constant dense<0.000000e+00> : vector<2000xf32>
    %reduce_sum3A_37 = vector.multi_reduction <add>, %exp3A, %reduce_sum3A [1] : vector<2000x10xf32> to vector<2000xf32>
    %broadcast_in_dim3A_38 = vector.shape_cast %reduce_sum3A_37 : vector<2000xf32> to vector<2000x1xf32>
    %div3A = vector.broadcast %broadcast_in_dim3A_38 : vector<2000x1xf32> to vector<2000x10xf32>
    %div3A_39 = arith.divf %exp3A, %div3A : vector<2000x10xf32>
    %broadcast_in_dim3A_40 = arith.constant 1.000000e+00 : f32
    %broadcast_in_dim3A_41 = vector.broadcast %broadcast_in_dim3A_40 : f32 to vector<2000x1xf32>
    %broadcast_in_dim3A_42 = arith.constant 0.000000e+00 : f32
    %broadcast_in_dim3A_43 = vector.broadcast %broadcast_in_dim3A_42 : f32 to vector<2000x5xf32>
    %concatenate3A = tpu.concatenate %div3A_39, %broadcast_in_dim3A_41, %broadcast_in_dim3A_43 in 1 : vector<2000x10xf32>, vector<2000x1xf32>, vector<2000x5xf32> -> vector<2000x16xf32>
    %swap3A_44 = arith.constant 0 : index
    %swap3A_45 = arith.constant 0 : index
    %swap3A_46 = vector.load %arg7[%swap3A_44, %swap3A_45] : memref<2000x16xf32, #tpu.memory_space<vmem>>, vector<2000x16xf32>
    tpu.vector_store %arg7[%swap3A_44, %swap3A_45], %concatenate3A {strides = array<i32>} : memref<2000x16xf32, #tpu.memory_space<vmem>>, vector<2000x16xf32>,
    %dot_general3A_47 = arith.constant dense<0.000000e+00> : vector<10x10xf32>
    %dot_general3A_48 = tpu.matmul %div3A_39, %div3A_39, %dot_general3A_47 {dimension_numbers = #tpu.dot_dimension_numbers<[0], [0], [1], [1], [0, 1, 1, 1], [], []>, transpose_lhs_hint = false} : vector<2000x10xf32>, vector<2000x10xf32>, vector<10x10xf32> -> vector<10x10xf32>
    %eq3A = arith.constant 0 : i32
    %eq3A_49 = arith.cmpi eq, %arg0, %eq3A : i32
    %convert_element_type3A = arith.extui %eq3A_49 : i1 to i32
    %cond3A = arith.constant 0 : i32
    %cond3A_50 = arith.cmpi ne, %convert_element_type3A, %cond3A : i32
    scf.if %cond3A_50 {
      %broadcast_in_dim3A_58 = arith.constant 0.000000e+00 : f32
      %broadcast_in_dim3A_59 = vector.broadcast %broadcast_in_dim3A_58 : f32 to vector<10x10xf32>
      %swap3A_60 = arith.constant 0 : index
      %swap3A_61 = arith.constant 0 : index
      %swap3A_62 = vector.load %arg8[%swap3A_60, %swap3A_61] : memref<10x10xf32, #tpu.memory_space<vmem>>, vector<10x10xf32>
      tpu.vector_store %arg8[%swap3A_60, %swap3A_61], %broadcast_in_dim3A_59 {strides = array<i32>} : memref<10x10xf32, #tpu.memory_space<vmem>>, vector<10x10xf32>,
    } else {
    }
    %get3A_51 = arith.constant 0 : index
    %get3A_52 = arith.constant 0 : index
    %get3A_53 = vector.load %arg8[%get3A_51, %get3A_52] : memref<10x10xf32, #tpu.memory_space<vmem>>, vector<10x10xf32>
    %add3A_54 = arith.addf %get3A_53, %dot_general3A_48 : vector<10x10xf32>
    %swap3A_55 = arith.constant 0 : index
    %swap3A_56 = arith.constant 0 : index
    %swap3A_57 = vector.load %arg8[%swap3A_55, %swap3A_56] : memref<10x10xf32, #tpu.memory_space<vmem>>, vector<10x10xf32>
    tpu.vector_store %arg8[%swap3A_55, %swap3A_56], %add3A_54 {strides = array<i32>} : memref<10x10xf32, #tpu.memory_space<vmem>>, vector<10x10xf32>,
    return
  }
  func.func @transform_0(%arg0: i32) -> (i32, i32, i32) {
    %c0_i32 = arith.constant 0 : i32
    %c0_i32_0 = arith.constant 0 : i32
    %c0_i32_1 = arith.constant 0 : i32
    return %c0_i32, %arg0, %c0_i32_0 : i32, i32, i32
  }
  func.func @transform_1(%arg0: i32) -> (i32, i32) {
    %c0_i32 = arith.constant 0 : i32
    %c0_i32_0 = arith.constant 0 : i32
    return %arg0, %c0_i32 : i32, i32
  }
  func.func @transform_2(%arg0: i32) -> (i32, i32) {
    %c0_i32 = arith.constant 0 : i32
    %c0_i32_0 = arith.constant 0 : i32
    return %arg0, %c0_i32 : i32, i32
  }
  func.func @transform_3(%arg0: i32) -> (i32, i32) {
    %c0_i32 = arith.constant 0 : i32
    %c0_i32_0 = arith.constant 0 : i32
    %c0_i32_1 = arith.constant 0 : i32
    return %c0_i32, %c0_i32_0 : i32, i32
  }
  func.func @transform_4(%arg0: i32) -> (i32, i32) {
    %c0_i32 = arith.constant 0 : i32
    %c0_i32_0 = arith.constant 0 : i32
    %c0_i32_1 = arith.constant 0 : i32
    return %c0_i32, %c0_i32_0 : i32, i32
  }
  func.func @transform_5(%arg0: i32) -> (i32, i32) {
    %c0_i32 = arith.constant 0 : i32
    %c0_i32_0 = arith.constant 0 : i32
    %c0_i32_1 = arith.constant 0 : i32
    return %c0_i32, %c0_i32_0 : i32, i32
  }
  func.func @transform_6(%arg0: i32) -> (i32, i32) {
    %c0_i32 = arith.constant 0 : i32
    %c0_i32_0 = arith.constant 0 : i32
    return %arg0, %c0_i32 : i32, i32
  }
  func.func @transform_7(%arg0: i32) -> (i32, i32) {
    %c0_i32 = arith.constant 0 : i32
    %c0_i32_0 = arith.constant 0 : i32
    %c0_i32_1 = arith.constant 0 : i32
    return %c0_i32, %c0_i32_0 : i32, i32
  }
  func.func @transform_8(%arg0: i32) -> (i32, i32) {
    %c0_i32 = arith.constant 0 : i32
    %c0_i32_0 = arith.constant 0 : i32
    return %arg0, %c0_i32 : i32, i32
  }
}

module attributes {stable_mosaic.version = 14 : i64} {
  func.func @_tc_d2_body(%arg0: i32, %arg1: memref<2000x32xf32, #tpu.memory_space<vmem>>, %arg2: memref<32x7xf32, #tpu.memory_space<vmem>>, %arg3: memref<1x7xf32, #tpu.memory_space<vmem>>, %arg4: memref<2000x7xf32, #tpu.memory_space<vmem>>) attributes {dimension_semantics = [#tpu.dimension_semantics<arbitrary>], iteration_bounds = array<i64: 5>, scalar_prefetch = 0 : i64, scratch_operands = 0 : i64, tpu.core_type = #tpu.core_type<tc>, window_params = [{transform_indices = @transform_0, window_bounds = array<i64: 2000, 32>}, {pipeline_mode = #tpu.pipeline_mode<synchronous>, transform_indices = @transform_1, window_bounds = array<i64: 32, 7>}, {pipeline_mode = #tpu.pipeline_mode<synchronous>, transform_indices = @transform_2, window_bounds = array<i64: 1, 7>}, {transform_indices = @transform_3, window_bounds = array<i64: 2000, 7>}]} {
    %get3A = arith.constant 0 : index
    %get3A_0 = arith.constant 0 : index
    %get3A_1 = vector.load %arg1[%get3A, %get3A_0] : memref<2000x32xf32, #tpu.memory_space<vmem>>, vector<2000x32xf32>
    %get3A_2 = arith.constant 0 : index
    %get3A_3 = arith.constant 0 : index
    %get3A_4 = vector.load %arg2[%get3A_2, %get3A_3] : memref<32x7xf32, #tpu.memory_space<vmem>>, vector<32x7xf32>
    %dot_general3A = arith.constant dense<0.000000e+00> : vector<2000x7xf32>
    %dot_general3A_5 = tpu.matmul %get3A_1, %get3A_4, %dot_general3A {dimension_numbers = #tpu.dot_dimension_numbers<[1], [0], [0], [1], [0, 0, 1, 1], [], []>, transpose_lhs_hint = false} : vector<2000x32xf32>, vector<32x7xf32>, vector<2000x7xf32> -> vector<2000x7xf32>
    %get3A_6 = arith.constant 0 : index
    %get3A_7 = arith.constant 0 : index
    %get3A_8 = vector.load %arg3[%get3A_6, %get3A_7] : memref<1x7xf32, #tpu.memory_space<vmem>>, vector<1x7xf32>
    %add3A = vector.broadcast %get3A_8 : vector<1x7xf32> to vector<2000x7xf32>
    %add3A_9 = arith.addf %dot_general3A_5, %add3A : vector<2000x7xf32>
    %reduce_max3A = arith.constant dense<0xFF800000> : vector<2000xf32>
    %reduce_max3A_10 = vector.multi_reduction <maximumf>, %add3A_9, %reduce_max3A [1] : vector<2000x7xf32> to vector<2000xf32>
    %broadcast_in_dim3A = vector.shape_cast %reduce_max3A_10 : vector<2000xf32> to vector<2000x1xf32>
    %sub3A = vector.broadcast %broadcast_in_dim3A : vector<2000x1xf32> to vector<2000x7xf32>
    %sub3A_11 = arith.subf %add3A_9, %sub3A : vector<2000x7xf32>
    %sub3A_12 = vector.broadcast %broadcast_in_dim3A : vector<2000x1xf32> to vector<2000x7xf32>
    %sub3A_13 = arith.subf %add3A_9, %sub3A_12 : vector<2000x7xf32>
    %exp3A = math.exp %sub3A_13 : vector<2000x7xf32>
    %reduce_sum3A = arith.constant dense<0.000000e+00> : vector<2000xf32>
    %reduce_sum3A_14 = vector.multi_reduction <add>, %exp3A, %reduce_sum3A [1] : vector<2000x7xf32> to vector<2000xf32>
    %broadcast_in_dim3A_15 = vector.shape_cast %reduce_sum3A_14 : vector<2000xf32> to vector<2000x1xf32>
    %log3A = math.log %broadcast_in_dim3A_15 : vector<2000x1xf32>
    %sub3A_16 = vector.broadcast %log3A : vector<2000x1xf32> to vector<2000x7xf32>
    %sub3A_17 = arith.subf %sub3A_11, %sub3A_16 : vector<2000x7xf32>
    %swap3A = arith.constant 0 : index
    %swap3A_18 = arith.constant 0 : index
    %swap3A_19 = vector.load %arg4[%swap3A, %swap3A_18] : memref<2000x7xf32, #tpu.memory_space<vmem>>, vector<2000x7xf32>
    tpu.vector_store %arg4[%swap3A, %swap3A_18], %sub3A_17 {strides = array<i32>} : memref<2000x7xf32, #tpu.memory_space<vmem>>, vector<2000x7xf32>,
    return
  }
  func.func @transform_0(%arg0: i32) -> (i32, i32) {
    %c0_i32 = arith.constant 0 : i32
    %c0_i32_0 = arith.constant 0 : i32
    return %arg0, %c0_i32 : i32, i32
  }
  func.func @transform_1(%arg0: i32) -> (i32, i32) {
    %c0_i32 = arith.constant 0 : i32
    %c0_i32_0 = arith.constant 0 : i32
    %c0_i32_1 = arith.constant 0 : i32
    return %c0_i32, %c0_i32_0 : i32, i32
  }
  func.func @transform_2(%arg0: i32) -> (i32, i32) {
    %c0_i32 = arith.constant 0 : i32
    %c0_i32_0 = arith.constant 0 : i32
    %c0_i32_1 = arith.constant 0 : i32
    return %c0_i32, %c0_i32_0 : i32, i32
  }
  func.func @transform_3(%arg0: i32) -> (i32, i32) {
    %c0_i32 = arith.constant 0 : i32
    %c0_i32_0 = arith.constant 0 : i32
    return %arg0, %c0_i32 : i32, i32
  }
}

module attributes {stable_mosaic.version = 14 : i64} {
  func.func @_tc_f_body(%arg0: memref<32x16xf32, #tpu.memory_space<vmem>>, %arg1: memref<32x16xf32, #tpu.memory_space<vmem>>, %arg2: memref<10x10xf32, #tpu.memory_space<vmem>>, %arg3: memref<1x1xf32, #tpu.memory_space<vmem>>, %arg4: memref<1x1xf32, #tpu.memory_space<vmem>>) attributes {dimension_semantics = [], scalar_prefetch = 0 : i64, scratch_operands = 0 : i64, tpu.core_type = #tpu.core_type<tc>} {
    %get3A = arith.constant 0 : index
    %get3A_0 = arith.constant 0 : index
    %get3A_1 = vector.load %arg0[%get3A, %get3A_0] : memref<32x16xf32, #tpu.memory_space<vmem>>, vector<32x16xf32>
    %reduce_sum3A = vector.shape_cast %get3A_1 : vector<32x16xf32> to vector<1x32x16xf32>
    %reduce_sum3A_2 = arith.constant dense<0.000000e+00> : vector<1xf32>
    %reduce_sum3A_3 = vector.multi_reduction <add>, %reduce_sum3A, %reduce_sum3A_2 [1, 2] : vector<1x32x16xf32> to vector<1xf32>
    %reduce_sum3A_4 = vector.shape_cast %reduce_sum3A_3 : vector<1xf32> to vector<1x1x1xf32>
    %reduce_sum3A_5 = vector.extract %reduce_sum3A_4[0, 0, 0] : f32 from vector<1x1x1xf32>
    %sub3A = arith.constant 1.600000e+05 : f32
    %sub3A_6 = arith.subf %reduce_sum3A_5, %sub3A : f32
    %get3A_7 = arith.constant 0 : index
    %get3A_8 = arith.constant 0 : index
    %get3A_9 = vector.load %arg1[%get3A_7, %get3A_8] : memref<32x16xf32, #tpu.memory_space<vmem>>, vector<32x16xf32>
    %reduce_sum3A_10 = vector.shape_cast %get3A_9 : vector<32x16xf32> to vector<1x32x16xf32>
    %reduce_sum3A_11 = arith.constant dense<0.000000e+00> : vector<1xf32>
    %reduce_sum3A_12 = vector.multi_reduction <add>, %reduce_sum3A_10, %reduce_sum3A_11 [1, 2] : vector<1x32x16xf32> to vector<1xf32>
    %reduce_sum3A_13 = vector.shape_cast %reduce_sum3A_12 : vector<1xf32> to vector<1x1x1xf32>
    %reduce_sum3A_14 = vector.extract %reduce_sum3A_13[0, 0, 0] : f32 from vector<1x1x1xf32>
    %sub3A_15 = arith.constant 1.600000e+05 : f32
    %sub3A_16 = arith.subf %reduce_sum3A_14, %sub3A_15 : f32
    %div3A = arith.divf %sub3A_6, %sub3A_16 : f32
    %neg3A = arith.constant 0.000000e+00 : f32
    %neg3A_17 = arith.subf %neg3A, %div3A : f32
    %broadcast_in_dim3A = vector.broadcast %neg3A_17 : f32 to vector<1x1xf32>
    %swap3A = arith.constant 0 : index
    %swap3A_18 = arith.constant 0 : index
    %swap3A_19 = vector.load %arg3[%swap3A, %swap3A_18] : memref<1x1xf32, #tpu.memory_space<vmem>>, vector<1x1xf32>
    tpu.vector_store %arg3[%swap3A, %swap3A_18], %broadcast_in_dim3A {strides = array<i32>} : memref<1x1xf32, #tpu.memory_space<vmem>>, vector<1x1xf32>,
    %get3A_20 = arith.constant 0 : index
    %get3A_21 = arith.constant 0 : index
    %get3A_22 = vector.load %arg2[%get3A_20, %get3A_21] : memref<10x10xf32, #tpu.memory_space<vmem>>, vector<10x10xf32>
    %mul3A = arith.mulf %get3A_22, %get3A_22 : vector<10x10xf32>
    %reduce_sum3A_23 = vector.shape_cast %mul3A : vector<10x10xf32> to vector<1x10x10xf32>
    %reduce_sum3A_24 = arith.constant dense<0.000000e+00> : vector<1xf32>
    %reduce_sum3A_25 = vector.multi_reduction <add>, %reduce_sum3A_23, %reduce_sum3A_24 [1, 2] : vector<1x10x10xf32> to vector<1xf32>
    %reduce_sum3A_26 = vector.shape_cast %reduce_sum3A_25 : vector<1xf32> to vector<1x1x1xf32>
    %reduce_sum3A_27 = vector.extract %reduce_sum3A_26[0, 0, 0] : f32 from vector<1x1x1xf32>
    %sqrt3A = math.sqrt %reduce_sum3A_27 : f32
    %iota3A = tpu.iota {dimensions = array<i32: 0>} : vector<10x10xi32>
    %iota3A_28 = tpu.iota {dimensions = array<i32: 1>} : vector<10x10xi32>
    %eq3A = arith.cmpi eq, %iota3A, %iota3A_28 : vector<10x10xi32>
    %convert_element_type3A = arith.extui %eq3A : vector<10x10xi1> to vector<10x10xi32>
    %convert_element_type3A_29 = arith.sitofp %convert_element_type3A : vector<10x10xi32> to vector<10x10xf32>
    %div3A_30 = vector.broadcast %sqrt3A : f32 to vector<10x10xf32>
    %div3A_31 = arith.divf %get3A_22, %div3A_30 : vector<10x10xf32>
    %sqrt3A_32 = arith.constant 1.000000e+01 : f32
    %sqrt3A_33 = math.sqrt %sqrt3A_32 : f32
    %div3A_34 = vector.broadcast %sqrt3A_33 : f32 to vector<10x10xf32>
    %div3A_35 = arith.divf %convert_element_type3A_29, %div3A_34 : vector<10x10xf32>
    %sub3A_36 = arith.subf %div3A_31, %div3A_35 : vector<10x10xf32>
    %mul3A_37 = arith.mulf %sub3A_36, %sub3A_36 : vector<10x10xf32>
    %reduce_sum3A_38 = vector.shape_cast %mul3A_37 : vector<10x10xf32> to vector<1x10x10xf32>
    %reduce_sum3A_39 = arith.constant dense<0.000000e+00> : vector<1xf32>
    %reduce_sum3A_40 = vector.multi_reduction <add>, %reduce_sum3A_38, %reduce_sum3A_39 [1, 2] : vector<1x10x10xf32> to vector<1xf32>
    %reduce_sum3A_41 = vector.shape_cast %reduce_sum3A_40 : vector<1xf32> to vector<1x1x1xf32>
    %reduce_sum3A_42 = vector.extract %reduce_sum3A_41[0, 0, 0] : f32 from vector<1x1x1xf32>
    %sqrt3A_43 = math.sqrt %reduce_sum3A_42 : f32
    %broadcast_in_dim3A_44 = vector.broadcast %sqrt3A_43 : f32 to vector<1x1xf32>
    %swap3A_45 = arith.constant 0 : index
    %swap3A_46 = arith.constant 0 : index
    %swap3A_47 = vector.load %arg4[%swap3A_45, %swap3A_46] : memref<1x1xf32, #tpu.memory_space<vmem>>, vector<1x1xf32>
    tpu.vector_store %arg4[%swap3A_45, %swap3A_46], %broadcast_in_dim3A_44 {strides = array<i32>} : memref<1x1xf32, #tpu.memory_space<vmem>>, vector<1x1xf32>,
    return
  }
}

</mosaic_0001>

<sc_bundles>
// kernel: kernel.12.cloned.1.call-start
scs
__scs_entry_jumppad:
0x0: {  	(pc) =	sbr.rel $0x88, $3  }
0x1: {  	(tag) =	ssettag $0x0;
	lr =	simm.s32 $0x1  }
0x2: {  	[smem:$0x3F97] =	sst lr;
	_ =	strace $0xD0000000  }
0x3: {  	_ = 	snop  }
0x4: {  	_ = 	snop  }
0x5: {  	_ = 	snop  }
0x6: {  	_ = 	snop  }
0x7: {  	_ = 	snop  }
__scs_overlays_trampoline_lowered:
0x8: {  	[smem:$0x3FA6] =	sst s0  }
0x9: {  	[smem:$0x3FA7] =	sst s1  }
0xa: {  	[smem:$0x3FA8] =	sst s2  }
0xb: {  	[smem:$0x3FA9] =	sst s3  }
0xc: {  	[smem:$0x3FAA] =	sst s4  }
0xd: {  	[smem:$0x3FAB] =	sst s5  }
0xe: {  	[smem:$0x3FAC] =	sst s6  }
0xf: {  	[smem:$0x3FAD] =	sst s7  }
0x10: {  	[smem:$0x3FAE] =	sst s8  }
0x11: {  	[smem:$0x3FAF] =	sst s9;
	s0 =	simm.s32 @!p0 $0x0  }
0x12: {  	s1 =	sld [smem:$0x3F95];
	s0 =	simm.s32 @p0 $0x1  }
0x13: {  	[smem:$0x3FB0] =	sst s0;
	s0 =	simm.s32 @!p1 $0x0  }
0x14: {  	s2 =	sld [smem:$0x3F94];
	s0 =	simm.s32 @p1 $0x1  }
0x15: {  	[smem:$0x3FB1] =	sst s0;
	s0 =	simm.s32 @!p2 $0x0  }
0x16: {  	s3 =	sld [smem:$0x3FDB];
	s0 =	simm.s32 @p2 $0x1  }
0x17: {  	s4 =	simm.s32 $0x1BF5;
	[smem:$0x3FB3] =	sst s0  }
0x18: {  	s0 =	sld [smem:$0x3F96];
	_ =	swait.ge [sflag:s4], $0x0  }
0x19: {  	s7 =	sld [smem:$0x3F97]  }
0x1a: {  	s8 =	sadd.s32 $0xFFFFE003, lr  }
0x1b: {  	s9 =	sadd.s32 $0xFFFFFEF7, lr;
	s5 =	simm.s32 $0xFFFFFFFF;
	p2 =	slt.u32 s8, $0xFFFFF086  }
0x1c: {  	p1 =	slt.u32 s9, $0xF7A;
	s5 =	simm.s32 @!p2 $0x0  }
0x1d: {  	s5 =	simm.s32 @p1 $0x1;
	p0 =	seq.s32 s7, s2  }
0x1e: {  	s7 =	smul.u32 @!p0 $0xF7A, s2;
	p2 =	seq.s32 @!p0 s5, $0x0  }
0x1f: {  	s9 =	smul.u32 $0xF7A, s1;
	s8 =	simm.s32 @!p0 $0x1BF5;
	p2 =	por !p2, p0  }
0x20: {  	[sflag:s8] =	ssyncset.s32 @!p0 $0xFFFFF086;
	s6 =	sadd.s32 @!p0 s3, s7;
	s7 =	simm.s32 @!p0 $0x108  }
0x21: {  	s3 =	sadd.s32 s3, s9;
	s6 =	sadd.s32 @!p0 $0x88, s6;
	s7 =	simm.s32 @p2 $0x1082  }
0x22: {  	[simem:s7], [sflag:s8] =	dma.local @!p0 [hbm:s6], $0xF7A  }
0x23: {  	s9 =	sor.u32 $0xD0000000, s2;
	s6 =	simm.s32 $0x108;
	_ =	swait.ge @!p0 [sflag:s8], $0x0  }
0x24: {  	s3 =	sadd.s32 $0x88, s3;
	s6 =	simm.s32 @!p1 $0x1082;
	[sflag:s4] =	ssyncset.s32 $0xFFFFF086  }
0x25: {  	[simem:s6], [sflag:s4] =	dma.local [hbm:s3], $0xF7A  }
0x26: {  	[smem:$0x3F97] =	sst s1;
	(tag) =	ssettag s2;
	_ =	strace s9  }
0x27: {  	s1 =	sld [smem:$0x3FA7]  }
0x28: {  	s2 =	sld [smem:$0x3FA8]  }
0x29: {  	s4 =	sld [smem:$0x3FAA]  }
0x2a: {  	p0 =	seq.s32 s5, $0x0;
	s5 =	sld [smem:$0x3FAB]  }
0x2b: {  	s6 =	sld [smem:$0x3FAC]  }
0x2c: {  	s7 =	sld [smem:$0x3FAD]  }
0x2d: {  	s3 =	simm.s32 $0x108;
	s8 =	sld [smem:$0x3FAE]  }
0x2e: {  	s3 =	simm.s32 @!p0 $0x1082;
	s9 =	sld [smem:$0x3FAF]  }
0x2f: {  	lr =	sadd.s32 s0, s3;
	s0 =	sld [smem:$0x3FA6]  }
0x30: {  	s3 =	sld [smem:$0x3FA9]  }
0x31: {  	[smem:$0x3FB2] =	sst s10  }
0x32: {  	s10 =	sld [smem:$0x3FB0];
	_ =	sdelay $0x3  }
0x33: {  	p0 =	seq.s32 s10, $0x1;
	s10 =	sld [smem:$0x3FB2];
	_ =	sdelay $0x3  }
0x34: {  	[smem:$0x3FB2] =	sst s10  }
0x35: {  	s10 =	sld [smem:$0x3FB1];
	_ =	sdelay $0x3  }
0x36: {  	p1 =	seq.s32 s10, $0x1;
	s10 =	sld [smem:$0x3FB2];
	_ =	sdelay $0x3  }
0x37: {  	[smem:$0x3FB2] =	sst s10  }
0x38: {  	s10 =	sld [smem:$0x3FB3]  }
0x39: {  	_ = 	snop;
	(pc) =	sbr.ind lr, $3  }
0x3a: {  	_ = 	snop  }
0x3b: {  	_ = 	snop  }
0x3c: {  	p2 =	seq.s32 s10, $0x1;
	s10 =	sld [smem:$0x3FB2]  }
0x3d: {  	_ =	shalt  }
0x3e: {  	_ =	shalt  }
0x3f: {  	_ =	shalt  }
0x40: {  	_ =	shalt  }
0x41: {  	_ =	shalt  }
0x42: {  	_ =	shalt  }
0x43: {  	_ =	shalt  }
0x44: {  	_ =	shalt  }
0x45: {  	_ =	shalt  }
0x46: {  	_ =	shalt  }
0x47: {  	_ =	shalt  }
0x48: {  	_ =	shalt  }
0x49: {  	_ =	shalt  }
0x4a: {  	_ =	shalt  }
0x4b: {  	_ =	shalt  }
0x4c: {  	_ =	shalt  }
0x4d: {  	_ =	shalt  }
0x4e: {  	_ =	shalt  }
0x4f: {  	_ =	shalt  }
0x50: {  	_ =	shalt  }
0x51: {  	_ =	shalt  }
0x52: {  	_ =	shalt  }
0x53: {  	_ =	shalt  }
0x54: {  	_ =	shalt  }
0x55: {  	_ =	shalt  }
0x56: {  	_ =	shalt  }
0x57: {  	_ =	shalt  }
0x58: {  	_ =	shalt  }
0x59: {  	_ =	shalt  }
0x5a: {  	_ =	shalt  }
0x5b: {  	_ =	shalt  }
0x5c: {  	_ =	shalt  }
0x5d: {  	_ =	shalt  }
0x5e: {  	_ =	shalt  }
0x5f: {  	_ =	shalt  }
0x60: {  	_ =	shalt  }
0x61: {  	_ =	shalt  }
0x62: {  	_ =	shalt  }
0x63: {  	_ =	shalt  }
0x64: {  	_ =	shalt  }
0x65: {  	_ =	shalt  }
0x66: {  	_ =	shalt  }
0x67: {  	_ =	shalt  }
0x68: {  	_ =	shalt  }
0x69: {  	_ =	shalt  }
0x6a: {  	_ =	shalt  }
0x6b: {  	_ =	shalt  }
0x6c: {  	_ =	shalt  }
0x6d: {  	_ =	shalt  }
0x6e: {  	_ =	shalt  }
0x6f: {  	_ =	shalt  }
0x70: {  	_ =	shalt  }
0x71: {  	_ =	shalt  }
0x72: {  	_ =	shalt  }
0x73: {  	_ =	shalt  }
0x74: {  	_ =	shalt  }
0x75: {  	_ =	shalt  }
0x76: {  	_ =	shalt  }
0x77: {  	_ =	shalt  }
0x78: {  	_ =	shalt  }
0x79: {  	_ =	shalt  }
0x7a: {  	_ =	shalt  }
0x7b: {  	_ =	shalt  }
0x7c: {  	_ =	shalt  }
0x7d: {  	_ =	shalt  }
0x7e: {  	_ =	shalt  }
0x7f: {  	_ =	shalt  }
0x80: {  	_ =	shalt  }
0x81: {  	_ =	shalt  }
0x82: {  	_ =	shalt  }
0x83: {  	_ =	shalt  }
0x84: {  	_ =	shalt  }
0x85: {  	_ =	shalt  }
0x86: {  	_ =	shalt  }
0x87: {  	_ =	shalt  }
.Lfunc_end0:
.L_simem_size_0:
called_computation_lowered:
.L_overlay_start_0:
0x88: {  	s2 =	sld [smem:$0x3FD9]  }
0x89: {  	s3 =	sld [smem:$0x3FFE];
	_ =	sdelay $0x1  }
0x8a: {  	s1 =	srdreg.scid  }
0x8b: {  	s0 =	sand.u32 $0x1, s1  }
0x8c: {  	s16 =	sshll.u32 s0, $0xA;
	s2 =	sadd.s32 s3, s2  }
0x8d: {  	s2 =	sadd.s32 s2, s16  }
0x8e: {  	[smem:$0x3FBE] =	sst s2  }
0x8f: {  	_ = 	snop  }
0x90: {  	(tm) =	ssettm $0x1  }
0x91: {  	s17 =	sld [smem:$0x3FFB];
	_ =	sdelay $0x3  }
0x92: {  	_ =	strace s17  }
0x93: {  	s2 =	sld [smem:$0x3FFC];
	_ =	sdelay $0x3  }
0x94: {  	_ =	strace s2  }
0x95: {  	s2 =	sld [smem:$0x3FFD];
	_ =	sdelay $0x3  }
0x96: {  	_ =	strace s2  }
0x97: {  	_ =	strace $0x8FFFFFFF  }
0x98: {  	s18 =	sld [smem:$0x3FDB];
	_ =	sdelay $0x1  }
0x99: {  	s19 =	simm.s32 $_scs_section_size  }
0x9a: {  	s4 =	simm.s32 $_size__tile_overlayer_lowered;
	s5 =	simm.s32 $_tile_overlayer_lowered  }
0x9b: {  	s22 =	simm.s32 $0x1BFF;
	s21 =	sshll.u32 s5, $0x1;
	s2 =	sadd.s32 s19, s18  }
0x9c: {  	s6 =	simm.s32 $0x0;
	s20 =	sshll.u32 s4, $0x1;
	s4 =	sadd.s32 s21, s2  }
0x9d: {  	[timem:s6], [sflag:s22] =	dma.local [hbm:s4], s20  }
0x9e: {  	_ =	swait.ge [sflag:s22], s20  }
0x9f: {  	s3 =	ssub.s32 $0x0, s20;
	[sflag:s22] =	ssyncset.done $0x0  }
0xa0: {  	[sflag:s22] =	ssyncadd.s32 s3;
	_ =	sdelay $0x1  }
0xa1: {  	s23 =	simm.s32 $0x1B8B  }
0xa2: {  	_ =	swait.ge [sflag:s23], $0x1  }
0xa3: {  	[sflag:s23] =	ssyncset.done $0x0  }
0xa4: {  	s25 =	simm.s32 $0x1B8E;
	s24 =	sld [smem:$0x3FFE];
	[sflag:s23] =	ssyncadd.s32 $0xFFFFFFFF  }
0xa5: {  	s26 =	simm.s32 $execute0_lowered;
	[smem:$0x3FD2] =	sst s25  }
0xa6: {  	s4 =	sshll.u32 s26, $0x1;
	_ =	strace $0x80000046;
	[dreg:$0x1] =	wrdreg $0xFFFFFFFF  }
0xa7: {  	s28 =	simm.s32 $_size_execute0_lowered;
	s2 =	sadd.s32 s2, s4;
	[dreg:$0x0] =	wrdreg $0x0  }
0xa8: {  	s4 =	sshll.u32 s28, $0x1;
	[dreg:$0x2] =	wrdreg s2  }
0xa9: {  	[dreg:$0x3] =	wrdreg s4  }
0xaa: {  	[dreg:$0x4] =	wrdreg $0xC0  }
0xab: {  	_ =	task [dreg:s6], $0x5FFFF  }
0xac: {  	[dreg:$0x1] =	wrdreg $0xFFFFFFFF  }
0xad: {  	[dreg:$0x0] =	wrdreg $0x60  }
0xae: {  	[dreg:$0x2] =	wrdreg s24  }
0xaf: {  	[dreg:$0x3] =	wrdreg $0x43800  }
0xb0: {  	[dreg:$0x4] =	wrdreg $0x9  }
0xb1: {  	_ =	task.clear_ibuf [dreg:s6], $0x5FFFF;
	_ =	strace $0x90000046  }
0xb2: {  	s29 =	simm.s32 $0x9;
	_ =	strace $0x80000048  }
0xb3: {  	_ =	swait.ge [sflag:s29], $0x1  }
0xb4: {  	[sflag:s29] =	ssyncadd.s32 $0xFFFFFFFF  }
0xb5: {  	_ =	strace $0x90000048  }
0xb6: {  	_ =	sfence  }
0xb7: {  	s30 =	sld [smem:$0x0];
	_ =	sdelay $0x2  }
0xb8: {  	s31 =	sshll.u32 s1, $0xD;
	s1 =	sshrl.u32 s1, $0x2  }
0xb9: {  	s3 =	sand.u32 $0x4000, s31;
	s1 =	sadd.s32 s1, s30  }
0xba: {  	s0 =	sor.u32 s3, s0;
	s1 =	sshll.u32 s1, $0x11  }
0xbb: {  	s0 =	sor.u32 s1, s0  }
0xbc: {  	s0 =	sadd.s32 $0x8F2B, s0  }
0xbd: {  	[sflag:s0] =	ssyncadd.remote.s32 $0x1  }
0xbe: {  	_ =	sfence.sel $0xFFFF  }
0xbf: {  	[dreg:$0x0] =	wrdreg $0xFFFFFFFF;
	(pc) =	sbr.abs _section_cstart, $3  }
0xc0: {  	[dreg:$0x1] =	wrdreg $0xFFFFFFFF  }
0xc1: {  	_ =	task.clear_ibuf [dreg:s6], $0x2FFFF;
	_ =	strace $0x9FFFFFFF  }
0xc2: {  	(tm) =	ssettm $0x7FFFFFFF  }
0xc3: {  	_ =	shalt  }
tec
execute0_lowered:
.L_overlay_start_1:
0x0: {  	(tag) =	ssettag $0x1  }
0x1: {  	s4 =	rddreg [dreg:$0x0]  }
0x2: {  	s2 =	rddreg [dreg:$0x1]  }
0x3: {  	s0 =	rddreg [dreg:$0x2]  }
0x4: {  	s3 =	srdreg.scid;
	s1 =	stileid.u32;
	s11 =	simm.s32 $0x80  }
0x5: {  	s12 =	simm.s32 $0x1400;
	s13 =	simm.s32 $0x1;
	s16 =	simm.s32 $0x0  }
0x6: {  	s5 =	sand.u32 $0x1, s3;
	s6 =	smul.u32 $0x4F0, s1;
	s7 =	sshll.u32 s1, $0x1  }
0x7: {  	s3 =	simm.s32 $0x0;
	s28 =	smul.u32 $0x9E00, s1;
	s14 =	sshll.u32 s1, $0x6  }
0x8: {  	s8 =	smul.u32 $0x4F00, s5;
	s7 =	sor.u32 s5, s7;
	[smem:$0x7FF] =	sst s3  }
0x9: {  	s5 =	ssub.s32 $0x2, s5;
	s14 =	sor.u32 $0x1C02, s14;
	s9 =	smul.u32 $0x1400, s7  }
0xa: {  	_ =	strace $0x80000047;
	s29 =	sshrl.u32 s5, $0x1;
	s31 =	sshrl.u32 s28, $0x2  }
0xb: {  	p0 =	seq.s32 s7, $0x1F;
	s6 =	sadd.s32 s6, s8;
	s30 =	ssub.s32 s5, s29  }
0xc: {  	s5 =	sadd.s32 s31, s2;
	s26 =	sshrl.u32 s9, $0x3;
	s10 =	sadd.s32 s6, s4  }
0xd: {  	s6 =	simm.s32 $0xA;
	s8 =	smax.u32 s30, $0x1;
	s9 =	simm.s32 $0x2  }
0xe: {  	s15 =	sshrl.u32 s5, $0x3;
	s4 =	sadd.s32 s4, s26;
	s6 =	simm.s32 @!p0 $0x28  }
0xf: {  	v0 =	vimm.f32 $1.000000000e+00;
	v1 =	vimm.f32 $0.0e+00;
	s7 =	sadd.s32 $0xD000, s10;
	s10 =	simm.s32 $0x1C00;
	s4 =	sadd.s32 $0x8000, s4  }
.LBB2_1:
0x10: {  	[tilespmem:s3], [sflag:$0x2] =	stream.linear.gather [hbm4b:s4+s3], $0x1400, $0x38;
	[tilespmem:$0x6B00] =	vst v63  }
0x11: {  	_ =	swait.ge [sflag:s9], $0x1400  }
0x12: {  	[sflag:s9] =	ssyncset.done $0x0  }
0x13: {  	s17 =	simm.s32 $0x0;
	[sflag:s9] =	ssyncadd.s32 $0xFFFFEC00  }
.LBB2_2:
0x14: {  	p0 =	sne.s32 s17, $0x1FC0  }
.Ltmp0:
0x15: {  	_ = 	snop;
	(pc) =	sbr.rel @p0 .LBB2_2-.Ltmp0, $3  }
0x16: {  	_ =	sdelay $0x1  }
0x17: {  	s18 =	sshra.s32 s17, $0x2  }
0x18: {  	s17 =	sadd.s32 $0x40, s17;
	[tilespmem:s18+$0x1400] =	vst v0  }
0x19: {  	s17 =	simm.s32 $0x40;
	s18 =	simm.s32 $0x0  }
.LBB2_4:
0x1a: {  	p0 =	sne.s32 s17, $0x9DC0;
	[tilespmem:s18+$0x1C00] =	vst v1;
	s18 =	smov.u32 s17;
	s17 =	sadd.s32 $0x40, s17  }
.Ltmp1:
0x1b: {  	(pc) =	sbr.rel @p0 .LBB2_4-.Ltmp1, $2  }
0x1c: {  	_ =	sdelay $0x2  }
0x1d: {  	s18 =	sshra.s32 s18, $0x2  }
0x1e: {  	[tilespmem:s18+$0x1C00] =	vst v1;
	p0 =	sne.s32 s6, $0x1  }
0x1f: {  	[spmem:s5] =	stream.linear.scatter [tilespmem:s10], [sflag:$0x2], $0x2780, $0x38;
	[tilespmem:$0x6B00] =	vst v63  }
.Ltmp2:
0x20: {  	_ =	swait.ge [sflag:s9], $0x2780;
	(pc) =	sbr.rel @!p0 .LBB2_7-.Ltmp2, $4  }
0x21: {  	[sflag:s9] =	ssyncset.done $0x0  }
0x22: {  	[sflag:s9] =	ssyncadd.s32 $0xFFFFD880  }
0x23: {  	s17 =	simm.s32 $0x0;
	s18 =	sadd.s32 $0xFFFFFFFF, s6;
	[bflag:$0x0] =	sbarrier.arrive $0xFFFF  }
0x24: {  	[spmem:s2] =	stream.indirect.scatter.add.f32 [tilespmem:s12], [sflag:$0x1], $0x10, s17, s11, $0xb8;
	[tilespmem:$0x6B00] =	vst v63  }
.LBB2_6:
0x25: {  	p1 =	sne.s32 s18, $0x1  }
.Ltmp3:
0x26: {  	_ = 	snop;
	(pc) =	sbr.rel @p1 .LBB2_6-.Ltmp3, $3  }
0x27: {  	_ = 	snop  }
0x28: {  	s18 =	sadd.s32 $0xFFFFFFFF, s18;
	s17 =	sadd.s32 $0x80, s17;
	_ =	sdelay $0x1  }
0x29: {  	[spmem:s2] =	stream.indirect.scatter.add.f32 [tilespmem:s12], [sflag:$0x1], $0x10, s17, s11, $0xb8;
	[tilespmem:$0x6B00] =	vst v63  }
.LBB2_7:
.Ltmp4:
0x2a: {  	(pc) =	sbr.rel @!p0 .LBB2_9-.Ltmp4, $3  }
0x2b: {  	_ =	sdelay $0x1  }
0x2c: {  	_ =	swait.ge [sflag:s13], $0x800  }
0x2d: {  	s17 =	sadd.s32 $0xFFFFFFFF, s6;
	[sflag:s13] =	ssyncset.done $0x0  }
.LBB2_8:
0x2e: {  	p0 =	sne.s32 s17, $0x1;
	s17 =	sadd.s32 $0xFFFFFFFF, s17;
	[sflag:s13] =	ssyncadd.s32 $0xFFFFF800  }
.Ltmp5:
0x2f: {  	(pc) =	sbr.rel @p0 .LBB2_8-.Ltmp5, $3  }
0x30: {  	_ =	sdelay $0x1  }
0x31: {  	_ =	swait.ge [sflag:s13], $0x800  }
0x32: {  	[sflag:s13] =	ssyncset.done $0x0  }
.LBB2_9:
0x33: {  	s16 =	sadd.s32 $0x1, s16  }
0x34: {  	[sflag:s13] =	ssyncadd.s32 $0xFFFFF800;
	p0 =	sne.s32 s16, s8  }
.Ltmp6:
0x35: {  	[bflag:$0x0] =	sbarrier.arrive $0xFFFF;
	(pc) =	sbr.rel @p0 .LBB2_1-.Ltmp6, $4  }
0x36: {  	[hbm:s7], [sflag:s14] =	dma.local [spmem:s15], $0x4F0  }
0x37: {  	_ =	swait.ge [sflag:s9], $0x4F0  }
0x38: {  	[sflag:s9] =	ssyncset.done $0x0  }
0x39: {  	[sflag:s9] =	ssyncadd.s32 $0xFFFFFB10  }
0x3a: {  	_ =	sfence.sel $0x180000  }
0x3b: {  	[bflag:$0x0] =	sbarrier.arrive $0xFFFF  }
0x3c: {  	p0 =	sne.s32 s1, $0x0;
	_ =	strace $0x90000047  }
0x3d: {  	s0 =	sadd.s32 @!p0 $0x100000, s0;
	[bflag:$0x2] =	sbarrier.arrive $0xFFFF  }
0x3e: {  	[sflag:s0] =	ssyncadd.tile.s32 @!p0 $0x1;
	_ =	shalt  }
.Lfunc_end2:
_tile_overlayer_lowered:
.L_overlay_start_2:
0x3f: {  	(tag) =	ssettag $0x2  }
0x40: {  	s0 =	rddreg [dreg:$0x0];
	s2 =	stileid.u32  }
0x41: {  	s1 =	rddreg [dreg:$0x1];
	p0 =	sne.s32 s2, $0x0  }
0x42: {  	s3 =	rddreg [dreg:$0x2];
	[bflag:$0x3] =	sbarrier.arrive $0xFFFF;
	s2 =	simm.s32 @!p0 $0x1C02  }
0x43: {  	[timem:s3], [sflag:s2] =	dma.local @!p0 [hbm:s0], s1  }
0x44: {  	s0 =	simm.s32 @!p0 $0x2  }
0x45: {  	_ =	swait.ge @!p0 [sflag:s0], s1  }
0x46: {  	s1 =	ssub.s32 @!p0 $0x0, s1;
	[sflag:s0] =	ssyncset.done @!p0 $0x0  }
0x47: {  	[sflag:s0] =	ssyncadd.s32 @!p0 s1  }
0x48: {  	[bflag:$0x3] =	sbarrier.arrive $0xFFFF  }
0x49: {  	_ =	shalt  }

// kernel: kernel.15.cloned.1.call-start
scs
__scs_entry_jumppad:
0x0: {  	(pc) =	sbr.rel $0x88, $3  }
0x1: {  	(tag) =	ssettag $0x0;
	lr =	simm.s32 $0x1  }
0x2: {  	[smem:$0x3F97] =	sst lr;
	_ =	strace $0xD0000000  }
0x3: {  	_ = 	snop  }
0x4: {  	_ = 	snop  }
0x5: {  	_ = 	snop  }
0x6: {  	_ = 	snop  }
0x7: {  	_ = 	snop  }
__scs_overlays_trampoline_lowered:
0x8: {  	[smem:$0x3FA6] =	sst s0  }
0x9: {  	[smem:$0x3FA7] =	sst s1  }
0xa: {  	[smem:$0x3FA8] =	sst s2  }
0xb: {  	[smem:$0x3FA9] =	sst s3  }
0xc: {  	[smem:$0x3FAA] =	sst s4  }
0xd: {  	[smem:$0x3FAB] =	sst s5  }
0xe: {  	[smem:$0x3FAC] =	sst s6  }
0xf: {  	[smem:$0x3FAD] =	sst s7  }
0x10: {  	[smem:$0x3FAE] =	sst s8  }
0x11: {  	[smem:$0x3FAF] =	sst s9;
	s0 =	simm.s32 @!p0 $0x0  }
0x12: {  	s1 =	sld [smem:$0x3F95];
	s0 =	simm.s32 @p0 $0x1  }
0x13: {  	[smem:$0x3FB0] =	sst s0;
	s0 =	simm.s32 @!p1 $0x0  }
0x14: {  	s2 =	sld [smem:$0x3F94];
	s0 =	simm.s32 @p1 $0x1  }
0x15: {  	[smem:$0x3FB1] =	sst s0;
	s0 =	simm.s32 @!p2 $0x0  }
0x16: {  	s3 =	sld [smem:$0x3FDB];
	s0 =	simm.s32 @p2 $0x1  }
0x17: {  	s4 =	simm.s32 $0x1BF5;
	[smem:$0x3FB3] =	sst s0  }
0x18: {  	s0 =	sld [smem:$0x3F96];
	_ =	swait.ge [sflag:s4], $0x0  }
0x19: {  	s7 =	sld [smem:$0x3F97]  }
0x1a: {  	s8 =	sadd.s32 $0xFFFFE003, lr  }
0x1b: {  	s9 =	sadd.s32 $0xFFFFFEF7, lr;
	s5 =	simm.s32 $0xFFFFFFFF;
	p2 =	slt.u32 s8, $0xFFFFF086  }
0x1c: {  	p1 =	slt.u32 s9, $0xF7A;
	s5 =	simm.s32 @!p2 $0x0  }
0x1d: {  	s5 =	simm.s32 @p1 $0x1;
	p0 =	seq.s32 s7, s2  }
0x1e: {  	s7 =	smul.u32 @!p0 $0xF7A, s2;
	p2 =	seq.s32 @!p0 s5, $0x0  }
0x1f: {  	s9 =	smul.u32 $0xF7A, s1;
	s8 =	simm.s32 @!p0 $0x1BF5;
	p2 =	por !p2, p0  }
0x20: {  	[sflag:s8] =	ssyncset.s32 @!p0 $0xFFFFF086;
	s6 =	sadd.s32 @!p0 s3, s7;
	s7 =	simm.s32 @!p0 $0x108  }
0x21: {  	s3 =	sadd.s32 s3, s9;
	s6 =	sadd.s32 @!p0 $0x88, s6;
	s7 =	simm.s32 @p2 $0x1082  }
0x22: {  	[simem:s7], [sflag:s8] =	dma.local @!p0 [hbm:s6], $0xF7A  }
0x23: {  	s9 =	sor.u32 $0xD0000000, s2;
	s6 =	simm.s32 $0x108;
	_ =	swait.ge @!p0 [sflag:s8], $0x0  }
0x24: {  	s3 =	sadd.s32 $0x88, s3;
	s6 =	simm.s32 @!p1 $0x1082;
	[sflag:s4] =	ssyncset.s32 $0xFFFFF086  }
0x25: {  	[simem:s6], [sflag:s4] =	dma.local [hbm:s3], $0xF7A  }
0x26: {  	[smem:$0x3F97] =	sst s1;
	(tag) =	ssettag s2;
	_ =	strace s9  }
0x27: {  	s1 =	sld [smem:$0x3FA7]  }
0x28: {  	s2 =	sld [smem:$0x3FA8]  }
0x29: {  	s4 =	sld [smem:$0x3FAA]  }
0x2a: {  	p0 =	seq.s32 s5, $0x0;
	s5 =	sld [smem:$0x3FAB]  }
0x2b: {  	s6 =	sld [smem:$0x3FAC]  }
0x2c: {  	s7 =	sld [smem:$0x3FAD]  }
0x2d: {  	s3 =	simm.s32 $0x108;
	s8 =	sld [smem:$0x3FAE]  }
0x2e: {  	s3 =	simm.s32 @!p0 $0x1082;
	s9 =	sld [smem:$0x3FAF]  }
0x2f: {  	lr =	sadd.s32 s0, s3;
	s0 =	sld [smem:$0x3FA6]  }
0x30: {  	s3 =	sld [smem:$0x3FA9]  }
0x31: {  	[smem:$0x3FB2] =	sst s10  }
0x32: {  	s10 =	sld [smem:$0x3FB0];
	_ =	sdelay $0x3  }
0x33: {  	p0 =	seq.s32 s10, $0x1;
	s10 =	sld [smem:$0x3FB2];
	_ =	sdelay $0x3  }
0x34: {  	[smem:$0x3FB2] =	sst s10  }
0x35: {  	s10 =	sld [smem:$0x3FB1];
	_ =	sdelay $0x3  }
0x36: {  	p1 =	seq.s32 s10, $0x1;
	s10 =	sld [smem:$0x3FB2];
	_ =	sdelay $0x3  }
0x37: {  	[smem:$0x3FB2] =	sst s10  }
0x38: {  	s10 =	sld [smem:$0x3FB3]  }
0x39: {  	_ = 	snop;
	(pc) =	sbr.ind lr, $3  }
0x3a: {  	_ = 	snop  }
0x3b: {  	_ = 	snop  }
0x3c: {  	p2 =	seq.s32 s10, $0x1;
	s10 =	sld [smem:$0x3FB2]  }
0x3d: {  	_ =	shalt  }
0x3e: {  	_ =	shalt  }
0x3f: {  	_ =	shalt  }
0x40: {  	_ =	shalt  }
0x41: {  	_ =	shalt  }
0x42: {  	_ =	shalt  }
0x43: {  	_ =	shalt  }
0x44: {  	_ =	shalt  }
0x45: {  	_ =	shalt  }
0x46: {  	_ =	shalt  }
0x47: {  	_ =	shalt  }
0x48: {  	_ =	shalt  }
0x49: {  	_ =	shalt  }
0x4a: {  	_ =	shalt  }
0x4b: {  	_ =	shalt  }
0x4c: {  	_ =	shalt  }
0x4d: {  	_ =	shalt  }
0x4e: {  	_ =	shalt  }
0x4f: {  	_ =	shalt  }
0x50: {  	_ =	shalt  }
0x51: {  	_ =	shalt  }
0x52: {  	_ =	shalt  }
0x53: {  	_ =	shalt  }
0x54: {  	_ =	shalt  }
0x55: {  	_ =	shalt  }
0x56: {  	_ =	shalt  }
0x57: {  	_ =	shalt  }
0x58: {  	_ =	shalt  }
0x59: {  	_ =	shalt  }
0x5a: {  	_ =	shalt  }
0x5b: {  	_ =	shalt  }
0x5c: {  	_ =	shalt  }
0x5d: {  	_ =	shalt  }
0x5e: {  	_ =	shalt  }
0x5f: {  	_ =	shalt  }
0x60: {  	_ =	shalt  }
0x61: {  	_ =	shalt  }
0x62: {  	_ =	shalt  }
0x63: {  	_ =	shalt  }
0x64: {  	_ =	shalt  }
0x65: {  	_ =	shalt  }
0x66: {  	_ =	shalt  }
0x67: {  	_ =	shalt  }
0x68: {  	_ =	shalt  }
0x69: {  	_ =	shalt  }
0x6a: {  	_ =	shalt  }
0x6b: {  	_ =	shalt  }
0x6c: {  	_ =	shalt  }
0x6d: {  	_ =	shalt  }
0x6e: {  	_ =	shalt  }
0x6f: {  	_ =	shalt  }
0x70: {  	_ =	shalt  }
0x71: {  	_ =	shalt  }
0x72: {  	_ =	shalt  }
0x73: {  	_ =	shalt  }
0x74: {  	_ =	shalt  }
0x75: {  	_ =	shalt  }
0x76: {  	_ =	shalt  }
0x77: {  	_ =	shalt  }
0x78: {  	_ =	shalt  }
0x79: {  	_ =	shalt  }
0x7a: {  	_ =	shalt  }
0x7b: {  	_ =	shalt  }
0x7c: {  	_ =	shalt  }
0x7d: {  	_ =	shalt  }
0x7e: {  	_ =	shalt  }
0x7f: {  	_ =	shalt  }
0x80: {  	_ =	shalt  }
0x81: {  	_ =	shalt  }
0x82: {  	_ =	shalt  }
0x83: {  	_ =	shalt  }
0x84: {  	_ =	shalt  }
0x85: {  	_ =	shalt  }
0x86: {  	_ =	shalt  }
0x87: {  	_ =	shalt  }
.Lfunc_end0:
.L_simem_size_0:
called_computation.1_lowered:
.L_overlay_start_0:
0x88: {  	s2 =	sld [smem:$0x3FD9]  }
0x89: {  	s3 =	sld [smem:$0x3FFE];
	_ =	sdelay $0x1  }
0x8a: {  	s1 =	srdreg.scid  }
0x8b: {  	s0 =	sand.u32 $0x1, s1  }
0x8c: {  	s16 =	sshll.u32 s0, $0xA;
	s2 =	sadd.s32 s3, s2  }
0x8d: {  	s2 =	sadd.s32 s2, s16  }
0x8e: {  	[smem:$0x3FBE] =	sst s2  }
0x8f: {  	_ = 	snop  }
0x90: {  	(tm) =	ssettm $0x1  }
0x91: {  	s17 =	sld [smem:$0x3FFB];
	_ =	sdelay $0x3  }
0x92: {  	_ =	strace s17  }
0x93: {  	s2 =	sld [smem:$0x3FFC];
	_ =	sdelay $0x3  }
0x94: {  	_ =	strace s2  }
0x95: {  	s2 =	sld [smem:$0x3FFD];
	_ =	sdelay $0x3  }
0x96: {  	_ =	strace s2  }
0x97: {  	_ =	strace $0x8FFFFFFF  }
0x98: {  	s18 =	sld [smem:$0x3FDB];
	_ =	sdelay $0x1  }
0x99: {  	s19 =	simm.s32 $_scs_section_size  }
0x9a: {  	s4 =	simm.s32 $_size__tile_overlayer_lowered;
	s5 =	simm.s32 $_tile_overlayer_lowered  }
0x9b: {  	s22 =	simm.s32 $0x1BFF;
	s21 =	sshll.u32 s5, $0x1;
	s2 =	sadd.s32 s19, s18  }
0x9c: {  	s6 =	simm.s32 $0x0;
	s20 =	sshll.u32 s4, $0x1;
	s4 =	sadd.s32 s21, s2  }
0x9d: {  	[timem:s6], [sflag:s22] =	dma.local [hbm:s4], s20  }
0x9e: {  	_ =	swait.ge [sflag:s22], s20  }
0x9f: {  	s3 =	ssub.s32 $0x0, s20;
	[sflag:s22] =	ssyncset.done $0x0  }
0xa0: {  	[sflag:s22] =	ssyncadd.s32 s3;
	_ =	sdelay $0x1  }
0xa1: {  	s23 =	simm.s32 $0x1B8B  }
0xa2: {  	_ =	swait.ge [sflag:s23], $0x1  }
0xa3: {  	[sflag:s23] =	ssyncset.done $0x0  }
0xa4: {  	s25 =	simm.s32 $0x1B8E;
	s24 =	sld [smem:$0x3FFE];
	[sflag:s23] =	ssyncadd.s32 $0xFFFFFFFF  }
0xa5: {  	s26 =	simm.s32 $execute0_lowered;
	[smem:$0x3FD2] =	sst s25  }
0xa6: {  	s4 =	sshll.u32 s26, $0x1;
	_ =	strace $0x80000049;
	[dreg:$0x1] =	wrdreg $0xFFFFFFFF  }
0xa7: {  	s28 =	simm.s32 $_size_execute0_lowered;
	s2 =	sadd.s32 s2, s4;
	[dreg:$0x0] =	wrdreg $0x0  }
0xa8: {  	s4 =	sshll.u32 s28, $0x1;
	[dreg:$0x2] =	wrdreg s2  }
0xa9: {  	[dreg:$0x3] =	wrdreg s4  }
0xaa: {  	[dreg:$0x4] =	wrdreg $0xC0  }
0xab: {  	_ =	task [dreg:s6], $0x5FFFF  }
0xac: {  	[dreg:$0x1] =	wrdreg $0xFFFFFFFF  }
0xad: {  	[dreg:$0x0] =	wrdreg $0x60  }
0xae: {  	[dreg:$0x2] =	wrdreg s24  }
0xaf: {  	[dreg:$0x3] =	wrdreg $0x106000  }
0xb0: {  	[dreg:$0x4] =	wrdreg $0xB7000  }
0xb1: {  	[dreg:$0x5] =	wrdreg $0x9  }
0xb2: {  	_ =	task.clear_ibuf [dreg:s6], $0x6FFFF;
	_ =	strace $0x90000049  }
0xb3: {  	s29 =	simm.s32 $0x9;
	_ =	strace $0x8000004B  }
0xb4: {  	_ =	swait.ge [sflag:s29], $0x1  }
0xb5: {  	[sflag:s29] =	ssyncadd.s32 $0xFFFFFFFF  }
0xb6: {  	_ =	strace $0x9000004B  }
0xb7: {  	_ =	sfence  }
0xb8: {  	s30 =	sld [smem:$0x0];
	_ =	sdelay $0x2  }
0xb9: {  	s31 =	sshll.u32 s1, $0xD;
	s1 =	sshrl.u32 s1, $0x2  }
0xba: {  	s3 =	sand.u32 $0x4000, s31;
	s1 =	sadd.s32 s1, s30  }
0xbb: {  	s0 =	sor.u32 s3, s0;
	s1 =	sshll.u32 s1, $0x11  }
0xbc: {  	s0 =	sor.u32 s1, s0  }
0xbd: {  	s0 =	sadd.s32 $0x8F2B, s0  }
0xbe: {  	[sflag:s0] =	ssyncadd.remote.s32 $0x1  }
0xbf: {  	_ =	sfence.sel $0xFFFF  }
0xc0: {  	[dreg:$0x0] =	wrdreg $0xFFFFFFFF;
	(pc) =	sbr.abs _section_cstart, $3  }
0xc1: {  	[dreg:$0x1] =	wrdreg $0xFFFFFFFF  }
0xc2: {  	_ =	task.clear_ibuf [dreg:s6], $0x2FFFF;
	_ =	strace $0x9FFFFFFF  }
0xc3: {  	(tm) =	ssettm $0x7FFFFFFF  }
tec
execute0_lowered:
.L_overlay_start_1:
0x0: {  	(tag) =	ssettag $0x1  }
0x1: {  	s12 =	stileid.u32  }
0x2: {  	s0 =	srdreg.scid;
	s1 =	rddreg [dreg:$0x0]  }
0x3: {  	s2 =	rddreg [dreg:$0x1];
	s8 =	simm.s32 $0x0;
	s28 =	simm.s32 $0x5800  }
0x4: {  	s29 =	simm.s32 $0x1;
	s30 =	simm.s32 $0x2;
	s31 =	simm.s32 $0x3  }
0x5: {  	s0 =	sand.u32 $0x1, s0;
	s3 =	sshll.u32 s12, $0x1;
	s4 =	smul.u32 $0x4E00, s12  }
0x6: {  	s7 =	smul.u32 $0x9E0, s12;
	[smem:$0x7FF] =	sst s8;
	s21 =	sshll.u32 s12, $0x6  }
0x7: {  	s11 =	smul.u32 $0x13C00, s12;
	s5 =	sor.u32 s0, s3;
	s3 =	rddreg [dreg:$0x2]  }
0x8: {  	s9 =	smul.u32 $0x9E00, s0;
	_ =	strace $0x8000004A;
	s0 =	ssub.s32 $0x2, s0  }
0x9: {  	s6 =	smul.u32 $0x1400, s5;
	s18 =	sshrl.u32 s4, $0x3;
	s19 =	sshrl.u32 s0, $0x1  }
0xa: {  	s4 =	sadd.s32 s4, s2;
	p0 =	seq.s32 s5, $0x1F;
	s5 =	simm.s32 $0xA  }
0xb: {  	s11 =	sshrl.u32 s11, $0x2;
	s8 =	sadd.s32 s18, s1;
	s7 =	sadd.s32 s7, s9  }
0xc: {  	s0 =	ssub.s32 s0, s19;
	s5 =	simm.s32 @!p0 $0x28;
	s11 =	sadd.s32 s11, s3  }
0xd: {  	p0 =	sne.s32 s12, $0xF;
	s18 =	sshrl.u32 s4, $0x3;
	s19 =	simm.s32 $0x9  }
0xe: {  	s4 =	simm.s32 $0x8;
	s6 =	sshrl.u32 s6, $0x3;
	s7 =	sadd.s32 s7, s1  }
0xf: {  	s20 =	sadd.s32 $0xD000, s8;
	s8 =	sadd.s32 $0x4E000, s2;
	s23 =	sshll.u32 s5, $0x7  }
0x10: {  	s25 =	sand.u32 $0x2, s5;
	s5 =	sshll.u32 s5, $0x9;
	s16 =	smax.u32 s0, $0x1  }
0x11: {  	s0 =	simm.s32 $0x5;
	s10 =	sadd.s32 s6, s1;
	[dreg:$0x4] =	wrdreg s20  }
0x12: {  	s6 =	sor.u32 $0x1C09, s21;
	s1 =	sadd.s32 $0x16C00, s1;
	s15 =	sadd.s32 $0x16E00, s7  }
0x13: {  	s17 =	sand.u32 $0x5000, s5;
	s20 =	sshrl.u32 @!p0 s8, $0x3;
	p1 =	seq.s32 s25, $0x0  }
0x14: {  	s25 =	simm.s32 $0x3800;
	s21 =	simm.s32 $0x6;
	s5 =	simm.s32 $0x0  }
0x15: {  	[dreg:$0x5] =	wrdreg s1;
	s22 =	sadd.s32 $0x3000, s10;
	s24 =	sadd.s32 $0x8000, s10  }
0x16: {  	s10 =	sand.u32 $0x1400, s23;
	s23 =	simm.s32 $0x80;
	[dreg:$0x6] =	wrdreg s22  }
0x17: {  	s1 =	simm.s32 $0x4;
	[dreg:$0x7] =	wrdreg s24;
	s26 =	sor.u32 $0x80, s10  }
0x18: {  	s13 =	sadd.s32 $0x1400, s10;
	s14 =	sadd.s32 $0x1480, s10;
	s24 =	simm.s32 $0x2800  }
0x19: {  	v0 =	vimm.f32 $0.0e+00;
	s22 =	simm.s32 $0x7;
	[dreg:$0x8] =	wrdreg s26;
	s26 =	simm.s32 $0x4800  }
.LBB2_1:
0x1a: {  	s7 =	rddreg [dreg:$0x4]  }
0x1b: {  	[spmem:s18], [sflag:s6] =	dma.local [hbm:s7], $0x9C0  }
0x1c: {  	_ =	swait.ge [sflag:s19], $0x9C0  }
0x1d: {  	[sflag:s19] =	ssyncset.done $0x0  }
0x1e: {  	s7 =	rddreg [dreg:$0x5];
	[sflag:s19] =	ssyncadd.s32 $0xFFFFF640  }
0x1f: {  	[spmem:s20], [sflag:s6] =	dma.local @!p0 [hbm:s7], $0x40  }
0x20: {  	s7 =	simm.s32 @!p0 $0x9  }
0x21: {  	_ =	swait.ge @!p0 [sflag:s7], $0x40  }
0x22: {  	[sflag:s7] =	ssyncset.done @!p0 $0x0  }
0x23: {  	s8 =	rddreg [dreg:$0x6];
	[sflag:s7] =	ssyncadd.s32 @!p0 $0xFFFFFFC0;
	s7 =	simm.s32 $0x0  }
0x24: {  	[tilespmem:s7], [sflag:$0x9] =	stream.linear.gather [hbm4b:s8+s7], $0x1400, $0x38;
	[tilespmem:$0x15420] =	vst v63  }
0x25: {  	_ =	swait.ge [sflag:s19], $0x1400  }
0x26: {  	[sflag:s19] =	ssyncset.done $0x0  }
0x27: {  	s9 =	simm.s32 $0x1400;
	s12 =	rddreg [dreg:$0x7];
	[sflag:s19] =	ssyncadd.s32 $0xFFFFEC00  }
0x28: {  	[tilespmem:s9], [sflag:$0x9] =	stream.linear.gather [hbm4b:s12+s7], $0x1400, $0x38;
	[tilespmem:$0x15420] =	vst v63  }
0x29: {  	_ =	swait.ge [sflag:s19], $0x1400  }
0x2a: {  	[sflag:s19] =	ssyncset.done $0x0  }
0x2b: {  	s8 =	simm.s32 $0x0;
	s7 =	simm.s32 $0x80;
	[sflag:s19] =	ssyncadd.s32 $0xFFFFEC00  }
.LBB2_2:
0x2c: {  	p2 =	sne.s32 s7, $0x13B80;
	[tilespmem:s8+$0x6800] =	vst v0;
	s9 =	smov.u32 s7;
	s7 =	sadd.s32 $0x80, s7  }
.Ltmp0:
0x2d: {  	[tilespmem:s8+$0x6810] =	vst v0;
	(pc) =	sbr.rel @p2 .LBB2_2-.Ltmp0, $2  }
0x2e: {  	_ =	sdelay $0x2  }
0x2f: {  	s8 =	sshra.s32 s9, $0x2  }
0x30: {  	[tilespmem:s8+$0x6800] =	vst v0  }
0x31: {  	[tilespmem:s8+$0x6810] =	vst v0;
	s7 =	simm.s32 $0x6800;
	p3 =	sne.s32 s17, $0x800  }
0x32: {  	[spmem:s11] =	stream.linear.scatter [tilespmem:s7], [sflag:$0x9], $0x4F00, $0x38;
	[tilespmem:$0x15420] =	vst v63  }
.Ltmp1:
0x33: {  	_ =	swait.ge [sflag:s19], $0x4F00;
	(pc) =	sbr.rel @!p3 .LBB2_8-.Ltmp1, $4  }
0x34: {  	[sflag:s19] =	ssyncset.done $0x0  }
0x35: {  	[sflag:s19] =	ssyncadd.s32 $0xFFFFB100  }
0x36: {  	[bflag:$0x0] =	sbarrier.arrive $0xFFFF  }
0x37: {  	s8 =	simm.s32 $0x0;
	p2 =	por $0x0, $0x0;
	s7 =	simm.s32 $0x800  }
0x38: {  	s8 =	simm.s32 $0x0  }
0x39: {  	[tilespmem:s24], [sflag:$0x1] =	stream.indirect.gather [spmem:s2], $0x20, s8, s23, $0xb8;
	[tilespmem:$0x15420] =	vst v63  }
0x3a: {  	s12 =	simm.s32 $0x80  }
0x3b: {  	[tilespmem:s25], [sflag:$0x2] =	stream.indirect.gather [spmem:s2], $0x20, s12, s23, $0xb8;
	[tilespmem:$0x15420] =	vst v63  }
0x3c: {  	s9 =	simm.s32 $0x100  }
0x3d: {  	[tilespmem:s26], [sflag:$0x3] =	stream.indirect.gather [spmem:s2], $0x20, s9, s23, $0xb8;
	[tilespmem:$0x15420] =	vst v63  }
0x3e: {  	s12 =	simm.s32 $0x180  }
0x3f: {  	[tilespmem:s28], [sflag:$0x4] =	stream.indirect.gather [spmem:s2], $0x20, s12, s23, $0xb8;
	[tilespmem:$0x15420] =	vst v63  }
0x40: {  	_ =	swait.ge [sflag:s29], $0x1000  }
0x41: {  	[sflag:s29] =	ssyncset.done $0x0  }
0x42: {  	s9 =	simm.s32 $0x1400;
	[sflag:s29] =	ssyncadd.s32 $0xFFFFF000  }
0x43: {  	[spmem:s3] =	stream.indirect.scatter.add.f32 [tilespmem:s24], [sflag:$0x5], $0x20, s9, s23, $0xb8;
	[tilespmem:$0x15420] =	vst v63  }
0x44: {  	_ =	swait.ge [sflag:s30], $0x1000  }
0x45: {  	[sflag:s30] =	ssyncset.done $0x0  }
0x46: {  	s12 =	simm.s32 $0x1480;
	[sflag:s30] =	ssyncadd.s32 $0xFFFFF000  }
0x47: {  	[spmem:s3] =	stream.indirect.scatter.add.f32 [tilespmem:s25], [sflag:$0x6], $0x20, s12, s23, $0xb8;
	[tilespmem:$0x15420] =	vst v63  }
0x48: {  	_ =	swait.ge [sflag:s31], $0x1000  }
0x49: {  	[sflag:s31] =	ssyncset.done $0x0  }
0x4a: {  	s9 =	simm.s32 $0x1500;
	[sflag:s31] =	ssyncadd.s32 $0xFFFFF000  }
0x4b: {  	[spmem:s3] =	stream.indirect.scatter.add.f32 [tilespmem:s26], [sflag:$0x7], $0x20, s9, s23, $0xb8;
	[tilespmem:$0x15420] =	vst v63  }
0x4c: {  	_ =	swait.ge [sflag:s1], $0x1000  }
0x4d: {  	[sflag:s1] =	ssyncset.done $0x0  }
0x4e: {  	s12 =	simm.s32 $0x1580;
	[sflag:s1] =	ssyncadd.s32 $0xFFFFF000  }
0x4f: {  	[spmem:s3] =	stream.indirect.scatter.add.f32 [tilespmem:s28], [sflag:$0x8], $0x20, s12, s23, $0xb8;
	[tilespmem:$0x15420] =	vst v63  }
0x50: {  	_ =	swait.ge [sflag:s0], $0x1000  }
0x51: {  	[sflag:s0] =	ssyncset.done $0x0  }
0x52: {  	[sflag:s0] =	ssyncadd.s32 $0xFFFFF000  }
0x53: {  	_ =	swait.ge [sflag:s21], $0x1000  }
0x54: {  	[sflag:s21] =	ssyncset.done $0x0  }
0x55: {  	p3 =	sne.s32 s17, $0x1000;
	[sflag:s21] =	ssyncadd.s32 $0xFFFFF000  }
.Ltmp2:
0x56: {  	_ =	swait.ge [sflag:s22], $0x1000;
	(pc) =	sbr.rel @!p3 .LBB2_5-.Ltmp2, $4  }
0x57: {  	[sflag:s22] =	ssyncset.done $0x0  }
0x58: {  	[sflag:s22] =	ssyncadd.s32 $0xFFFFF000  }
0x59: {  	_ =	swait.ge [sflag:s4], $0x1000  }
0x5a: {  	p2 =	por $0x1, $0x1;
	s8 =	simm.s32 $0x1000;
	[sflag:s4] =	ssyncset.done $0x0  }
.LBB2_6:
0x5b: {  	s9 =	sshra.s32 s7, $0x2  }
0x5c: {  	[sflag:s4] =	ssyncadd.s32 $0xFFFFF000;
	s7 =	smov.u32 s8;
	s8 =	sadd.s32 $0x800, s8  }
0x5d: {  	[tilespmem:s24], [sflag:$0x1] =	stream.indirect.gather [spmem:s2], $0x20, s9, s23, $0xb8;
	[tilespmem:$0x15420] =	vst v63  }
0x5e: {  	p3 =	sne.s32 s17, s8;
	s12 =	sadd.s32 $0x80, s9  }
0x5f: {  	[tilespmem:s25], [sflag:$0x2] =	stream.indirect.gather [spmem:s2], $0x20, s12, s23, $0xb8;
	[tilespmem:$0x15420] =	vst v63  }
0x60: {  	s12 =	sadd.s32 $0x100, s9  }
0x61: {  	[tilespmem:s26], [sflag:$0x3] =	stream.indirect.gather [spmem:s2], $0x20, s12, s23, $0xb8;
	[tilespmem:$0x15420] =	vst v63  }
0x62: {  	s12 =	sadd.s32 $0x180, s9  }
0x63: {  	[tilespmem:s28], [sflag:$0x4] =	stream.indirect.gather [spmem:s2], $0x20, s12, s23, $0xb8;
	[tilespmem:$0x15420] =	vst v63  }
0x64: {  	_ =	swait.ge [sflag:s29], $0x1000  }
0x65: {  	[sflag:s29] =	ssyncset.done $0x0  }
0x66: {  	s12 =	sadd.s32 $0x1400, s9;
	[sflag:s29] =	ssyncadd.s32 $0xFFFFF000  }
0x67: {  	[spmem:s3] =	stream.indirect.scatter.add.f32 [tilespmem:s24], [sflag:$0x5], $0x20, s12, s23, $0xb8;
	[tilespmem:$0x15420] =	vst v63  }
0x68: {  	_ =	swait.ge [sflag:s30], $0x1000  }
0x69: {  	[sflag:s30] =	ssyncset.done $0x0  }
0x6a: {  	s12 =	sadd.s32 $0x1480, s9;
	[sflag:s30] =	ssyncadd.s32 $0xFFFFF000  }
0x6b: {  	[spmem:s3] =	stream.indirect.scatter.add.f32 [tilespmem:s25], [sflag:$0x6], $0x20, s12, s23, $0xb8;
	[tilespmem:$0x15420] =	vst v63  }
0x6c: {  	_ =	swait.ge [sflag:s31], $0x1000  }
0x6d: {  	[sflag:s31] =	ssyncset.done $0x0  }
0x6e: {  	s12 =	sadd.s32 $0x1500, s9;
	[sflag:s31] =	ssyncadd.s32 $0xFFFFF000  }
0x6f: {  	[spmem:s3] =	stream.indirect.scatter.add.f32 [tilespmem:s26], [sflag:$0x7], $0x20, s12, s23, $0xb8;
	[tilespmem:$0x15420] =	vst v63  }
0x70: {  	_ =	swait.ge [sflag:s1], $0x1000  }
0x71: {  	[sflag:s1] =	ssyncset.done $0x0  }
0x72: {  	s9 =	sadd.s32 $0x1580, s9;
	[sflag:s1] =	ssyncadd.s32 $0xFFFFF000  }
0x73: {  	[spmem:s3] =	stream.indirect.scatter.add.f32 [tilespmem:s28], [sflag:$0x8], $0x20, s9, s23, $0xb8;
	[tilespmem:$0x15420] =	vst v63  }
0x74: {  	_ =	swait.ge [sflag:s0], $0x1000  }
0x75: {  	[sflag:s0] =	ssyncset.done $0x0  }
0x76: {  	[sflag:s0] =	ssyncadd.s32 $0xFFFFF000  }
0x77: {  	_ =	swait.ge [sflag:s21], $0x1000  }
0x78: {  	[sflag:s21] =	ssyncset.done $0x0  }
0x79: {  	[sflag:s21] =	ssyncadd.s32 $0xFFFFF000  }
.Ltmp3:
0x7a: {  	_ =	swait.ge [sflag:s22], $0x1000;
	(pc) =	sbr.rel @p3 .LBB2_6-.Ltmp3, $4  }
0x7b: {  	[sflag:s22] =	ssyncset.done $0x0  }
0x7c: {  	[sflag:s22] =	ssyncadd.s32 $0xFFFFF000  }
0x7d: {  	_ =	swait.ge [sflag:s4], $0x1000  }
0x7e: {  	[sflag:s4] =	ssyncset.done $0x0  }
0x7f: {  	s8 =	smov.u32 s7  }
.LBB2_8:
0x80: {  	s7 =	sshra.s32 s8, $0x2;
	[sflag:s4] =	ssyncadd.s32 @p2 $0xFFFFF000  }
0x81: {  	[tilespmem:s24], [sflag:$0x1] =	stream.indirect.gather [spmem:s2], $0x20, s7, s23, $0xb8;
	[tilespmem:$0x15420] =	vst v63  }
0x82: {  	s8 =	sadd.s32 $0x80, s7  }
0x83: {  	[tilespmem:s25], [sflag:$0x2] =	stream.indirect.gather [spmem:s2], $0x20, s8, s23, $0xb8;
	[tilespmem:$0x15420] =	vst v63  }
0x84: {  	s9 =	sadd.s32 $0x100, s7  }
0x85: {  	[tilespmem:s26], [sflag:$0x3] =	stream.indirect.gather [spmem:s2], $0x20, s9, s23, $0xb8;
	[tilespmem:$0x15420] =	vst v63  }
0x86: {  	s12 =	sadd.s32 $0x180, s7  }
0x87: {  	[tilespmem:s28], [sflag:$0x4] =	stream.indirect.gather [spmem:s2], $0x20, s12, s23, $0xb8;
	[tilespmem:$0x15420] =	vst v63  }
0x88: {  	_ =	swait.ge [sflag:s29], $0x1000  }
0x89: {  	[sflag:s29] =	ssyncset.done $0x0  }
0x8a: {  	s9 =	sadd.s32 $0x1400, s7;
	[sflag:s29] =	ssyncadd.s32 $0xFFFFF000  }
0x8b: {  	[spmem:s3] =	stream.indirect.scatter.add.f32 [tilespmem:s24], [sflag:$0x5], $0x20, s9, s23, $0xb8;
	[tilespmem:$0x15420] =	vst v63  }
0x8c: {  	_ =	swait.ge [sflag:s30], $0x1000  }
0x8d: {  	[sflag:s30] =	ssyncset.done $0x0  }
0x8e: {  	s12 =	sadd.s32 $0x1480, s7;
	[sflag:s30] =	ssyncadd.s32 $0xFFFFF000  }
0x8f: {  	[spmem:s3] =	stream.indirect.scatter.add.f32 [tilespmem:s25], [sflag:$0x6], $0x20, s12, s23, $0xb8;
	[tilespmem:$0x15420] =	vst v63  }
0x90: {  	_ =	swait.ge [sflag:s31], $0x1000  }
0x91: {  	[sflag:s31] =	ssyncset.done $0x0  }
0x92: {  	s9 =	sadd.s32 $0x1500, s7;
	[sflag:s31] =	ssyncadd.s32 $0xFFFFF000  }
0x93: {  	[spmem:s3] =	stream.indirect.scatter.add.f32 [tilespmem:s26], [sflag:$0x7], $0x20, s9, s23, $0xb8;
	[tilespmem:$0x15420] =	vst v63  }
0x94: {  	_ =	swait.ge [sflag:s1], $0x1000  }
0x95: {  	[sflag:s1] =	ssyncset.done $0x0  }
0x96: {  	s7 =	sadd.s32 $0x1580, s7;
	[sflag:s1] =	ssyncadd.s32 $0xFFFFF000  }
0x97: {  	[spmem:s3] =	stream.indirect.scatter.add.f32 [tilespmem:s28], [sflag:$0x8], $0x20, s7, s23, $0xb8;
	[tilespmem:$0x15420] =	vst v63  }
0x98: {  	_ =	swait.ge [sflag:s0], $0x1000  }
0x99: {  	[sflag:s0] =	ssyncset.done $0x0  }
0x9a: {  	[sflag:s0] =	ssyncadd.s32 $0xFFFFF000  }
0x9b: {  	_ =	swait.ge [sflag:s21], $0x1000  }
0x9c: {  	[sflag:s21] =	ssyncset.done $0x0  }
0x9d: {  	[sflag:s21] =	ssyncadd.s32 $0xFFFFF000  }
0x9e: {  	_ =	swait.ge [sflag:s22], $0x1000  }
0x9f: {  	[sflag:s22] =	ssyncset.done $0x0  }
0xa0: {  	[sflag:s22] =	ssyncadd.s32 $0xFFFFF000  }
0xa1: {  	_ =	swait.ge [sflag:s4], $0x1000  }
0xa2: {  	[sflag:s4] =	ssyncset.done $0x0  }
0xa3: {  	s8 =	simm.s32 @!p1 $0x2800;
	s7 =	simm.s32 @!p1 $0x80;
	[sflag:s4] =	ssyncadd.s32 $0xFFFFF000  }
0xa4: {  	[tilespmem:s8], [sflag:$0x1] =	stream.indirect.gather @!p1 [spmem:s2], $0x20, s10, s7, $0xb8;
	[tilespmem:$0x15420] =	vst v63  }
0xa5: {  	s9 =	simm.s32 @!p1 $0x3800;
	s12 =	rddreg [dreg:$0x8]  }
0xa6: {  	[tilespmem:s9], [sflag:$0x2] =	stream.indirect.gather @!p1 [spmem:s2], $0x20, s12, s7, $0xb8;
	[tilespmem:$0x15420] =	vst v63  }
0xa7: {  	s12 =	simm.s32 @!p1 $0x1  }
0xa8: {  	_ =	swait.ge @!p1 [sflag:s12], $0x1000  }
0xa9: {  	[sflag:s12] =	ssyncset.done @!p1 $0x0  }
0xaa: {  	[sflag:s12] =	ssyncadd.s32 @!p1 $0xFFFFF000  }
0xab: {  	[spmem:s3] =	stream.indirect.scatter.add.f32 @!p1 [tilespmem:s8], [sflag:$0x5], $0x20, s13, s7, $0xb8;
	[tilespmem:$0x15420] =	vst v63  }
0xac: {  	s8 =	simm.s32 @!p1 $0x2  }
0xad: {  	_ =	swait.ge @!p1 [sflag:s8], $0x1000  }
0xae: {  	[sflag:s8] =	ssyncset.done @!p1 $0x0  }
0xaf: {  	[sflag:s8] =	ssyncadd.s32 @!p1 $0xFFFFF000  }
0xb0: {  	[spmem:s3] =	stream.indirect.scatter.add.f32 @!p1 [tilespmem:s9], [sflag:$0x6], $0x20, s14, s7, $0xb8;
	[tilespmem:$0x15420] =	vst v63  }
0xb1: {  	s7 =	simm.s32 @!p1 $0x5  }
0xb2: {  	_ =	swait.ge @!p1 [sflag:s7], $0x1000  }
0xb3: {  	[sflag:s7] =	ssyncset.done @!p1 $0x0  }
0xb4: {  	[sflag:s7] =	ssyncadd.s32 @!p1 $0xFFFFF000;
	s7 =	simm.s32 @!p1 $0x6  }
0xb5: {  	_ =	swait.ge @!p1 [sflag:s7], $0x1000  }
0xb6: {  	[sflag:s7] =	ssyncset.done @!p1 $0x0  }
0xb7: {  	s5 =	sadd.s32 $0x1, s5;
	[sflag:s7] =	ssyncadd.s32 @!p1 $0xFFFFF000  }
0xb8: {  	p2 =	sne.s32 s5, s16;
	s12 =	sshrl.u32 s11, $0x3;
	[bflag:$0x0] =	sbarrier.arrive $0xFFFF  }
0xb9: {  	[hbm:s15], [sflag:s6] =	dma.local [spmem:s12], $0x9E0  }
.Ltmp4:
0xba: {  	_ = 	snop;
	(pc) =	sbr.rel @p2 .LBB2_1-.Ltmp4, $4  }
.Ltmp5:
0xbb: {  	_ = 	snop;
	(pc) =	sbr.rel @!p2 .LBB2_9-.Ltmp5, $4  }
0xbc: {  	_ =	swait.ge [sflag:s19], $0x9E0  }
0xbd: {  	[sflag:s19] =	ssyncset.done $0x0  }
0xbe: {  	[sflag:s19] =	ssyncadd.s32 $0xFFFFF620  }
0xbf: {  	_ = 	snop  }
.LBB2_5:
.Ltmp6:
0xc0: {  	(pc) =	sbr.rel .LBB2_8-.Ltmp6, $2  }
0xc1: {  	_ =	sdelay $0x2  }
0xc2: {  	s8 =	simm.s32 $0x800  }
.LBB2_9:
0xc3: {  	_ =	sfence.sel $0x180000  }
0xc4: {  	[bflag:$0x0] =	sbarrier.arrive $0xFFFF  }
0xc5: {  	_ =	strace $0x9000004A  }
0xc6: {  	s0 =	stileid.u32;
	[bflag:$0x2] =	sbarrier.arrive $0xFFFF  }
0xc7: {  	p0 =	sne.s32 s0, $0x0;
	s0 =	rddreg [dreg:$0x3]  }
0xc8: {  	s0 =	sadd.s32 @!p0 $0x100000, s0  }
0xc9: {  	[sflag:s0] =	ssyncadd.tile.s32 @!p0 $0x1;
	_ =	shalt  }
.Lfunc_end2:
_tile_overlayer_lowered:
.L_overlay_start_2:
0xca: {  	(tag) =	ssettag $0x2  }
0xcb: {  	s0 =	rddreg [dreg:$0x0];
	s2 =	stileid.u32  }
0xcc: {  	s1 =	rddreg [dreg:$0x1];
	p0 =	sne.s32 s2, $0x0  }
0xcd: {  	s3 =	rddreg [dreg:$0x2];
	[bflag:$0x3] =	sbarrier.arrive $0xFFFF;
	s2 =	simm.s32 @!p0 $0x1C09  }
0xce: {  	[timem:s3], [sflag:s2] =	dma.local @!p0 [hbm:s0], s1  }
0xcf: {  	s0 =	simm.s32 @!p0 $0x9  }
0xd0: {  	_ =	swait.ge @!p0 [sflag:s0], s1  }
0xd1: {  	s1 =	ssub.s32 @!p0 $0x0, s1;
	[sflag:s0] =	ssyncset.done @!p0 $0x0  }
0xd2: {  	[sflag:s0] =	ssyncadd.s32 @!p0 s1  }
0xd3: {  	[bflag:$0x3] =	sbarrier.arrive $0xFFFF  }
0xd4: {  	_ =	shalt  }

// kernel: kernel.18.cloned.1.call-start
scs
__scs_entry_jumppad:
0x0: {  	(pc) =	sbr.rel $0x88, $3  }
0x1: {  	(tag) =	ssettag $0x0;
	lr =	simm.s32 $0x1  }
0x2: {  	[smem:$0x3F97] =	sst lr;
	_ =	strace $0xD0000000  }
0x3: {  	_ = 	snop  }
0x4: {  	_ = 	snop  }
0x5: {  	_ = 	snop  }
0x6: {  	_ = 	snop  }
0x7: {  	_ = 	snop  }
__scs_overlays_trampoline_lowered:
0x8: {  	[smem:$0x3FA6] =	sst s0  }
0x9: {  	[smem:$0x3FA7] =	sst s1  }
0xa: {  	[smem:$0x3FA8] =	sst s2  }
0xb: {  	[smem:$0x3FA9] =	sst s3  }
0xc: {  	[smem:$0x3FAA] =	sst s4  }
0xd: {  	[smem:$0x3FAB] =	sst s5  }
0xe: {  	[smem:$0x3FAC] =	sst s6  }
0xf: {  	[smem:$0x3FAD] =	sst s7  }
0x10: {  	[smem:$0x3FAE] =	sst s8  }
0x11: {  	[smem:$0x3FAF] =	sst s9;
	s0 =	simm.s32 @!p0 $0x0  }
0x12: {  	s1 =	sld [smem:$0x3F95];
	s0 =	simm.s32 @p0 $0x1  }
0x13: {  	[smem:$0x3FB0] =	sst s0;
	s0 =	simm.s32 @!p1 $0x0  }
0x14: {  	s2 =	sld [smem:$0x3F94];
	s0 =	simm.s32 @p1 $0x1  }
0x15: {  	[smem:$0x3FB1] =	sst s0;
	s0 =	simm.s32 @!p2 $0x0  }
0x16: {  	s3 =	sld [smem:$0x3FDB];
	s0 =	simm.s32 @p2 $0x1  }
0x17: {  	s4 =	simm.s32 $0x1BF5;
	[smem:$0x3FB3] =	sst s0  }
0x18: {  	s0 =	sld [smem:$0x3F96];
	_ =	swait.ge [sflag:s4], $0x0  }
0x19: {  	s7 =	sld [smem:$0x3F97]  }
0x1a: {  	s8 =	sadd.s32 $0xFFFFE003, lr  }
0x1b: {  	s9 =	sadd.s32 $0xFFFFFEF7, lr;
	s5 =	simm.s32 $0xFFFFFFFF;
	p2 =	slt.u32 s8, $0xFFFFF086  }
0x1c: {  	p1 =	slt.u32 s9, $0xF7A;
	s5 =	simm.s32 @!p2 $0x0  }
0x1d: {  	s5 =	simm.s32 @p1 $0x1;
	p0 =	seq.s32 s7, s2  }
0x1e: {  	s7 =	smul.u32 @!p0 $0xF7A, s2;
	p2 =	seq.s32 @!p0 s5, $0x0  }
0x1f: {  	s9 =	smul.u32 $0xF7A, s1;
	s8 =	simm.s32 @!p0 $0x1BF5;
	p2 =	por !p2, p0  }
0x20: {  	[sflag:s8] =	ssyncset.s32 @!p0 $0xFFFFF086;
	s6 =	sadd.s32 @!p0 s3, s7;
	s7 =	simm.s32 @!p0 $0x108  }
0x21: {  	s3 =	sadd.s32 s3, s9;
	s6 =	sadd.s32 @!p0 $0x88, s6;
	s7 =	simm.s32 @p2 $0x1082  }
0x22: {  	[simem:s7], [sflag:s8] =	dma.local @!p0 [hbm:s6], $0xF7A  }
0x23: {  	s9 =	sor.u32 $0xD0000000, s2;
	s6 =	simm.s32 $0x108;
	_ =	swait.ge @!p0 [sflag:s8], $0x0  }
0x24: {  	s3 =	sadd.s32 $0x88, s3;
	s6 =	simm.s32 @!p1 $0x1082;
	[sflag:s4] =	ssyncset.s32 $0xFFFFF086  }
0x25: {  	[simem:s6], [sflag:s4] =	dma.local [hbm:s3], $0xF7A  }
0x26: {  	[smem:$0x3F97] =	sst s1;
	(tag) =	ssettag s2;
	_ =	strace s9  }
0x27: {  	s1 =	sld [smem:$0x3FA7]  }
0x28: {  	s2 =	sld [smem:$0x3FA8]  }
0x29: {  	s4 =	sld [smem:$0x3FAA]  }
0x2a: {  	p0 =	seq.s32 s5, $0x0;
	s5 =	sld [smem:$0x3FAB]  }
0x2b: {  	s6 =	sld [smem:$0x3FAC]  }
0x2c: {  	s7 =	sld [smem:$0x3FAD]  }
0x2d: {  	s3 =	simm.s32 $0x108;
	s8 =	sld [smem:$0x3FAE]  }
0x2e: {  	s3 =	simm.s32 @!p0 $0x1082;
	s9 =	sld [smem:$0x3FAF]  }
0x2f: {  	lr =	sadd.s32 s0, s3;
	s0 =	sld [smem:$0x3FA6]  }
0x30: {  	s3 =	sld [smem:$0x3FA9]  }
0x31: {  	[smem:$0x3FB2] =	sst s10  }
0x32: {  	s10 =	sld [smem:$0x3FB0];
	_ =	sdelay $0x3  }
0x33: {  	p0 =	seq.s32 s10, $0x1;
	s10 =	sld [smem:$0x3FB2];
	_ =	sdelay $0x3  }
0x34: {  	[smem:$0x3FB2] =	sst s10  }
0x35: {  	s10 =	sld [smem:$0x3FB1];
	_ =	sdelay $0x3  }
0x36: {  	p1 =	seq.s32 s10, $0x1;
	s10 =	sld [smem:$0x3FB2];
	_ =	sdelay $0x3  }
0x37: {  	[smem:$0x3FB2] =	sst s10  }
0x38: {  	s10 =	sld [smem:$0x3FB3]  }
0x39: {  	_ = 	snop;
	(pc) =	sbr.ind lr, $3  }
0x3a: {  	_ = 	snop  }
0x3b: {  	_ = 	snop  }
0x3c: {  	p2 =	seq.s32 s10, $0x1;
	s10 =	sld [smem:$0x3FB2]  }
0x3d: {  	_ =	shalt  }
0x3e: {  	_ =	shalt  }
0x3f: {  	_ =	shalt  }
0x40: {  	_ =	shalt  }
0x41: {  	_ =	shalt  }
0x42: {  	_ =	shalt  }
0x43: {  	_ =	shalt  }
0x44: {  	_ =	shalt  }
0x45: {  	_ =	shalt  }
0x46: {  	_ =	shalt  }
0x47: {  	_ =	shalt  }
0x48: {  	_ =	shalt  }
0x49: {  	_ =	shalt  }
0x4a: {  	_ =	shalt  }
0x4b: {  	_ =	shalt  }
0x4c: {  	_ =	shalt  }
0x4d: {  	_ =	shalt  }
0x4e: {  	_ =	shalt  }
0x4f: {  	_ =	shalt  }
0x50: {  	_ =	shalt  }
0x51: {  	_ =	shalt  }
0x52: {  	_ =	shalt  }
0x53: {  	_ =	shalt  }
0x54: {  	_ =	shalt  }
0x55: {  	_ =	shalt  }
0x56: {  	_ =	shalt  }
0x57: {  	_ =	shalt  }
0x58: {  	_ =	shalt  }
0x59: {  	_ =	shalt  }
0x5a: {  	_ =	shalt  }
0x5b: {  	_ =	shalt  }
0x5c: {  	_ =	shalt  }
0x5d: {  	_ =	shalt  }
0x5e: {  	_ =	shalt  }
0x5f: {  	_ =	shalt  }
0x60: {  	_ =	shalt  }
0x61: {  	_ =	shalt  }
0x62: {  	_ =	shalt  }
0x63: {  	_ =	shalt  }
0x64: {  	_ =	shalt  }
0x65: {  	_ =	shalt  }
0x66: {  	_ =	shalt  }
0x67: {  	_ =	shalt  }
0x68: {  	_ =	shalt  }
0x69: {  	_ =	shalt  }
0x6a: {  	_ =	shalt  }
0x6b: {  	_ =	shalt  }
0x6c: {  	_ =	shalt  }
0x6d: {  	_ =	shalt  }
0x6e: {  	_ =	shalt  }
0x6f: {  	_ =	shalt  }
0x70: {  	_ =	shalt  }
0x71: {  	_ =	shalt  }
0x72: {  	_ =	shalt  }
0x73: {  	_ =	shalt  }
0x74: {  	_ =	shalt  }
0x75: {  	_ =	shalt  }
0x76: {  	_ =	shalt  }
0x77: {  	_ =	shalt  }
0x78: {  	_ =	shalt  }
0x79: {  	_ =	shalt  }
0x7a: {  	_ =	shalt  }
0x7b: {  	_ =	shalt  }
0x7c: {  	_ =	shalt  }
0x7d: {  	_ =	shalt  }
0x7e: {  	_ =	shalt  }
0x7f: {  	_ =	shalt  }
0x80: {  	_ =	shalt  }
0x81: {  	_ =	shalt  }
0x82: {  	_ =	shalt  }
0x83: {  	_ =	shalt  }
0x84: {  	_ =	shalt  }
0x85: {  	_ =	shalt  }
0x86: {  	_ =	shalt  }
0x87: {  	_ =	shalt  }
.Lfunc_end0:
.L_simem_size_0:
called_computation.2_lowered:
.L_overlay_start_0:
0x88: {  	s2 =	sld [smem:$0x3FD9]  }
0x89: {  	s3 =	sld [smem:$0x3FFE];
	_ =	sdelay $0x1  }
0x8a: {  	s1 =	srdreg.scid  }
0x8b: {  	s0 =	sand.u32 $0x1, s1  }
0x8c: {  	s16 =	sshll.u32 s0, $0xA;
	s2 =	sadd.s32 s3, s2  }
0x8d: {  	s2 =	sadd.s32 s2, s16  }
0x8e: {  	[smem:$0x3FBE] =	sst s2  }
0x8f: {  	_ = 	snop  }
0x90: {  	(tm) =	ssettm $0x1  }
0x91: {  	s17 =	sld [smem:$0x3FFB];
	_ =	sdelay $0x3  }
0x92: {  	_ =	strace s17  }
0x93: {  	s2 =	sld [smem:$0x3FFC];
	_ =	sdelay $0x3  }
0x94: {  	_ =	strace s2  }
0x95: {  	s2 =	sld [smem:$0x3FFD];
	_ =	sdelay $0x3  }
0x96: {  	_ =	strace s2  }
0x97: {  	_ =	strace $0x8FFFFFFF  }
0x98: {  	s18 =	sld [smem:$0x3FDB];
	_ =	sdelay $0x1  }
0x99: {  	s19 =	simm.s32 $_scs_section_size  }
0x9a: {  	s4 =	simm.s32 $_size__tile_overlayer_lowered;
	s5 =	simm.s32 $_tile_overlayer_lowered  }
0x9b: {  	s22 =	simm.s32 $0x1BFF;
	s21 =	sshll.u32 s5, $0x1;
	s2 =	sadd.s32 s19, s18  }
0x9c: {  	s6 =	simm.s32 $0x0;
	s20 =	sshll.u32 s4, $0x1;
	s4 =	sadd.s32 s21, s2  }
0x9d: {  	[timem:s6], [sflag:s22] =	dma.local [hbm:s4], s20  }
0x9e: {  	_ =	swait.ge [sflag:s22], s20  }
0x9f: {  	s3 =	ssub.s32 $0x0, s20;
	[sflag:s22] =	ssyncset.done $0x0  }
0xa0: {  	[sflag:s22] =	ssyncadd.s32 s3;
	_ =	sdelay $0x1  }
0xa1: {  	s23 =	simm.s32 $0x1B8B  }
0xa2: {  	_ =	swait.ge [sflag:s23], $0x1  }
0xa3: {  	[sflag:s23] =	ssyncset.done $0x0  }
0xa4: {  	s25 =	simm.s32 $0x1B8E;
	s24 =	sld [smem:$0x3FFE];
	[sflag:s23] =	ssyncadd.s32 $0xFFFFFFFF  }
0xa5: {  	s26 =	simm.s32 $execute0_lowered;
	[smem:$0x3FD2] =	sst s25  }
0xa6: {  	s4 =	sshll.u32 s26, $0x1;
	_ =	strace $0x8000004C;
	[dreg:$0x1] =	wrdreg $0xFFFFFFFF  }
0xa7: {  	s28 =	simm.s32 $_size_execute0_lowered;
	s2 =	sadd.s32 s2, s4;
	[dreg:$0x0] =	wrdreg $0x0  }
0xa8: {  	s4 =	sshll.u32 s28, $0x1;
	[dreg:$0x2] =	wrdreg s2  }
0xa9: {  	[dreg:$0x3] =	wrdreg s4  }
0xaa: {  	[dreg:$0x4] =	wrdreg $0xC0  }
0xab: {  	_ =	task [dreg:s6], $0x5FFFF  }
0xac: {  	[dreg:$0x1] =	wrdreg $0xFFFFFFFF  }
0xad: {  	[dreg:$0x0] =	wrdreg $0x60  }
0xae: {  	[dreg:$0x2] =	wrdreg s24  }
0xaf: {  	[dreg:$0x3] =	wrdreg $0x106000  }
0xb0: {  	[dreg:$0x4] =	wrdreg $0xB7000  }
0xb1: {  	[dreg:$0x5] =	wrdreg $0x9  }
0xb2: {  	_ =	task.clear_ibuf [dreg:s6], $0x6FFFF;
	_ =	strace $0x9000004C  }
0xb3: {  	s29 =	simm.s32 $0x9;
	_ =	strace $0x8000004E  }
0xb4: {  	_ =	swait.ge [sflag:s29], $0x1  }
0xb5: {  	[sflag:s29] =	ssyncadd.s32 $0xFFFFFFFF  }
0xb6: {  	_ =	strace $0x9000004E  }
0xb7: {  	_ =	sfence  }
0xb8: {  	s30 =	sld [smem:$0x0];
	_ =	sdelay $0x2  }
0xb9: {  	s31 =	sshll.u32 s1, $0xD;
	s1 =	sshrl.u32 s1, $0x2  }
0xba: {  	s3 =	sand.u32 $0x4000, s31;
	s1 =	sadd.s32 s1, s30  }
0xbb: {  	s0 =	sor.u32 s3, s0;
	s1 =	sshll.u32 s1, $0x11  }
0xbc: {  	s0 =	sor.u32 s1, s0  }
0xbd: {  	s0 =	sadd.s32 $0x8F2B, s0  }
0xbe: {  	[sflag:s0] =	ssyncadd.remote.s32 $0x1  }
0xbf: {  	_ =	sfence.sel $0xFFFF  }
0xc0: {  	[dreg:$0x0] =	wrdreg $0xFFFFFFFF;
	(pc) =	sbr.abs _section_cstart, $3  }
0xc1: {  	[dreg:$0x1] =	wrdreg $0xFFFFFFFF  }
0xc2: {  	_ =	task.clear_ibuf [dreg:s6], $0x2FFFF;
	_ =	strace $0x9FFFFFFF  }
0xc3: {  	(tm) =	ssettm $0x7FFFFFFF  }
tec
execute0_lowered:
.L_overlay_start_1:
0x0: {  	(tag) =	ssettag $0x1  }
0x1: {  	s12 =	stileid.u32  }
0x2: {  	s0 =	srdreg.scid;
	s1 =	rddreg [dreg:$0x0]  }
0x3: {  	s2 =	rddreg [dreg:$0x1];
	s8 =	simm.s32 $0x0;
	s28 =	simm.s32 $0x5800  }
0x4: {  	s29 =	simm.s32 $0x1;
	s30 =	simm.s32 $0x2;
	s31 =	simm.s32 $0x3  }
0x5: {  	s0 =	sand.u32 $0x1, s0;
	s3 =	sshll.u32 s12, $0x1;
	s4 =	smul.u32 $0x4E00, s12  }
0x6: {  	s7 =	smul.u32 $0x9E0, s12;
	[smem:$0x7FF] =	sst s8;
	s21 =	sshll.u32 s12, $0x6  }
0x7: {  	s11 =	smul.u32 $0x13C00, s12;
	s5 =	sor.u32 s0, s3;
	s3 =	rddreg [dreg:$0x2]  }
0x8: {  	s9 =	smul.u32 $0x9E00, s0;
	_ =	strace $0x8000004D;
	s0 =	ssub.s32 $0x2, s0  }
0x9: {  	s6 =	smul.u32 $0x1400, s5;
	s18 =	sshrl.u32 s4, $0x3;
	s19 =	sshrl.u32 s0, $0x1  }
0xa: {  	s4 =	sadd.s32 s4, s2;
	p0 =	seq.s32 s5, $0x1F;
	s5 =	simm.s32 $0xA  }
0xb: {  	s11 =	sshrl.u32 s11, $0x2;
	s8 =	sadd.s32 s18, s1;
	s7 =	sadd.s32 s7, s9  }
0xc: {  	s0 =	ssub.s32 s0, s19;
	s5 =	simm.s32 @!p0 $0x28;
	s11 =	sadd.s32 s11, s3  }
0xd: {  	p0 =	sne.s32 s12, $0xF;
	s18 =	sshrl.u32 s4, $0x3;
	s19 =	simm.s32 $0x9  }
0xe: {  	s4 =	simm.s32 $0x8;
	s6 =	sshrl.u32 s6, $0x3;
	s7 =	sadd.s32 s7, s1  }
0xf: {  	s20 =	sadd.s32 $0xD000, s8;
	s8 =	sadd.s32 $0x4E000, s2;
	s23 =	sshll.u32 s5, $0x7  }
0x10: {  	s25 =	sand.u32 $0x2, s5;
	s5 =	sshll.u32 s5, $0x9;
	s16 =	smax.u32 s0, $0x1  }
0x11: {  	s0 =	simm.s32 $0x5;
	s10 =	sadd.s32 s6, s1;
	[dreg:$0x4] =	wrdreg s20  }
0x12: {  	s6 =	sor.u32 $0x1C09, s21;
	s1 =	sadd.s32 $0x16C00, s1;
	s15 =	sadd.s32 $0x16E00, s7  }
0x13: {  	s17 =	sand.u32 $0x5000, s5;
	s20 =	sshrl.u32 @!p0 s8, $0x3;
	p1 =	seq.s32 s25, $0x0  }
0x14: {  	s25 =	simm.s32 $0x3800;
	s21 =	simm.s32 $0x6;
	s5 =	simm.s32 $0x0  }
0x15: {  	[dreg:$0x5] =	wrdreg s1;
	s22 =	sadd.s32 $0x3000, s10;
	s24 =	sadd.s32 $0x8000, s10  }
0x16: {  	s10 =	sand.u32 $0x1400, s23;
	s23 =	simm.s32 $0x80;
	[dreg:$0x6] =	wrdreg s22  }
0x17: {  	s1 =	simm.s32 $0x4;
	[dreg:$0x7] =	wrdreg s24;
	s26 =	sor.u32 $0x80, s10  }
0x18: {  	s13 =	sadd.s32 $0x1400, s10;
	s14 =	sadd.s32 $0x1480, s10;
	s24 =	simm.s32 $0x2800  }
0x19: {  	v0 =	vimm.f32 $0.0e+00;
	s22 =	simm.s32 $0x7;
	[dreg:$0x8] =	wrdreg s26;
	s26 =	simm.s32 $0x4800  }
.LBB2_1:
0x1a: {  	s7 =	rddreg [dreg:$0x4]  }
0x1b: {  	[spmem:s18], [sflag:s6] =	dma.local [hbm:s7], $0x9C0  }
0x1c: {  	_ =	swait.ge [sflag:s19], $0x9C0  }
0x1d: {  	[sflag:s19] =	ssyncset.done $0x0  }
0x1e: {  	s7 =	rddreg [dreg:$0x5];
	[sflag:s19] =	ssyncadd.s32 $0xFFFFF640  }
0x1f: {  	[spmem:s20], [sflag:s6] =	dma.local @!p0 [hbm:s7], $0x40  }
0x20: {  	s7 =	simm.s32 @!p0 $0x9  }
0x21: {  	_ =	swait.ge @!p0 [sflag:s7], $0x40  }
0x22: {  	[sflag:s7] =	ssyncset.done @!p0 $0x0  }
0x23: {  	s8 =	rddreg [dreg:$0x6];
	[sflag:s7] =	ssyncadd.s32 @!p0 $0xFFFFFFC0;
	s7 =	simm.s32 $0x0  }
0x24: {  	[tilespmem:s7], [sflag:$0x9] =	stream.linear.gather [hbm4b:s8+s7], $0x1400, $0x38;
	[tilespmem:$0x15420] =	vst v63  }
0x25: {  	_ =	swait.ge [sflag:s19], $0x1400  }
0x26: {  	[sflag:s19] =	ssyncset.done $0x0  }
0x27: {  	s9 =	simm.s32 $0x1400;
	s12 =	rddreg [dreg:$0x7];
	[sflag:s19] =	ssyncadd.s32 $0xFFFFEC00  }
0x28: {  	[tilespmem:s9], [sflag:$0x9] =	stream.linear.gather [hbm4b:s12+s7], $0x1400, $0x38;
	[tilespmem:$0x15420] =	vst v63  }
0x29: {  	_ =	swait.ge [sflag:s19], $0x1400  }
0x2a: {  	[sflag:s19] =	ssyncset.done $0x0  }
0x2b: {  	s8 =	simm.s32 $0x0;
	s7 =	simm.s32 $0x80;
	[sflag:s19] =	ssyncadd.s32 $0xFFFFEC00  }
.LBB2_2:
0x2c: {  	p2 =	sne.s32 s7, $0x13B80;
	[tilespmem:s8+$0x6800] =	vst v0;
	s9 =	smov.u32 s7;
	s7 =	sadd.s32 $0x80, s7  }
.Ltmp0:
0x2d: {  	[tilespmem:s8+$0x6810] =	vst v0;
	(pc) =	sbr.rel @p2 .LBB2_2-.Ltmp0, $2  }
0x2e: {  	_ =	sdelay $0x2  }
0x2f: {  	s8 =	sshra.s32 s9, $0x2  }
0x30: {  	[tilespmem:s8+$0x6800] =	vst v0  }
0x31: {  	[tilespmem:s8+$0x6810] =	vst v0;
	s7 =	simm.s32 $0x6800;
	p3 =	sne.s32 s17, $0x800  }
0x32: {  	[spmem:s11] =	stream.linear.scatter [tilespmem:s7], [sflag:$0x9], $0x4F00, $0x38;
	[tilespmem:$0x15420] =	vst v63  }
.Ltmp1:
0x33: {  	_ =	swait.ge [sflag:s19], $0x4F00;
	(pc) =	sbr.rel @!p3 .LBB2_8-.Ltmp1, $4  }
0x34: {  	[sflag:s19] =	ssyncset.done $0x0  }
0x35: {  	[sflag:s19] =	ssyncadd.s32 $0xFFFFB100  }
0x36: {  	[bflag:$0x0] =	sbarrier.arrive $0xFFFF  }
0x37: {  	s8 =	simm.s32 $0x0;
	p2 =	por $0x0, $0x0;
	s7 =	simm.s32 $0x800  }
0x38: {  	s8 =	simm.s32 $0x0  }
0x39: {  	[tilespmem:s24], [sflag:$0x1] =	stream.indirect.gather [spmem:s2], $0x20, s8, s23, $0xb8;
	[tilespmem:$0x15420] =	vst v63  }
0x3a: {  	s12 =	simm.s32 $0x80  }
0x3b: {  	[tilespmem:s25], [sflag:$0x2] =	stream.indirect.gather [spmem:s2], $0x20, s12, s23, $0xb8;
	[tilespmem:$0x15420] =	vst v63  }
0x3c: {  	s9 =	simm.s32 $0x100  }
0x3d: {  	[tilespmem:s26], [sflag:$0x3] =	stream.indirect.gather [spmem:s2], $0x20, s9, s23, $0xb8;
	[tilespmem:$0x15420] =	vst v63  }
0x3e: {  	s12 =	simm.s32 $0x180  }
0x3f: {  	[tilespmem:s28], [sflag:$0x4] =	stream.indirect.gather [spmem:s2], $0x20, s12, s23, $0xb8;
	[tilespmem:$0x15420] =	vst v63  }
0x40: {  	_ =	swait.ge [sflag:s29], $0x1000  }
0x41: {  	[sflag:s29] =	ssyncset.done $0x0  }
0x42: {  	s9 =	simm.s32 $0x1400;
	[sflag:s29] =	ssyncadd.s32 $0xFFFFF000  }
0x43: {  	[spmem:s3] =	stream.indirect.scatter.add.f32 [tilespmem:s24], [sflag:$0x5], $0x20, s9, s23, $0xb8;
	[tilespmem:$0x15420] =	vst v63  }
0x44: {  	_ =	swait.ge [sflag:s30], $0x1000  }
0x45: {  	[sflag:s30] =	ssyncset.done $0x0  }
0x46: {  	s12 =	simm.s32 $0x1480;
	[sflag:s30] =	ssyncadd.s32 $0xFFFFF000  }
0x47: {  	[spmem:s3] =	stream.indirect.scatter.add.f32 [tilespmem:s25], [sflag:$0x6], $0x20, s12, s23, $0xb8;
	[tilespmem:$0x15420] =	vst v63  }
0x48: {  	_ =	swait.ge [sflag:s31], $0x1000  }
0x49: {  	[sflag:s31] =	ssyncset.done $0x0  }
0x4a: {  	s9 =	simm.s32 $0x1500;
	[sflag:s31] =	ssyncadd.s32 $0xFFFFF000  }
0x4b: {  	[spmem:s3] =	stream.indirect.scatter.add.f32 [tilespmem:s26], [sflag:$0x7], $0x20, s9, s23, $0xb8;
	[tilespmem:$0x15420] =	vst v63  }
0x4c: {  	_ =	swait.ge [sflag:s1], $0x1000  }
0x4d: {  	[sflag:s1] =	ssyncset.done $0x0  }
0x4e: {  	s12 =	simm.s32 $0x1580;
	[sflag:s1] =	ssyncadd.s32 $0xFFFFF000  }
0x4f: {  	[spmem:s3] =	stream.indirect.scatter.add.f32 [tilespmem:s28], [sflag:$0x8], $0x20, s12, s23, $0xb8;
	[tilespmem:$0x15420] =	vst v63  }
0x50: {  	_ =	swait.ge [sflag:s0], $0x1000  }
0x51: {  	[sflag:s0] =	ssyncset.done $0x0  }
0x52: {  	[sflag:s0] =	ssyncadd.s32 $0xFFFFF000  }
0x53: {  	_ =	swait.ge [sflag:s21], $0x1000  }
0x54: {  	[sflag:s21] =	ssyncset.done $0x0  }
0x55: {  	p3 =	sne.s32 s17, $0x1000;
	[sflag:s21] =	ssyncadd.s32 $0xFFFFF000  }
.Ltmp2:
0x56: {  	_ =	swait.ge [sflag:s22], $0x1000;
	(pc) =	sbr.rel @!p3 .LBB2_5-.Ltmp2, $4  }
0x57: {  	[sflag:s22] =	ssyncset.done $0x0  }
0x58: {  	[sflag:s22] =	ssyncadd.s32 $0xFFFFF000  }
0x59: {  	_ =	swait.ge [sflag:s4], $0x1000  }
0x5a: {  	p2 =	por $0x1, $0x1;
	s8 =	simm.s32 $0x1000;
	[sflag:s4] =	ssyncset.done $0x0  }
.LBB2_6:
0x5b: {  	s9 =	sshra.s32 s7, $0x2  }
0x5c: {  	[sflag:s4] =	ssyncadd.s32 $0xFFFFF000;
	s7 =	smov.u32 s8;
	s8 =	sadd.s32 $0x800, s8  }
0x5d: {  	[tilespmem:s24], [sflag:$0x1] =	stream.indirect.gather [spmem:s2], $0x20, s9, s23, $0xb8;
	[tilespmem:$0x15420] =	vst v63  }
0x5e: {  	p3 =	sne.s32 s17, s8;
	s12 =	sadd.s32 $0x80, s9  }
0x5f: {  	[tilespmem:s25], [sflag:$0x2] =	stream.indirect.gather [spmem:s2], $0x20, s12, s23, $0xb8;
	[tilespmem:$0x15420] =	vst v63  }
0x60: {  	s12 =	sadd.s32 $0x100, s9  }
0x61: {  	[tilespmem:s26], [sflag:$0x3] =	stream.indirect.gather [spmem:s2], $0x20, s12, s23, $0xb8;
	[tilespmem:$0x15420] =	vst v63  }
0x62: {  	s12 =	sadd.s32 $0x180, s9  }
0x63: {  	[tilespmem:s28], [sflag:$0x4] =	stream.indirect.gather [spmem:s2], $0x20, s12, s23, $0xb8;
	[tilespmem:$0x15420] =	vst v63  }
0x64: {  	_ =	swait.ge [sflag:s29], $0x1000  }
0x65: {  	[sflag:s29] =	ssyncset.done $0x0  }
0x66: {  	s12 =	sadd.s32 $0x1400, s9;
	[sflag:s29] =	ssyncadd.s32 $0xFFFFF000  }
0x67: {  	[spmem:s3] =	stream.indirect.scatter.add.f32 [tilespmem:s24], [sflag:$0x5], $0x20, s12, s23, $0xb8;
	[tilespmem:$0x15420] =	vst v63  }
0x68: {  	_ =	swait.ge [sflag:s30], $0x1000  }
0x69: {  	[sflag:s30] =	ssyncset.done $0x0  }
0x6a: {  	s12 =	sadd.s32 $0x1480, s9;
	[sflag:s30] =	ssyncadd.s32 $0xFFFFF000  }
0x6b: {  	[spmem:s3] =	stream.indirect.scatter.add.f32 [tilespmem:s25], [sflag:$0x6], $0x20, s12, s23, $0xb8;
	[tilespmem:$0x15420] =	vst v63  }
0x6c: {  	_ =	swait.ge [sflag:s31], $0x1000  }
0x6d: {  	[sflag:s31] =	ssyncset.done $0x0  }
0x6e: {  	s12 =	sadd.s32 $0x1500, s9;
	[sflag:s31] =	ssyncadd.s32 $0xFFFFF000  }
0x6f: {  	[spmem:s3] =	stream.indirect.scatter.add.f32 [tilespmem:s26], [sflag:$0x7], $0x20, s12, s23, $0xb8;
	[tilespmem:$0x15420] =	vst v63  }
0x70: {  	_ =	swait.ge [sflag:s1], $0x1000  }
0x71: {  	[sflag:s1] =	ssyncset.done $0x0  }
0x72: {  	s9 =	sadd.s32 $0x1580, s9;
	[sflag:s1] =	ssyncadd.s32 $0xFFFFF000  }
0x73: {  	[spmem:s3] =	stream.indirect.scatter.add.f32 [tilespmem:s28], [sflag:$0x8], $0x20, s9, s23, $0xb8;
	[tilespmem:$0x15420] =	vst v63  }
0x74: {  	_ =	swait.ge [sflag:s0], $0x1000  }
0x75: {  	[sflag:s0] =	ssyncset.done $0x0  }
0x76: {  	[sflag:s0] =	ssyncadd.s32 $0xFFFFF000  }
0x77: {  	_ =	swait.ge [sflag:s21], $0x1000  }
0x78: {  	[sflag:s21] =	ssyncset.done $0x0  }
0x79: {  	[sflag:s21] =	ssyncadd.s32 $0xFFFFF000  }
.Ltmp3:
0x7a: {  	_ =	swait.ge [sflag:s22], $0x1000;
	(pc) =	sbr.rel @p3 .LBB2_6-.Ltmp3, $4  }
0x7b: {  	[sflag:s22] =	ssyncset.done $0x0  }
0x7c: {  	[sflag:s22] =	ssyncadd.s32 $0xFFFFF000  }
0x7d: {  	_ =	swait.ge [sflag:s4], $0x1000  }
0x7e: {  	[sflag:s4] =	ssyncset.done $0x0  }
0x7f: {  	s8 =	smov.u32 s7  }
.LBB2_8:
0x80: {  	s7 =	sshra.s32 s8, $0x2;
	[sflag:s4] =	ssyncadd.s32 @p2 $0xFFFFF000  }
0x81: {  	[tilespmem:s24], [sflag:$0x1] =	stream.indirect.gather [spmem:s2], $0x20, s7, s23, $0xb8;
	[tilespmem:$0x15420] =	vst v63  }
0x82: {  	s8 =	sadd.s32 $0x80, s7  }
0x83: {  	[tilespmem:s25], [sflag:$0x2] =	stream.indirect.gather [spmem:s2], $0x20, s8, s23, $0xb8;
	[tilespmem:$0x15420] =	vst v63  }
0x84: {  	s9 =	sadd.s32 $0x100, s7  }
0x85: {  	[tilespmem:s26], [sflag:$0x3] =	stream.indirect.gather [spmem:s2], $0x20, s9, s23, $0xb8;
	[tilespmem:$0x15420] =	vst v63  }
0x86: {  	s12 =	sadd.s32 $0x180, s7  }
0x87: {  	[tilespmem:s28], [sflag:$0x4] =	stream.indirect.gather [spmem:s2], $0x20, s12, s23, $0xb8;
	[tilespmem:$0x15420] =	vst v63  }
0x88: {  	_ =	swait.ge [sflag:s29], $0x1000  }
0x89: {  	[sflag:s29] =	ssyncset.done $0x0  }
0x8a: {  	s9 =	sadd.s32 $0x1400, s7;
	[sflag:s29] =	ssyncadd.s32 $0xFFFFF000  }
0x8b: {  	[spmem:s3] =	stream.indirect.scatter.add.f32 [tilespmem:s24], [sflag:$0x5], $0x20, s9, s23, $0xb8;
	[tilespmem:$0x15420] =	vst v63  }
0x8c: {  	_ =	swait.ge [sflag:s30], $0x1000  }
0x8d: {  	[sflag:s30] =	ssyncset.done $0x0  }
0x8e: {  	s12 =	sadd.s32 $0x1480, s7;
	[sflag:s30] =	ssyncadd.s32 $0xFFFFF000  }
0x8f: {  	[spmem:s3] =	stream.indirect.scatter.add.f32 [tilespmem:s25], [sflag:$0x6], $0x20, s12, s23, $0xb8;
	[tilespmem:$0x15420] =	vst v63  }
0x90: {  	_ =	swait.ge [sflag:s31], $0x1000  }
0x91: {  	[sflag:s31] =	ssyncset.done $0x0  }
0x92: {  	s9 =	sadd.s32 $0x1500, s7;
	[sflag:s31] =	ssyncadd.s32 $0xFFFFF000  }
0x93: {  	[spmem:s3] =	stream.indirect.scatter.add.f32 [tilespmem:s26], [sflag:$0x7], $0x20, s9, s23, $0xb8;
	[tilespmem:$0x15420] =	vst v63  }
0x94: {  	_ =	swait.ge [sflag:s1], $0x1000  }
0x95: {  	[sflag:s1] =	ssyncset.done $0x0  }
0x96: {  	s7 =	sadd.s32 $0x1580, s7;
	[sflag:s1] =	ssyncadd.s32 $0xFFFFF000  }
0x97: {  	[spmem:s3] =	stream.indirect.scatter.add.f32 [tilespmem:s28], [sflag:$0x8], $0x20, s7, s23, $0xb8;
	[tilespmem:$0x15420] =	vst v63  }
0x98: {  	_ =	swait.ge [sflag:s0], $0x1000  }
0x99: {  	[sflag:s0] =	ssyncset.done $0x0  }
0x9a: {  	[sflag:s0] =	ssyncadd.s32 $0xFFFFF000  }
0x9b: {  	_ =	swait.ge [sflag:s21], $0x1000  }
0x9c: {  	[sflag:s21] =	ssyncset.done $0x0  }
0x9d: {  	[sflag:s21] =	ssyncadd.s32 $0xFFFFF000  }
0x9e: {  	_ =	swait.ge [sflag:s22], $0x1000  }
0x9f: {  	[sflag:s22] =	ssyncset.done $0x0  }
0xa0: {  	[sflag:s22] =	ssyncadd.s32 $0xFFFFF000  }
0xa1: {  	_ =	swait.ge [sflag:s4], $0x1000  }
0xa2: {  	[sflag:s4] =	ssyncset.done $0x0  }
0xa3: {  	s8 =	simm.s32 @!p1 $0x2800;
	s7 =	simm.s32 @!p1 $0x80;
	[sflag:s4] =	ssyncadd.s32 $0xFFFFF000  }
0xa4: {  	[tilespmem:s8], [sflag:$0x1] =	stream.indirect.gather @!p1 [spmem:s2], $0x20, s10, s7, $0xb8;
	[tilespmem:$0x15420] =	vst v63  }
0xa5: {  	s9 =	simm.s32 @!p1 $0x3800;
	s12 =	rddreg [dreg:$0x8]  }
0xa6: {  	[tilespmem:s9], [sflag:$0x2] =	stream.indirect.gather @!p1 [spmem:s2], $0x20, s12, s7, $0xb8;
	[tilespmem:$0x15420] =	vst v63  }
0xa7: {  	s12 =	simm.s32 @!p1 $0x1  }
0xa8: {  	_ =	swait.ge @!p1 [sflag:s12], $0x1000  }
0xa9: {  	[sflag:s12] =	ssyncset.done @!p1 $0x0  }
0xaa: {  	[sflag:s12] =	ssyncadd.s32 @!p1 $0xFFFFF000  }
0xab: {  	[spmem:s3] =	stream.indirect.scatter.add.f32 @!p1 [tilespmem:s8], [sflag:$0x5], $0x20, s13, s7, $0xb8;
	[tilespmem:$0x15420] =	vst v63  }
0xac: {  	s8 =	simm.s32 @!p1 $0x2  }
0xad: {  	_ =	swait.ge @!p1 [sflag:s8], $0x1000  }
0xae: {  	[sflag:s8] =	ssyncset.done @!p1 $0x0  }
0xaf: {  	[sflag:s8] =	ssyncadd.s32 @!p1 $0xFFFFF000  }
0xb0: {  	[spmem:s3] =	stream.indirect.scatter.add.f32 @!p1 [tilespmem:s9], [sflag:$0x6], $0x20, s14, s7, $0xb8;
	[tilespmem:$0x15420] =	vst v63  }
0xb1: {  	s7 =	simm.s32 @!p1 $0x5  }
0xb2: {  	_ =	swait.ge @!p1 [sflag:s7], $0x1000  }
0xb3: {  	[sflag:s7] =	ssyncset.done @!p1 $0x0  }
0xb4: {  	[sflag:s7] =	ssyncadd.s32 @!p1 $0xFFFFF000;
	s7 =	simm.s32 @!p1 $0x6  }
0xb5: {  	_ =	swait.ge @!p1 [sflag:s7], $0x1000  }
0xb6: {  	[sflag:s7] =	ssyncset.done @!p1 $0x0  }
0xb7: {  	s5 =	sadd.s32 $0x1, s5;
	[sflag:s7] =	ssyncadd.s32 @!p1 $0xFFFFF000  }
0xb8: {  	p2 =	sne.s32 s5, s16;
	s12 =	sshrl.u32 s11, $0x3;
	[bflag:$0x0] =	sbarrier.arrive $0xFFFF  }
0xb9: {  	[hbm:s15], [sflag:s6] =	dma.local [spmem:s12], $0x9E0  }
.Ltmp4:
0xba: {  	_ = 	snop;
	(pc) =	sbr.rel @p2 .LBB2_1-.Ltmp4, $4  }
.Ltmp5:
0xbb: {  	_ = 	snop;
	(pc) =	sbr.rel @!p2 .LBB2_9-.Ltmp5, $4  }
0xbc: {  	_ =	swait.ge [sflag:s19], $0x9E0  }
0xbd: {  	[sflag:s19] =	ssyncset.done $0x0  }
0xbe: {  	[sflag:s19] =	ssyncadd.s32 $0xFFFFF620  }
0xbf: {  	_ = 	snop  }
.LBB2_5:
.Ltmp6:
0xc0: {  	(pc) =	sbr.rel .LBB2_8-.Ltmp6, $2  }
0xc1: {  	_ =	sdelay $0x2  }
0xc2: {  	s8 =	simm.s32 $0x800  }
.LBB2_9:
0xc3: {  	_ =	sfence.sel $0x180000  }
0xc4: {  	[bflag:$0x0] =	sbarrier.arrive $0xFFFF  }
0xc5: {  	_ =	strace $0x9000004D  }
0xc6: {  	s0 =	stileid.u32;
	[bflag:$0x2] =	sbarrier.arrive $0xFFFF  }
0xc7: {  	p0 =	sne.s32 s0, $0x0;
	s0 =	rddreg [dreg:$0x3]  }
0xc8: {  	s0 =	sadd.s32 @!p0 $0x100000, s0  }
0xc9: {  	[sflag:s0] =	ssyncadd.tile.s32 @!p0 $0x1;
	_ =	shalt  }
.Lfunc_end2:
_tile_overlayer_lowered:
.L_overlay_start_2:
0xca: {  	(tag) =	ssettag $0x2  }
0xcb: {  	s0 =	rddreg [dreg:$0x0];
	s2 =	stileid.u32  }
0xcc: {  	s1 =	rddreg [dreg:$0x1];
	p0 =	sne.s32 s2, $0x0  }
0xcd: {  	s3 =	rddreg [dreg:$0x2];
	[bflag:$0x3] =	sbarrier.arrive $0xFFFF;
	s2 =	simm.s32 @!p0 $0x1C09  }
0xce: {  	[timem:s3], [sflag:s2] =	dma.local @!p0 [hbm:s0], s1  }
0xcf: {  	s0 =	simm.s32 @!p0 $0x9  }
0xd0: {  	_ =	swait.ge @!p0 [sflag:s0], s1  }
0xd1: {  	s1 =	ssub.s32 @!p0 $0x0, s1;
	[sflag:s0] =	ssyncset.done @!p0 $0x0  }
0xd2: {  	[sflag:s0] =	ssyncadd.s32 @!p0 s1  }
0xd3: {  	[bflag:$0x3] =	sbarrier.arrive $0xFFFF  }
0xd4: {  	_ =	shalt  }

// kernel: kernel.21.cloned.1.call-start
scs
__scs_entry_jumppad:
0x0: {  	(pc) =	sbr.rel $0x88, $3  }
0x1: {  	(tag) =	ssettag $0x0;
	lr =	simm.s32 $0x1  }
0x2: {  	[smem:$0x3F97] =	sst lr;
	_ =	strace $0xD0000000  }
0x3: {  	_ = 	snop  }
0x4: {  	_ = 	snop  }
0x5: {  	_ = 	snop  }
0x6: {  	_ = 	snop  }
0x7: {  	_ = 	snop  }
__scs_overlays_trampoline_lowered:
0x8: {  	[smem:$0x3FA6] =	sst s0  }
0x9: {  	[smem:$0x3FA7] =	sst s1  }
0xa: {  	[smem:$0x3FA8] =	sst s2  }
0xb: {  	[smem:$0x3FA9] =	sst s3  }
0xc: {  	[smem:$0x3FAA] =	sst s4  }
0xd: {  	[smem:$0x3FAB] =	sst s5  }
0xe: {  	[smem:$0x3FAC] =	sst s6  }
0xf: {  	[smem:$0x3FAD] =	sst s7  }
0x10: {  	[smem:$0x3FAE] =	sst s8  }
0x11: {  	[smem:$0x3FAF] =	sst s9;
	s0 =	simm.s32 @!p0 $0x0  }
0x12: {  	s1 =	sld [smem:$0x3F95];
	s0 =	simm.s32 @p0 $0x1  }
0x13: {  	[smem:$0x3FB0] =	sst s0;
	s0 =	simm.s32 @!p1 $0x0  }
0x14: {  	s2 =	sld [smem:$0x3F94];
	s0 =	simm.s32 @p1 $0x1  }
0x15: {  	[smem:$0x3FB1] =	sst s0;
	s0 =	simm.s32 @!p2 $0x0  }
0x16: {  	s3 =	sld [smem:$0x3FDB];
	s0 =	simm.s32 @p2 $0x1  }
0x17: {  	s4 =	simm.s32 $0x1BF5;
	[smem:$0x3FB3] =	sst s0  }
0x18: {  	s0 =	sld [smem:$0x3F96];
	_ =	swait.ge [sflag:s4], $0x0  }
0x19: {  	s7 =	sld [smem:$0x3F97]  }
0x1a: {  	s8 =	sadd.s32 $0xFFFFE003, lr  }
0x1b: {  	s9 =	sadd.s32 $0xFFFFFEF7, lr;
	s5 =	simm.s32 $0xFFFFFFFF;
	p2 =	slt.u32 s8, $0xFFFFF086  }
0x1c: {  	p1 =	slt.u32 s9, $0xF7A;
	s5 =	simm.s32 @!p2 $0x0  }
0x1d: {  	s5 =	simm.s32 @p1 $0x1;
	p0 =	seq.s32 s7, s2  }
0x1e: {  	s7 =	smul.u32 @!p0 $0xF7A, s2;
	p2 =	seq.s32 @!p0 s5, $0x0  }
0x1f: {  	s9 =	smul.u32 $0xF7A, s1;
	s8 =	simm.s32 @!p0 $0x1BF5;
	p2 =	por !p2, p0  }
0x20: {  	[sflag:s8] =	ssyncset.s32 @!p0 $0xFFFFF086;
	s6 =	sadd.s32 @!p0 s3, s7;
	s7 =	simm.s32 @!p0 $0x108  }
0x21: {  	s3 =	sadd.s32 s3, s9;
	s6 =	sadd.s32 @!p0 $0x88, s6;
	s7 =	simm.s32 @p2 $0x1082  }
0x22: {  	[simem:s7], [sflag:s8] =	dma.local @!p0 [hbm:s6], $0xF7A  }
0x23: {  	s9 =	sor.u32 $0xD0000000, s2;
	s6 =	simm.s32 $0x108;
	_ =	swait.ge @!p0 [sflag:s8], $0x0  }
0x24: {  	s3 =	sadd.s32 $0x88, s3;
	s6 =	simm.s32 @!p1 $0x1082;
	[sflag:s4] =	ssyncset.s32 $0xFFFFF086  }
0x25: {  	[simem:s6], [sflag:s4] =	dma.local [hbm:s3], $0xF7A  }
0x26: {  	[smem:$0x3F97] =	sst s1;
	(tag) =	ssettag s2;
	_ =	strace s9  }
0x27: {  	s1 =	sld [smem:$0x3FA7]  }
0x28: {  	s2 =	sld [smem:$0x3FA8]  }
0x29: {  	s4 =	sld [smem:$0x3FAA]  }
0x2a: {  	p0 =	seq.s32 s5, $0x0;
	s5 =	sld [smem:$0x3FAB]  }
0x2b: {  	s6 =	sld [smem:$0x3FAC]  }
0x2c: {  	s7 =	sld [smem:$0x3FAD]  }
0x2d: {  	s3 =	simm.s32 $0x108;
	s8 =	sld [smem:$0x3FAE]  }
0x2e: {  	s3 =	simm.s32 @!p0 $0x1082;
	s9 =	sld [smem:$0x3FAF]  }
0x2f: {  	lr =	sadd.s32 s0, s3;
	s0 =	sld [smem:$0x3FA6]  }
0x30: {  	s3 =	sld [smem:$0x3FA9]  }
0x31: {  	[smem:$0x3FB2] =	sst s10  }
0x32: {  	s10 =	sld [smem:$0x3FB0];
	_ =	sdelay $0x3  }
0x33: {  	p0 =	seq.s32 s10, $0x1;
	s10 =	sld [smem:$0x3FB2];
	_ =	sdelay $0x3  }
0x34: {  	[smem:$0x3FB2] =	sst s10  }
0x35: {  	s10 =	sld [smem:$0x3FB1];
	_ =	sdelay $0x3  }
0x36: {  	p1 =	seq.s32 s10, $0x1;
	s10 =	sld [smem:$0x3FB2];
	_ =	sdelay $0x3  }
0x37: {  	[smem:$0x3FB2] =	sst s10  }
0x38: {  	s10 =	sld [smem:$0x3FB3]  }
0x39: {  	_ = 	snop;
	(pc) =	sbr.ind lr, $3  }
0x3a: {  	_ = 	snop  }
0x3b: {  	_ = 	snop  }
0x3c: {  	p2 =	seq.s32 s10, $0x1;
	s10 =	sld [smem:$0x3FB2]  }
0x3d: {  	_ =	shalt  }
0x3e: {  	_ =	shalt  }
0x3f: {  	_ =	shalt  }
0x40: {  	_ =	shalt  }
0x41: {  	_ =	shalt  }
0x42: {  	_ =	shalt  }
0x43: {  	_ =	shalt  }
0x44: {  	_ =	shalt  }
0x45: {  	_ =	shalt  }
0x46: {  	_ =	shalt  }
0x47: {  	_ =	shalt  }
0x48: {  	_ =	shalt  }
0x49: {  	_ =	shalt  }
0x4a: {  	_ =	shalt  }
0x4b: {  	_ =	shalt  }
0x4c: {  	_ =	shalt  }
0x4d: {  	_ =	shalt  }
0x4e: {  	_ =	shalt  }
0x4f: {  	_ =	shalt  }
0x50: {  	_ =	shalt  }
0x51: {  	_ =	shalt  }
0x52: {  	_ =	shalt  }
0x53: {  	_ =	shalt  }
0x54: {  	_ =	shalt  }
0x55: {  	_ =	shalt  }
0x56: {  	_ =	shalt  }
0x57: {  	_ =	shalt  }
0x58: {  	_ =	shalt  }
0x59: {  	_ =	shalt  }
0x5a: {  	_ =	shalt  }
0x5b: {  	_ =	shalt  }
0x5c: {  	_ =	shalt  }
0x5d: {  	_ =	shalt  }
0x5e: {  	_ =	shalt  }
0x5f: {  	_ =	shalt  }
0x60: {  	_ =	shalt  }
0x61: {  	_ =	shalt  }
0x62: {  	_ =	shalt  }
0x63: {  	_ =	shalt  }
0x64: {  	_ =	shalt  }
0x65: {  	_ =	shalt  }
0x66: {  	_ =	shalt  }
0x67: {  	_ =	shalt  }
0x68: {  	_ =	shalt  }
0x69: {  	_ =	shalt  }
0x6a: {  	_ =	shalt  }
0x6b: {  	_ =	shalt  }
0x6c: {  	_ =	shalt  }
0x6d: {  	_ =	shalt  }
0x6e: {  	_ =	shalt  }
0x6f: {  	_ =	shalt  }
0x70: {  	_ =	shalt  }
0x71: {  	_ =	shalt  }
0x72: {  	_ =	shalt  }
0x73: {  	_ =	shalt  }
0x74: {  	_ =	shalt  }
0x75: {  	_ =	shalt  }
0x76: {  	_ =	shalt  }
0x77: {  	_ =	shalt  }
0x78: {  	_ =	shalt  }
0x79: {  	_ =	shalt  }
0x7a: {  	_ =	shalt  }
0x7b: {  	_ =	shalt  }
0x7c: {  	_ =	shalt  }
0x7d: {  	_ =	shalt  }
0x7e: {  	_ =	shalt  }
0x7f: {  	_ =	shalt  }
0x80: {  	_ =	shalt  }
0x81: {  	_ =	shalt  }
0x82: {  	_ =	shalt  }
0x83: {  	_ =	shalt  }
0x84: {  	_ =	shalt  }
0x85: {  	_ =	shalt  }
0x86: {  	_ =	shalt  }
0x87: {  	_ =	shalt  }
.Lfunc_end0:
.L_simem_size_0:
called_computation.3_lowered:
.L_overlay_start_0:
0x88: {  	s2 =	sld [smem:$0x3FD9]  }
0x89: {  	s3 =	sld [smem:$0x3FFE];
	_ =	sdelay $0x1  }
0x8a: {  	s1 =	srdreg.scid  }
0x8b: {  	s0 =	sand.u32 $0x1, s1  }
0x8c: {  	s16 =	sshll.u32 s0, $0xA;
	s2 =	sadd.s32 s3, s2  }
0x8d: {  	s2 =	sadd.s32 s2, s16  }
0x8e: {  	[smem:$0x3FBE] =	sst s2  }
0x8f: {  	_ = 	snop  }
0x90: {  	(tm) =	ssettm $0x1  }
0x91: {  	s17 =	sld [smem:$0x3FFB];
	_ =	sdelay $0x3  }
0x92: {  	_ =	strace s17  }
0x93: {  	s2 =	sld [smem:$0x3FFC];
	_ =	sdelay $0x3  }
0x94: {  	_ =	strace s2  }
0x95: {  	s2 =	sld [smem:$0x3FFD];
	_ =	sdelay $0x3  }
0x96: {  	_ =	strace s2  }
0x97: {  	_ =	strace $0x8FFFFFFF  }
0x98: {  	s18 =	sld [smem:$0x3FDB];
	_ =	sdelay $0x1  }
0x99: {  	s19 =	simm.s32 $_scs_section_size  }
0x9a: {  	s4 =	simm.s32 $_size__tile_overlayer_lowered;
	s5 =	simm.s32 $_tile_overlayer_lowered  }
0x9b: {  	s22 =	simm.s32 $0x1BFF;
	s21 =	sshll.u32 s5, $0x1;
	s2 =	sadd.s32 s19, s18  }
0x9c: {  	s6 =	simm.s32 $0x0;
	s20 =	sshll.u32 s4, $0x1;
	s4 =	sadd.s32 s21, s2  }
0x9d: {  	[timem:s6], [sflag:s22] =	dma.local [hbm:s4], s20  }
0x9e: {  	_ =	swait.ge [sflag:s22], s20  }
0x9f: {  	s3 =	ssub.s32 $0x0, s20;
	[sflag:s22] =	ssyncset.done $0x0  }
0xa0: {  	[sflag:s22] =	ssyncadd.s32 s3;
	_ =	sdelay $0x1  }
0xa1: {  	s23 =	simm.s32 $0x1B8B  }
0xa2: {  	_ =	swait.ge [sflag:s23], $0x1  }
0xa3: {  	[sflag:s23] =	ssyncset.done $0x0  }
0xa4: {  	s25 =	simm.s32 $0x1B8E;
	s24 =	sld [smem:$0x3FFE];
	[sflag:s23] =	ssyncadd.s32 $0xFFFFFFFF  }
0xa5: {  	s26 =	simm.s32 $execute0_lowered;
	[smem:$0x3FD2] =	sst s25  }
0xa6: {  	s4 =	sshll.u32 s26, $0x1;
	_ =	strace $0x8000004F;
	[dreg:$0x1] =	wrdreg $0xFFFFFFFF  }
0xa7: {  	s28 =	simm.s32 $_size_execute0_lowered;
	s2 =	sadd.s32 s2, s4;
	[dreg:$0x0] =	wrdreg $0x0  }
0xa8: {  	s4 =	sshll.u32 s28, $0x1;
	[dreg:$0x2] =	wrdreg s2  }
0xa9: {  	[dreg:$0x3] =	wrdreg s4  }
0xaa: {  	[dreg:$0x4] =	wrdreg $0xC0  }
0xab: {  	_ =	task [dreg:s6], $0x5FFFF  }
0xac: {  	[dreg:$0x1] =	wrdreg $0xFFFFFFFF  }
0xad: {  	[dreg:$0x0] =	wrdreg $0x60  }
0xae: {  	[dreg:$0x2] =	wrdreg s24  }
0xaf: {  	[dreg:$0x3] =	wrdreg $0x48200  }
0xb0: {  	[dreg:$0x4] =	wrdreg $0x9  }
0xb1: {  	_ =	task.clear_ibuf [dreg:s6], $0x5FFFF;
	_ =	strace $0x9000004F  }
0xb2: {  	s29 =	simm.s32 $0x9;
	_ =	strace $0x80000051  }
0xb3: {  	_ =	swait.ge [sflag:s29], $0x1  }
0xb4: {  	[sflag:s29] =	ssyncadd.s32 $0xFFFFFFFF  }
0xb5: {  	_ =	strace $0x90000051  }
0xb6: {  	_ =	sfence  }
0xb7: {  	s30 =	sld [smem:$0x0];
	_ =	sdelay $0x2  }
0xb8: {  	s31 =	sshll.u32 s1, $0xD;
	s1 =	sshrl.u32 s1, $0x2  }
0xb9: {  	s3 =	sand.u32 $0x4000, s31;
	s1 =	sadd.s32 s1, s30  }
0xba: {  	s0 =	sor.u32 s3, s0;
	s1 =	sshll.u32 s1, $0x11  }
0xbb: {  	s0 =	sor.u32 s1, s0  }
0xbc: {  	s0 =	sadd.s32 $0x8F2B, s0  }
0xbd: {  	[sflag:s0] =	ssyncadd.remote.s32 $0x1  }
0xbe: {  	_ =	sfence.sel $0xFFFF  }
0xbf: {  	[dreg:$0x0] =	wrdreg $0xFFFFFFFF;
	(pc) =	sbr.abs _section_cstart, $3  }
0xc0: {  	[dreg:$0x1] =	wrdreg $0xFFFFFFFF  }
0xc1: {  	_ =	task.clear_ibuf [dreg:s6], $0x2FFFF;
	_ =	strace $0x9FFFFFFF  }
0xc2: {  	(tm) =	ssettm $0x7FFFFFFF  }
0xc3: {  	_ =	shalt  }
tec
execute0_lowered:
.L_overlay_start_1:
0x0: {  	(tag) =	ssettag $0x1  }
0x1: {  	s6 =	rddreg [dreg:$0x0]  }
0x2: {  	s2 =	rddreg [dreg:$0x1]  }
0x3: {  	s0 =	stileid.u32;
	s1 =	srdreg.scid  }
0x4: {  	s3 =	simm.s32 $0x0;
	s13 =	simm.s32 $0x3;
	s15 =	simm.s32 $0x1400  }
0x5: {  	s16 =	simm.s32 $0x80;
	s17 =	simm.s32 $0x2800;
	s18 =	simm.s32 $0x3000  }
0x6: {  	s19 =	simm.s32 $0x3800;
	s20 =	simm.s32 $0x4000;
	s21 =	simm.s32 $0x1  }
0x7: {  	s22 =	simm.s32 $0x2;
	s23 =	simm.s32 $0x4800;
	s24 =	simm.s32 $0x0  }
0x8: {  	s4 =	smul.u32 $0x2700, s0;
	s5 =	sand.u32 $0x1, s1;
	s1 =	rddreg [dreg:$0x2]  }
0x9: {  	s7 =	sshll.u32 s0, $0x1;
	[smem:$0x7FF] =	sst s3;
	s31 =	sshll.u32 s0, $0x6  }
0xa: {  	s14 =	sadd.s32 $0x27000, s2;
	s8 =	sor.u32 s5, s7;
	_ =	strace $0x80000050  }
0xb: {  	s5 =	ssub.s32 $0x2, s5;
	s30 =	sshrl.u32 s4, $0x3;
	s9 =	smul.u32 $0x1400, s8  }
0xc: {  	s10 =	sshll.u32 s8, $0x2;
	s11 =	sshrl.u32 s5, $0x1;
	s12 =	sadd.s32 s4, s2  }
0xd: {  	p0 =	seq.s32 s8, $0x1F;
	s8 =	simm.s32 $0x5;
	s7 =	sadd.s32 s30, s6  }
0xe: {  	s10 =	sadd.s32 s10, s6;
	s11 =	ssub.s32 s5, s11;
	s5 =	sor.u32 $0x1C03, s31  }
0xf: {  	s8 =	simm.s32 @!p0 $0x14;
	p0 =	sne.s32 s0, $0xF;
	s12 =	sshrl.u32 s12, $0x3  }
0x10: {  	s9 =	sshrl.u32 s9, $0x3;
	s4 =	sadd.s32 $0xD000, s7;
	s10 =	sadd.s32 $0x12000, s10  }
0x11: {  	s11 =	smax.u32 s11, $0x1;
	s14 =	sshrl.u32 @!p0 s14, $0x3;
	s9 =	sadd.s32 s9, s6  }
0x12: {  	s6 =	sadd.s32 $0x11E00, s6;
	s7 =	sadd.s32 $0x3000, s9;
	s9 =	sadd.s32 $0x8000, s9  }
.LBB2_1:
0x13: {  	[spmem:s12], [sflag:s5] =	dma.local [hbm:s4], $0x4E0  }
0x14: {  	_ =	swait.ge [sflag:s13], $0x4E0  }
0x15: {  	[sflag:s13] =	ssyncset.done $0x0  }
0x16: {  	s25 =	simm.s32 @!p0 $0x3;
	[sflag:s13] =	ssyncadd.s32 $0xFFFFFB20  }
0x17: {  	[spmem:s14], [sflag:s5] =	dma.local @!p0 [hbm:s6], $0x20  }
0x18: {  	_ =	swait.ge @!p0 [sflag:s25], $0x20  }
0x19: {  	[sflag:s25] =	ssyncset.done @!p0 $0x0  }
0x1a: {  	[sflag:s25] =	ssyncadd.s32 @!p0 $0xFFFFFFE0  }
0x1b: {  	[tilespmem:s3], [sflag:$0x3] =	stream.linear.gather [hbm4b:s7+s3], $0x1400, $0x38;
	[tilespmem:$0x6F30] =	vst v63  }
0x1c: {  	_ =	swait.ge [sflag:s13], $0x1400  }
0x1d: {  	[sflag:s13] =	ssyncset.done $0x0  }
0x1e: {  	[sflag:s13] =	ssyncadd.s32 $0xFFFFEC00  }
0x1f: {  	[tilespmem:s15], [sflag:$0x3] =	stream.linear.gather [hbm4b:s9+s3], $0x1400, $0x38;
	[tilespmem:$0x6F30] =	vst v63  }
0x20: {  	_ =	swait.ge [sflag:s13], $0x1400  }
0x21: {  	v0 =	vimm.f32 $0.0e+00;
	v1 =	vimm.f32 $0.0e+00;
	[sflag:s13] =	ssyncset.done $0x0  }
0x22: {  	v13 =	vimm.f32 $0.0e+00;
	v14 =	vimm.f32 $0.0e+00;
	v2 =	vimm.f32 $0.0e+00;
	[sflag:s13] =	ssyncadd.s32 $0xFFFFEC00  }
0x23: {  	v3 =	vimm.f32 $0.0e+00;
	v19 =	vimm.f32 $0.0e+00;
	v20 =	vimm.f32 $0.0e+00;
	s25 =	simm.s32 $0x0;
	[bflag:$0x0] =	sbarrier.arrive $0xFFFF  }
.LBB2_2:
0x24: {  	s26 =	sshll.u32 s25, $0x8  }
0x25: {  	[tilespmem:s17], [sflag:$0x1] =	stream.indirect.gather [spmem:s2], $0x10, s26, s16, $0xb8;
	[tilespmem:$0x6F30] =	vst v63  }
0x26: {  	s28 =	sadd.s32 $0x1400, s26  }
0x27: {  	[tilespmem:s18], [sflag:$0x1] =	stream.indirect.gather [spmem:s2], $0x10, s28, s16, $0xb8;
	[tilespmem:$0x6F30] =	vst v63  }
0x28: {  	s28 =	sor.u32 $0x80, s26  }
0x29: {  	[tilespmem:s19], [sflag:$0x2] =	stream.indirect.gather [spmem:s2], $0x10, s28, s16, $0xb8;
	[tilespmem:$0x6F30] =	vst v63  }
0x2a: {  	s26 =	sadd.s32 $0x1480, s26  }
0x2b: {  	[tilespmem:s20], [sflag:$0x2] =	stream.indirect.gather [spmem:s2], $0x10, s26, s16, $0xb8;
	[tilespmem:$0x6F30] =	vst v63  }
0x2c: {  	_ =	swait.ge [sflag:s21], $0x800  }
0x2d: {  	[sflag:s21] =	ssyncset.done $0x0  }
0x2e: {  	[sflag:s21] =	ssyncadd.s32 $0xFFFFF800  }
0x2f: {  	_ =	swait.ge [sflag:s21], $0x800  }
0x30: {  	[sflag:s21] =	ssyncset.done $0x0  }
0x31: {  	s26 =	simm.s32 $0x0;
	[sflag:s21] =	ssyncadd.s32 $0xFFFFF800  }
0x32: {  	v4 =	vld [tilespmem:s26+$0x28C0]  }
0x33: {  	v5 =	vld [tilespmem:s26+$0x30C0]  }
0x34: {  	v6 =	vld [tilespmem:s26+$0x28D0]  }
0x35: {  	v7 =	vld [tilespmem:s26+$0x30D0]  }
0x36: {  	v12 =	vld [tilespmem:s26+$0x28E0]  }
0x37: {  	v15 =	vld [tilespmem:s26+$0x30E0]  }
0x38: {  	v16 =	vld [tilespmem:s26+$0x2880]  }
0x39: {  	v17 =	vld [tilespmem:s26+$0x3080]  }
0x3a: {  	v21 =	vld [tilespmem:s26+$0x2890]  }
0x3b: {  	v22 =	vld [tilespmem:s26+$0x3090]  }
0x3c: {  	v23 =	vld [tilespmem:s26+$0x28A0]  }
0x3d: {  	v24 =	vld [tilespmem:s26+$0x30A0]  }
0x3e: {  	v25 =	vld [tilespmem:s26+$0x2840]  }
0x3f: {  	v26 =	vld [tilespmem:s26+$0x3040]  }
0x40: {  	v29 =	vld [tilespmem:s26+$0x2850]  }
0x41: {  	v27 =	vld [tilespmem:s26+$0x2800];
	v10 =	vmul.f32 v5, v4;
	v11 =	vmul.f32 v4, v4  }
0x42: {  	v28 =	vld [tilespmem:s26+$0x3000];
	v9 =	vmul.f32 v7, v6;
	v8 =	vmul.f32 v6, v6  }
0x43: {  	v30 =	vld [tilespmem:s26+$0x2810];
	v5 =	vmul.f32 v15, v12;
	v4 =	vmul.f32 v12, v12  }
0x44: {  	v31 =	vld [tilespmem:s26+$0x3010];
	v17 =	vmul.f32 v17, v16;
	v18 =	vmul.f32 v16, v16  }
0x45: {  	v32 =	vld [tilespmem:s26+$0x3050];
	v15 =	vmul.f32 v22, v21;
	v16 =	vmul.f32 v21, v21  }
0x46: {  	v12 =	vld [tilespmem:s26+$0x2860];
	v7 =	vmul.f32 v24, v23;
	v6 =	vmul.f32 v23, v23  }
0x47: {  	v24 =	vmul.f32 v26, v25;
	v25 =	vmul.f32 v25, v25;
	v21 =	vld [tilespmem:s26+$0x3060]  }
0x48: {  	v26 =	vmul.f32 v28, v27;
	v27 =	vmul.f32 v27, v27;
	v22 =	vld [tilespmem:s26+$0x2820]  }
0x49: {  	v28 =	vmul.f32 v31, v30;
	v30 =	vmul.f32 v30, v30;
	v23 =	vld [tilespmem:s26+$0x3020]  }
0x4a: {  	v26 =	vadd.f32 v26, v20;
	v27 =	vadd.f32 v27, v14;
	v14 =	vld [tilespmem:s26+$0x2830];
	v20 =	vmul.f32 v32, v29  }
0x4b: {  	s28 =	simm.s32 $0x400;
	v19 =	vadd.f32 v28, v19;
	v28 =	vadd.f32 v30, v13;
	v13 =	vld [tilespmem:s26+$0x3030];
	v29 =	vmul.f32 v29, v29  }
.LBB2_3:
0x4c: {  	p1 =	sne.s32 s28, $0x1C00;
	v24 =	vadd.f32 v24, v26;
	v25 =	vadd.f32 v25, v27;
	v21 =	vmul.f32 v21, v12;
	v26 =	vld [tilespmem:s26+$0x2870]  }
0x4d: {  	v12 =	vmul.f32 v12, v12;
	v19 =	vadd.f32 v20, v19;
	v20 =	vadd.f32 v29, v28;
	v27 =	vld [tilespmem:s26+$0x3070]  }
0x4e: {  	v23 =	vmul.f32 v23, v22;
	v17 =	vadd.f32 v17, v24;
	v18 =	vadd.f32 v18, v25;
	v24 =	vld [tilespmem:s26+$0x28B0]  }
0x4f: {  	v22 =	vmul.f32 v22, v22;
	v15 =	vadd.f32 v15, v19;
	v16 =	vadd.f32 v16, v20;
	v19 =	vld [tilespmem:s26+$0x30B0]  }
0x50: {  	v13 =	vmul.f32 v13, v14;
	v20 =	vadd.f32 v10, v17;
	v28 =	vadd.f32 v11, v18;
	v10 =	vld [tilespmem:s26+$0x28F0]  }
0x51: {  	v11 =	vmul.f32 v14, v14;
	v29 =	vadd.f32 v9, v15;
	v30 =	vadd.f32 v8, v16;
	v8 =	vld [tilespmem:s26+$0x30F0];
	s26 =	sshra.s32 s28, $0x2  }
0x52: {  	v3 =	vadd.f32 v23, v3;
	v1 =	vadd.f32 v22, v1;
	v9 =	vld [tilespmem:s26+$0x28C0];
	v14 =	vmul.f32 v27, v26  }
0x53: {  	v2 =	vadd.f32 v13, v2;
	v0 =	vadd.f32 v11, v0;
	v11 =	vmul.f32 v26, v26;
	v15 =	vld [tilespmem:s26+$0x30C0]  }
0x54: {  	v3 =	vadd.f32 v21, v3;
	v1 =	vadd.f32 v12, v1;
	v13 =	vld [tilespmem:s26+$0x28D0];
	v12 =	vmul.f32 v19, v24  }
0x55: {  	v2 =	vadd.f32 v14, v2;
	v0 =	vadd.f32 v11, v0;
	v11 =	vmul.f32 v24, v24;
	v16 =	vld [tilespmem:s26+$0x30D0]  }
0x56: {  	v3 =	vadd.f32 v7, v3;
	v1 =	vadd.f32 v6, v1;
	v14 =	vld [tilespmem:s26+$0x28E0];
	v6 =	vmul.f32 v8, v10  }
0x57: {  	v2 =	vadd.f32 v12, v2;
	v0 =	vadd.f32 v11, v0;
	v8 =	vmul.f32 v10, v10;
	v7 =	vld [tilespmem:s26+$0x30E0]  }
0x58: {  	v3 =	vadd.f32 v5, v3;
	v1 =	vadd.f32 v4, v1;
	v12 =	vld [tilespmem:s26+$0x2880]  }
0x59: {  	v2 =	vadd.f32 v6, v2;
	v0 =	vadd.f32 v8, v0;
	v17 =	vld [tilespmem:s26+$0x3080]  }
0x5a: {  	v6 =	vld [tilespmem:s26+$0x2890]  }
0x5b: {  	v19 =	vld [tilespmem:s26+$0x3090]  }
0x5c: {  	v21 =	vld [tilespmem:s26+$0x28A0]  }
0x5d: {  	v22 =	vld [tilespmem:s26+$0x30A0]  }
0x5e: {  	v23 =	vld [tilespmem:s26+$0x2840]  }
0x5f: {  	v24 =	vld [tilespmem:s26+$0x3040]  }
0x60: {  	v31 =	vld [tilespmem:s26+$0x2850]  }
0x61: {  	v11 =	vmul.f32 v9, v9;
	v10 =	vmul.f32 v15, v9;
	v26 =	vld [tilespmem:s26+$0x2800]  }
0x62: {  	v8 =	vmul.f32 v13, v13;
	v9 =	vmul.f32 v16, v13;
	v27 =	vld [tilespmem:s26+$0x3000]  }
0x63: {  	v4 =	vmul.f32 v14, v14;
	v5 =	vmul.f32 v7, v14;
	v13 =	vld [tilespmem:s26+$0x2810]  }
0x64: {  	v18 =	vmul.f32 v12, v12;
	v17 =	vmul.f32 v17, v12;
	v14 =	vld [tilespmem:s26+$0x3010]  }
0x65: {  	v16 =	vmul.f32 v6, v6;
	v15 =	vmul.f32 v19, v6;
	v32 =	vld [tilespmem:s26+$0x3050]  }
0x66: {  	v6 =	vmul.f32 v21, v21;
	v7 =	vmul.f32 v22, v21;
	v12 =	vld [tilespmem:s26+$0x2860]  }
.Ltmp0:
0x67: {  	v25 =	vmul.f32 v23, v23;
	v24 =	vmul.f32 v24, v23;
	v21 =	vld [tilespmem:s26+$0x3060];
	(pc) =	sbr.rel @p1 .LBB2_3-.Ltmp0, $4  }
0x68: {  	v19 =	vmul.f32 v27, v26;
	v27 =	vmul.f32 v26, v26;
	v22 =	vld [tilespmem:s26+$0x2820]  }
0x69: {  	v33 =	vmul.f32 v14, v13;
	v13 =	vmul.f32 v13, v13;
	v23 =	vld [tilespmem:s26+$0x3020]  }
0x6a: {  	v26 =	vadd.f32 v19, v20;
	v27 =	vadd.f32 v27, v28;
	v14 =	vld [tilespmem:s26+$0x2830];
	v20 =	vmul.f32 v32, v31  }
0x6b: {  	s28 =	sadd.s32 $0x400, s28;
	v19 =	vadd.f32 v33, v29;
	v28 =	vadd.f32 v13, v30;
	v13 =	vld [tilespmem:s26+$0x3030];
	v29 =	vmul.f32 v31, v31  }
0x6c: {  	v30 =	vld [tilespmem:s26+$0x2870]  }
0x6d: {  	v31 =	vld [tilespmem:s26+$0x3070]  }
0x6e: {  	v32 =	vld [tilespmem:s26+$0x28B0]  }
0x6f: {  	v33 =	vld [tilespmem:s26+$0x30B0]  }
0x70: {  	v34 =	vld [tilespmem:s26+$0x28F0]  }
0x71: {  	v35 =	vld [tilespmem:s26+$0x30F0];
	_ =	swait.ge [sflag:s22], $0x800  }
0x72: {  	[sflag:s22] =	ssyncset.done $0x0  }
0x73: {  	[sflag:s22] =	ssyncadd.s32 $0xFFFFF800  }
0x74: {  	_ =	swait.ge [sflag:s22], $0x800  }
0x75: {  	[sflag:s22] =	ssyncset.done $0x0  }
0x76: {  	s26 =	simm.s32 $0x0;
	[sflag:s22] =	ssyncadd.s32 $0xFFFFF800  }
0x77: {  	v36 =	vld [tilespmem:s26+$0x38C0]  }
0x78: {  	v37 =	vld [tilespmem:s26+$0x40C0]  }
0x79: {  	v38 =	vld [tilespmem:s26+$0x38D0]  }
0x7a: {  	v24 =	vadd.f32 v24, v26;
	v25 =	vadd.f32 v25, v27;
	v26 =	vld [tilespmem:s26+$0x40D0]  }
0x7b: {  	v19 =	vadd.f32 v20, v19;
	v20 =	vadd.f32 v29, v28;
	v27 =	vld [tilespmem:s26+$0x38E0]  }
0x7c: {  	v17 =	vadd.f32 v17, v24;
	v18 =	vadd.f32 v18, v25;
	v24 =	vld [tilespmem:s26+$0x40E0]  }
0x7d: {  	v15 =	vadd.f32 v15, v19;
	v16 =	vadd.f32 v16, v20;
	v19 =	vld [tilespmem:s26+$0x3880]  }
0x7e: {  	v17 =	vadd.f32 v10, v17;
	v28 =	vadd.f32 v11, v18;
	v10 =	vmul.f32 v23, v22;
	v18 =	vld [tilespmem:s26+$0x4080]  }
0x7f: {  	v11 =	vmul.f32 v22, v22;
	v22 =	vadd.f32 v9, v15;
	v9 =	vmul.f32 v13, v14;
	v20 =	vld [tilespmem:s26+$0x3890]  }
0x80: {  	v13 =	vmul.f32 v14, v14;
	v29 =	vadd.f32 v8, v16;
	v8 =	vmul.f32 v21, v12;
	v16 =	vld [tilespmem:s26+$0x4090]  }
0x81: {  	v57 =	vmul.f32 v34, v34;
	v3 =	vadd.f32 v10, v3;
	v21 =	vld [tilespmem:s26+$0x38A0];
	v10 =	vmul.f32 v31, v30  }
0x82: {  	v1 =	vadd.f32 v11, v1;
	v23 =	vld [tilespmem:s26+$0x40A0];
	v11 =	vmul.f32 v30, v30;
	v31 =	vmul.f32 v35, v34  }
0x83: {  	v25 =	vld [tilespmem:s26+$0x3840];
	v2 =	vadd.f32 v9, v2;
	v9 =	vmul.f32 v12, v12;
	v0 =	vadd.f32 v13, v0  }
0x84: {  	v30 =	vld [tilespmem:s26+$0x4040];
	v12 =	vmul.f32 v33, v32;
	v13 =	vmul.f32 v32, v32;
	v3 =	vadd.f32 v8, v3  }
0x85: {  	v58 =	vld [tilespmem:s26+$0x3850];
	v1 =	vadd.f32 v9, v1;
	v2 =	vadd.f32 v10, v2;
	v10 =	vmul.f32 v37, v36  }
0x86: {  	v60 =	vld [tilespmem:s26+$0x3800];
	v59 =	vadd.f32 v11, v0;
	v11 =	vmul.f32 v36, v36;
	v8 =	vmul.f32 v26, v38  }
0x87: {  	v61 =	vld [tilespmem:s26+$0x4000];
	v3 =	vadd.f32 v7, v3;
	v9 =	vmul.f32 v38, v38;
	v0 =	vmul.f32 v24, v27  }
0x88: {  	v62 =	vld [tilespmem:s26+$0x3810];
	v26 =	vadd.f32 v6, v1;
	v1 =	vmul.f32 v27, v27;
	v14 =	vmul.f32 v18, v19  }
0x89: {  	v24 =	vadd.f32 v12, v2;
	v27 =	vld [tilespmem:s26+$0x4010];
	v15 =	vmul.f32 v19, v19;
	v12 =	vmul.f32 v16, v20  }
0x8a: {  	v63 =	vld [tilespmem:s26+$0x4050];
	v34 =	vadd.f32 v13, v59;
	v13 =	vmul.f32 v20, v20;
	v6 =	vmul.f32 v23, v21  }
0x8b: {  	v16 =	vld [tilespmem:s26+$0x3860];
	v7 =	vmul.f32 v21, v21;
	v19 =	vmul.f32 v30, v25  }
0x8c: {  	v20 =	vmul.f32 v25, v25;
	v21 =	vld [tilespmem:s26+$0x4060];
	v2 =	vadd.f32 v5, v3;
	v3 =	vadd.f32 v4, v26  }
0x8d: {  	v18 =	vld [tilespmem:s26+$0x3820];
	v4 =	vadd.f32 v31, v24;
	v24 =	vmul.f32 v61, v60;
	v26 =	vmul.f32 v60, v60  }
0x8e: {  	v30 =	vmul.f32 v62, v62;
	v23 =	vld [tilespmem:s26+$0x4020];
	v5 =	vadd.f32 v57, v34;
	v27 =	vmul.f32 v27, v62  }
0x8f: {  	v25 =	vadd.f32 v24, v17;
	v26 =	vadd.f32 v26, v28;
	v17 =	vld [tilespmem:s26+$0x3830];
	v24 =	vmul.f32 v63, v58  }
0x90: {  	s28 =	simm.s32 $0x400;
	v28 =	vadd.f32 v30, v29;
	v29 =	vmul.f32 v58, v58;
	v27 =	vadd.f32 v27, v22;
	v22 =	vld [tilespmem:s26+$0x4030]  }
.LBB2_5:
0x91: {  	p1 =	sne.s32 s28, $0x1C00;
	v19 =	vadd.f32 v19, v25;
	v20 =	vadd.f32 v20, v26;
	v21 =	vmul.f32 v21, v16;
	v25 =	vld [tilespmem:s26+$0x3870]  }
0x92: {  	v16 =	vmul.f32 v16, v16;
	v24 =	vadd.f32 v24, v27;
	v26 =	vadd.f32 v29, v28;
	v27 =	vld [tilespmem:s26+$0x4070]  }
0x93: {  	v23 =	vmul.f32 v23, v18;
	v14 =	vadd.f32 v14, v19;
	v15 =	vadd.f32 v15, v20;
	v19 =	vld [tilespmem:s26+$0x38B0]  }
0x94: {  	v18 =	vmul.f32 v18, v18;
	v12 =	vadd.f32 v12, v24;
	v13 =	vadd.f32 v13, v26;
	v20 =	vld [tilespmem:s26+$0x40B0]  }
0x95: {  	v22 =	vmul.f32 v22, v17;
	v24 =	vadd.f32 v10, v14;
	v26 =	vadd.f32 v11, v15;
	v10 =	vld [tilespmem:s26+$0x38F0]  }
0x96: {  	v11 =	vmul.f32 v17, v17;
	v28 =	vadd.f32 v8, v12;
	v29 =	vadd.f32 v9, v13;
	v8 =	vld [tilespmem:s26+$0x40F0];
	s26 =	sshra.s32 s28, $0x2  }
0x97: {  	v2 =	vadd.f32 v23, v2;
	v3 =	vadd.f32 v18, v3;
	v9 =	vld [tilespmem:s26+$0x38C0];
	v12 =	vmul.f32 v27, v25  }
0x98: {  	v4 =	vadd.f32 v22, v4;
	v5 =	vadd.f32 v11, v5;
	v11 =	vmul.f32 v25, v25;
	v13 =	vld [tilespmem:s26+$0x40C0]  }
0x99: {  	v2 =	vadd.f32 v21, v2;
	v3 =	vadd.f32 v16, v3;
	v14 =	vld [tilespmem:s26+$0x38D0];
	v15 =	vmul.f32 v20, v19  }
0x9a: {  	v4 =	vadd.f32 v12, v4;
	v5 =	vadd.f32 v11, v5;
	v11 =	vmul.f32 v19, v19;
	v16 =	vld [tilespmem:s26+$0x40D0]  }
0x9b: {  	v2 =	vadd.f32 v6, v2;
	v3 =	vadd.f32 v7, v3;
	v12 =	vld [tilespmem:s26+$0x38E0];
	v6 =	vmul.f32 v8, v10  }
0x9c: {  	v4 =	vadd.f32 v15, v4;
	v5 =	vadd.f32 v11, v5;
	v8 =	vmul.f32 v10, v10;
	v7 =	vld [tilespmem:s26+$0x40E0]  }
0x9d: {  	v2 =	vadd.f32 v0, v2;
	v3 =	vadd.f32 v1, v3;
	v15 =	vld [tilespmem:s26+$0x3880]  }
0x9e: {  	v4 =	vadd.f32 v6, v4;
	v5 =	vadd.f32 v8, v5;
	v17 =	vld [tilespmem:s26+$0x4080]  }
0x9f: {  	v6 =	vld [tilespmem:s26+$0x3890]  }
0xa0: {  	v18 =	vld [tilespmem:s26+$0x4090]  }
0xa1: {  	v19 =	vld [tilespmem:s26+$0x38A0]  }
0xa2: {  	v20 =	vld [tilespmem:s26+$0x40A0]  }
0xa3: {  	v21 =	vld [tilespmem:s26+$0x3840]  }
0xa4: {  	v22 =	vld [tilespmem:s26+$0x4040]  }
0xa5: {  	v30 =	vld [tilespmem:s26+$0x3850]  }
0xa6: {  	v11 =	vmul.f32 v9, v9;
	v10 =	vmul.f32 v13, v9;
	v23 =	vld [tilespmem:s26+$0x3800]  }
0xa7: {  	v9 =	vmul.f32 v14, v14;
	v8 =	vmul.f32 v16, v14;
	v25 =	vld [tilespmem:s26+$0x4000]  }
0xa8: {  	v1 =	vmul.f32 v12, v12;
	v0 =	vmul.f32 v7, v12;
	v27 =	vld [tilespmem:s26+$0x3810]  }
0xa9: {  	v14 =	vmul.f32 v17, v15;
	v15 =	vmul.f32 v15, v15;
	v31 =	vld [tilespmem:s26+$0x4010]  }
0xaa: {  	v13 =	vmul.f32 v6, v6;
	v12 =	vmul.f32 v18, v6;
	v32 =	vld [tilespmem:s26+$0x4050]  }
0xab: {  	v7 =	vmul.f32 v19, v19;
	v6 =	vmul.f32 v20, v19;
	v16 =	vld [tilespmem:s26+$0x3860]  }
.Ltmp1:
0xac: {  	v20 =	vmul.f32 v21, v21;
	v19 =	vmul.f32 v22, v21;
	v21 =	vld [tilespmem:s26+$0x4060];
	(pc) =	sbr.rel @p1 .LBB2_5-.Ltmp1, $4  }
0xad: {  	v22 =	vmul.f32 v23, v23;
	v17 =	vmul.f32 v25, v23;
	v18 =	vld [tilespmem:s26+$0x3820]  }
0xae: {  	v33 =	vmul.f32 v27, v27;
	v31 =	vmul.f32 v31, v27;
	v23 =	vld [tilespmem:s26+$0x4020]  }
0xaf: {  	v26 =	vadd.f32 v22, v26;
	v25 =	vadd.f32 v17, v24;
	v17 =	vld [tilespmem:s26+$0x3830];
	v24 =	vmul.f32 v32, v30  }
0xb0: {  	s28 =	sadd.s32 $0x400, s28;
	v27 =	vadd.f32 v31, v28;
	v28 =	vadd.f32 v33, v29;
	v22 =	vld [tilespmem:s26+$0x4030];
	v29 =	vmul.f32 v30, v30  }
0xb1: {  	v19 =	vadd.f32 v19, v25;
	v20 =	vadd.f32 v20, v26;
	v21 =	vmul.f32 v21, v16;
	v50 =	vld [tilespmem:s26+$0x3870]  }
0xb2: {  	v16 =	vmul.f32 v16, v16;
	v52 =	vld [tilespmem:s26+$0x4070];
	v24 =	vadd.f32 v24, v27;
	v51 =	vadd.f32 v29, v28  }
0xb3: {  	v53 =	vld [tilespmem:s26+$0x38B0];
	v23 =	vmul.f32 v23, v18;
	v14 =	vadd.f32 v14, v19;
	v15 =	vadd.f32 v15, v20  }
0xb4: {  	v54 =	vld [tilespmem:s26+$0x40B0];
	v18 =	vmul.f32 v18, v18;
	v12 =	vadd.f32 v12, v24;
	v13 =	vadd.f32 v13, v51  }
0xb5: {  	v55 =	vld [tilespmem:s26+$0x38F0];
	v56 =	vmul.f32 v17, v17;
	v20 =	vadd.f32 v10, v14;
	v14 =	vadd.f32 v11, v15  }
0xb6: {  	v57 =	vld [tilespmem:s26+$0x40F0];
	v22 =	vmul.f32 v22, v17;
	v2 =	vadd.f32 v23, v2;
	v3 =	vadd.f32 v18, v3  }
0xb7: {  	v19 =	vadd.f32 v8, v12;
	v13 =	vadd.f32 v9, v13;
	v58 =	vmul.f32 v52, v50  }
0xb8: {  	s25 =	sadd.s32 $0x1, s25;
	v5 =	vadd.f32 v56, v5;
	v59 =	vmul.f32 v50, v50;
	v4 =	vadd.f32 v22, v4  }
0xb9: {  	p1 =	sne.s32 s25, s8;
	v12 =	vmul.f32 v54, v53;
	v2 =	vadd.f32 v21, v2;
	v3 =	vadd.f32 v16, v3  }
.Ltmp2:
0xba: {  	v60 =	vmul.f32 v53, v53;
	v5 =	vadd.f32 v59, v5;
	v4 =	vadd.f32 v58, v4;
	(pc) =	sbr.rel @p1 .LBB2_2-.Ltmp2, $4  }
0xbb: {  	v62 =	vmul.f32 v57, v55;
	v2 =	vadd.f32 v6, v2;
	v61 =	vadd.f32 v7, v3  }
0xbc: {  	v63 =	vmul.f32 v55, v55;
	v5 =	vadd.f32 v60, v5;
	v4 =	vadd.f32 v12, v4  }
0xbd: {  	v3 =	vadd.f32 v0, v2;
	v1 =	vadd.f32 v1, v61  }
0xbe: {  	v0 =	vadd.f32 v63, v5;
	v2 =	vadd.f32 v62, v4  }
0xbf: {  	v4 =	vadd.f32 v19, v20  }
0xc0: {  	v5 =	vadd.f32 v13, v14  }
0xc1: {  	v3 =	vadd.f32 v3, v4  }
0xc2: {  	v1 =	vadd.f32 v1, v5  }
0xc3: {  	v2 =	vadd.f32 v2, v3  }
0xc4: {  	s24 =	sadd.s32 $0x1, s24;
	v0 =	vadd.f32 v0, v1  }
0xc5: {  	p1 =	sne.s32 s24, s11;
	[tilespmem:$0x4800] =	vst v2  }
.Ltmp3:
0xc6: {  	[tilespmem:$0x4810] =	vst v0;
	(pc) =	sbr.rel @p1 .LBB2_1-.Ltmp3, $4  }
0xc7: {  	[hbm4b:s10+s3] =	stream.linear.scatter [tilespmem:s23], [sflag:$0x3], $0x20, $0x38;
	[tilespmem:$0x6F30] =	vst v63  }
0xc8: {  	_ =	swait.ge [sflag:s13], $0x20  }
0xc9: {  	[sflag:s13] =	ssyncset.done $0x0  }
0xca: {  	[sflag:s13] =	ssyncadd.s32 $0xFFFFFFE0  }
0xcb: {  	_ =	sfence.sel $0x180000  }
0xcc: {  	[bflag:$0x0] =	sbarrier.arrive $0xFFFF  }
0xcd: {  	p0 =	sne.s32 s0, $0x0;
	_ =	strace $0x90000050  }
0xce: {  	s0 =	sadd.s32 @!p0 $0x100000, s1;
	[bflag:$0x2] =	sbarrier.arrive $0xFFFF  }
0xcf: {  	[sflag:s0] =	ssyncadd.tile.s32 @!p0 $0x1;
	_ =	shalt  }
.Lfunc_end2:
_tile_overlayer_lowered:
.L_overlay_start_2:
0xd0: {  	(tag) =	ssettag $0x2  }
0xd1: {  	s0 =	rddreg [dreg:$0x0];
	s2 =	stileid.u32  }
0xd2: {  	s1 =	rddreg [dreg:$0x1];
	p0 =	sne.s32 s2, $0x0  }
0xd3: {  	s3 =	rddreg [dreg:$0x2];
	[bflag:$0x3] =	sbarrier.arrive $0xFFFF;
	s2 =	simm.s32 @!p0 $0x1C03  }
0xd4: {  	[timem:s3], [sflag:s2] =	dma.local @!p0 [hbm:s0], s1  }
0xd5: {  	s0 =	simm.s32 @!p0 $0x3  }
0xd6: {  	_ =	swait.ge @!p0 [sflag:s0], s1  }
0xd7: {  	s1 =	ssub.s32 @!p0 $0x0, s1;
	[sflag:s0] =	ssyncset.done @!p0 $0x0  }
0xd8: {  	[sflag:s0] =	ssyncadd.s32 @!p0 s1  }
0xd9: {  	[bflag:$0x3] =	sbarrier.arrive $0xFFFF  }
0xda: {  	_ =	shalt  }

</sc_bundles>
